<compile_context>
chip_gen: v7x
topology: tpu7x:2x2x1
jax: 0.10.2.dev20260603
libtpu: 0.0.44.dev20260713+nightly
codegen_flags: <defaults>
</compile_context>

<pallas_src>
import functools

import jax
import jax.numpy as jnp
from jax import lax
from jax.experimental import pallas as pl
from jax.experimental.pallas import tpu as pltpu
from jax.experimental.pallas import tpu_sc as plsc

H = 4096
W = 4096
N = 4194304
NPIX = H * W
NROW = NPIX // 2

_NC = 2
_NS = 16
_NW = _NC * _NS
_NPW = N // _NW
_C = 4096
_NIT = _NPW // _C
_VR = _C // 16

_BUILD_LO = W // 2
_BUILD_COUNT = NROW - 2 * _BUILD_LO
_RPW = _BUILD_COUNT // _NW

_BB = 2048
_BNB = _RPW // _BB
_BREM = _RPW - _BNB * _BB

_OXW = 0
_OYM = 2 * _BB + 16
_OYP = 4 * _BB + 16
_SB = 6 * _BB + 16


def _build_body(e_hbm, t_hbm, s0_v, s1_v, t0_v, t1_v,
                sem0, sem1, wsem0, wsem1):
    wid = lax.axis_index("s") * _NC + lax.axis_index("c")
    wlo = wid * _RPW
    iota16 = lax.iota(jnp.int32, 16)
    svs = (s0_v, s1_v)
    tvs = (t0_v, t1_v)
    sems = (sem0, sem1)
    wsems = (wsem0, wsem1)
    rowpat = lax.shift_right_logical(iota16, 3)
    colpat = jnp.bitwise_and(iota16, 7)
    pat = jnp.where(colpat < 4, 7 + colpat,
                    jnp.where(colpat < 6, _OYM + (colpat - 4),
                              _OYP + (colpat - 6))) + 2 * rowpat

    def _copies(m, nrows, slot, mk):
        g = 2 * (_BUILD_LO + m)
        sv = svs[slot]
        return [
            mk(e_hbm.at[pl.ds(g - 8, 2 * nrows + 16)],
               sv.at[pl.ds(_OXW, 2 * nrows + 16)], sems[slot]),
            mk(e_hbm.at[pl.ds(g - W, 2 * nrows)],
               sv.at[pl.ds(_OYM, 2 * nrows)], sems[slot]),
            mk(e_hbm.at[pl.ds(g + W, 2 * nrows)],
               sv.at[pl.ds(_OYP, 2 * nrows)], sems[slot]),
        ]

    def stage(m, nrows, slot):
        _copies(m, nrows, slot, pltpu.async_copy)

    def _wb(m, nrows, slot, mk):
        tv = tvs[slot]
        return mk(tv.at[pl.ds(0, nrows)] if nrows != _BB else tv,
                  t_hbm.at[pl.ds(_BUILD_LO + m, nrows)], wsems[slot])

    def assemble(m, nrows, slot, wait_prev):
        for cp in _copies(m, nrows, slot, pltpu.make_async_copy):
            cp.wait()
        if wait_prev:
            _wb(m, _BB, slot, pltpu.make_async_copy).wait()
        sv = svs[slot]
        tv = tvs[slot]

        def grp(v, c2):
            for u in range(2):
                l0 = (2 * v + u) * 2
                idx = pat + 4 * (2 * v + u)
                val = plsc.load_gather(sv, [idx])
                plsc.store_scatter(tv, [rowpat + l0, colpat], val)
            return c2

        lax.fori_loop(0, nrows // 4, grp, None)
        _wb(m, nrows, slot, pltpu.async_copy)

    stage(wlo, _BB, 0)
    stage(wlo + _BB, _BB, 1)
    assemble(wlo, _BB, 0, False)
    stage(wlo + 2 * _BB, _BB, 0)
    assemble(wlo + _BB, _BB, 1, False)

    def outer(k, c):
        b = 2 * k + 2
        stage(wlo + (b + 1) * _BB, _BB, 1)
        assemble(wlo + b * _BB, _BB, 0, True)
        stage(wlo + (b + 2) * _BB, _BB, 0)
        assemble(wlo + (b + 1) * _BB, _BB, 1, True)
        return c

    lax.fori_loop(0, (_BNB - 3) // 2, outer, None)
    stage(wlo + _BNB * _BB, _BREM, 1)
    assemble(wlo + (_BNB - 1) * _BB, _BB, 0, True)
    assemble(wlo + _BNB * _BB, _BREM, 1, True)
    _wb(wlo + (_BNB - 1) * _BB, _BB, 0, pltpu.make_async_copy).wait()
    _wb(wlo + _BNB * _BB, _BREM, 1, pltpu.make_async_copy).wait()


_sc_build = functools.partial(
    pl.kernel,
    mesh=plsc.VectorSubcoreMesh(core_axis_name="c", subcore_axis_name="s"),
    out_type=jax.ShapeDtypeStruct((NROW, 8), jnp.float32),
    scratch_types=[
        pltpu.VMEM((_SB,), jnp.float32),
        pltpu.VMEM((_SB,), jnp.float32),
        pltpu.VMEM((_BB, 8), jnp.float32),
        pltpu.VMEM((_BB, 8), jnp.float32),
        pltpu.SemaphoreType.DMA,
        pltpu.SemaphoreType.DMA,
        pltpu.SemaphoreType.DMA,
        pltpu.SemaphoreType.DMA,
    ],
    compiler_params=pltpu.CompilerParams(use_tc_tiling_on_sc=False,
                                         needs_layout_passes=False),
)(_build_body)


def _gather_body(xx_hbm, xy_hbm, t_hbm, out_hbm,
                 xs_v, ys_v, idx0_v, idx1_v, g0_v, g1_v, o0_v, o1_v,
                 sem0, sem1, osem0, osem1):
    wid = lax.axis_index("s") * _NC + lax.axis_index("c")
    wbase = wid * _NPW
    sems = (sem0, sem1)
    osems = (osem0, osem1)
    idxs = (idx0_v, idx1_v)
    gs = (g0_v, g1_v)
    ovs = (o0_v, o1_v)
    iota16 = lax.iota(jnp.int32, 16)

    def fire(i, slot):
        base = wbase + i * _C
        xsb, ysb, idxb = xs_v.at[slot], ys_v.at[slot], idxs[slot]
        pltpu.sync_copy(xx_hbm.at[pl.ds(base, _C)], xsb)
        pltpu.sync_copy(xy_hbm.at[pl.ds(base, _C)], ysb)

        def build(j, c):
            lane = j * 16
            sx = xsb[pl.ds(lane, 16)] * 2048.0 + 2048.0
            sy = ysb[pl.ds(lane, 16)] * 2048.0 + 2048.0
            ixc = jnp.clip(sx.astype(jnp.int32), 1, W - 2)
            iyc = jnp.clip(sy.astype(jnp.int32), 1, H - 2)
            flat = iyc * W + ixc
            idxb[pl.ds(lane, 16)] = lax.shift_right_logical(flat, 1)
            return c

        lax.fori_loop(0, _VR, build, None)
        pltpu.async_copy(t_hbm.at[idxb], gs[slot], sems[slot])

    def _ow(i, slot, mk):
        base = wbase + i * _C
        return mk(ovs[slot], out_hbm.at[pl.ds(base, _C)], osems[slot])

    def drain(i, slot, wait_prev):
        xsb, ysb = xs_v.at[slot], ys_v.at[slot]
        gb = gs[slot]
        ob = ovs[slot]
        pltpu.make_async_copy(t_hbm.at[idxs[slot]], gb, sems[slot]).wait()
        if wait_prev:
            _ow(i, slot, pltpu.make_async_copy).wait()

        def combine(j, c):
            lane = j * 16
            sx = xsb[pl.ds(lane, 16)] * 2048.0 + 2048.0
            sy = ysb[pl.ds(lane, 16)] * 2048.0 + 2048.0
            ix = sx.astype(jnp.int32)
            iy = sy.astype(jnp.int32)
            fx = sx - ix.astype(jnp.float32)
            fy = sy - iy.astype(jnp.float32)
            ixc = jnp.clip(ix, 1, W - 2)
            iyc = jnp.clip(iy, 1, H - 2)
            flat = iyc * W + ixc
            jj = jnp.bitwise_and(flat, 1)
            pt = lane + iota16
            exm = plsc.load_gather(gb, [pt, jj])
            e0 = plsc.load_gather(gb, [pt, jj + 1])
            exp_ = plsc.load_gather(gb, [pt, jj + 2])
            eym = plsc.load_gather(gb, [pt, jj + 4])
            eyp = plsc.load_gather(gb, [pt, jj + 6])
            dedx = 0.5 * (exp_ - exm)
            dedy = 0.5 * (eyp - eym)
            zero = jnp.float32(0.0)
            dx = jnp.maximum(jnp.maximum(-sx, zero),
                             jnp.maximum(sx - (W - 1), zero)) * (1.0 / 2048.0)
            dy = jnp.maximum(jnp.maximum(-sy, zero),
                             jnp.maximum(sy - (H - 1), zero)) * (1.0 / 2048.0)
            pen = dx * dx + dy * dy
            grad = fx * dedx + fy * dedy
            ob[pl.ds(lane, 16)] = e0 + jnp.where(pen < 1e-6, grad, zero) + pen
            return c

        lax.fori_loop(0, _VR, combine, None)
        _ow(i, slot, pltpu.async_copy)

    fire(0, 0)
    fire(1, 1)
    drain(0, 0, False)
    fire(2, 0)
    drain(1, 1, False)

    def outer(k, carry):
        i = 2 * k + 2
        fire(i + 1, 1)
        drain(i, 0, True)
        fire(i + 2, 0)
        drain(i + 1, 1, True)
        return carry

    lax.fori_loop(0, _NIT // 2 - 2, outer, None)
    fire(_NIT - 1, 1)
    drain(_NIT - 2, 0, True)
    drain(_NIT - 1, 1, True)
    _ow(_NIT - 2, 0, pltpu.make_async_copy).wait()
    _ow(_NIT - 1, 1, pltpu.make_async_copy).wait()


_sc_gather = functools.partial(
    pl.kernel,
    mesh=plsc.VectorSubcoreMesh(core_axis_name="c", subcore_axis_name="s"),
    out_type=jax.ShapeDtypeStruct((N,), jnp.float32),
    scratch_types=[
        pltpu.VMEM((2, _C), jnp.float32),
        pltpu.VMEM((2, _C), jnp.float32),
        pltpu.VMEM((_C,), jnp.int32),
        pltpu.VMEM((_C,), jnp.int32),
        pltpu.VMEM((_C, 8), jnp.float32),
        pltpu.VMEM((_C, 8), jnp.float32),
        pltpu.VMEM((_C,), jnp.float32),
        pltpu.VMEM((_C,), jnp.float32),
        pltpu.SemaphoreType.DMA,
        pltpu.SemaphoreType.DMA,
        pltpu.SemaphoreType.DMA,
        pltpu.SemaphoreType.DMA,
    ],
    compiler_params=pltpu.CompilerParams(use_tc_tiling_on_sc=False,
                                         needs_layout_passes=False),
)(_gather_body)


def kernel(X, pixel_energy):
    e = pixel_energy.reshape(-1)
    t = _sc_build(e)
    out = _sc_gather(X[:, 0], X[:, 1], t)
    return out[:, None]

# --- scband reference (transcript-rebuilt; emitter-appended) ---
"""Pipeline reference for scband-image-energy-40029095199019 (READ-ONLY COPY).

The authoritative reference and input builder live on the scoring server;
editing this copy changes nothing except your own understanding.
"""

import jax, jax.numpy as jnp
import numpy as np

H = 4096
W = 4096
N = 4194304
MEAN = 2048.0
SCALE = 2048.0
OUTSIDE_PENALTY = 1.0


def setup_inputs(seed: int = 0) -> dict:
    key = jax.random.key(seed)
    k1, k2 = jax.random.split(key)
    X = jax.random.normal(k1, (N, 2), dtype=jnp.float32)
    pixel_energy = jax.random.normal(k2, (H, W), dtype=jnp.float32)
    return {"X": X, "pixel_energy": pixel_energy}


def reference(X, pixel_energy):
    mean = jnp.array([[MEAN, MEAN]], dtype=jnp.float32)
    scale = jnp.array([[SCALE, SCALE]], dtype=jnp.float32)
    maxindex_x = W - 1
    maxindex_y = H - 1
    Xs = X * scale + mean
    I = Xs.astype(jnp.int32)  # truncation toward zero, matches torch .to(long)
    Ix = I[:, 0]
    Iy = I[:, 1]
    pixel_split_dx = Xs[:, 0] - Ix.astype(jnp.float32)
    pixel_split_dy = Xs[:, 1] - Iy.astype(jnp.float32)
    Ix_inside = jnp.clip(Ix, 1, maxindex_x - 1)
    Iy_inside = jnp.clip(Iy, 1, maxindex_y - 1)
    # 5 gathers from the image table (SparseCore-style lookups)
    E0 = pixel_energy[Iy_inside, Ix_inside]
    dEdx = 0.5 * (pixel_energy[Iy_inside, Ix_inside + 1] - pixel_energy[Iy_inside, Ix_inside - 1])
    dEdy = 0.5 * (pixel_energy[Iy_inside + 1, Ix_inside] - pixel_energy[Iy_inside - 1, Ix_inside])
    zero = jnp.float32(0.0)
    dx_left = jnp.maximum(-Xs[:, 0], zero)
    dx_right = jnp.maximum(Xs[:, 0] - maxindex_x, zero)
    dx = jnp.maximum(dx_left, dx_right) / SCALE
    dy_down = jnp.maximum(-Xs[:, 1], zero)
    dy_up = jnp.maximum(Xs[:, 1] - maxindex_y, zero)
    dy = jnp.maximum(dy_down, dy_up) / SCALE
    penalty = OUTSIDE_PENALTY * (dx ** 2 + dy ** 2)
    mask = (penalty < 1e-06).astype(jnp.float32)
    img_e = E0 + (pixel_split_dx * dEdx + pixel_split_dy * dEdy) * mask + penalty
    return img_e[:, None]

if __name__ == "__main__":
    import jax
    _d = setup_inputs()
    print(jax.jit(kernel)(*tuple(_d.values())))

</pallas_src>

<mosaic_0001>
#map = affine_map<(d0, d1) -> (0)>
#map1 = affine_map<(d0, d1) -> (0, 0)>
module attributes {stable_mosaic.version = 14 : i64} {
  func.func @_gather_body(%arg0: i32, %arg1: i32, %arg2: memref<4194304xf32, #tpu.memory_space<hbm>>, %arg3: memref<4194304xf32, #tpu.memory_space<hbm>>, %arg4: memref<8388608x8xf32, #tpu.memory_space<hbm>>, %arg5: memref<4194304xf32, #tpu.memory_space<hbm>>, %arg6: memref<2x4096xf32, #tpu.memory_space<vmem>>, %arg7: memref<2x4096xf32, #tpu.memory_space<vmem>>, %arg8: memref<4096xi32, #tpu.memory_space<vmem>>, %arg9: memref<4096xi32, #tpu.memory_space<vmem>>, %arg10: memref<4096x8xf32, #tpu.memory_space<vmem>>, %arg11: memref<4096x8xf32, #tpu.memory_space<vmem>>, %arg12: memref<4096xf32, #tpu.memory_space<vmem>>, %arg13: memref<4096xf32, #tpu.memory_space<vmem>>, %arg14: memref<!tpu.dma_semaphore, #tpu.memory_space<semaphore_mem>>, %arg15: memref<!tpu.dma_semaphore, #tpu.memory_space<semaphore_mem>>, %arg16: memref<!tpu.dma_semaphore, #tpu.memory_space<semaphore_mem>>, %arg17: memref<!tpu.dma_semaphore, #tpu.memory_space<semaphore_mem>>) attributes {dimension_semantics = [#tpu.dimension_semantics<core_parallel>, #tpu.dimension_semantics<subcore_parallel>], iteration_bounds = array<i64: 2, 16>, scalar_prefetch = 0 : i64, scratch_operands = 12 : i64, tpu.core_type = #tpu.core_type<sc_vector_subcore>, window_params = [{transform_indices = #map}, {transform_indices = #map}, {transform_indices = #map1}, {transform_indices = #map}]} {
    %mul3A = arith.constant 2 : i32
    %mul3A_0 = arith.muli %arg1, %mul3A : i32
    %add3A = arith.addi %mul3A_0, %arg0 : i32
    %mul3A_1 = arith.constant 131072 : i32
    %mul3A_2 = arith.muli %add3A, %mul3A_1 : i32
    %iota3A = tpu.iota {dimensions = array<i32: 0>} : vector<16xi32>
    %add3A_3 = arith.constant 0 : i32
    %add3A_4 = arith.addi %mul3A_2, %add3A_3 : i32
    %run_scoped3A = arith.constant 0 : i32
    "tpu.region"() ({
      %run_scoped3A_132 = tpu.sem_alloc : memref<!tpu.dma_semaphore, #tpu.memory_space<semaphore_mem>>
      %dma_start3A_133 = arith.constant 0 : i32
      %dma_start3A_134 = tpu.memref_slice %arg6[%run_scoped3A, %dma_start3A_133] : memref<2x4096xf32, #tpu.memory_space<vmem>> -> memref<1x4096xf32, #tpu.memory_space<vmem>>
      %dma_start3A_135 = tpu.memref_squeeze %dma_start3A_134 : memref<1x4096xf32, #tpu.memory_space<vmem>> -> memref<4096xf32, #tpu.memory_space<vmem>>
      %dma_start3A_136 = tpu.memref_slice %arg2[%add3A_4] : memref<4194304xf32, #tpu.memory_space<hbm>> -> memref<4096xf32, #tpu.memory_space<hbm>>
      %dma_start3A_137 = arith.constant 0 : i32
      %dma_start3A_138 = tpu.memref_slice %arg6[%run_scoped3A, %dma_start3A_137] : memref<2x4096xf32, #tpu.memory_space<vmem>> -> memref<1x4096xf32, #tpu.memory_space<vmem>>
      %dma_start3A_139 = tpu.memref_squeeze %dma_start3A_138 : memref<1x4096xf32, #tpu.memory_space<vmem>> -> memref<4096xf32, #tpu.memory_space<vmem>>
      %dma_start3A_140 = tpu.memref_slice %arg2[%add3A_4] : memref<4194304xf32, #tpu.memory_space<hbm>> -> memref<4096xf32, #tpu.memory_space<hbm>>
      tpu.enqueue_dma source(%dma_start3A_140 : memref<4096xf32, #tpu.memory_space<hbm>>) target(%dma_start3A_139 : memref<4096xf32, #tpu.memory_space<vmem>>) target_semaphore(%run_scoped3A_132 : memref<!tpu.dma_semaphore, #tpu.memory_space<semaphore_mem>>)
      %dma_wait3A_141 = arith.constant 0 : i32
      %dma_wait3A_142 = tpu.memref_slice %arg6[%run_scoped3A, %dma_wait3A_141] : memref<2x4096xf32, #tpu.memory_space<vmem>> -> memref<1x4096xf32, #tpu.memory_space<vmem>>
      %dma_wait3A_143 = tpu.memref_squeeze %dma_wait3A_142 : memref<1x4096xf32, #tpu.memory_space<vmem>> -> memref<4096xf32, #tpu.memory_space<vmem>>
      %dma_wait3A_144 = tpu.memref_slice %arg2[%add3A_4] : memref<4194304xf32, #tpu.memory_space<hbm>> -> memref<4096xf32, #tpu.memory_space<hbm>>
      %dma_wait3A_145 = arith.constant 0 : i32
      %dma_wait3A_146 = tpu.memref_slice %arg6[%run_scoped3A, %dma_wait3A_145] : memref<2x4096xf32, #tpu.memory_space<vmem>> -> memref<1x4096xf32, #tpu.memory_space<vmem>>
      %dma_wait3A_147 = tpu.memref_squeeze %dma_wait3A_146 : memref<1x4096xf32, #tpu.memory_space<vmem>> -> memref<4096xf32, #tpu.memory_space<vmem>>
      %dma_wait3A_148 = tpu.memref_slice %arg2[%add3A_4] : memref<4194304xf32, #tpu.memory_space<hbm>> -> memref<4096xf32, #tpu.memory_space<hbm>>
      tpu.wait_dma2 semaphore(%run_scoped3A_132 : memref<!tpu.dma_semaphore, #tpu.memory_space<semaphore_mem>>) src(%dma_wait3A_148 : memref<4096xf32, #tpu.memory_space<hbm>>) dst(%dma_wait3A_147 : memref<4096xf32, #tpu.memory_space<vmem>>)
      tpu.yield
    }) : () -> ()
    %run_scoped3A_5 = arith.constant 0 : i32
    "tpu.region"() ({
      %run_scoped3A_132 = tpu.sem_alloc : memref<!tpu.dma_semaphore, #tpu.memory_space<semaphore_mem>>
      %dma_start3A_133 = arith.constant 0 : i32
      %dma_start3A_134 = tpu.memref_slice %arg7[%run_scoped3A_5, %dma_start3A_133] : memref<2x4096xf32, #tpu.memory_space<vmem>> -> memref<1x4096xf32, #tpu.memory_space<vmem>>
      %dma_start3A_135 = tpu.memref_squeeze %dma_start3A_134 : memref<1x4096xf32, #tpu.memory_space<vmem>> -> memref<4096xf32, #tpu.memory_space<vmem>>
      %dma_start3A_136 = tpu.memref_slice %arg3[%add3A_4] : memref<4194304xf32, #tpu.memory_space<hbm>> -> memref<4096xf32, #tpu.memory_space<hbm>>
      %dma_start3A_137 = arith.constant 0 : i32
      %dma_start3A_138 = tpu.memref_slice %arg7[%run_scoped3A_5, %dma_start3A_137] : memref<2x4096xf32, #tpu.memory_space<vmem>> -> memref<1x4096xf32, #tpu.memory_space<vmem>>
      %dma_start3A_139 = tpu.memref_squeeze %dma_start3A_138 : memref<1x4096xf32, #tpu.memory_space<vmem>> -> memref<4096xf32, #tpu.memory_space<vmem>>
      %dma_start3A_140 = tpu.memref_slice %arg3[%add3A_4] : memref<4194304xf32, #tpu.memory_space<hbm>> -> memref<4096xf32, #tpu.memory_space<hbm>>
      tpu.enqueue_dma source(%dma_start3A_140 : memref<4096xf32, #tpu.memory_space<hbm>>) target(%dma_start3A_139 : memref<4096xf32, #tpu.memory_space<vmem>>) target_semaphore(%run_scoped3A_132 : memref<!tpu.dma_semaphore, #tpu.memory_space<semaphore_mem>>)
      %dma_wait3A_141 = arith.constant 0 : i32
      %dma_wait3A_142 = tpu.memref_slice %arg7[%run_scoped3A_5, %dma_wait3A_141] : memref<2x4096xf32, #tpu.memory_space<vmem>> -> memref<1x4096xf32, #tpu.memory_space<vmem>>
      %dma_wait3A_143 = tpu.memref_squeeze %dma_wait3A_142 : memref<1x4096xf32, #tpu.memory_space<vmem>> -> memref<4096xf32, #tpu.memory_space<vmem>>
      %dma_wait3A_144 = tpu.memref_slice %arg3[%add3A_4] : memref<4194304xf32, #tpu.memory_space<hbm>> -> memref<4096xf32, #tpu.memory_space<hbm>>
      %dma_wait3A_145 = arith.constant 0 : i32
      %dma_wait3A_146 = tpu.memref_slice %arg7[%run_scoped3A_5, %dma_wait3A_145] : memref<2x4096xf32, #tpu.memory_space<vmem>> -> memref<1x4096xf32, #tpu.memory_space<vmem>>
      %dma_wait3A_147 = tpu.memref_squeeze %dma_wait3A_146 : memref<1x4096xf32, #tpu.memory_space<vmem>> -> memref<4096xf32, #tpu.memory_space<vmem>>
      %dma_wait3A_148 = tpu.memref_slice %arg3[%add3A_4] : memref<4194304xf32, #tpu.memory_space<hbm>> -> memref<4096xf32, #tpu.memory_space<hbm>>
      tpu.wait_dma2 semaphore(%run_scoped3A_132 : memref<!tpu.dma_semaphore, #tpu.memory_space<semaphore_mem>>) src(%dma_wait3A_148 : memref<4096xf32, #tpu.memory_space<hbm>>) dst(%dma_wait3A_147 : memref<4096xf32, #tpu.memory_space<vmem>>)
      tpu.yield
    }) : () -> ()
    %scan3A = arith.constant 0 : i32
    %scan3A_6 = arith.constant 0 : i32
    %scan3A_7 = arith.constant 0 : i32
    %scan3A_8 = arith.constant 256 : i32
    %scan3A_9 = arith.addi %scan3A_7, %scan3A_8 : i32
    %scan3A_10 = arith.constant 1 : i32
    scf.for %scan3A_132 = %scan3A_7 to %scan3A_9 step %scan3A_10  : i32 {
      %mul3A_133 = arith.constant 16 : i32
      %mul3A_134 = arith.muli %scan3A_132, %mul3A_133 : i32
      %get3A = arith.constant 0 : i32
      %get3A_135 = tpu.memref_slice %arg6[%scan3A, %get3A] : memref<2x4096xf32, #tpu.memory_space<vmem>> -> memref<1x4096xf32, #tpu.memory_space<vmem>>
      %get3A_136 = tpu.memref_squeeze %get3A_135 : memref<1x4096xf32, #tpu.memory_space<vmem>> -> memref<4096xf32, #tpu.memory_space<vmem>>
      %get3A_137 = arith.index_cast %mul3A_134 : i32 to index
      %get3A_138 = tpu.vector_load %get3A_136[%get3A_137] {strides = array<i32>} : memref<4096xf32, #tpu.memory_space<vmem>>, vector<16xf32>,
      %mul3A_139 = arith.constant 2.048000e+03 : f32
      %mul3A_140 = vector.broadcast %mul3A_139 : f32 to vector<16xf32>
      %mul3A_141 = arith.mulf %get3A_138, %mul3A_140 : vector<16xf32>
      %add3A_142 = arith.constant 2.048000e+03 : f32
      %add3A_143 = vector.broadcast %add3A_142 : f32 to vector<16xf32>
      %add3A_144 = arith.addf %mul3A_141, %add3A_143 : vector<16xf32>
      %get3A_145 = arith.constant 0 : i32
      %get3A_146 = tpu.memref_slice %arg7[%scan3A_6, %get3A_145] : memref<2x4096xf32, #tpu.memory_space<vmem>> -> memref<1x4096xf32, #tpu.memory_space<vmem>>
      %get3A_147 = tpu.memref_squeeze %get3A_146 : memref<1x4096xf32, #tpu.memory_space<vmem>> -> memref<4096xf32, #tpu.memory_space<vmem>>
      %get3A_148 = arith.index_cast %mul3A_134 : i32 to index
      %get3A_149 = tpu.vector_load %get3A_147[%get3A_148] {strides = array<i32>} : memref<4096xf32, #tpu.memory_space<vmem>>, vector<16xf32>,
      %mul3A_150 = arith.constant 2.048000e+03 : f32
      %mul3A_151 = vector.broadcast %mul3A_150 : f32 to vector<16xf32>
      %mul3A_152 = arith.mulf %get3A_149, %mul3A_151 : vector<16xf32>
      %add3A_153 = arith.constant 2.048000e+03 : f32
      %add3A_154 = vector.broadcast %add3A_153 : f32 to vector<16xf32>
      %add3A_155 = arith.addf %mul3A_152, %add3A_154 : vector<16xf32>
      %convert_element_type3A = arith.fptosi %add3A_144 : vector<16xf32> to vector<16xi32>
      %jit3A = arith.constant 1 : i32
      %jit3A_156 = arith.constant 4094 : i32
      %max3A = vector.broadcast %jit3A : i32 to vector<16xi32>
      %max3A_157 = arith.maxsi %max3A, %convert_element_type3A : vector<16xi32>
      %min3A = vector.broadcast %jit3A_156 : i32 to vector<16xi32>
      %min3A_158 = arith.minsi %min3A, %max3A_157 : vector<16xi32>
      %convert_element_type3A_159 = arith.fptosi %add3A_155 : vector<16xf32> to vector<16xi32>
      %jit3A_160 = arith.constant 1 : i32
      %jit3A_161 = arith.constant 4094 : i32
      %max3A_162 = vector.broadcast %jit3A_160 : i32 to vector<16xi32>
      %max3A_163 = arith.maxsi %max3A_162, %convert_element_type3A_159 : vector<16xi32>
      %min3A_164 = vector.broadcast %jit3A_161 : i32 to vector<16xi32>
      %min3A_165 = arith.minsi %min3A_164, %max3A_163 : vector<16xi32>
      %mul3A_166 = arith.constant 4096 : i32
      %mul3A_167 = vector.broadcast %mul3A_166 : i32 to vector<16xi32>
      %mul3A_168 = arith.muli %min3A_165, %mul3A_167 : vector<16xi32>
      %add3A_169 = arith.addi %mul3A_168, %min3A_158 : vector<16xi32>
      %shift_right_logical3A = arith.constant 1 : i32
      %shift_right_logical3A_170 = vector.broadcast %shift_right_logical3A : i32 to vector<16xi32>
      %shift_right_logical3A_171 = arith.shrui %add3A_169, %shift_right_logical3A_170 : vector<16xi32>
      %swap3A = arith.index_cast %mul3A_134 : i32 to index
      %swap3A_172 = tpu.vector_load %arg8[%swap3A] {strides = array<i32>} : memref<4096xi32, #tpu.memory_space<vmem>>, vector<16xi32>,
      tpu.vector_store %arg8[%swap3A], %shift_right_logical3A_171 {strides = array<i32>} : memref<4096xi32, #tpu.memory_space<vmem>>, vector<16xi32>,
    }
    %scan3A_11 = arith.constant 256 : i32
    %dma_start3A = arith.constant 0 : i32
    %dma_start3A_12 = arith.constant 0 : i32
    %dma_start3A_13 = tpu.memref_slice %arg4[%dma_start3A, %dma_start3A_12] : memref<8388608x8xf32, #tpu.memory_space<hbm>> -> memref<8388608x8xf32, #tpu.memory_space<hbm>>
    tpu.enqueue_indirect_dma source(%dma_start3A_13 : memref<8388608x8xf32, #tpu.memory_space<hbm>>) target(%arg10 : memref<4096x8xf32, #tpu.memory_space<vmem>>) offsets(%arg8 : memref<4096xi32, #tpu.memory_space<vmem>>) semaphore(%arg14 : memref<!tpu.dma_semaphore, #tpu.memory_space<semaphore_mem>>)
    %add3A_14 = arith.constant 4096 : i32
    %add3A_15 = arith.addi %mul3A_2, %add3A_14 : i32
    %run_scoped3A_16 = arith.constant 1 : i32
    "tpu.region"() ({
      %run_scoped3A_132 = tpu.sem_alloc : memref<!tpu.dma_semaphore, #tpu.memory_space<semaphore_mem>>
      %dma_start3A_133 = arith.constant 0 : i32
      %dma_start3A_134 = tpu.memref_slice %arg6[%run_scoped3A_16, %dma_start3A_133] : memref<2x4096xf32, #tpu.memory_space<vmem>> -> memref<1x4096xf32, #tpu.memory_space<vmem>>
      %dma_start3A_135 = tpu.memref_squeeze %dma_start3A_134 : memref<1x4096xf32, #tpu.memory_space<vmem>> -> memref<4096xf32, #tpu.memory_space<vmem>>
      %dma_start3A_136 = tpu.memref_slice %arg2[%add3A_15] : memref<4194304xf32, #tpu.memory_space<hbm>> -> memref<4096xf32, #tpu.memory_space<hbm>>
      %dma_start3A_137 = arith.constant 0 : i32
      %dma_start3A_138 = tpu.memref_slice %arg6[%run_scoped3A_16, %dma_start3A_137] : memref<2x4096xf32, #tpu.memory_space<vmem>> -> memref<1x4096xf32, #tpu.memory_space<vmem>>
      %dma_start3A_139 = tpu.memref_squeeze %dma_start3A_138 : memref<1x4096xf32, #tpu.memory_space<vmem>> -> memref<4096xf32, #tpu.memory_space<vmem>>
      %dma_start3A_140 = tpu.memref_slice %arg2[%add3A_15] : memref<4194304xf32, #tpu.memory_space<hbm>> -> memref<4096xf32, #tpu.memory_space<hbm>>
      tpu.enqueue_dma source(%dma_start3A_140 : memref<4096xf32, #tpu.memory_space<hbm>>) target(%dma_start3A_139 : memref<4096xf32, #tpu.memory_space<vmem>>) target_semaphore(%run_scoped3A_132 : memref<!tpu.dma_semaphore, #tpu.memory_space<semaphore_mem>>)
      %dma_wait3A_141 = arith.constant 0 : i32
      %dma_wait3A_142 = tpu.memref_slice %arg6[%run_scoped3A_16, %dma_wait3A_141] : memref<2x4096xf32, #tpu.memory_space<vmem>> -> memref<1x4096xf32, #tpu.memory_space<vmem>>
      %dma_wait3A_143 = tpu.memref_squeeze %dma_wait3A_142 : memref<1x4096xf32, #tpu.memory_space<vmem>> -> memref<4096xf32, #tpu.memory_space<vmem>>
      %dma_wait3A_144 = tpu.memref_slice %arg2[%add3A_15] : memref<4194304xf32, #tpu.memory_space<hbm>> -> memref<4096xf32, #tpu.memory_space<hbm>>
      %dma_wait3A_145 = arith.constant 0 : i32
      %dma_wait3A_146 = tpu.memref_slice %arg6[%run_scoped3A_16, %dma_wait3A_145] : memref<2x4096xf32, #tpu.memory_space<vmem>> -> memref<1x4096xf32, #tpu.memory_space<vmem>>
      %dma_wait3A_147 = tpu.memref_squeeze %dma_wait3A_146 : memref<1x4096xf32, #tpu.memory_space<vmem>> -> memref<4096xf32, #tpu.memory_space<vmem>>
      %dma_wait3A_148 = tpu.memref_slice %arg2[%add3A_15] : memref<4194304xf32, #tpu.memory_space<hbm>> -> memref<4096xf32, #tpu.memory_space<hbm>>
      tpu.wait_dma2 semaphore(%run_scoped3A_132 : memref<!tpu.dma_semaphore, #tpu.memory_space<semaphore_mem>>) src(%dma_wait3A_148 : memref<4096xf32, #tpu.memory_space<hbm>>) dst(%dma_wait3A_147 : memref<4096xf32, #tpu.memory_space<vmem>>)
      tpu.yield
    }) : () -> ()
    %run_scoped3A_17 = arith.constant 1 : i32
    "tpu.region"() ({
      %run_scoped3A_132 = tpu.sem_alloc : memref<!tpu.dma_semaphore, #tpu.memory_space<semaphore_mem>>
      %dma_start3A_133 = arith.constant 0 : i32
      %dma_start3A_134 = tpu.memref_slice %arg7[%run_scoped3A_17, %dma_start3A_133] : memref<2x4096xf32, #tpu.memory_space<vmem>> -> memref<1x4096xf32, #tpu.memory_space<vmem>>
      %dma_start3A_135 = tpu.memref_squeeze %dma_start3A_134 : memref<1x4096xf32, #tpu.memory_space<vmem>> -> memref<4096xf32, #tpu.memory_space<vmem>>
      %dma_start3A_136 = tpu.memref_slice %arg3[%add3A_15] : memref<4194304xf32, #tpu.memory_space<hbm>> -> memref<4096xf32, #tpu.memory_space<hbm>>
      %dma_start3A_137 = arith.constant 0 : i32
      %dma_start3A_138 = tpu.memref_slice %arg7[%run_scoped3A_17, %dma_start3A_137] : memref<2x4096xf32, #tpu.memory_space<vmem>> -> memref<1x4096xf32, #tpu.memory_space<vmem>>
      %dma_start3A_139 = tpu.memref_squeeze %dma_start3A_138 : memref<1x4096xf32, #tpu.memory_space<vmem>> -> memref<4096xf32, #tpu.memory_space<vmem>>
      %dma_start3A_140 = tpu.memref_slice %arg3[%add3A_15] : memref<4194304xf32, #tpu.memory_space<hbm>> -> memref<4096xf32, #tpu.memory_space<hbm>>
      tpu.enqueue_dma source(%dma_start3A_140 : memref<4096xf32, #tpu.memory_space<hbm>>) target(%dma_start3A_139 : memref<4096xf32, #tpu.memory_space<vmem>>) target_semaphore(%run_scoped3A_132 : memref<!tpu.dma_semaphore, #tpu.memory_space<semaphore_mem>>)
      %dma_wait3A_141 = arith.constant 0 : i32
      %dma_wait3A_142 = tpu.memref_slice %arg7[%run_scoped3A_17, %dma_wait3A_141] : memref<2x4096xf32, #tpu.memory_space<vmem>> -> memref<1x4096xf32, #tpu.memory_space<vmem>>
      %dma_wait3A_143 = tpu.memref_squeeze %dma_wait3A_142 : memref<1x4096xf32, #tpu.memory_space<vmem>> -> memref<4096xf32, #tpu.memory_space<vmem>>
      %dma_wait3A_144 = tpu.memref_slice %arg3[%add3A_15] : memref<4194304xf32, #tpu.memory_space<hbm>> -> memref<4096xf32, #tpu.memory_space<hbm>>
      %dma_wait3A_145 = arith.constant 0 : i32
      %dma_wait3A_146 = tpu.memref_slice %arg7[%run_scoped3A_17, %dma_wait3A_145] : memref<2x4096xf32, #tpu.memory_space<vmem>> -> memref<1x4096xf32, #tpu.memory_space<vmem>>
      %dma_wait3A_147 = tpu.memref_squeeze %dma_wait3A_146 : memref<1x4096xf32, #tpu.memory_space<vmem>> -> memref<4096xf32, #tpu.memory_space<vmem>>
      %dma_wait3A_148 = tpu.memref_slice %arg3[%add3A_15] : memref<4194304xf32, #tpu.memory_space<hbm>> -> memref<4096xf32, #tpu.memory_space<hbm>>
      tpu.wait_dma2 semaphore(%run_scoped3A_132 : memref<!tpu.dma_semaphore, #tpu.memory_space<semaphore_mem>>) src(%dma_wait3A_148 : memref<4096xf32, #tpu.memory_space<hbm>>) dst(%dma_wait3A_147 : memref<4096xf32, #tpu.memory_space<vmem>>)
      tpu.yield
    }) : () -> ()
    %scan3A_18 = arith.constant 1 : i32
    %scan3A_19 = arith.constant 1 : i32
    %scan3A_20 = arith.constant 0 : i32
    %scan3A_21 = arith.constant 256 : i32
    %scan3A_22 = arith.addi %scan3A_20, %scan3A_21 : i32
    %scan3A_23 = arith.constant 1 : i32
    scf.for %scan3A_132 = %scan3A_20 to %scan3A_22 step %scan3A_23  : i32 {
      %mul3A_133 = arith.constant 16 : i32
      %mul3A_134 = arith.muli %scan3A_132, %mul3A_133 : i32
      %get3A = arith.constant 0 : i32
      %get3A_135 = tpu.memref_slice %arg6[%scan3A_18, %get3A] : memref<2x4096xf32, #tpu.memory_space<vmem>> -> memref<1x4096xf32, #tpu.memory_space<vmem>>
      %get3A_136 = tpu.memref_squeeze %get3A_135 : memref<1x4096xf32, #tpu.memory_space<vmem>> -> memref<4096xf32, #tpu.memory_space<vmem>>
      %get3A_137 = arith.index_cast %mul3A_134 : i32 to index
      %get3A_138 = tpu.vector_load %get3A_136[%get3A_137] {strides = array<i32>} : memref<4096xf32, #tpu.memory_space<vmem>>, vector<16xf32>,
      %mul3A_139 = arith.constant 2.048000e+03 : f32
      %mul3A_140 = vector.broadcast %mul3A_139 : f32 to vector<16xf32>
      %mul3A_141 = arith.mulf %get3A_138, %mul3A_140 : vector<16xf32>
      %add3A_142 = arith.constant 2.048000e+03 : f32
      %add3A_143 = vector.broadcast %add3A_142 : f32 to vector<16xf32>
      %add3A_144 = arith.addf %mul3A_141, %add3A_143 : vector<16xf32>
      %get3A_145 = arith.constant 0 : i32
      %get3A_146 = tpu.memref_slice %arg7[%scan3A_19, %get3A_145] : memref<2x4096xf32, #tpu.memory_space<vmem>> -> memref<1x4096xf32, #tpu.memory_space<vmem>>
      %get3A_147 = tpu.memref_squeeze %get3A_146 : memref<1x4096xf32, #tpu.memory_space<vmem>> -> memref<4096xf32, #tpu.memory_space<vmem>>
      %get3A_148 = arith.index_cast %mul3A_134 : i32 to index
      %get3A_149 = tpu.vector_load %get3A_147[%get3A_148] {strides = array<i32>} : memref<4096xf32, #tpu.memory_space<vmem>>, vector<16xf32>,
      %mul3A_150 = arith.constant 2.048000e+03 : f32
      %mul3A_151 = vector.broadcast %mul3A_150 : f32 to vector<16xf32>
      %mul3A_152 = arith.mulf %get3A_149, %mul3A_151 : vector<16xf32>
      %add3A_153 = arith.constant 2.048000e+03 : f32
      %add3A_154 = vector.broadcast %add3A_153 : f32 to vector<16xf32>
      %add3A_155 = arith.addf %mul3A_152, %add3A_154 : vector<16xf32>
      %convert_element_type3A = arith.fptosi %add3A_144 : vector<16xf32> to vector<16xi32>
      %jit3A = arith.constant 1 : i32
      %jit3A_156 = arith.constant 4094 : i32
      %max3A = vector.broadcast %jit3A : i32 to vector<16xi32>
      %max3A_157 = arith.maxsi %max3A, %convert_element_type3A : vector<16xi32>
      %min3A = vector.broadcast %jit3A_156 : i32 to vector<16xi32>
      %min3A_158 = arith.minsi %min3A, %max3A_157 : vector<16xi32>
      %convert_element_type3A_159 = arith.fptosi %add3A_155 : vector<16xf32> to vector<16xi32>
      %jit3A_160 = arith.constant 1 : i32
      %jit3A_161 = arith.constant 4094 : i32
      %max3A_162 = vector.broadcast %jit3A_160 : i32 to vector<16xi32>
      %max3A_163 = arith.maxsi %max3A_162, %convert_element_type3A_159 : vector<16xi32>
      %min3A_164 = vector.broadcast %jit3A_161 : i32 to vector<16xi32>
      %min3A_165 = arith.minsi %min3A_164, %max3A_163 : vector<16xi32>
      %mul3A_166 = arith.constant 4096 : i32
      %mul3A_167 = vector.broadcast %mul3A_166 : i32 to vector<16xi32>
      %mul3A_168 = arith.muli %min3A_165, %mul3A_167 : vector<16xi32>
      %add3A_169 = arith.addi %mul3A_168, %min3A_158 : vector<16xi32>
      %shift_right_logical3A = arith.constant 1 : i32
      %shift_right_logical3A_170 = vector.broadcast %shift_right_logical3A : i32 to vector<16xi32>
      %shift_right_logical3A_171 = arith.shrui %add3A_169, %shift_right_logical3A_170 : vector<16xi32>
      %swap3A = arith.index_cast %mul3A_134 : i32 to index
      %swap3A_172 = tpu.vector_load %arg9[%swap3A] {strides = array<i32>} : memref<4096xi32, #tpu.memory_space<vmem>>, vector<16xi32>,
      tpu.vector_store %arg9[%swap3A], %shift_right_logical3A_171 {strides = array<i32>} : memref<4096xi32, #tpu.memory_space<vmem>>, vector<16xi32>,
    }
    %scan3A_24 = arith.constant 256 : i32
    %dma_start3A_25 = arith.constant 0 : i32
    %dma_start3A_26 = arith.constant 0 : i32
    %dma_start3A_27 = tpu.memref_slice %arg4[%dma_start3A_25, %dma_start3A_26] : memref<8388608x8xf32, #tpu.memory_space<hbm>> -> memref<8388608x8xf32, #tpu.memory_space<hbm>>
    tpu.enqueue_indirect_dma source(%dma_start3A_27 : memref<8388608x8xf32, #tpu.memory_space<hbm>>) target(%arg11 : memref<4096x8xf32, #tpu.memory_space<vmem>>) offsets(%arg9 : memref<4096xi32, #tpu.memory_space<vmem>>) semaphore(%arg15 : memref<!tpu.dma_semaphore, #tpu.memory_space<semaphore_mem>>)
    %dma_wait3A = arith.constant 0 : i32
    %dma_wait3A_28 = arith.constant 0 : i32
    %dma_wait3A_29 = tpu.memref_slice %arg4[%dma_wait3A, %dma_wait3A_28] : memref<8388608x8xf32, #tpu.memory_space<hbm>> -> memref<8388608x8xf32, #tpu.memory_space<hbm>>
    tpu.wait_indirect_dma semaphore(%arg14 : memref<!tpu.dma_semaphore, #tpu.memory_space<semaphore_mem>>) src(%dma_wait3A_29 : memref<8388608x8xf32, #tpu.memory_space<hbm>>) dst(%arg10 : memref<4096x8xf32, #tpu.memory_space<vmem>>)
    %scan3A_30 = arith.constant 0 : i32
    %scan3A_31 = arith.constant 0 : i32
    %scan3A_32 = arith.constant 0 : i32
    %scan3A_33 = arith.constant 256 : i32
    %scan3A_34 = arith.addi %scan3A_32, %scan3A_33 : i32
    %scan3A_35 = arith.constant 1 : i32
    scf.for %scan3A_132 = %scan3A_32 to %scan3A_34 step %scan3A_35  : i32 {
      %mul3A_133 = arith.constant 16 : i32
      %mul3A_134 = arith.muli %scan3A_132, %mul3A_133 : i32
      %get3A = arith.constant 0 : i32
      %get3A_135 = tpu.memref_slice %arg6[%scan3A_30, %get3A] : memref<2x4096xf32, #tpu.memory_space<vmem>> -> memref<1x4096xf32, #tpu.memory_space<vmem>>
      %get3A_136 = tpu.memref_squeeze %get3A_135 : memref<1x4096xf32, #tpu.memory_space<vmem>> -> memref<4096xf32, #tpu.memory_space<vmem>>
      %get3A_137 = arith.index_cast %mul3A_134 : i32 to index
      %get3A_138 = tpu.vector_load %get3A_136[%get3A_137] {strides = array<i32>} : memref<4096xf32, #tpu.memory_space<vmem>>, vector<16xf32>,
      %mul3A_139 = arith.constant 2.048000e+03 : f32
      %mul3A_140 = vector.broadcast %mul3A_139 : f32 to vector<16xf32>
      %mul3A_141 = arith.mulf %get3A_138, %mul3A_140 : vector<16xf32>
      %add3A_142 = arith.constant 2.048000e+03 : f32
      %add3A_143 = vector.broadcast %add3A_142 : f32 to vector<16xf32>
      %add3A_144 = arith.addf %mul3A_141, %add3A_143 : vector<16xf32>
      %get3A_145 = arith.constant 0 : i32
      %get3A_146 = tpu.memref_slice %arg7[%scan3A_31, %get3A_145] : memref<2x4096xf32, #tpu.memory_space<vmem>> -> memref<1x4096xf32, #tpu.memory_space<vmem>>
      %get3A_147 = tpu.memref_squeeze %get3A_146 : memref<1x4096xf32, #tpu.memory_space<vmem>> -> memref<4096xf32, #tpu.memory_space<vmem>>
      %get3A_148 = arith.index_cast %mul3A_134 : i32 to index
      %get3A_149 = tpu.vector_load %get3A_147[%get3A_148] {strides = array<i32>} : memref<4096xf32, #tpu.memory_space<vmem>>, vector<16xf32>,
      %mul3A_150 = arith.constant 2.048000e+03 : f32
      %mul3A_151 = vector.broadcast %mul3A_150 : f32 to vector<16xf32>
      %mul3A_152 = arith.mulf %get3A_149, %mul3A_151 : vector<16xf32>
      %add3A_153 = arith.constant 2.048000e+03 : f32
      %add3A_154 = vector.broadcast %add3A_153 : f32 to vector<16xf32>
      %add3A_155 = arith.addf %mul3A_152, %add3A_154 : vector<16xf32>
      %convert_element_type3A = arith.fptosi %add3A_144 : vector<16xf32> to vector<16xi32>
      %convert_element_type3A_156 = arith.fptosi %add3A_155 : vector<16xf32> to vector<16xi32>
      %convert_element_type3A_157 = arith.sitofp %convert_element_type3A : vector<16xi32> to vector<16xf32>
      %sub3A = arith.subf %add3A_144, %convert_element_type3A_157 : vector<16xf32>
      %convert_element_type3A_158 = arith.sitofp %convert_element_type3A_156 : vector<16xi32> to vector<16xf32>
      %sub3A_159 = arith.subf %add3A_155, %convert_element_type3A_158 : vector<16xf32>
      %jit3A = arith.constant 1 : i32
      %jit3A_160 = arith.constant 4094 : i32
      %max3A = vector.broadcast %jit3A : i32 to vector<16xi32>
      %max3A_161 = arith.maxsi %max3A, %convert_element_type3A : vector<16xi32>
      %min3A = vector.broadcast %jit3A_160 : i32 to vector<16xi32>
      %min3A_162 = arith.minsi %min3A, %max3A_161 : vector<16xi32>
      %jit3A_163 = arith.constant 1 : i32
      %jit3A_164 = arith.constant 4094 : i32
      %max3A_165 = vector.broadcast %jit3A_163 : i32 to vector<16xi32>
      %max3A_166 = arith.maxsi %max3A_165, %convert_element_type3A_156 : vector<16xi32>
      %min3A_167 = vector.broadcast %jit3A_164 : i32 to vector<16xi32>
      %min3A_168 = arith.minsi %min3A_167, %max3A_166 : vector<16xi32>
      %mul3A_169 = arith.constant 4096 : i32
      %mul3A_170 = vector.broadcast %mul3A_169 : i32 to vector<16xi32>
      %mul3A_171 = arith.muli %min3A_168, %mul3A_170 : vector<16xi32>
      %add3A_172 = arith.addi %mul3A_171, %min3A_162 : vector<16xi32>
      %and3A = arith.constant 1 : i32
      %and3A_173 = vector.broadcast %and3A : i32 to vector<16xi32>
      %and3A_174 = arith.andi %add3A_172, %and3A_173 : vector<16xi32>
      %add3A_175 = vector.broadcast %mul3A_134 : i32 to vector<16xi32>
      %add3A_176 = arith.addi %add3A_175, %iota3A : vector<16xi32>
      %gather3A = tpu.vector_load_idx %arg10[%add3A_176, %and3A_174] : memref<4096x8xf32, #tpu.memory_space<vmem>>[vector<16xi32>, vector<16xi32>], vector<16xf32>,
      %add3A_177 = arith.constant 1 : i32
      %add3A_178 = vector.broadcast %add3A_177 : i32 to vector<16xi32>
      %add3A_179 = arith.addi %and3A_174, %add3A_178 : vector<16xi32>
      %gather3A_180 = tpu.vector_load_idx %arg10[%add3A_176, %add3A_179] : memref<4096x8xf32, #tpu.memory_space<vmem>>[vector<16xi32>, vector<16xi32>], vector<16xf32>,
      %add3A_181 = arith.constant 2 : i32
      %add3A_182 = vector.broadcast %add3A_181 : i32 to vector<16xi32>
      %add3A_183 = arith.addi %and3A_174, %add3A_182 : vector<16xi32>
      %gather3A_184 = tpu.vector_load_idx %arg10[%add3A_176, %add3A_183] : memref<4096x8xf32, #tpu.memory_space<vmem>>[vector<16xi32>, vector<16xi32>], vector<16xf32>,
      %add3A_185 = arith.constant 4 : i32
      %add3A_186 = vector.broadcast %add3A_185 : i32 to vector<16xi32>
      %add3A_187 = arith.addi %and3A_174, %add3A_186 : vector<16xi32>
      %gather3A_188 = tpu.vector_load_idx %arg10[%add3A_176, %add3A_187] : memref<4096x8xf32, #tpu.memory_space<vmem>>[vector<16xi32>, vector<16xi32>], vector<16xf32>,
      %add3A_189 = arith.constant 6 : i32
      %add3A_190 = vector.broadcast %add3A_189 : i32 to vector<16xi32>
      %add3A_191 = arith.addi %and3A_174, %add3A_190 : vector<16xi32>
      %gather3A_192 = tpu.vector_load_idx %arg10[%add3A_176, %add3A_191] : memref<4096x8xf32, #tpu.memory_space<vmem>>[vector<16xi32>, vector<16xi32>], vector<16xf32>,
      %sub3A_193 = arith.subf %gather3A_184, %gather3A : vector<16xf32>
      %mul3A_194 = arith.constant 5.000000e-01 : f32
      %mul3A_195 = vector.broadcast %mul3A_194 : f32 to vector<16xf32>
      %mul3A_196 = arith.mulf %mul3A_195, %sub3A_193 : vector<16xf32>
      %sub3A_197 = arith.subf %gather3A_192, %gather3A_188 : vector<16xf32>
      %mul3A_198 = arith.constant 5.000000e-01 : f32
      %mul3A_199 = vector.broadcast %mul3A_198 : f32 to vector<16xf32>
      %mul3A_200 = arith.mulf %mul3A_199, %sub3A_197 : vector<16xf32>
      %neg3A = arith.constant 0.000000e+00 : f32
      %neg3A_201 = vector.broadcast %neg3A : f32 to vector<16xf32>
      %neg3A_202 = arith.subf %neg3A_201, %add3A_144 : vector<16xf32>
      %max3A_203 = arith.constant 0.000000e+00 : f32
      %max3A_204 = vector.broadcast %max3A_203 : f32 to vector<16xf32>
      %max3A_205 = arith.maximumf %neg3A_202, %max3A_204 : vector<16xf32>
      %sub3A_206 = arith.constant 4.095000e+03 : f32
      %sub3A_207 = vector.broadcast %sub3A_206 : f32 to vector<16xf32>
      %sub3A_208 = arith.subf %add3A_144, %sub3A_207 : vector<16xf32>
      %max3A_209 = arith.constant 0.000000e+00 : f32
      %max3A_210 = vector.broadcast %max3A_209 : f32 to vector<16xf32>
      %max3A_211 = arith.maximumf %sub3A_208, %max3A_210 : vector<16xf32>
      %max3A_212 = arith.maximumf %max3A_205, %max3A_211 : vector<16xf32>
      %mul3A_213 = arith.constant 4.8828125E-4 : f32
      %mul3A_214 = vector.broadcast %mul3A_213 : f32 to vector<16xf32>
      %mul3A_215 = arith.mulf %max3A_212, %mul3A_214 : vector<16xf32>
      %neg3A_216 = arith.constant 0.000000e+00 : f32
      %neg3A_217 = vector.broadcast %neg3A_216 : f32 to vector<16xf32>
      %neg3A_218 = arith.subf %neg3A_217, %add3A_155 : vector<16xf32>
      %max3A_219 = arith.constant 0.000000e+00 : f32
      %max3A_220 = vector.broadcast %max3A_219 : f32 to vector<16xf32>
      %max3A_221 = arith.maximumf %neg3A_218, %max3A_220 : vector<16xf32>
      %sub3A_222 = arith.constant 4.095000e+03 : f32
      %sub3A_223 = vector.broadcast %sub3A_222 : f32 to vector<16xf32>
      %sub3A_224 = arith.subf %add3A_155, %sub3A_223 : vector<16xf32>
      %max3A_225 = arith.constant 0.000000e+00 : f32
      %max3A_226 = vector.broadcast %max3A_225 : f32 to vector<16xf32>
      %max3A_227 = arith.maximumf %sub3A_224, %max3A_226 : vector<16xf32>
      %max3A_228 = arith.maximumf %max3A_221, %max3A_227 : vector<16xf32>
      %mul3A_229 = arith.constant 4.8828125E-4 : f32
      %mul3A_230 = vector.broadcast %mul3A_229 : f32 to vector<16xf32>
      %mul3A_231 = arith.mulf %max3A_228, %mul3A_230 : vector<16xf32>
      %mul3A_232 = arith.mulf %mul3A_215, %mul3A_215 : vector<16xf32>
      %mul3A_233 = arith.mulf %mul3A_231, %mul3A_231 : vector<16xf32>
      %add3A_234 = arith.addf %mul3A_232, %mul3A_233 : vector<16xf32>
      %mul3A_235 = arith.mulf %sub3A, %mul3A_196 : vector<16xf32>
      %mul3A_236 = arith.mulf %sub3A_159, %mul3A_200 : vector<16xf32>
      %add3A_237 = arith.addf %mul3A_235, %mul3A_236 : vector<16xf32>
      %lt3A = arith.constant 9.99999997E-7 : f32
      %lt3A_238 = vector.broadcast %lt3A : f32 to vector<16xf32>
      %lt3A_239 = arith.cmpf olt, %add3A_234, %lt3A_238 : vector<16xf32>
      %jit3A_240 = arith.constant 0.000000e+00 : f32
      %broadcast_in_dim3A = vector.broadcast %jit3A_240 : f32 to vector<16xf32>
      %select_n3A = arith.select %lt3A_239, %add3A_237, %broadcast_in_dim3A : vector<16xi1>, vector<16xf32>
      %add3A_241 = arith.addf %gather3A_180, %select_n3A : vector<16xf32>
      %add3A_242 = arith.addf %add3A_241, %add3A_234 : vector<16xf32>
      %swap3A = arith.index_cast %mul3A_134 : i32 to index
      %swap3A_243 = tpu.vector_load %arg12[%swap3A] {strides = array<i32>} : memref<4096xf32, #tpu.memory_space<vmem>>, vector<16xf32>,
      tpu.vector_store %arg12[%swap3A], %add3A_242 {strides = array<i32>} : memref<4096xf32, #tpu.memory_space<vmem>>, vector<16xf32>,
    }
    %scan3A_36 = arith.constant 256 : i32
    %add3A_37 = arith.constant 0 : i32
    %add3A_38 = arith.addi %mul3A_2, %add3A_37 : i32
    %dma_start3A_39 = tpu.memref_slice %arg5[%add3A_38] : memref<4194304xf32, #tpu.memory_space<hbm>> -> memref<4096xf32, #tpu.memory_space<hbm>>
    %dma_start3A_40 = tpu.memref_slice %arg5[%add3A_38] : memref<4194304xf32, #tpu.memory_space<hbm>> -> memref<4096xf32, #tpu.memory_space<hbm>>
    tpu.enqueue_dma source(%arg12 : memref<4096xf32, #tpu.memory_space<vmem>>) target(%dma_start3A_40 : memref<4096xf32, #tpu.memory_space<hbm>>) target_semaphore(%arg16 : memref<!tpu.dma_semaphore, #tpu.memory_space<semaphore_mem>>)
    %add3A_41 = arith.constant 8192 : i32
    %add3A_42 = arith.addi %mul3A_2, %add3A_41 : i32
    %run_scoped3A_43 = arith.constant 0 : i32
    "tpu.region"() ({
      %run_scoped3A_132 = tpu.sem_alloc : memref<!tpu.dma_semaphore, #tpu.memory_space<semaphore_mem>>
      %dma_start3A_133 = arith.constant 0 : i32
      %dma_start3A_134 = tpu.memref_slice %arg6[%run_scoped3A_43, %dma_start3A_133] : memref<2x4096xf32, #tpu.memory_space<vmem>> -> memref<1x4096xf32, #tpu.memory_space<vmem>>
      %dma_start3A_135 = tpu.memref_squeeze %dma_start3A_134 : memref<1x4096xf32, #tpu.memory_space<vmem>> -> memref<4096xf32, #tpu.memory_space<vmem>>
      %dma_start3A_136 = tpu.memref_slice %arg2[%add3A_42] : memref<4194304xf32, #tpu.memory_space<hbm>> -> memref<4096xf32, #tpu.memory_space<hbm>>
      %dma_start3A_137 = arith.constant 0 : i32
      %dma_start3A_138 = tpu.memref_slice %arg6[%run_scoped3A_43, %dma_start3A_137] : memref<2x4096xf32, #tpu.memory_space<vmem>> -> memref<1x4096xf32, #tpu.memory_space<vmem>>
      %dma_start3A_139 = tpu.memref_squeeze %dma_start3A_138 : memref<1x4096xf32, #tpu.memory_space<vmem>> -> memref<4096xf32, #tpu.memory_space<vmem>>
      %dma_start3A_140 = tpu.memref_slice %arg2[%add3A_42] : memref<4194304xf32, #tpu.memory_space<hbm>> -> memref<4096xf32, #tpu.memory_space<hbm>>
      tpu.enqueue_dma source(%dma_start3A_140 : memref<4096xf32, #tpu.memory_space<hbm>>) target(%dma_start3A_139 : memref<4096xf32, #tpu.memory_space<vmem>>) target_semaphore(%run_scoped3A_132 : memref<!tpu.dma_semaphore, #tpu.memory_space<semaphore_mem>>)
      %dma_wait3A_141 = arith.constant 0 : i32
      %dma_wait3A_142 = tpu.memref_slice %arg6[%run_scoped3A_43, %dma_wait3A_141] : memref<2x4096xf32, #tpu.memory_space<vmem>> -> memref<1x4096xf32, #tpu.memory_space<vmem>>
      %dma_wait3A_143 = tpu.memref_squeeze %dma_wait3A_142 : memref<1x4096xf32, #tpu.memory_space<vmem>> -> memref<4096xf32, #tpu.memory_space<vmem>>
      %dma_wait3A_144 = tpu.memref_slice %arg2[%add3A_42] : memref<4194304xf32, #tpu.memory_space<hbm>> -> memref<4096xf32, #tpu.memory_space<hbm>>
      %dma_wait3A_145 = arith.constant 0 : i32
      %dma_wait3A_146 = tpu.memref_slice %arg6[%run_scoped3A_43, %dma_wait3A_145] : memref<2x4096xf32, #tpu.memory_space<vmem>> -> memref<1x4096xf32, #tpu.memory_space<vmem>>
      %dma_wait3A_147 = tpu.memref_squeeze %dma_wait3A_146 : memref<1x4096xf32, #tpu.memory_space<vmem>> -> memref<4096xf32, #tpu.memory_space<vmem>>
      %dma_wait3A_148 = tpu.memref_slice %arg2[%add3A_42] : memref<4194304xf32, #tpu.memory_space<hbm>> -> memref<4096xf32, #tpu.memory_space<hbm>>
      tpu.wait_dma2 semaphore(%run_scoped3A_132 : memref<!tpu.dma_semaphore, #tpu.memory_space<semaphore_mem>>) src(%dma_wait3A_148 : memref<4096xf32, #tpu.memory_space<hbm>>) dst(%dma_wait3A_147 : memref<4096xf32, #tpu.memory_space<vmem>>)
      tpu.yield
    }) : () -> ()
    %run_scoped3A_44 = arith.constant 0 : i32
    "tpu.region"() ({
      %run_scoped3A_132 = tpu.sem_alloc : memref<!tpu.dma_semaphore, #tpu.memory_space<semaphore_mem>>
      %dma_start3A_133 = arith.constant 0 : i32
      %dma_start3A_134 = tpu.memref_slice %arg7[%run_scoped3A_44, %dma_start3A_133] : memref<2x4096xf32, #tpu.memory_space<vmem>> -> memref<1x4096xf32, #tpu.memory_space<vmem>>
      %dma_start3A_135 = tpu.memref_squeeze %dma_start3A_134 : memref<1x4096xf32, #tpu.memory_space<vmem>> -> memref<4096xf32, #tpu.memory_space<vmem>>
      %dma_start3A_136 = tpu.memref_slice %arg3[%add3A_42] : memref<4194304xf32, #tpu.memory_space<hbm>> -> memref<4096xf32, #tpu.memory_space<hbm>>
      %dma_start3A_137 = arith.constant 0 : i32
      %dma_start3A_138 = tpu.memref_slice %arg7[%run_scoped3A_44, %dma_start3A_137] : memref<2x4096xf32, #tpu.memory_space<vmem>> -> memref<1x4096xf32, #tpu.memory_space<vmem>>
      %dma_start3A_139 = tpu.memref_squeeze %dma_start3A_138 : memref<1x4096xf32, #tpu.memory_space<vmem>> -> memref<4096xf32, #tpu.memory_space<vmem>>
      %dma_start3A_140 = tpu.memref_slice %arg3[%add3A_42] : memref<4194304xf32, #tpu.memory_space<hbm>> -> memref<4096xf32, #tpu.memory_space<hbm>>
      tpu.enqueue_dma source(%dma_start3A_140 : memref<4096xf32, #tpu.memory_space<hbm>>) target(%dma_start3A_139 : memref<4096xf32, #tpu.memory_space<vmem>>) target_semaphore(%run_scoped3A_132 : memref<!tpu.dma_semaphore, #tpu.memory_space<semaphore_mem>>)
      %dma_wait3A_141 = arith.constant 0 : i32
      %dma_wait3A_142 = tpu.memref_slice %arg7[%run_scoped3A_44, %dma_wait3A_141] : memref<2x4096xf32, #tpu.memory_space<vmem>> -> memref<1x4096xf32, #tpu.memory_space<vmem>>
      %dma_wait3A_143 = tpu.memref_squeeze %dma_wait3A_142 : memref<1x4096xf32, #tpu.memory_space<vmem>> -> memref<4096xf32, #tpu.memory_space<vmem>>
      %dma_wait3A_144 = tpu.memref_slice %arg3[%add3A_42] : memref<4194304xf32, #tpu.memory_space<hbm>> -> memref<4096xf32, #tpu.memory_space<hbm>>
      %dma_wait3A_145 = arith.constant 0 : i32
      %dma_wait3A_146 = tpu.memref_slice %arg7[%run_scoped3A_44, %dma_wait3A_145] : memref<2x4096xf32, #tpu.memory_space<vmem>> -> memref<1x4096xf32, #tpu.memory_space<vmem>>
      %dma_wait3A_147 = tpu.memref_squeeze %dma_wait3A_146 : memref<1x4096xf32, #tpu.memory_space<vmem>> -> memref<4096xf32, #tpu.memory_space<vmem>>
      %dma_wait3A_148 = tpu.memref_slice %arg3[%add3A_42] : memref<4194304xf32, #tpu.memory_space<hbm>> -> memref<4096xf32, #tpu.memory_space<hbm>>
      tpu.wait_dma2 semaphore(%run_scoped3A_132 : memref<!tpu.dma_semaphore, #tpu.memory_space<semaphore_mem>>) src(%dma_wait3A_148 : memref<4096xf32, #tpu.memory_space<hbm>>) dst(%dma_wait3A_147 : memref<4096xf32, #tpu.memory_space<vmem>>)
      tpu.yield
    }) : () -> ()
    %scan3A_45 = arith.constant 0 : i32
    %scan3A_46 = arith.constant 0 : i32
    %scan3A_47 = arith.constant 0 : i32
    %scan3A_48 = arith.constant 256 : i32
    %scan3A_49 = arith.addi %scan3A_47, %scan3A_48 : i32
    %scan3A_50 = arith.constant 1 : i32
    scf.for %scan3A_132 = %scan3A_47 to %scan3A_49 step %scan3A_50  : i32 {
      %mul3A_133 = arith.constant 16 : i32
      %mul3A_134 = arith.muli %scan3A_132, %mul3A_133 : i32
      %get3A = arith.constant 0 : i32
      %get3A_135 = tpu.memref_slice %arg6[%scan3A_45, %get3A] : memref<2x4096xf32, #tpu.memory_space<vmem>> -> memref<1x4096xf32, #tpu.memory_space<vmem>>
      %get3A_136 = tpu.memref_squeeze %get3A_135 : memref<1x4096xf32, #tpu.memory_space<vmem>> -> memref<4096xf32, #tpu.memory_space<vmem>>
      %get3A_137 = arith.index_cast %mul3A_134 : i32 to index
      %get3A_138 = tpu.vector_load %get3A_136[%get3A_137] {strides = array<i32>} : memref<4096xf32, #tpu.memory_space<vmem>>, vector<16xf32>,
      %mul3A_139 = arith.constant 2.048000e+03 : f32
      %mul3A_140 = vector.broadcast %mul3A_139 : f32 to vector<16xf32>
      %mul3A_141 = arith.mulf %get3A_138, %mul3A_140 : vector<16xf32>
      %add3A_142 = arith.constant 2.048000e+03 : f32
      %add3A_143 = vector.broadcast %add3A_142 : f32 to vector<16xf32>
      %add3A_144 = arith.addf %mul3A_141, %add3A_143 : vector<16xf32>
      %get3A_145 = arith.constant 0 : i32
      %get3A_146 = tpu.memref_slice %arg7[%scan3A_46, %get3A_145] : memref<2x4096xf32, #tpu.memory_space<vmem>> -> memref<1x4096xf32, #tpu.memory_space<vmem>>
      %get3A_147 = tpu.memref_squeeze %get3A_146 : memref<1x4096xf32, #tpu.memory_space<vmem>> -> memref<4096xf32, #tpu.memory_space<vmem>>
      %get3A_148 = arith.index_cast %mul3A_134 : i32 to index
      %get3A_149 = tpu.vector_load %get3A_147[%get3A_148] {strides = array<i32>} : memref<4096xf32, #tpu.memory_space<vmem>>, vector<16xf32>,
      %mul3A_150 = arith.constant 2.048000e+03 : f32
      %mul3A_151 = vector.broadcast %mul3A_150 : f32 to vector<16xf32>
      %mul3A_152 = arith.mulf %get3A_149, %mul3A_151 : vector<16xf32>
      %add3A_153 = arith.constant 2.048000e+03 : f32
      %add3A_154 = vector.broadcast %add3A_153 : f32 to vector<16xf32>
      %add3A_155 = arith.addf %mul3A_152, %add3A_154 : vector<16xf32>
      %convert_element_type3A = arith.fptosi %add3A_144 : vector<16xf32> to vector<16xi32>
      %jit3A = arith.constant 1 : i32
      %jit3A_156 = arith.constant 4094 : i32
      %max3A = vector.broadcast %jit3A : i32 to vector<16xi32>
      %max3A_157 = arith.maxsi %max3A, %convert_element_type3A : vector<16xi32>
      %min3A = vector.broadcast %jit3A_156 : i32 to vector<16xi32>
      %min3A_158 = arith.minsi %min3A, %max3A_157 : vector<16xi32>
      %convert_element_type3A_159 = arith.fptosi %add3A_155 : vector<16xf32> to vector<16xi32>
      %jit3A_160 = arith.constant 1 : i32
      %jit3A_161 = arith.constant 4094 : i32
      %max3A_162 = vector.broadcast %jit3A_160 : i32 to vector<16xi32>
      %max3A_163 = arith.maxsi %max3A_162, %convert_element_type3A_159 : vector<16xi32>
      %min3A_164 = vector.broadcast %jit3A_161 : i32 to vector<16xi32>
      %min3A_165 = arith.minsi %min3A_164, %max3A_163 : vector<16xi32>
      %mul3A_166 = arith.constant 4096 : i32
      %mul3A_167 = vector.broadcast %mul3A_166 : i32 to vector<16xi32>
      %mul3A_168 = arith.muli %min3A_165, %mul3A_167 : vector<16xi32>
      %add3A_169 = arith.addi %mul3A_168, %min3A_158 : vector<16xi32>
      %shift_right_logical3A = arith.constant 1 : i32
      %shift_right_logical3A_170 = vector.broadcast %shift_right_logical3A : i32 to vector<16xi32>
      %shift_right_logical3A_171 = arith.shrui %add3A_169, %shift_right_logical3A_170 : vector<16xi32>
      %swap3A = arith.index_cast %mul3A_134 : i32 to index
      %swap3A_172 = tpu.vector_load %arg8[%swap3A] {strides = array<i32>} : memref<4096xi32, #tpu.memory_space<vmem>>, vector<16xi32>,
      tpu.vector_store %arg8[%swap3A], %shift_right_logical3A_171 {strides = array<i32>} : memref<4096xi32, #tpu.memory_space<vmem>>, vector<16xi32>,
    }
    %scan3A_51 = arith.constant 256 : i32
    %dma_start3A_52 = arith.constant 0 : i32
    %dma_start3A_53 = arith.constant 0 : i32
    %dma_start3A_54 = tpu.memref_slice %arg4[%dma_start3A_52, %dma_start3A_53] : memref<8388608x8xf32, #tpu.memory_space<hbm>> -> memref<8388608x8xf32, #tpu.memory_space<hbm>>
    tpu.enqueue_indirect_dma source(%dma_start3A_54 : memref<8388608x8xf32, #tpu.memory_space<hbm>>) target(%arg10 : memref<4096x8xf32, #tpu.memory_space<vmem>>) offsets(%arg8 : memref<4096xi32, #tpu.memory_space<vmem>>) semaphore(%arg14 : memref<!tpu.dma_semaphore, #tpu.memory_space<semaphore_mem>>)
    %dma_wait3A_55 = arith.constant 0 : i32
    %dma_wait3A_56 = arith.constant 0 : i32
    %dma_wait3A_57 = tpu.memref_slice %arg4[%dma_wait3A_55, %dma_wait3A_56] : memref<8388608x8xf32, #tpu.memory_space<hbm>> -> memref<8388608x8xf32, #tpu.memory_space<hbm>>
    tpu.wait_indirect_dma semaphore(%arg15 : memref<!tpu.dma_semaphore, #tpu.memory_space<semaphore_mem>>) src(%dma_wait3A_57 : memref<8388608x8xf32, #tpu.memory_space<hbm>>) dst(%arg11 : memref<4096x8xf32, #tpu.memory_space<vmem>>)
    %scan3A_58 = arith.constant 1 : i32
    %scan3A_59 = arith.constant 1 : i32
    %scan3A_60 = arith.constant 0 : i32
    %scan3A_61 = arith.constant 256 : i32
    %scan3A_62 = arith.addi %scan3A_60, %scan3A_61 : i32
    %scan3A_63 = arith.constant 1 : i32
    scf.for %scan3A_132 = %scan3A_60 to %scan3A_62 step %scan3A_63  : i32 {
      %mul3A_133 = arith.constant 16 : i32
      %mul3A_134 = arith.muli %scan3A_132, %mul3A_133 : i32
      %get3A = arith.constant 0 : i32
      %get3A_135 = tpu.memref_slice %arg6[%scan3A_58, %get3A] : memref<2x4096xf32, #tpu.memory_space<vmem>> -> memref<1x4096xf32, #tpu.memory_space<vmem>>
      %get3A_136 = tpu.memref_squeeze %get3A_135 : memref<1x4096xf32, #tpu.memory_space<vmem>> -> memref<4096xf32, #tpu.memory_space<vmem>>
      %get3A_137 = arith.index_cast %mul3A_134 : i32 to index
      %get3A_138 = tpu.vector_load %get3A_136[%get3A_137] {strides = array<i32>} : memref<4096xf32, #tpu.memory_space<vmem>>, vector<16xf32>,
      %mul3A_139 = arith.constant 2.048000e+03 : f32
      %mul3A_140 = vector.broadcast %mul3A_139 : f32 to vector<16xf32>
      %mul3A_141 = arith.mulf %get3A_138, %mul3A_140 : vector<16xf32>
      %add3A_142 = arith.constant 2.048000e+03 : f32
      %add3A_143 = vector.broadcast %add3A_142 : f32 to vector<16xf32>
      %add3A_144 = arith.addf %mul3A_141, %add3A_143 : vector<16xf32>
      %get3A_145 = arith.constant 0 : i32
      %get3A_146 = tpu.memref_slice %arg7[%scan3A_59, %get3A_145] : memref<2x4096xf32, #tpu.memory_space<vmem>> -> memref<1x4096xf32, #tpu.memory_space<vmem>>
      %get3A_147 = tpu.memref_squeeze %get3A_146 : memref<1x4096xf32, #tpu.memory_space<vmem>> -> memref<4096xf32, #tpu.memory_space<vmem>>
      %get3A_148 = arith.index_cast %mul3A_134 : i32 to index
      %get3A_149 = tpu.vector_load %get3A_147[%get3A_148] {strides = array<i32>} : memref<4096xf32, #tpu.memory_space<vmem>>, vector<16xf32>,
      %mul3A_150 = arith.constant 2.048000e+03 : f32
      %mul3A_151 = vector.broadcast %mul3A_150 : f32 to vector<16xf32>
      %mul3A_152 = arith.mulf %get3A_149, %mul3A_151 : vector<16xf32>
      %add3A_153 = arith.constant 2.048000e+03 : f32
      %add3A_154 = vector.broadcast %add3A_153 : f32 to vector<16xf32>
      %add3A_155 = arith.addf %mul3A_152, %add3A_154 : vector<16xf32>
      %convert_element_type3A = arith.fptosi %add3A_144 : vector<16xf32> to vector<16xi32>
      %convert_element_type3A_156 = arith.fptosi %add3A_155 : vector<16xf32> to vector<16xi32>
      %convert_element_type3A_157 = arith.sitofp %convert_element_type3A : vector<16xi32> to vector<16xf32>
      %sub3A = arith.subf %add3A_144, %convert_element_type3A_157 : vector<16xf32>
      %convert_element_type3A_158 = arith.sitofp %convert_element_type3A_156 : vector<16xi32> to vector<16xf32>
      %sub3A_159 = arith.subf %add3A_155, %convert_element_type3A_158 : vector<16xf32>
      %jit3A = arith.constant 1 : i32
      %jit3A_160 = arith.constant 4094 : i32
      %max3A = vector.broadcast %jit3A : i32 to vector<16xi32>
      %max3A_161 = arith.maxsi %max3A, %convert_element_type3A : vector<16xi32>
      %min3A = vector.broadcast %jit3A_160 : i32 to vector<16xi32>
      %min3A_162 = arith.minsi %min3A, %max3A_161 : vector<16xi32>
      %jit3A_163 = arith.constant 1 : i32
      %jit3A_164 = arith.constant 4094 : i32
      %max3A_165 = vector.broadcast %jit3A_163 : i32 to vector<16xi32>
      %max3A_166 = arith.maxsi %max3A_165, %convert_element_type3A_156 : vector<16xi32>
      %min3A_167 = vector.broadcast %jit3A_164 : i32 to vector<16xi32>
      %min3A_168 = arith.minsi %min3A_167, %max3A_166 : vector<16xi32>
      %mul3A_169 = arith.constant 4096 : i32
      %mul3A_170 = vector.broadcast %mul3A_169 : i32 to vector<16xi32>
      %mul3A_171 = arith.muli %min3A_168, %mul3A_170 : vector<16xi32>
      %add3A_172 = arith.addi %mul3A_171, %min3A_162 : vector<16xi32>
      %and3A = arith.constant 1 : i32
      %and3A_173 = vector.broadcast %and3A : i32 to vector<16xi32>
      %and3A_174 = arith.andi %add3A_172, %and3A_173 : vector<16xi32>
      %add3A_175 = vector.broadcast %mul3A_134 : i32 to vector<16xi32>
      %add3A_176 = arith.addi %add3A_175, %iota3A : vector<16xi32>
      %gather3A = tpu.vector_load_idx %arg11[%add3A_176, %and3A_174] : memref<4096x8xf32, #tpu.memory_space<vmem>>[vector<16xi32>, vector<16xi32>], vector<16xf32>,
      %add3A_177 = arith.constant 1 : i32
      %add3A_178 = vector.broadcast %add3A_177 : i32 to vector<16xi32>
      %add3A_179 = arith.addi %and3A_174, %add3A_178 : vector<16xi32>
      %gather3A_180 = tpu.vector_load_idx %arg11[%add3A_176, %add3A_179] : memref<4096x8xf32, #tpu.memory_space<vmem>>[vector<16xi32>, vector<16xi32>], vector<16xf32>,
      %add3A_181 = arith.constant 2 : i32
      %add3A_182 = vector.broadcast %add3A_181 : i32 to vector<16xi32>
      %add3A_183 = arith.addi %and3A_174, %add3A_182 : vector<16xi32>
      %gather3A_184 = tpu.vector_load_idx %arg11[%add3A_176, %add3A_183] : memref<4096x8xf32, #tpu.memory_space<vmem>>[vector<16xi32>, vector<16xi32>], vector<16xf32>,
      %add3A_185 = arith.constant 4 : i32
      %add3A_186 = vector.broadcast %add3A_185 : i32 to vector<16xi32>
      %add3A_187 = arith.addi %and3A_174, %add3A_186 : vector<16xi32>
      %gather3A_188 = tpu.vector_load_idx %arg11[%add3A_176, %add3A_187] : memref<4096x8xf32, #tpu.memory_space<vmem>>[vector<16xi32>, vector<16xi32>], vector<16xf32>,
      %add3A_189 = arith.constant 6 : i32
      %add3A_190 = vector.broadcast %add3A_189 : i32 to vector<16xi32>
      %add3A_191 = arith.addi %and3A_174, %add3A_190 : vector<16xi32>
      %gather3A_192 = tpu.vector_load_idx %arg11[%add3A_176, %add3A_191] : memref<4096x8xf32, #tpu.memory_space<vmem>>[vector<16xi32>, vector<16xi32>], vector<16xf32>,
      %sub3A_193 = arith.subf %gather3A_184, %gather3A : vector<16xf32>
      %mul3A_194 = arith.constant 5.000000e-01 : f32
      %mul3A_195 = vector.broadcast %mul3A_194 : f32 to vector<16xf32>
      %mul3A_196 = arith.mulf %mul3A_195, %sub3A_193 : vector<16xf32>
      %sub3A_197 = arith.subf %gather3A_192, %gather3A_188 : vector<16xf32>
      %mul3A_198 = arith.constant 5.000000e-01 : f32
      %mul3A_199 = vector.broadcast %mul3A_198 : f32 to vector<16xf32>
      %mul3A_200 = arith.mulf %mul3A_199, %sub3A_197 : vector<16xf32>
      %neg3A = arith.constant 0.000000e+00 : f32
      %neg3A_201 = vector.broadcast %neg3A : f32 to vector<16xf32>
      %neg3A_202 = arith.subf %neg3A_201, %add3A_144 : vector<16xf32>
      %max3A_203 = arith.constant 0.000000e+00 : f32
      %max3A_204 = vector.broadcast %max3A_203 : f32 to vector<16xf32>
      %max3A_205 = arith.maximumf %neg3A_202, %max3A_204 : vector<16xf32>
      %sub3A_206 = arith.constant 4.095000e+03 : f32
      %sub3A_207 = vector.broadcast %sub3A_206 : f32 to vector<16xf32>
      %sub3A_208 = arith.subf %add3A_144, %sub3A_207 : vector<16xf32>
      %max3A_209 = arith.constant 0.000000e+00 : f32
      %max3A_210 = vector.broadcast %max3A_209 : f32 to vector<16xf32>
      %max3A_211 = arith.maximumf %sub3A_208, %max3A_210 : vector<16xf32>
      %max3A_212 = arith.maximumf %max3A_205, %max3A_211 : vector<16xf32>
      %mul3A_213 = arith.constant 4.8828125E-4 : f32
      %mul3A_214 = vector.broadcast %mul3A_213 : f32 to vector<16xf32>
      %mul3A_215 = arith.mulf %max3A_212, %mul3A_214 : vector<16xf32>
      %neg3A_216 = arith.constant 0.000000e+00 : f32
      %neg3A_217 = vector.broadcast %neg3A_216 : f32 to vector<16xf32>
      %neg3A_218 = arith.subf %neg3A_217, %add3A_155 : vector<16xf32>
      %max3A_219 = arith.constant 0.000000e+00 : f32
      %max3A_220 = vector.broadcast %max3A_219 : f32 to vector<16xf32>
      %max3A_221 = arith.maximumf %neg3A_218, %max3A_220 : vector<16xf32>
      %sub3A_222 = arith.constant 4.095000e+03 : f32
      %sub3A_223 = vector.broadcast %sub3A_222 : f32 to vector<16xf32>
      %sub3A_224 = arith.subf %add3A_155, %sub3A_223 : vector<16xf32>
      %max3A_225 = arith.constant 0.000000e+00 : f32
      %max3A_226 = vector.broadcast %max3A_225 : f32 to vector<16xf32>
      %max3A_227 = arith.maximumf %sub3A_224, %max3A_226 : vector<16xf32>
      %max3A_228 = arith.maximumf %max3A_221, %max3A_227 : vector<16xf32>
      %mul3A_229 = arith.constant 4.8828125E-4 : f32
      %mul3A_230 = vector.broadcast %mul3A_229 : f32 to vector<16xf32>
      %mul3A_231 = arith.mulf %max3A_228, %mul3A_230 : vector<16xf32>
      %mul3A_232 = arith.mulf %mul3A_215, %mul3A_215 : vector<16xf32>
      %mul3A_233 = arith.mulf %mul3A_231, %mul3A_231 : vector<16xf32>
      %add3A_234 = arith.addf %mul3A_232, %mul3A_233 : vector<16xf32>
      %mul3A_235 = arith.mulf %sub3A, %mul3A_196 : vector<16xf32>
      %mul3A_236 = arith.mulf %sub3A_159, %mul3A_200 : vector<16xf32>
      %add3A_237 = arith.addf %mul3A_235, %mul3A_236 : vector<16xf32>
      %lt3A = arith.constant 9.99999997E-7 : f32
      %lt3A_238 = vector.broadcast %lt3A : f32 to vector<16xf32>
      %lt3A_239 = arith.cmpf olt, %add3A_234, %lt3A_238 : vector<16xf32>
      %jit3A_240 = arith.constant 0.000000e+00 : f32
      %broadcast_in_dim3A = vector.broadcast %jit3A_240 : f32 to vector<16xf32>
      %select_n3A = arith.select %lt3A_239, %add3A_237, %broadcast_in_dim3A : vector<16xi1>, vector<16xf32>
      %add3A_241 = arith.addf %gather3A_180, %select_n3A : vector<16xf32>
      %add3A_242 = arith.addf %add3A_241, %add3A_234 : vector<16xf32>
      %swap3A = arith.index_cast %mul3A_134 : i32 to index
      %swap3A_243 = tpu.vector_load %arg13[%swap3A] {strides = array<i32>} : memref<4096xf32, #tpu.memory_space<vmem>>, vector<16xf32>,
      tpu.vector_store %arg13[%swap3A], %add3A_242 {strides = array<i32>} : memref<4096xf32, #tpu.memory_space<vmem>>, vector<16xf32>,
    }
    %scan3A_64 = arith.constant 256 : i32
    %add3A_65 = arith.constant 4096 : i32
    %add3A_66 = arith.addi %mul3A_2, %add3A_65 : i32
    %dma_start3A_67 = tpu.memref_slice %arg5[%add3A_66] : memref<4194304xf32, #tpu.memory_space<hbm>> -> memref<4096xf32, #tpu.memory_space<hbm>>
    %dma_start3A_68 = tpu.memref_slice %arg5[%add3A_66] : memref<4194304xf32, #tpu.memory_space<hbm>> -> memref<4096xf32, #tpu.memory_space<hbm>>
    tpu.enqueue_dma source(%arg13 : memref<4096xf32, #tpu.memory_space<vmem>>) target(%dma_start3A_68 : memref<4096xf32, #tpu.memory_space<hbm>>) target_semaphore(%arg17 : memref<!tpu.dma_semaphore, #tpu.memory_space<semaphore_mem>>)
    %scan3A_69 = arith.constant 0 : i32
    %scan3A_70 = arith.constant 14 : i32
    %scan3A_71 = arith.addi %scan3A_69, %scan3A_70 : i32
    %scan3A_72 = arith.constant 1 : i32
    scf.for %scan3A_132 = %scan3A_69 to %scan3A_71 step %scan3A_72  : i32 {
      %mul3A_133 = arith.constant 2 : i32
      %mul3A_134 = arith.muli %mul3A_133, %scan3A_132 : i32
      %add3A_135 = arith.constant 2 : i32
      %add3A_136 = arith.addi %mul3A_134, %add3A_135 : i32
      %add3A_137 = arith.constant 1 : i32
      %add3A_138 = arith.addi %add3A_136, %add3A_137 : i32
      %mul3A_139 = arith.constant 4096 : i32
      %mul3A_140 = arith.muli %add3A_138, %mul3A_139 : i32
      %add3A_141 = arith.addi %mul3A_2, %mul3A_140 : i32
      %run_scoped3A_142 = arith.constant 1 : i32
      "tpu.region"() ({
        %run_scoped3A_213 = tpu.sem_alloc : memref<!tpu.dma_semaphore, #tpu.memory_space<semaphore_mem>>
        %dma_start3A_214 = arith.constant 0 : i32
        %dma_start3A_215 = tpu.memref_slice %arg6[%run_scoped3A_142, %dma_start3A_214] : memref<2x4096xf32, #tpu.memory_space<vmem>> -> memref<1x4096xf32, #tpu.memory_space<vmem>>
        %dma_start3A_216 = tpu.memref_squeeze %dma_start3A_215 : memref<1x4096xf32, #tpu.memory_space<vmem>> -> memref<4096xf32, #tpu.memory_space<vmem>>
        %dma_start3A_217 = tpu.memref_slice %arg2[%add3A_141] : memref<4194304xf32, #tpu.memory_space<hbm>> -> memref<4096xf32, #tpu.memory_space<hbm>>
        %dma_start3A_218 = arith.constant 0 : i32
        %dma_start3A_219 = tpu.memref_slice %arg6[%run_scoped3A_142, %dma_start3A_218] : memref<2x4096xf32, #tpu.memory_space<vmem>> -> memref<1x4096xf32, #tpu.memory_space<vmem>>
        %dma_start3A_220 = tpu.memref_squeeze %dma_start3A_219 : memref<1x4096xf32, #tpu.memory_space<vmem>> -> memref<4096xf32, #tpu.memory_space<vmem>>
        %dma_start3A_221 = tpu.memref_slice %arg2[%add3A_141] : memref<4194304xf32, #tpu.memory_space<hbm>> -> memref<4096xf32, #tpu.memory_space<hbm>>
        tpu.enqueue_dma source(%dma_start3A_221 : memref<4096xf32, #tpu.memory_space<hbm>>) target(%dma_start3A_220 : memref<4096xf32, #tpu.memory_space<vmem>>) target_semaphore(%run_scoped3A_213 : memref<!tpu.dma_semaphore, #tpu.memory_space<semaphore_mem>>)
        %dma_wait3A_222 = arith.constant 0 : i32
        %dma_wait3A_223 = tpu.memref_slice %arg6[%run_scoped3A_142, %dma_wait3A_222] : memref<2x4096xf32, #tpu.memory_space<vmem>> -> memref<1x4096xf32, #tpu.memory_space<vmem>>
        %dma_wait3A_224 = tpu.memref_squeeze %dma_wait3A_223 : memref<1x4096xf32, #tpu.memory_space<vmem>> -> memref<4096xf32, #tpu.memory_space<vmem>>
        %dma_wait3A_225 = tpu.memref_slice %arg2[%add3A_141] : memref<4194304xf32, #tpu.memory_space<hbm>> -> memref<4096xf32, #tpu.memory_space<hbm>>
        %dma_wait3A_226 = arith.constant 0 : i32
        %dma_wait3A_227 = tpu.memref_slice %arg6[%run_scoped3A_142, %dma_wait3A_226] : memref<2x4096xf32, #tpu.memory_space<vmem>> -> memref<1x4096xf32, #tpu.memory_space<vmem>>
        %dma_wait3A_228 = tpu.memref_squeeze %dma_wait3A_227 : memref<1x4096xf32, #tpu.memory_space<vmem>> -> memref<4096xf32, #tpu.memory_space<vmem>>
        %dma_wait3A_229 = tpu.memref_slice %arg2[%add3A_141] : memref<4194304xf32, #tpu.memory_space<hbm>> -> memref<4096xf32, #tpu.memory_space<hbm>>
        tpu.wait_dma2 semaphore(%run_scoped3A_213 : memref<!tpu.dma_semaphore, #tpu.memory_space<semaphore_mem>>) src(%dma_wait3A_229 : memref<4096xf32, #tpu.memory_space<hbm>>) dst(%dma_wait3A_228 : memref<4096xf32, #tpu.memory_space<vmem>>)
        tpu.yield
      }) : () -> ()
      %run_scoped3A_143 = arith.constant 1 : i32
      "tpu.region"() ({
        %run_scoped3A_213 = tpu.sem_alloc : memref<!tpu.dma_semaphore, #tpu.memory_space<semaphore_mem>>
        %dma_start3A_214 = arith.constant 0 : i32
        %dma_start3A_215 = tpu.memref_slice %arg7[%run_scoped3A_143, %dma_start3A_214] : memref<2x4096xf32, #tpu.memory_space<vmem>> -> memref<1x4096xf32, #tpu.memory_space<vmem>>
        %dma_start3A_216 = tpu.memref_squeeze %dma_start3A_215 : memref<1x4096xf32, #tpu.memory_space<vmem>> -> memref<4096xf32, #tpu.memory_space<vmem>>
        %dma_start3A_217 = tpu.memref_slice %arg3[%add3A_141] : memref<4194304xf32, #tpu.memory_space<hbm>> -> memref<4096xf32, #tpu.memory_space<hbm>>
        %dma_start3A_218 = arith.constant 0 : i32
        %dma_start3A_219 = tpu.memref_slice %arg7[%run_scoped3A_143, %dma_start3A_218] : memref<2x4096xf32, #tpu.memory_space<vmem>> -> memref<1x4096xf32, #tpu.memory_space<vmem>>
        %dma_start3A_220 = tpu.memref_squeeze %dma_start3A_219 : memref<1x4096xf32, #tpu.memory_space<vmem>> -> memref<4096xf32, #tpu.memory_space<vmem>>
        %dma_start3A_221 = tpu.memref_slice %arg3[%add3A_141] : memref<4194304xf32, #tpu.memory_space<hbm>> -> memref<4096xf32, #tpu.memory_space<hbm>>
        tpu.enqueue_dma source(%dma_start3A_221 : memref<4096xf32, #tpu.memory_space<hbm>>) target(%dma_start3A_220 : memref<4096xf32, #tpu.memory_space<vmem>>) target_semaphore(%run_scoped3A_213 : memref<!tpu.dma_semaphore, #tpu.memory_space<semaphore_mem>>)
        %dma_wait3A_222 = arith.constant 0 : i32
        %dma_wait3A_223 = tpu.memref_slice %arg7[%run_scoped3A_143, %dma_wait3A_222] : memref<2x4096xf32, #tpu.memory_space<vmem>> -> memref<1x4096xf32, #tpu.memory_space<vmem>>
        %dma_wait3A_224 = tpu.memref_squeeze %dma_wait3A_223 : memref<1x4096xf32, #tpu.memory_space<vmem>> -> memref<4096xf32, #tpu.memory_space<vmem>>
        %dma_wait3A_225 = tpu.memref_slice %arg3[%add3A_141] : memref<4194304xf32, #tpu.memory_space<hbm>> -> memref<4096xf32, #tpu.memory_space<hbm>>
        %dma_wait3A_226 = arith.constant 0 : i32
        %dma_wait3A_227 = tpu.memref_slice %arg7[%run_scoped3A_143, %dma_wait3A_226] : memref<2x4096xf32, #tpu.memory_space<vmem>> -> memref<1x4096xf32, #tpu.memory_space<vmem>>
        %dma_wait3A_228 = tpu.memref_squeeze %dma_wait3A_227 : memref<1x4096xf32, #tpu.memory_space<vmem>> -> memref<4096xf32, #tpu.memory_space<vmem>>
        %dma_wait3A_229 = tpu.memref_slice %arg3[%add3A_141] : memref<4194304xf32, #tpu.memory_space<hbm>> -> memref<4096xf32, #tpu.memory_space<hbm>>
        tpu.wait_dma2 semaphore(%run_scoped3A_213 : memref<!tpu.dma_semaphore, #tpu.memory_space<semaphore_mem>>) src(%dma_wait3A_229 : memref<4096xf32, #tpu.memory_space<hbm>>) dst(%dma_wait3A_228 : memref<4096xf32, #tpu.memory_space<vmem>>)
        tpu.yield
      }) : () -> ()
      %scan3A_144 = arith.constant 1 : i32
      %scan3A_145 = arith.constant 1 : i32
      %scan3A_146 = arith.constant 0 : i32
      %scan3A_147 = arith.constant 256 : i32
      %scan3A_148 = arith.addi %scan3A_146, %scan3A_147 : i32
      %scan3A_149 = arith.constant 1 : i32
      scf.for %scan3A_213 = %scan3A_146 to %scan3A_148 step %scan3A_149  : i32 {
        %mul3A_214 = arith.constant 16 : i32
        %mul3A_215 = arith.muli %scan3A_213, %mul3A_214 : i32
        %get3A = arith.constant 0 : i32
        %get3A_216 = tpu.memref_slice %arg6[%scan3A_144, %get3A] : memref<2x4096xf32, #tpu.memory_space<vmem>> -> memref<1x4096xf32, #tpu.memory_space<vmem>>
        %get3A_217 = tpu.memref_squeeze %get3A_216 : memref<1x4096xf32, #tpu.memory_space<vmem>> -> memref<4096xf32, #tpu.memory_space<vmem>>
        %get3A_218 = arith.index_cast %mul3A_215 : i32 to index
        %get3A_219 = tpu.vector_load %get3A_217[%get3A_218] {strides = array<i32>} : memref<4096xf32, #tpu.memory_space<vmem>>, vector<16xf32>,
        %mul3A_220 = arith.constant 2.048000e+03 : f32
        %mul3A_221 = vector.broadcast %mul3A_220 : f32 to vector<16xf32>
        %mul3A_222 = arith.mulf %get3A_219, %mul3A_221 : vector<16xf32>
        %add3A_223 = arith.constant 2.048000e+03 : f32
        %add3A_224 = vector.broadcast %add3A_223 : f32 to vector<16xf32>
        %add3A_225 = arith.addf %mul3A_222, %add3A_224 : vector<16xf32>
        %get3A_226 = arith.constant 0 : i32
        %get3A_227 = tpu.memref_slice %arg7[%scan3A_145, %get3A_226] : memref<2x4096xf32, #tpu.memory_space<vmem>> -> memref<1x4096xf32, #tpu.memory_space<vmem>>
        %get3A_228 = tpu.memref_squeeze %get3A_227 : memref<1x4096xf32, #tpu.memory_space<vmem>> -> memref<4096xf32, #tpu.memory_space<vmem>>
        %get3A_229 = arith.index_cast %mul3A_215 : i32 to index
        %get3A_230 = tpu.vector_load %get3A_228[%get3A_229] {strides = array<i32>} : memref<4096xf32, #tpu.memory_space<vmem>>, vector<16xf32>,
        %mul3A_231 = arith.constant 2.048000e+03 : f32
        %mul3A_232 = vector.broadcast %mul3A_231 : f32 to vector<16xf32>
        %mul3A_233 = arith.mulf %get3A_230, %mul3A_232 : vector<16xf32>
        %add3A_234 = arith.constant 2.048000e+03 : f32
        %add3A_235 = vector.broadcast %add3A_234 : f32 to vector<16xf32>
        %add3A_236 = arith.addf %mul3A_233, %add3A_235 : vector<16xf32>
        %convert_element_type3A = arith.fptosi %add3A_225 : vector<16xf32> to vector<16xi32>
        %jit3A = arith.constant 1 : i32
        %jit3A_237 = arith.constant 4094 : i32
        %max3A = vector.broadcast %jit3A : i32 to vector<16xi32>
        %max3A_238 = arith.maxsi %max3A, %convert_element_type3A : vector<16xi32>
        %min3A = vector.broadcast %jit3A_237 : i32 to vector<16xi32>
        %min3A_239 = arith.minsi %min3A, %max3A_238 : vector<16xi32>
        %convert_element_type3A_240 = arith.fptosi %add3A_236 : vector<16xf32> to vector<16xi32>
        %jit3A_241 = arith.constant 1 : i32
        %jit3A_242 = arith.constant 4094 : i32
        %max3A_243 = vector.broadcast %jit3A_241 : i32 to vector<16xi32>
        %max3A_244 = arith.maxsi %max3A_243, %convert_element_type3A_240 : vector<16xi32>
        %min3A_245 = vector.broadcast %jit3A_242 : i32 to vector<16xi32>
        %min3A_246 = arith.minsi %min3A_245, %max3A_244 : vector<16xi32>
        %mul3A_247 = arith.constant 4096 : i32
        %mul3A_248 = vector.broadcast %mul3A_247 : i32 to vector<16xi32>
        %mul3A_249 = arith.muli %min3A_246, %mul3A_248 : vector<16xi32>
        %add3A_250 = arith.addi %mul3A_249, %min3A_239 : vector<16xi32>
        %shift_right_logical3A = arith.constant 1 : i32
        %shift_right_logical3A_251 = vector.broadcast %shift_right_logical3A : i32 to vector<16xi32>
        %shift_right_logical3A_252 = arith.shrui %add3A_250, %shift_right_logical3A_251 : vector<16xi32>
        %swap3A = arith.index_cast %mul3A_215 : i32 to index
        %swap3A_253 = tpu.vector_load %arg9[%swap3A] {strides = array<i32>} : memref<4096xi32, #tpu.memory_space<vmem>>, vector<16xi32>,
        tpu.vector_store %arg9[%swap3A], %shift_right_logical3A_252 {strides = array<i32>} : memref<4096xi32, #tpu.memory_space<vmem>>, vector<16xi32>,
      }
      %scan3A_150 = arith.constant 256 : i32
      %dma_start3A_151 = arith.constant 0 : i32
      %dma_start3A_152 = arith.constant 0 : i32
      %dma_start3A_153 = tpu.memref_slice %arg4[%dma_start3A_151, %dma_start3A_152] : memref<8388608x8xf32, #tpu.memory_space<hbm>> -> memref<8388608x8xf32, #tpu.memory_space<hbm>>
      tpu.enqueue_indirect_dma source(%dma_start3A_153 : memref<8388608x8xf32, #tpu.memory_space<hbm>>) target(%arg11 : memref<4096x8xf32, #tpu.memory_space<vmem>>) offsets(%arg9 : memref<4096xi32, #tpu.memory_space<vmem>>) semaphore(%arg15 : memref<!tpu.dma_semaphore, #tpu.memory_space<semaphore_mem>>)
      %dma_wait3A_154 = arith.constant 0 : i32
      %dma_wait3A_155 = arith.constant 0 : i32
      %dma_wait3A_156 = tpu.memref_slice %arg4[%dma_wait3A_154, %dma_wait3A_155] : memref<8388608x8xf32, #tpu.memory_space<hbm>> -> memref<8388608x8xf32, #tpu.memory_space<hbm>>
      tpu.wait_indirect_dma semaphore(%arg14 : memref<!tpu.dma_semaphore, #tpu.memory_space<semaphore_mem>>) src(%dma_wait3A_156 : memref<8388608x8xf32, #tpu.memory_space<hbm>>) dst(%arg10 : memref<4096x8xf32, #tpu.memory_space<vmem>>)
      %mul3A_157 = arith.constant 4096 : i32
      %mul3A_158 = arith.muli %add3A_136, %mul3A_157 : i32
      %add3A_159 = arith.addi %mul3A_2, %mul3A_158 : i32
      %dma_wait3A_160 = tpu.memref_slice %arg5[%add3A_159] : memref<4194304xf32, #tpu.memory_space<hbm>> -> memref<4096xf32, #tpu.memory_space<hbm>>
      %dma_wait3A_161 = tpu.memref_slice %arg5[%add3A_159] : memref<4194304xf32, #tpu.memory_space<hbm>> -> memref<4096xf32, #tpu.memory_space<hbm>>
      tpu.wait_dma2 semaphore(%arg16 : memref<!tpu.dma_semaphore, #tpu.memory_space<semaphore_mem>>) src(%arg12 : memref<4096xf32, #tpu.memory_space<vmem>>) dst(%dma_wait3A_161 : memref<4096xf32, #tpu.memory_space<hbm>>)
      %scan3A_162 = arith.constant 0 : i32
      %scan3A_163 = arith.constant 0 : i32
      %scan3A_164 = arith.constant 0 : i32
      %scan3A_165 = arith.constant 256 : i32
      %scan3A_166 = arith.addi %scan3A_164, %scan3A_165 : i32
      %scan3A_167 = arith.constant 1 : i32
      scf.for %scan3A_213 = %scan3A_164 to %scan3A_166 step %scan3A_167  : i32 {
        %mul3A_214 = arith.constant 16 : i32
        %mul3A_215 = arith.muli %scan3A_213, %mul3A_214 : i32
        %get3A = arith.constant 0 : i32
        %get3A_216 = tpu.memref_slice %arg6[%scan3A_162, %get3A] : memref<2x4096xf32, #tpu.memory_space<vmem>> -> memref<1x4096xf32, #tpu.memory_space<vmem>>
        %get3A_217 = tpu.memref_squeeze %get3A_216 : memref<1x4096xf32, #tpu.memory_space<vmem>> -> memref<4096xf32, #tpu.memory_space<vmem>>
        %get3A_218 = arith.index_cast %mul3A_215 : i32 to index
        %get3A_219 = tpu.vector_load %get3A_217[%get3A_218] {strides = array<i32>} : memref<4096xf32, #tpu.memory_space<vmem>>, vector<16xf32>,
        %mul3A_220 = arith.constant 2.048000e+03 : f32
        %mul3A_221 = vector.broadcast %mul3A_220 : f32 to vector<16xf32>
        %mul3A_222 = arith.mulf %get3A_219, %mul3A_221 : vector<16xf32>
        %add3A_223 = arith.constant 2.048000e+03 : f32
        %add3A_224 = vector.broadcast %add3A_223 : f32 to vector<16xf32>
        %add3A_225 = arith.addf %mul3A_222, %add3A_224 : vector<16xf32>
        %get3A_226 = arith.constant 0 : i32
        %get3A_227 = tpu.memref_slice %arg7[%scan3A_163, %get3A_226] : memref<2x4096xf32, #tpu.memory_space<vmem>> -> memref<1x4096xf32, #tpu.memory_space<vmem>>
        %get3A_228 = tpu.memref_squeeze %get3A_227 : memref<1x4096xf32, #tpu.memory_space<vmem>> -> memref<4096xf32, #tpu.memory_space<vmem>>
        %get3A_229 = arith.index_cast %mul3A_215 : i32 to index
        %get3A_230 = tpu.vector_load %get3A_228[%get3A_229] {strides = array<i32>} : memref<4096xf32, #tpu.memory_space<vmem>>, vector<16xf32>,
        %mul3A_231 = arith.constant 2.048000e+03 : f32
        %mul3A_232 = vector.broadcast %mul3A_231 : f32 to vector<16xf32>
        %mul3A_233 = arith.mulf %get3A_230, %mul3A_232 : vector<16xf32>
        %add3A_234 = arith.constant 2.048000e+03 : f32
        %add3A_235 = vector.broadcast %add3A_234 : f32 to vector<16xf32>
        %add3A_236 = arith.addf %mul3A_233, %add3A_235 : vector<16xf32>
        %convert_element_type3A = arith.fptosi %add3A_225 : vector<16xf32> to vector<16xi32>
        %convert_element_type3A_237 = arith.fptosi %add3A_236 : vector<16xf32> to vector<16xi32>
        %convert_element_type3A_238 = arith.sitofp %convert_element_type3A : vector<16xi32> to vector<16xf32>
        %sub3A = arith.subf %add3A_225, %convert_element_type3A_238 : vector<16xf32>
        %convert_element_type3A_239 = arith.sitofp %convert_element_type3A_237 : vector<16xi32> to vector<16xf32>
        %sub3A_240 = arith.subf %add3A_236, %convert_element_type3A_239 : vector<16xf32>
        %jit3A = arith.constant 1 : i32
        %jit3A_241 = arith.constant 4094 : i32
        %max3A = vector.broadcast %jit3A : i32 to vector<16xi32>
        %max3A_242 = arith.maxsi %max3A, %convert_element_type3A : vector<16xi32>
        %min3A = vector.broadcast %jit3A_241 : i32 to vector<16xi32>
        %min3A_243 = arith.minsi %min3A, %max3A_242 : vector<16xi32>
        %jit3A_244 = arith.constant 1 : i32
        %jit3A_245 = arith.constant 4094 : i32
        %max3A_246 = vector.broadcast %jit3A_244 : i32 to vector<16xi32>
        %max3A_247 = arith.maxsi %max3A_246, %convert_element_type3A_237 : vector<16xi32>
        %min3A_248 = vector.broadcast %jit3A_245 : i32 to vector<16xi32>
        %min3A_249 = arith.minsi %min3A_248, %max3A_247 : vector<16xi32>
        %mul3A_250 = arith.constant 4096 : i32
        %mul3A_251 = vector.broadcast %mul3A_250 : i32 to vector<16xi32>
        %mul3A_252 = arith.muli %min3A_249, %mul3A_251 : vector<16xi32>
        %add3A_253 = arith.addi %mul3A_252, %min3A_243 : vector<16xi32>
        %and3A = arith.constant 1 : i32
        %and3A_254 = vector.broadcast %and3A : i32 to vector<16xi32>
        %and3A_255 = arith.andi %add3A_253, %and3A_254 : vector<16xi32>
        %add3A_256 = vector.broadcast %mul3A_215 : i32 to vector<16xi32>
        %add3A_257 = arith.addi %add3A_256, %iota3A : vector<16xi32>
        %gather3A = tpu.vector_load_idx %arg10[%add3A_257, %and3A_255] : memref<4096x8xf32, #tpu.memory_space<vmem>>[vector<16xi32>, vector<16xi32>], vector<16xf32>,
        %add3A_258 = arith.constant 1 : i32
        %add3A_259 = vector.broadcast %add3A_258 : i32 to vector<16xi32>
        %add3A_260 = arith.addi %and3A_255, %add3A_259 : vector<16xi32>
        %gather3A_261 = tpu.vector_load_idx %arg10[%add3A_257, %add3A_260] : memref<4096x8xf32, #tpu.memory_space<vmem>>[vector<16xi32>, vector<16xi32>], vector<16xf32>,
        %add3A_262 = arith.constant 2 : i32
        %add3A_263 = vector.broadcast %add3A_262 : i32 to vector<16xi32>
        %add3A_264 = arith.addi %and3A_255, %add3A_263 : vector<16xi32>
        %gather3A_265 = tpu.vector_load_idx %arg10[%add3A_257, %add3A_264] : memref<4096x8xf32, #tpu.memory_space<vmem>>[vector<16xi32>, vector<16xi32>], vector<16xf32>,
        %add3A_266 = arith.constant 4 : i32
        %add3A_267 = vector.broadcast %add3A_266 : i32 to vector<16xi32>
        %add3A_268 = arith.addi %and3A_255, %add3A_267 : vector<16xi32>
        %gather3A_269 = tpu.vector_load_idx %arg10[%add3A_257, %add3A_268] : memref<4096x8xf32, #tpu.memory_space<vmem>>[vector<16xi32>, vector<16xi32>], vector<16xf32>,
        %add3A_270 = arith.constant 6 : i32
        %add3A_271 = vector.broadcast %add3A_270 : i32 to vector<16xi32>
        %add3A_272 = arith.addi %and3A_255, %add3A_271 : vector<16xi32>
        %gather3A_273 = tpu.vector_load_idx %arg10[%add3A_257, %add3A_272] : memref<4096x8xf32, #tpu.memory_space<vmem>>[vector<16xi32>, vector<16xi32>], vector<16xf32>,
        %sub3A_274 = arith.subf %gather3A_265, %gather3A : vector<16xf32>
        %mul3A_275 = arith.constant 5.000000e-01 : f32
        %mul3A_276 = vector.broadcast %mul3A_275 : f32 to vector<16xf32>
        %mul3A_277 = arith.mulf %mul3A_276, %sub3A_274 : vector<16xf32>
        %sub3A_278 = arith.subf %gather3A_273, %gather3A_269 : vector<16xf32>
        %mul3A_279 = arith.constant 5.000000e-01 : f32
        %mul3A_280 = vector.broadcast %mul3A_279 : f32 to vector<16xf32>
        %mul3A_281 = arith.mulf %mul3A_280, %sub3A_278 : vector<16xf32>
        %neg3A = arith.constant 0.000000e+00 : f32
        %neg3A_282 = vector.broadcast %neg3A : f32 to vector<16xf32>
        %neg3A_283 = arith.subf %neg3A_282, %add3A_225 : vector<16xf32>
        %max3A_284 = arith.constant 0.000000e+00 : f32
        %max3A_285 = vector.broadcast %max3A_284 : f32 to vector<16xf32>
        %max3A_286 = arith.maximumf %neg3A_283, %max3A_285 : vector<16xf32>
        %sub3A_287 = arith.constant 4.095000e+03 : f32
        %sub3A_288 = vector.broadcast %sub3A_287 : f32 to vector<16xf32>
        %sub3A_289 = arith.subf %add3A_225, %sub3A_288 : vector<16xf32>
        %max3A_290 = arith.constant 0.000000e+00 : f32
        %max3A_291 = vector.broadcast %max3A_290 : f32 to vector<16xf32>
        %max3A_292 = arith.maximumf %sub3A_289, %max3A_291 : vector<16xf32>
        %max3A_293 = arith.maximumf %max3A_286, %max3A_292 : vector<16xf32>
        %mul3A_294 = arith.constant 4.8828125E-4 : f32
        %mul3A_295 = vector.broadcast %mul3A_294 : f32 to vector<16xf32>
        %mul3A_296 = arith.mulf %max3A_293, %mul3A_295 : vector<16xf32>
        %neg3A_297 = arith.constant 0.000000e+00 : f32
        %neg3A_298 = vector.broadcast %neg3A_297 : f32 to vector<16xf32>
        %neg3A_299 = arith.subf %neg3A_298, %add3A_236 : vector<16xf32>
        %max3A_300 = arith.constant 0.000000e+00 : f32
        %max3A_301 = vector.broadcast %max3A_300 : f32 to vector<16xf32>
        %max3A_302 = arith.maximumf %neg3A_299, %max3A_301 : vector<16xf32>
        %sub3A_303 = arith.constant 4.095000e+03 : f32
        %sub3A_304 = vector.broadcast %sub3A_303 : f32 to vector<16xf32>
        %sub3A_305 = arith.subf %add3A_236, %sub3A_304 : vector<16xf32>
        %max3A_306 = arith.constant 0.000000e+00 : f32
        %max3A_307 = vector.broadcast %max3A_306 : f32 to vector<16xf32>
        %max3A_308 = arith.maximumf %sub3A_305, %max3A_307 : vector<16xf32>
        %max3A_309 = arith.maximumf %max3A_302, %max3A_308 : vector<16xf32>
        %mul3A_310 = arith.constant 4.8828125E-4 : f32
        %mul3A_311 = vector.broadcast %mul3A_310 : f32 to vector<16xf32>
        %mul3A_312 = arith.mulf %max3A_309, %mul3A_311 : vector<16xf32>
        %mul3A_313 = arith.mulf %mul3A_296, %mul3A_296 : vector<16xf32>
        %mul3A_314 = arith.mulf %mul3A_312, %mul3A_312 : vector<16xf32>
        %add3A_315 = arith.addf %mul3A_313, %mul3A_314 : vector<16xf32>
        %mul3A_316 = arith.mulf %sub3A, %mul3A_277 : vector<16xf32>
        %mul3A_317 = arith.mulf %sub3A_240, %mul3A_281 : vector<16xf32>
        %add3A_318 = arith.addf %mul3A_316, %mul3A_317 : vector<16xf32>
        %lt3A = arith.constant 9.99999997E-7 : f32
        %lt3A_319 = vector.broadcast %lt3A : f32 to vector<16xf32>
        %lt3A_320 = arith.cmpf olt, %add3A_315, %lt3A_319 : vector<16xf32>
        %jit3A_321 = arith.constant 0.000000e+00 : f32
        %broadcast_in_dim3A = vector.broadcast %jit3A_321 : f32 to vector<16xf32>
        %select_n3A = arith.select %lt3A_320, %add3A_318, %broadcast_in_dim3A : vector<16xi1>, vector<16xf32>
        %add3A_322 = arith.addf %gather3A_261, %select_n3A : vector<16xf32>
        %add3A_323 = arith.addf %add3A_322, %add3A_315 : vector<16xf32>
        %swap3A = arith.index_cast %mul3A_215 : i32 to index
        %swap3A_324 = tpu.vector_load %arg12[%swap3A] {strides = array<i32>} : memref<4096xf32, #tpu.memory_space<vmem>>, vector<16xf32>,
        tpu.vector_store %arg12[%swap3A], %add3A_323 {strides = array<i32>} : memref<4096xf32, #tpu.memory_space<vmem>>, vector<16xf32>,
      }
      %scan3A_168 = arith.constant 256 : i32
      %mul3A_169 = arith.constant 4096 : i32
      %mul3A_170 = arith.muli %add3A_136, %mul3A_169 : i32
      %add3A_171 = arith.addi %mul3A_2, %mul3A_170 : i32
      %dma_start3A_172 = tpu.memref_slice %arg5[%add3A_171] : memref<4194304xf32, #tpu.memory_space<hbm>> -> memref<4096xf32, #tpu.memory_space<hbm>>
      %dma_start3A_173 = tpu.memref_slice %arg5[%add3A_171] : memref<4194304xf32, #tpu.memory_space<hbm>> -> memref<4096xf32, #tpu.memory_space<hbm>>
      tpu.enqueue_dma source(%arg12 : memref<4096xf32, #tpu.memory_space<vmem>>) target(%dma_start3A_173 : memref<4096xf32, #tpu.memory_space<hbm>>) target_semaphore(%arg16 : memref<!tpu.dma_semaphore, #tpu.memory_space<semaphore_mem>>)
      %add3A_174 = arith.constant 2 : i32
      %add3A_175 = arith.addi %add3A_136, %add3A_174 : i32
      %mul3A_176 = arith.constant 4096 : i32
      %mul3A_177 = arith.muli %add3A_175, %mul3A_176 : i32
      %add3A_178 = arith.addi %mul3A_2, %mul3A_177 : i32
      %run_scoped3A_179 = arith.constant 0 : i32
      "tpu.region"() ({
        %run_scoped3A_213 = tpu.sem_alloc : memref<!tpu.dma_semaphore, #tpu.memory_space<semaphore_mem>>
        %dma_start3A_214 = arith.constant 0 : i32
        %dma_start3A_215 = tpu.memref_slice %arg6[%run_scoped3A_179, %dma_start3A_214] : memref<2x4096xf32, #tpu.memory_space<vmem>> -> memref<1x4096xf32, #tpu.memory_space<vmem>>
        %dma_start3A_216 = tpu.memref_squeeze %dma_start3A_215 : memref<1x4096xf32, #tpu.memory_space<vmem>> -> memref<4096xf32, #tpu.memory_space<vmem>>
        %dma_start3A_217 = tpu.memref_slice %arg2[%add3A_178] : memref<4194304xf32, #tpu.memory_space<hbm>> -> memref<4096xf32, #tpu.memory_space<hbm>>
        %dma_start3A_218 = arith.constant 0 : i32
        %dma_start3A_219 = tpu.memref_slice %arg6[%run_scoped3A_179, %dma_start3A_218] : memref<2x4096xf32, #tpu.memory_space<vmem>> -> memref<1x4096xf32, #tpu.memory_space<vmem>>
        %dma_start3A_220 = tpu.memref_squeeze %dma_start3A_219 : memref<1x4096xf32, #tpu.memory_space<vmem>> -> memref<4096xf32, #tpu.memory_space<vmem>>
        %dma_start3A_221 = tpu.memref_slice %arg2[%add3A_178] : memref<4194304xf32, #tpu.memory_space<hbm>> -> memref<4096xf32, #tpu.memory_space<hbm>>
        tpu.enqueue_dma source(%dma_start3A_221 : memref<4096xf32, #tpu.memory_space<hbm>>) target(%dma_start3A_220 : memref<4096xf32, #tpu.memory_space<vmem>>) target_semaphore(%run_scoped3A_213 : memref<!tpu.dma_semaphore, #tpu.memory_space<semaphore_mem>>)
        %dma_wait3A_222 = arith.constant 0 : i32
        %dma_wait3A_223 = tpu.memref_slice %arg6[%run_scoped3A_179, %dma_wait3A_222] : memref<2x4096xf32, #tpu.memory_space<vmem>> -> memref<1x4096xf32, #tpu.memory_space<vmem>>
        %dma_wait3A_224 = tpu.memref_squeeze %dma_wait3A_223 : memref<1x4096xf32, #tpu.memory_space<vmem>> -> memref<4096xf32, #tpu.memory_space<vmem>>
        %dma_wait3A_225 = tpu.memref_slice %arg2[%add3A_178] : memref<4194304xf32, #tpu.memory_space<hbm>> -> memref<4096xf32, #tpu.memory_space<hbm>>
        %dma_wait3A_226 = arith.constant 0 : i32
        %dma_wait3A_227 = tpu.memref_slice %arg6[%run_scoped3A_179, %dma_wait3A_226] : memref<2x4096xf32, #tpu.memory_space<vmem>> -> memref<1x4096xf32, #tpu.memory_space<vmem>>
        %dma_wait3A_228 = tpu.memref_squeeze %dma_wait3A_227 : memref<1x4096xf32, #tpu.memory_space<vmem>> -> memref<4096xf32, #tpu.memory_space<vmem>>
        %dma_wait3A_229 = tpu.memref_slice %arg2[%add3A_178] : memref<4194304xf32, #tpu.memory_space<hbm>> -> memref<4096xf32, #tpu.memory_space<hbm>>
        tpu.wait_dma2 semaphore(%run_scoped3A_213 : memref<!tpu.dma_semaphore, #tpu.memory_space<semaphore_mem>>) src(%dma_wait3A_229 : memref<4096xf32, #tpu.memory_space<hbm>>) dst(%dma_wait3A_228 : memref<4096xf32, #tpu.memory_space<vmem>>)
        tpu.yield
      }) : () -> ()
      %run_scoped3A_180 = arith.constant 0 : i32
      "tpu.region"() ({
        %run_scoped3A_213 = tpu.sem_alloc : memref<!tpu.dma_semaphore, #tpu.memory_space<semaphore_mem>>
        %dma_start3A_214 = arith.constant 0 : i32
        %dma_start3A_215 = tpu.memref_slice %arg7[%run_scoped3A_180, %dma_start3A_214] : memref<2x4096xf32, #tpu.memory_space<vmem>> -> memref<1x4096xf32, #tpu.memory_space<vmem>>
        %dma_start3A_216 = tpu.memref_squeeze %dma_start3A_215 : memref<1x4096xf32, #tpu.memory_space<vmem>> -> memref<4096xf32, #tpu.memory_space<vmem>>
        %dma_start3A_217 = tpu.memref_slice %arg3[%add3A_178] : memref<4194304xf32, #tpu.memory_space<hbm>> -> memref<4096xf32, #tpu.memory_space<hbm>>
        %dma_start3A_218 = arith.constant 0 : i32
        %dma_start3A_219 = tpu.memref_slice %arg7[%run_scoped3A_180, %dma_start3A_218] : memref<2x4096xf32, #tpu.memory_space<vmem>> -> memref<1x4096xf32, #tpu.memory_space<vmem>>
        %dma_start3A_220 = tpu.memref_squeeze %dma_start3A_219 : memref<1x4096xf32, #tpu.memory_space<vmem>> -> memref<4096xf32, #tpu.memory_space<vmem>>
        %dma_start3A_221 = tpu.memref_slice %arg3[%add3A_178] : memref<4194304xf32, #tpu.memory_space<hbm>> -> memref<4096xf32, #tpu.memory_space<hbm>>
        tpu.enqueue_dma source(%dma_start3A_221 : memref<4096xf32, #tpu.memory_space<hbm>>) target(%dma_start3A_220 : memref<4096xf32, #tpu.memory_space<vmem>>) target_semaphore(%run_scoped3A_213 : memref<!tpu.dma_semaphore, #tpu.memory_space<semaphore_mem>>)
        %dma_wait3A_222 = arith.constant 0 : i32
        %dma_wait3A_223 = tpu.memref_slice %arg7[%run_scoped3A_180, %dma_wait3A_222] : memref<2x4096xf32, #tpu.memory_space<vmem>> -> memref<1x4096xf32, #tpu.memory_space<vmem>>
        %dma_wait3A_224 = tpu.memref_squeeze %dma_wait3A_223 : memref<1x4096xf32, #tpu.memory_space<vmem>> -> memref<4096xf32, #tpu.memory_space<vmem>>
        %dma_wait3A_225 = tpu.memref_slice %arg3[%add3A_178] : memref<4194304xf32, #tpu.memory_space<hbm>> -> memref<4096xf32, #tpu.memory_space<hbm>>
        %dma_wait3A_226 = arith.constant 0 : i32
        %dma_wait3A_227 = tpu.memref_slice %arg7[%run_scoped3A_180, %dma_wait3A_226] : memref<2x4096xf32, #tpu.memory_space<vmem>> -> memref<1x4096xf32, #tpu.memory_space<vmem>>
        %dma_wait3A_228 = tpu.memref_squeeze %dma_wait3A_227 : memref<1x4096xf32, #tpu.memory_space<vmem>> -> memref<4096xf32, #tpu.memory_space<vmem>>
        %dma_wait3A_229 = tpu.memref_slice %arg3[%add3A_178] : memref<4194304xf32, #tpu.memory_space<hbm>> -> memref<4096xf32, #tpu.memory_space<hbm>>
        tpu.wait_dma2 semaphore(%run_scoped3A_213 : memref<!tpu.dma_semaphore, #tpu.memory_space<semaphore_mem>>) src(%dma_wait3A_229 : memref<4096xf32, #tpu.memory_space<hbm>>) dst(%dma_wait3A_228 : memref<4096xf32, #tpu.memory_space<vmem>>)
        tpu.yield
      }) : () -> ()
      %scan3A_181 = arith.constant 0 : i32
      %scan3A_182 = arith.constant 0 : i32
      %scan3A_183 = arith.constant 0 : i32
      %scan3A_184 = arith.constant 256 : i32
      %scan3A_185 = arith.addi %scan3A_183, %scan3A_184 : i32
      %scan3A_186 = arith.constant 1 : i32
      scf.for %scan3A_213 = %scan3A_183 to %scan3A_185 step %scan3A_186  : i32 {
        %mul3A_214 = arith.constant 16 : i32
        %mul3A_215 = arith.muli %scan3A_213, %mul3A_214 : i32
        %get3A = arith.constant 0 : i32
        %get3A_216 = tpu.memref_slice %arg6[%scan3A_181, %get3A] : memref<2x4096xf32, #tpu.memory_space<vmem>> -> memref<1x4096xf32, #tpu.memory_space<vmem>>
        %get3A_217 = tpu.memref_squeeze %get3A_216 : memref<1x4096xf32, #tpu.memory_space<vmem>> -> memref<4096xf32, #tpu.memory_space<vmem>>
        %get3A_218 = arith.index_cast %mul3A_215 : i32 to index
        %get3A_219 = tpu.vector_load %get3A_217[%get3A_218] {strides = array<i32>} : memref<4096xf32, #tpu.memory_space<vmem>>, vector<16xf32>,
        %mul3A_220 = arith.constant 2.048000e+03 : f32
        %mul3A_221 = vector.broadcast %mul3A_220 : f32 to vector<16xf32>
        %mul3A_222 = arith.mulf %get3A_219, %mul3A_221 : vector<16xf32>
        %add3A_223 = arith.constant 2.048000e+03 : f32
        %add3A_224 = vector.broadcast %add3A_223 : f32 to vector<16xf32>
        %add3A_225 = arith.addf %mul3A_222, %add3A_224 : vector<16xf32>
        %get3A_226 = arith.constant 0 : i32
        %get3A_227 = tpu.memref_slice %arg7[%scan3A_182, %get3A_226] : memref<2x4096xf32, #tpu.memory_space<vmem>> -> memref<1x4096xf32, #tpu.memory_space<vmem>>
        %get3A_228 = tpu.memref_squeeze %get3A_227 : memref<1x4096xf32, #tpu.memory_space<vmem>> -> memref<4096xf32, #tpu.memory_space<vmem>>
        %get3A_229 = arith.index_cast %mul3A_215 : i32 to index
        %get3A_230 = tpu.vector_load %get3A_228[%get3A_229] {strides = array<i32>} : memref<4096xf32, #tpu.memory_space<vmem>>, vector<16xf32>,
        %mul3A_231 = arith.constant 2.048000e+03 : f32
        %mul3A_232 = vector.broadcast %mul3A_231 : f32 to vector<16xf32>
        %mul3A_233 = arith.mulf %get3A_230, %mul3A_232 : vector<16xf32>
        %add3A_234 = arith.constant 2.048000e+03 : f32
        %add3A_235 = vector.broadcast %add3A_234 : f32 to vector<16xf32>
        %add3A_236 = arith.addf %mul3A_233, %add3A_235 : vector<16xf32>
        %convert_element_type3A = arith.fptosi %add3A_225 : vector<16xf32> to vector<16xi32>
        %jit3A = arith.constant 1 : i32
        %jit3A_237 = arith.constant 4094 : i32
        %max3A = vector.broadcast %jit3A : i32 to vector<16xi32>
        %max3A_238 = arith.maxsi %max3A, %convert_element_type3A : vector<16xi32>
        %min3A = vector.broadcast %jit3A_237 : i32 to vector<16xi32>
        %min3A_239 = arith.minsi %min3A, %max3A_238 : vector<16xi32>
        %convert_element_type3A_240 = arith.fptosi %add3A_236 : vector<16xf32> to vector<16xi32>
        %jit3A_241 = arith.constant 1 : i32
        %jit3A_242 = arith.constant 4094 : i32
        %max3A_243 = vector.broadcast %jit3A_241 : i32 to vector<16xi32>
        %max3A_244 = arith.maxsi %max3A_243, %convert_element_type3A_240 : vector<16xi32>
        %min3A_245 = vector.broadcast %jit3A_242 : i32 to vector<16xi32>
        %min3A_246 = arith.minsi %min3A_245, %max3A_244 : vector<16xi32>
        %mul3A_247 = arith.constant 4096 : i32
        %mul3A_248 = vector.broadcast %mul3A_247 : i32 to vector<16xi32>
        %mul3A_249 = arith.muli %min3A_246, %mul3A_248 : vector<16xi32>
        %add3A_250 = arith.addi %mul3A_249, %min3A_239 : vector<16xi32>
        %shift_right_logical3A = arith.constant 1 : i32
        %shift_right_logical3A_251 = vector.broadcast %shift_right_logical3A : i32 to vector<16xi32>
        %shift_right_logical3A_252 = arith.shrui %add3A_250, %shift_right_logical3A_251 : vector<16xi32>
        %swap3A = arith.index_cast %mul3A_215 : i32 to index
        %swap3A_253 = tpu.vector_load %arg8[%swap3A] {strides = array<i32>} : memref<4096xi32, #tpu.memory_space<vmem>>, vector<16xi32>,
        tpu.vector_store %arg8[%swap3A], %shift_right_logical3A_252 {strides = array<i32>} : memref<4096xi32, #tpu.memory_space<vmem>>, vector<16xi32>,
      }
      %scan3A_187 = arith.constant 256 : i32
      %dma_start3A_188 = arith.constant 0 : i32
      %dma_start3A_189 = arith.constant 0 : i32
      %dma_start3A_190 = tpu.memref_slice %arg4[%dma_start3A_188, %dma_start3A_189] : memref<8388608x8xf32, #tpu.memory_space<hbm>> -> memref<8388608x8xf32, #tpu.memory_space<hbm>>
      tpu.enqueue_indirect_dma source(%dma_start3A_190 : memref<8388608x8xf32, #tpu.memory_space<hbm>>) target(%arg10 : memref<4096x8xf32, #tpu.memory_space<vmem>>) offsets(%arg8 : memref<4096xi32, #tpu.memory_space<vmem>>) semaphore(%arg14 : memref<!tpu.dma_semaphore, #tpu.memory_space<semaphore_mem>>)
      %add3A_191 = arith.constant 1 : i32
      %add3A_192 = arith.addi %add3A_136, %add3A_191 : i32
      %dma_wait3A_193 = arith.constant 0 : i32
      %dma_wait3A_194 = arith.constant 0 : i32
      %dma_wait3A_195 = tpu.memref_slice %arg4[%dma_wait3A_193, %dma_wait3A_194] : memref<8388608x8xf32, #tpu.memory_space<hbm>> -> memref<8388608x8xf32, #tpu.memory_space<hbm>>
      tpu.wait_indirect_dma semaphore(%arg15 : memref<!tpu.dma_semaphore, #tpu.memory_space<semaphore_mem>>) src(%dma_wait3A_195 : memref<8388608x8xf32, #tpu.memory_space<hbm>>) dst(%arg11 : memref<4096x8xf32, #tpu.memory_space<vmem>>)
      %mul3A_196 = arith.constant 4096 : i32
      %mul3A_197 = arith.muli %add3A_192, %mul3A_196 : i32
      %add3A_198 = arith.addi %mul3A_2, %mul3A_197 : i32
      %dma_wait3A_199 = tpu.memref_slice %arg5[%add3A_198] : memref<4194304xf32, #tpu.memory_space<hbm>> -> memref<4096xf32, #tpu.memory_space<hbm>>
      %dma_wait3A_200 = tpu.memref_slice %arg5[%add3A_198] : memref<4194304xf32, #tpu.memory_space<hbm>> -> memref<4096xf32, #tpu.memory_space<hbm>>
      tpu.wait_dma2 semaphore(%arg17 : memref<!tpu.dma_semaphore, #tpu.memory_space<semaphore_mem>>) src(%arg13 : memref<4096xf32, #tpu.memory_space<vmem>>) dst(%dma_wait3A_200 : memref<4096xf32, #tpu.memory_space<hbm>>)
      %scan3A_201 = arith.constant 1 : i32
      %scan3A_202 = arith.constant 1 : i32
      %scan3A_203 = arith.constant 0 : i32
      %scan3A_204 = arith.constant 256 : i32
      %scan3A_205 = arith.addi %scan3A_203, %scan3A_204 : i32
      %scan3A_206 = arith.constant 1 : i32
      scf.for %scan3A_213 = %scan3A_203 to %scan3A_205 step %scan3A_206  : i32 {
        %mul3A_214 = arith.constant 16 : i32
        %mul3A_215 = arith.muli %scan3A_213, %mul3A_214 : i32
        %get3A = arith.constant 0 : i32
        %get3A_216 = tpu.memref_slice %arg6[%scan3A_201, %get3A] : memref<2x4096xf32, #tpu.memory_space<vmem>> -> memref<1x4096xf32, #tpu.memory_space<vmem>>
        %get3A_217 = tpu.memref_squeeze %get3A_216 : memref<1x4096xf32, #tpu.memory_space<vmem>> -> memref<4096xf32, #tpu.memory_space<vmem>>
        %get3A_218 = arith.index_cast %mul3A_215 : i32 to index
        %get3A_219 = tpu.vector_load %get3A_217[%get3A_218] {strides = array<i32>} : memref<4096xf32, #tpu.memory_space<vmem>>, vector<16xf32>,
        %mul3A_220 = arith.constant 2.048000e+03 : f32
        %mul3A_221 = vector.broadcast %mul3A_220 : f32 to vector<16xf32>
        %mul3A_222 = arith.mulf %get3A_219, %mul3A_221 : vector<16xf32>
        %add3A_223 = arith.constant 2.048000e+03 : f32
        %add3A_224 = vector.broadcast %add3A_223 : f32 to vector<16xf32>
        %add3A_225 = arith.addf %mul3A_222, %add3A_224 : vector<16xf32>
        %get3A_226 = arith.constant 0 : i32
        %get3A_227 = tpu.memref_slice %arg7[%scan3A_202, %get3A_226] : memref<2x4096xf32, #tpu.memory_space<vmem>> -> memref<1x4096xf32, #tpu.memory_space<vmem>>
        %get3A_228 = tpu.memref_squeeze %get3A_227 : memref<1x4096xf32, #tpu.memory_space<vmem>> -> memref<4096xf32, #tpu.memory_space<vmem>>
        %get3A_229 = arith.index_cast %mul3A_215 : i32 to index
        %get3A_230 = tpu.vector_load %get3A_228[%get3A_229] {strides = array<i32>} : memref<4096xf32, #tpu.memory_space<vmem>>, vector<16xf32>,
        %mul3A_231 = arith.constant 2.048000e+03 : f32
        %mul3A_232 = vector.broadcast %mul3A_231 : f32 to vector<16xf32>
        %mul3A_233 = arith.mulf %get3A_230, %mul3A_232 : vector<16xf32>
        %add3A_234 = arith.constant 2.048000e+03 : f32
        %add3A_235 = vector.broadcast %add3A_234 : f32 to vector<16xf32>
        %add3A_236 = arith.addf %mul3A_233, %add3A_235 : vector<16xf32>
        %convert_element_type3A = arith.fptosi %add3A_225 : vector<16xf32> to vector<16xi32>
        %convert_element_type3A_237 = arith.fptosi %add3A_236 : vector<16xf32> to vector<16xi32>
        %convert_element_type3A_238 = arith.sitofp %convert_element_type3A : vector<16xi32> to vector<16xf32>
        %sub3A = arith.subf %add3A_225, %convert_element_type3A_238 : vector<16xf32>
        %convert_element_type3A_239 = arith.sitofp %convert_element_type3A_237 : vector<16xi32> to vector<16xf32>
        %sub3A_240 = arith.subf %add3A_236, %convert_element_type3A_239 : vector<16xf32>
        %jit3A = arith.constant 1 : i32
        %jit3A_241 = arith.constant 4094 : i32
        %max3A = vector.broadcast %jit3A : i32 to vector<16xi32>
        %max3A_242 = arith.maxsi %max3A, %convert_element_type3A : vector<16xi32>
        %min3A = vector.broadcast %jit3A_241 : i32 to vector<16xi32>
        %min3A_243 = arith.minsi %min3A, %max3A_242 : vector<16xi32>
        %jit3A_244 = arith.constant 1 : i32
        %jit3A_245 = arith.constant 4094 : i32
        %max3A_246 = vector.broadcast %jit3A_244 : i32 to vector<16xi32>
        %max3A_247 = arith.maxsi %max3A_246, %convert_element_type3A_237 : vector<16xi32>
        %min3A_248 = vector.broadcast %jit3A_245 : i32 to vector<16xi32>
        %min3A_249 = arith.minsi %min3A_248, %max3A_247 : vector<16xi32>
        %mul3A_250 = arith.constant 4096 : i32
        %mul3A_251 = vector.broadcast %mul3A_250 : i32 to vector<16xi32>
        %mul3A_252 = arith.muli %min3A_249, %mul3A_251 : vector<16xi32>
        %add3A_253 = arith.addi %mul3A_252, %min3A_243 : vector<16xi32>
        %and3A = arith.constant 1 : i32
        %and3A_254 = vector.broadcast %and3A : i32 to vector<16xi32>
        %and3A_255 = arith.andi %add3A_253, %and3A_254 : vector<16xi32>
        %add3A_256 = vector.broadcast %mul3A_215 : i32 to vector<16xi32>
        %add3A_257 = arith.addi %add3A_256, %iota3A : vector<16xi32>
        %gather3A = tpu.vector_load_idx %arg11[%add3A_257, %and3A_255] : memref<4096x8xf32, #tpu.memory_space<vmem>>[vector<16xi32>, vector<16xi32>], vector<16xf32>,
        %add3A_258 = arith.constant 1 : i32
        %add3A_259 = vector.broadcast %add3A_258 : i32 to vector<16xi32>
        %add3A_260 = arith.addi %and3A_255, %add3A_259 : vector<16xi32>
        %gather3A_261 = tpu.vector_load_idx %arg11[%add3A_257, %add3A_260] : memref<4096x8xf32, #tpu.memory_space<vmem>>[vector<16xi32>, vector<16xi32>], vector<16xf32>,
        %add3A_262 = arith.constant 2 : i32
        %add3A_263 = vector.broadcast %add3A_262 : i32 to vector<16xi32>
        %add3A_264 = arith.addi %and3A_255, %add3A_263 : vector<16xi32>
        %gather3A_265 = tpu.vector_load_idx %arg11[%add3A_257, %add3A_264] : memref<4096x8xf32, #tpu.memory_space<vmem>>[vector<16xi32>, vector<16xi32>], vector<16xf32>,
        %add3A_266 = arith.constant 4 : i32
        %add3A_267 = vector.broadcast %add3A_266 : i32 to vector<16xi32>
        %add3A_268 = arith.addi %and3A_255, %add3A_267 : vector<16xi32>
        %gather3A_269 = tpu.vector_load_idx %arg11[%add3A_257, %add3A_268] : memref<4096x8xf32, #tpu.memory_space<vmem>>[vector<16xi32>, vector<16xi32>], vector<16xf32>,
        %add3A_270 = arith.constant 6 : i32
        %add3A_271 = vector.broadcast %add3A_270 : i32 to vector<16xi32>
        %add3A_272 = arith.addi %and3A_255, %add3A_271 : vector<16xi32>
        %gather3A_273 = tpu.vector_load_idx %arg11[%add3A_257, %add3A_272] : memref<4096x8xf32, #tpu.memory_space<vmem>>[vector<16xi32>, vector<16xi32>], vector<16xf32>,
        %sub3A_274 = arith.subf %gather3A_265, %gather3A : vector<16xf32>
        %mul3A_275 = arith.constant 5.000000e-01 : f32
        %mul3A_276 = vector.broadcast %mul3A_275 : f32 to vector<16xf32>
        %mul3A_277 = arith.mulf %mul3A_276, %sub3A_274 : vector<16xf32>
        %sub3A_278 = arith.subf %gather3A_273, %gather3A_269 : vector<16xf32>
        %mul3A_279 = arith.constant 5.000000e-01 : f32
        %mul3A_280 = vector.broadcast %mul3A_279 : f32 to vector<16xf32>
        %mul3A_281 = arith.mulf %mul3A_280, %sub3A_278 : vector<16xf32>
        %neg3A = arith.constant 0.000000e+00 : f32
        %neg3A_282 = vector.broadcast %neg3A : f32 to vector<16xf32>
        %neg3A_283 = arith.subf %neg3A_282, %add3A_225 : vector<16xf32>
        %max3A_284 = arith.constant 0.000000e+00 : f32
        %max3A_285 = vector.broadcast %max3A_284 : f32 to vector<16xf32>
        %max3A_286 = arith.maximumf %neg3A_283, %max3A_285 : vector<16xf32>
        %sub3A_287 = arith.constant 4.095000e+03 : f32
        %sub3A_288 = vector.broadcast %sub3A_287 : f32 to vector<16xf32>
        %sub3A_289 = arith.subf %add3A_225, %sub3A_288 : vector<16xf32>
        %max3A_290 = arith.constant 0.000000e+00 : f32
        %max3A_291 = vector.broadcast %max3A_290 : f32 to vector<16xf32>
        %max3A_292 = arith.maximumf %sub3A_289, %max3A_291 : vector<16xf32>
        %max3A_293 = arith.maximumf %max3A_286, %max3A_292 : vector<16xf32>
        %mul3A_294 = arith.constant 4.8828125E-4 : f32
        %mul3A_295 = vector.broadcast %mul3A_294 : f32 to vector<16xf32>
        %mul3A_296 = arith.mulf %max3A_293, %mul3A_295 : vector<16xf32>
        %neg3A_297 = arith.constant 0.000000e+00 : f32
        %neg3A_298 = vector.broadcast %neg3A_297 : f32 to vector<16xf32>
        %neg3A_299 = arith.subf %neg3A_298, %add3A_236 : vector<16xf32>
        %max3A_300 = arith.constant 0.000000e+00 : f32
        %max3A_301 = vector.broadcast %max3A_300 : f32 to vector<16xf32>
        %max3A_302 = arith.maximumf %neg3A_299, %max3A_301 : vector<16xf32>
        %sub3A_303 = arith.constant 4.095000e+03 : f32
        %sub3A_304 = vector.broadcast %sub3A_303 : f32 to vector<16xf32>
        %sub3A_305 = arith.subf %add3A_236, %sub3A_304 : vector<16xf32>
        %max3A_306 = arith.constant 0.000000e+00 : f32
        %max3A_307 = vector.broadcast %max3A_306 : f32 to vector<16xf32>
        %max3A_308 = arith.maximumf %sub3A_305, %max3A_307 : vector<16xf32>
        %max3A_309 = arith.maximumf %max3A_302, %max3A_308 : vector<16xf32>
        %mul3A_310 = arith.constant 4.8828125E-4 : f32
        %mul3A_311 = vector.broadcast %mul3A_310 : f32 to vector<16xf32>
        %mul3A_312 = arith.mulf %max3A_309, %mul3A_311 : vector<16xf32>
        %mul3A_313 = arith.mulf %mul3A_296, %mul3A_296 : vector<16xf32>
        %mul3A_314 = arith.mulf %mul3A_312, %mul3A_312 : vector<16xf32>
        %add3A_315 = arith.addf %mul3A_313, %mul3A_314 : vector<16xf32>
        %mul3A_316 = arith.mulf %sub3A, %mul3A_277 : vector<16xf32>
        %mul3A_317 = arith.mulf %sub3A_240, %mul3A_281 : vector<16xf32>
        %add3A_318 = arith.addf %mul3A_316, %mul3A_317 : vector<16xf32>
        %lt3A = arith.constant 9.99999997E-7 : f32
        %lt3A_319 = vector.broadcast %lt3A : f32 to vector<16xf32>
        %lt3A_320 = arith.cmpf olt, %add3A_315, %lt3A_319 : vector<16xf32>
        %jit3A_321 = arith.constant 0.000000e+00 : f32
        %broadcast_in_dim3A = vector.broadcast %jit3A_321 : f32 to vector<16xf32>
        %select_n3A = arith.select %lt3A_320, %add3A_318, %broadcast_in_dim3A : vector<16xi1>, vector<16xf32>
        %add3A_322 = arith.addf %gather3A_261, %select_n3A : vector<16xf32>
        %add3A_323 = arith.addf %add3A_322, %add3A_315 : vector<16xf32>
        %swap3A = arith.index_cast %mul3A_215 : i32 to index
        %swap3A_324 = tpu.vector_load %arg13[%swap3A] {strides = array<i32>} : memref<4096xf32, #tpu.memory_space<vmem>>, vector<16xf32>,
        tpu.vector_store %arg13[%swap3A], %add3A_323 {strides = array<i32>} : memref<4096xf32, #tpu.memory_space<vmem>>, vector<16xf32>,
      }
      %scan3A_207 = arith.constant 256 : i32
      %mul3A_208 = arith.constant 4096 : i32
      %mul3A_209 = arith.muli %add3A_192, %mul3A_208 : i32
      %add3A_210 = arith.addi %mul3A_2, %mul3A_209 : i32
      %dma_start3A_211 = tpu.memref_slice %arg5[%add3A_210] : memref<4194304xf32, #tpu.memory_space<hbm>> -> memref<4096xf32, #tpu.memory_space<hbm>>
      %dma_start3A_212 = tpu.memref_slice %arg5[%add3A_210] : memref<4194304xf32, #tpu.memory_space<hbm>> -> memref<4096xf32, #tpu.memory_space<hbm>>
      tpu.enqueue_dma source(%arg13 : memref<4096xf32, #tpu.memory_space<vmem>>) target(%dma_start3A_212 : memref<4096xf32, #tpu.memory_space<hbm>>) target_semaphore(%arg17 : memref<!tpu.dma_semaphore, #tpu.memory_space<semaphore_mem>>)
    }
    %scan3A_73 = arith.constant 14 : i32
    %add3A_74 = arith.constant 126976 : i32
    %add3A_75 = arith.addi %mul3A_2, %add3A_74 : i32
    %run_scoped3A_76 = arith.constant 1 : i32
    "tpu.region"() ({
      %run_scoped3A_132 = tpu.sem_alloc : memref<!tpu.dma_semaphore, #tpu.memory_space<semaphore_mem>>
      %dma_start3A_133 = arith.constant 0 : i32
      %dma_start3A_134 = tpu.memref_slice %arg6[%run_scoped3A_76, %dma_start3A_133] : memref<2x4096xf32, #tpu.memory_space<vmem>> -> memref<1x4096xf32, #tpu.memory_space<vmem>>
      %dma_start3A_135 = tpu.memref_squeeze %dma_start3A_134 : memref<1x4096xf32, #tpu.memory_space<vmem>> -> memref<4096xf32, #tpu.memory_space<vmem>>
      %dma_start3A_136 = tpu.memref_slice %arg2[%add3A_75] : memref<4194304xf32, #tpu.memory_space<hbm>> -> memref<4096xf32, #tpu.memory_space<hbm>>
      %dma_start3A_137 = arith.constant 0 : i32
      %dma_start3A_138 = tpu.memref_slice %arg6[%run_scoped3A_76, %dma_start3A_137] : memref<2x4096xf32, #tpu.memory_space<vmem>> -> memref<1x4096xf32, #tpu.memory_space<vmem>>
      %dma_start3A_139 = tpu.memref_squeeze %dma_start3A_138 : memref<1x4096xf32, #tpu.memory_space<vmem>> -> memref<4096xf32, #tpu.memory_space<vmem>>
      %dma_start3A_140 = tpu.memref_slice %arg2[%add3A_75] : memref<4194304xf32, #tpu.memory_space<hbm>> -> memref<4096xf32, #tpu.memory_space<hbm>>
      tpu.enqueue_dma source(%dma_start3A_140 : memref<4096xf32, #tpu.memory_space<hbm>>) target(%dma_start3A_139 : memref<4096xf32, #tpu.memory_space<vmem>>) target_semaphore(%run_scoped3A_132 : memref<!tpu.dma_semaphore, #tpu.memory_space<semaphore_mem>>)
      %dma_wait3A_141 = arith.constant 0 : i32
      %dma_wait3A_142 = tpu.memref_slice %arg6[%run_scoped3A_76, %dma_wait3A_141] : memref<2x4096xf32, #tpu.memory_space<vmem>> -> memref<1x4096xf32, #tpu.memory_space<vmem>>
      %dma_wait3A_143 = tpu.memref_squeeze %dma_wait3A_142 : memref<1x4096xf32, #tpu.memory_space<vmem>> -> memref<4096xf32, #tpu.memory_space<vmem>>
      %dma_wait3A_144 = tpu.memref_slice %arg2[%add3A_75] : memref<4194304xf32, #tpu.memory_space<hbm>> -> memref<4096xf32, #tpu.memory_space<hbm>>
      %dma_wait3A_145 = arith.constant 0 : i32
      %dma_wait3A_146 = tpu.memref_slice %arg6[%run_scoped3A_76, %dma_wait3A_145] : memref<2x4096xf32, #tpu.memory_space<vmem>> -> memref<1x4096xf32, #tpu.memory_space<vmem>>
      %dma_wait3A_147 = tpu.memref_squeeze %dma_wait3A_146 : memref<1x4096xf32, #tpu.memory_space<vmem>> -> memref<4096xf32, #tpu.memory_space<vmem>>
      %dma_wait3A_148 = tpu.memref_slice %arg2[%add3A_75] : memref<4194304xf32, #tpu.memory_space<hbm>> -> memref<4096xf32, #tpu.memory_space<hbm>>
      tpu.wait_dma2 semaphore(%run_scoped3A_132 : memref<!tpu.dma_semaphore, #tpu.memory_space<semaphore_mem>>) src(%dma_wait3A_148 : memref<4096xf32, #tpu.memory_space<hbm>>) dst(%dma_wait3A_147 : memref<4096xf32, #tpu.memory_space<vmem>>)
      tpu.yield
    }) : () -> ()
    %run_scoped3A_77 = arith.constant 1 : i32
    "tpu.region"() ({
      %run_scoped3A_132 = tpu.sem_alloc : memref<!tpu.dma_semaphore, #tpu.memory_space<semaphore_mem>>
      %dma_start3A_133 = arith.constant 0 : i32
      %dma_start3A_134 = tpu.memref_slice %arg7[%run_scoped3A_77, %dma_start3A_133] : memref<2x4096xf32, #tpu.memory_space<vmem>> -> memref<1x4096xf32, #tpu.memory_space<vmem>>
      %dma_start3A_135 = tpu.memref_squeeze %dma_start3A_134 : memref<1x4096xf32, #tpu.memory_space<vmem>> -> memref<4096xf32, #tpu.memory_space<vmem>>
      %dma_start3A_136 = tpu.memref_slice %arg3[%add3A_75] : memref<4194304xf32, #tpu.memory_space<hbm>> -> memref<4096xf32, #tpu.memory_space<hbm>>
      %dma_start3A_137 = arith.constant 0 : i32
      %dma_start3A_138 = tpu.memref_slice %arg7[%run_scoped3A_77, %dma_start3A_137] : memref<2x4096xf32, #tpu.memory_space<vmem>> -> memref<1x4096xf32, #tpu.memory_space<vmem>>
      %dma_start3A_139 = tpu.memref_squeeze %dma_start3A_138 : memref<1x4096xf32, #tpu.memory_space<vmem>> -> memref<4096xf32, #tpu.memory_space<vmem>>
      %dma_start3A_140 = tpu.memref_slice %arg3[%add3A_75] : memref<4194304xf32, #tpu.memory_space<hbm>> -> memref<4096xf32, #tpu.memory_space<hbm>>
      tpu.enqueue_dma source(%dma_start3A_140 : memref<4096xf32, #tpu.memory_space<hbm>>) target(%dma_start3A_139 : memref<4096xf32, #tpu.memory_space<vmem>>) target_semaphore(%run_scoped3A_132 : memref<!tpu.dma_semaphore, #tpu.memory_space<semaphore_mem>>)
      %dma_wait3A_141 = arith.constant 0 : i32
      %dma_wait3A_142 = tpu.memref_slice %arg7[%run_scoped3A_77, %dma_wait3A_141] : memref<2x4096xf32, #tpu.memory_space<vmem>> -> memref<1x4096xf32, #tpu.memory_space<vmem>>
      %dma_wait3A_143 = tpu.memref_squeeze %dma_wait3A_142 : memref<1x4096xf32, #tpu.memory_space<vmem>> -> memref<4096xf32, #tpu.memory_space<vmem>>
      %dma_wait3A_144 = tpu.memref_slice %arg3[%add3A_75] : memref<4194304xf32, #tpu.memory_space<hbm>> -> memref<4096xf32, #tpu.memory_space<hbm>>
      %dma_wait3A_145 = arith.constant 0 : i32
      %dma_wait3A_146 = tpu.memref_slice %arg7[%run_scoped3A_77, %dma_wait3A_145] : memref<2x4096xf32, #tpu.memory_space<vmem>> -> memref<1x4096xf32, #tpu.memory_space<vmem>>
      %dma_wait3A_147 = tpu.memref_squeeze %dma_wait3A_146 : memref<1x4096xf32, #tpu.memory_space<vmem>> -> memref<4096xf32, #tpu.memory_space<vmem>>
      %dma_wait3A_148 = tpu.memref_slice %arg3[%add3A_75] : memref<4194304xf32, #tpu.memory_space<hbm>> -> memref<4096xf32, #tpu.memory_space<hbm>>
      tpu.wait_dma2 semaphore(%run_scoped3A_132 : memref<!tpu.dma_semaphore, #tpu.memory_space<semaphore_mem>>) src(%dma_wait3A_148 : memref<4096xf32, #tpu.memory_space<hbm>>) dst(%dma_wait3A_147 : memref<4096xf32, #tpu.memory_space<vmem>>)
      tpu.yield
    }) : () -> ()
    %scan3A_78 = arith.constant 1 : i32
    %scan3A_79 = arith.constant 1 : i32
    %scan3A_80 = arith.constant 0 : i32
    %scan3A_81 = arith.constant 256 : i32
    %scan3A_82 = arith.addi %scan3A_80, %scan3A_81 : i32
    %scan3A_83 = arith.constant 1 : i32
    scf.for %scan3A_132 = %scan3A_80 to %scan3A_82 step %scan3A_83  : i32 {
      %mul3A_133 = arith.constant 16 : i32
      %mul3A_134 = arith.muli %scan3A_132, %mul3A_133 : i32
      %get3A = arith.constant 0 : i32
      %get3A_135 = tpu.memref_slice %arg6[%scan3A_78, %get3A] : memref<2x4096xf32, #tpu.memory_space<vmem>> -> memref<1x4096xf32, #tpu.memory_space<vmem>>
      %get3A_136 = tpu.memref_squeeze %get3A_135 : memref<1x4096xf32, #tpu.memory_space<vmem>> -> memref<4096xf32, #tpu.memory_space<vmem>>
      %get3A_137 = arith.index_cast %mul3A_134 : i32 to index
      %get3A_138 = tpu.vector_load %get3A_136[%get3A_137] {strides = array<i32>} : memref<4096xf32, #tpu.memory_space<vmem>>, vector<16xf32>,
      %mul3A_139 = arith.constant 2.048000e+03 : f32
      %mul3A_140 = vector.broadcast %mul3A_139 : f32 to vector<16xf32>
      %mul3A_141 = arith.mulf %get3A_138, %mul3A_140 : vector<16xf32>
      %add3A_142 = arith.constant 2.048000e+03 : f32
      %add3A_143 = vector.broadcast %add3A_142 : f32 to vector<16xf32>
      %add3A_144 = arith.addf %mul3A_141, %add3A_143 : vector<16xf32>
      %get3A_145 = arith.constant 0 : i32
      %get3A_146 = tpu.memref_slice %arg7[%scan3A_79, %get3A_145] : memref<2x4096xf32, #tpu.memory_space<vmem>> -> memref<1x4096xf32, #tpu.memory_space<vmem>>
      %get3A_147 = tpu.memref_squeeze %get3A_146 : memref<1x4096xf32, #tpu.memory_space<vmem>> -> memref<4096xf32, #tpu.memory_space<vmem>>
      %get3A_148 = arith.index_cast %mul3A_134 : i32 to index
      %get3A_149 = tpu.vector_load %get3A_147[%get3A_148] {strides = array<i32>} : memref<4096xf32, #tpu.memory_space<vmem>>, vector<16xf32>,
      %mul3A_150 = arith.constant 2.048000e+03 : f32
      %mul3A_151 = vector.broadcast %mul3A_150 : f32 to vector<16xf32>
      %mul3A_152 = arith.mulf %get3A_149, %mul3A_151 : vector<16xf32>
      %add3A_153 = arith.constant 2.048000e+03 : f32
      %add3A_154 = vector.broadcast %add3A_153 : f32 to vector<16xf32>
      %add3A_155 = arith.addf %mul3A_152, %add3A_154 : vector<16xf32>
      %convert_element_type3A = arith.fptosi %add3A_144 : vector<16xf32> to vector<16xi32>
      %jit3A = arith.constant 1 : i32
      %jit3A_156 = arith.constant 4094 : i32
      %max3A = vector.broadcast %jit3A : i32 to vector<16xi32>
      %max3A_157 = arith.maxsi %max3A, %convert_element_type3A : vector<16xi32>
      %min3A = vector.broadcast %jit3A_156 : i32 to vector<16xi32>
      %min3A_158 = arith.minsi %min3A, %max3A_157 : vector<16xi32>
      %convert_element_type3A_159 = arith.fptosi %add3A_155 : vector<16xf32> to vector<16xi32>
      %jit3A_160 = arith.constant 1 : i32
      %jit3A_161 = arith.constant 4094 : i32
      %max3A_162 = vector.broadcast %jit3A_160 : i32 to vector<16xi32>
      %max3A_163 = arith.maxsi %max3A_162, %convert_element_type3A_159 : vector<16xi32>
      %min3A_164 = vector.broadcast %jit3A_161 : i32 to vector<16xi32>
      %min3A_165 = arith.minsi %min3A_164, %max3A_163 : vector<16xi32>
      %mul3A_166 = arith.constant 4096 : i32
      %mul3A_167 = vector.broadcast %mul3A_166 : i32 to vector<16xi32>
      %mul3A_168 = arith.muli %min3A_165, %mul3A_167 : vector<16xi32>
      %add3A_169 = arith.addi %mul3A_168, %min3A_158 : vector<16xi32>
      %shift_right_logical3A = arith.constant 1 : i32
      %shift_right_logical3A_170 = vector.broadcast %shift_right_logical3A : i32 to vector<16xi32>
      %shift_right_logical3A_171 = arith.shrui %add3A_169, %shift_right_logical3A_170 : vector<16xi32>
      %swap3A = arith.index_cast %mul3A_134 : i32 to index
      %swap3A_172 = tpu.vector_load %arg9[%swap3A] {strides = array<i32>} : memref<4096xi32, #tpu.memory_space<vmem>>, vector<16xi32>,
      tpu.vector_store %arg9[%swap3A], %shift_right_logical3A_171 {strides = array<i32>} : memref<4096xi32, #tpu.memory_space<vmem>>, vector<16xi32>,
    }
    %scan3A_84 = arith.constant 256 : i32
    %dma_start3A_85 = arith.constant 0 : i32
    %dma_start3A_86 = arith.constant 0 : i32
    %dma_start3A_87 = tpu.memref_slice %arg4[%dma_start3A_85, %dma_start3A_86] : memref<8388608x8xf32, #tpu.memory_space<hbm>> -> memref<8388608x8xf32, #tpu.memory_space<hbm>>
    tpu.enqueue_indirect_dma source(%dma_start3A_87 : memref<8388608x8xf32, #tpu.memory_space<hbm>>) target(%arg11 : memref<4096x8xf32, #tpu.memory_space<vmem>>) offsets(%arg9 : memref<4096xi32, #tpu.memory_space<vmem>>) semaphore(%arg15 : memref<!tpu.dma_semaphore, #tpu.memory_space<semaphore_mem>>)
    %dma_wait3A_88 = arith.constant 0 : i32
    %dma_wait3A_89 = arith.constant 0 : i32
    %dma_wait3A_90 = tpu.memref_slice %arg4[%dma_wait3A_88, %dma_wait3A_89] : memref<8388608x8xf32, #tpu.memory_space<hbm>> -> memref<8388608x8xf32, #tpu.memory_space<hbm>>
    tpu.wait_indirect_dma semaphore(%arg14 : memref<!tpu.dma_semaphore, #tpu.memory_space<semaphore_mem>>) src(%dma_wait3A_90 : memref<8388608x8xf32, #tpu.memory_space<hbm>>) dst(%arg10 : memref<4096x8xf32, #tpu.memory_space<vmem>>)
    %add3A_91 = arith.constant 122880 : i32
    %add3A_92 = arith.addi %mul3A_2, %add3A_91 : i32
    %dma_wait3A_93 = tpu.memref_slice %arg5[%add3A_92] : memref<4194304xf32, #tpu.memory_space<hbm>> -> memref<4096xf32, #tpu.memory_space<hbm>>
    %dma_wait3A_94 = tpu.memref_slice %arg5[%add3A_92] : memref<4194304xf32, #tpu.memory_space<hbm>> -> memref<4096xf32, #tpu.memory_space<hbm>>
    tpu.wait_dma2 semaphore(%arg16 : memref<!tpu.dma_semaphore, #tpu.memory_space<semaphore_mem>>) src(%arg12 : memref<4096xf32, #tpu.memory_space<vmem>>) dst(%dma_wait3A_94 : memref<4096xf32, #tpu.memory_space<hbm>>)
    %scan3A_95 = arith.constant 0 : i32
    %scan3A_96 = arith.constant 0 : i32
    %scan3A_97 = arith.constant 0 : i32
    %scan3A_98 = arith.constant 256 : i32
    %scan3A_99 = arith.addi %scan3A_97, %scan3A_98 : i32
    %scan3A_100 = arith.constant 1 : i32
    scf.for %scan3A_132 = %scan3A_97 to %scan3A_99 step %scan3A_100  : i32 {
      %mul3A_133 = arith.constant 16 : i32
      %mul3A_134 = arith.muli %scan3A_132, %mul3A_133 : i32
      %get3A = arith.constant 0 : i32
      %get3A_135 = tpu.memref_slice %arg6[%scan3A_95, %get3A] : memref<2x4096xf32, #tpu.memory_space<vmem>> -> memref<1x4096xf32, #tpu.memory_space<vmem>>
      %get3A_136 = tpu.memref_squeeze %get3A_135 : memref<1x4096xf32, #tpu.memory_space<vmem>> -> memref<4096xf32, #tpu.memory_space<vmem>>
      %get3A_137 = arith.index_cast %mul3A_134 : i32 to index
      %get3A_138 = tpu.vector_load %get3A_136[%get3A_137] {strides = array<i32>} : memref<4096xf32, #tpu.memory_space<vmem>>, vector<16xf32>,
      %mul3A_139 = arith.constant 2.048000e+03 : f32
      %mul3A_140 = vector.broadcast %mul3A_139 : f32 to vector<16xf32>
      %mul3A_141 = arith.mulf %get3A_138, %mul3A_140 : vector<16xf32>
      %add3A_142 = arith.constant 2.048000e+03 : f32
      %add3A_143 = vector.broadcast %add3A_142 : f32 to vector<16xf32>
      %add3A_144 = arith.addf %mul3A_141, %add3A_143 : vector<16xf32>
      %get3A_145 = arith.constant 0 : i32
      %get3A_146 = tpu.memref_slice %arg7[%scan3A_96, %get3A_145] : memref<2x4096xf32, #tpu.memory_space<vmem>> -> memref<1x4096xf32, #tpu.memory_space<vmem>>
      %get3A_147 = tpu.memref_squeeze %get3A_146 : memref<1x4096xf32, #tpu.memory_space<vmem>> -> memref<4096xf32, #tpu.memory_space<vmem>>
      %get3A_148 = arith.index_cast %mul3A_134 : i32 to index
      %get3A_149 = tpu.vector_load %get3A_147[%get3A_148] {strides = array<i32>} : memref<4096xf32, #tpu.memory_space<vmem>>, vector<16xf32>,
      %mul3A_150 = arith.constant 2.048000e+03 : f32
      %mul3A_151 = vector.broadcast %mul3A_150 : f32 to vector<16xf32>
      %mul3A_152 = arith.mulf %get3A_149, %mul3A_151 : vector<16xf32>
      %add3A_153 = arith.constant 2.048000e+03 : f32
      %add3A_154 = vector.broadcast %add3A_153 : f32 to vector<16xf32>
      %add3A_155 = arith.addf %mul3A_152, %add3A_154 : vector<16xf32>
      %convert_element_type3A = arith.fptosi %add3A_144 : vector<16xf32> to vector<16xi32>
      %convert_element_type3A_156 = arith.fptosi %add3A_155 : vector<16xf32> to vector<16xi32>
      %convert_element_type3A_157 = arith.sitofp %convert_element_type3A : vector<16xi32> to vector<16xf32>
      %sub3A = arith.subf %add3A_144, %convert_element_type3A_157 : vector<16xf32>
      %convert_element_type3A_158 = arith.sitofp %convert_element_type3A_156 : vector<16xi32> to vector<16xf32>
      %sub3A_159 = arith.subf %add3A_155, %convert_element_type3A_158 : vector<16xf32>
      %jit3A = arith.constant 1 : i32
      %jit3A_160 = arith.constant 4094 : i32
      %max3A = vector.broadcast %jit3A : i32 to vector<16xi32>
      %max3A_161 = arith.maxsi %max3A, %convert_element_type3A : vector<16xi32>
      %min3A = vector.broadcast %jit3A_160 : i32 to vector<16xi32>
      %min3A_162 = arith.minsi %min3A, %max3A_161 : vector<16xi32>
      %jit3A_163 = arith.constant 1 : i32
      %jit3A_164 = arith.constant 4094 : i32
      %max3A_165 = vector.broadcast %jit3A_163 : i32 to vector<16xi32>
      %max3A_166 = arith.maxsi %max3A_165, %convert_element_type3A_156 : vector<16xi32>
      %min3A_167 = vector.broadcast %jit3A_164 : i32 to vector<16xi32>
      %min3A_168 = arith.minsi %min3A_167, %max3A_166 : vector<16xi32>
      %mul3A_169 = arith.constant 4096 : i32
      %mul3A_170 = vector.broadcast %mul3A_169 : i32 to vector<16xi32>
      %mul3A_171 = arith.muli %min3A_168, %mul3A_170 : vector<16xi32>
      %add3A_172 = arith.addi %mul3A_171, %min3A_162 : vector<16xi32>
      %and3A = arith.constant 1 : i32
      %and3A_173 = vector.broadcast %and3A : i32 to vector<16xi32>
      %and3A_174 = arith.andi %add3A_172, %and3A_173 : vector<16xi32>
      %add3A_175 = vector.broadcast %mul3A_134 : i32 to vector<16xi32>
      %add3A_176 = arith.addi %add3A_175, %iota3A : vector<16xi32>
      %gather3A = tpu.vector_load_idx %arg10[%add3A_176, %and3A_174] : memref<4096x8xf32, #tpu.memory_space<vmem>>[vector<16xi32>, vector<16xi32>], vector<16xf32>,
      %add3A_177 = arith.constant 1 : i32
      %add3A_178 = vector.broadcast %add3A_177 : i32 to vector<16xi32>
      %add3A_179 = arith.addi %and3A_174, %add3A_178 : vector<16xi32>
      %gather3A_180 = tpu.vector_load_idx %arg10[%add3A_176, %add3A_179] : memref<4096x8xf32, #tpu.memory_space<vmem>>[vector<16xi32>, vector<16xi32>], vector<16xf32>,
      %add3A_181 = arith.constant 2 : i32
      %add3A_182 = vector.broadcast %add3A_181 : i32 to vector<16xi32>
      %add3A_183 = arith.addi %and3A_174, %add3A_182 : vector<16xi32>
      %gather3A_184 = tpu.vector_load_idx %arg10[%add3A_176, %add3A_183] : memref<4096x8xf32, #tpu.memory_space<vmem>>[vector<16xi32>, vector<16xi32>], vector<16xf32>,
      %add3A_185 = arith.constant 4 : i32
      %add3A_186 = vector.broadcast %add3A_185 : i32 to vector<16xi32>
      %add3A_187 = arith.addi %and3A_174, %add3A_186 : vector<16xi32>
      %gather3A_188 = tpu.vector_load_idx %arg10[%add3A_176, %add3A_187] : memref<4096x8xf32, #tpu.memory_space<vmem>>[vector<16xi32>, vector<16xi32>], vector<16xf32>,
      %add3A_189 = arith.constant 6 : i32
      %add3A_190 = vector.broadcast %add3A_189 : i32 to vector<16xi32>
      %add3A_191 = arith.addi %and3A_174, %add3A_190 : vector<16xi32>
      %gather3A_192 = tpu.vector_load_idx %arg10[%add3A_176, %add3A_191] : memref<4096x8xf32, #tpu.memory_space<vmem>>[vector<16xi32>, vector<16xi32>], vector<16xf32>,
      %sub3A_193 = arith.subf %gather3A_184, %gather3A : vector<16xf32>
      %mul3A_194 = arith.constant 5.000000e-01 : f32
      %mul3A_195 = vector.broadcast %mul3A_194 : f32 to vector<16xf32>
      %mul3A_196 = arith.mulf %mul3A_195, %sub3A_193 : vector<16xf32>
      %sub3A_197 = arith.subf %gather3A_192, %gather3A_188 : vector<16xf32>
      %mul3A_198 = arith.constant 5.000000e-01 : f32
      %mul3A_199 = vector.broadcast %mul3A_198 : f32 to vector<16xf32>
      %mul3A_200 = arith.mulf %mul3A_199, %sub3A_197 : vector<16xf32>
      %neg3A = arith.constant 0.000000e+00 : f32
      %neg3A_201 = vector.broadcast %neg3A : f32 to vector<16xf32>
      %neg3A_202 = arith.subf %neg3A_201, %add3A_144 : vector<16xf32>
      %max3A_203 = arith.constant 0.000000e+00 : f32
      %max3A_204 = vector.broadcast %max3A_203 : f32 to vector<16xf32>
      %max3A_205 = arith.maximumf %neg3A_202, %max3A_204 : vector<16xf32>
      %sub3A_206 = arith.constant 4.095000e+03 : f32
      %sub3A_207 = vector.broadcast %sub3A_206 : f32 to vector<16xf32>
      %sub3A_208 = arith.subf %add3A_144, %sub3A_207 : vector<16xf32>
      %max3A_209 = arith.constant 0.000000e+00 : f32
      %max3A_210 = vector.broadcast %max3A_209 : f32 to vector<16xf32>
      %max3A_211 = arith.maximumf %sub3A_208, %max3A_210 : vector<16xf32>
      %max3A_212 = arith.maximumf %max3A_205, %max3A_211 : vector<16xf32>
      %mul3A_213 = arith.constant 4.8828125E-4 : f32
      %mul3A_214 = vector.broadcast %mul3A_213 : f32 to vector<16xf32>
      %mul3A_215 = arith.mulf %max3A_212, %mul3A_214 : vector<16xf32>
      %neg3A_216 = arith.constant 0.000000e+00 : f32
      %neg3A_217 = vector.broadcast %neg3A_216 : f32 to vector<16xf32>
      %neg3A_218 = arith.subf %neg3A_217, %add3A_155 : vector<16xf32>
      %max3A_219 = arith.constant 0.000000e+00 : f32
      %max3A_220 = vector.broadcast %max3A_219 : f32 to vector<16xf32>
      %max3A_221 = arith.maximumf %neg3A_218, %max3A_220 : vector<16xf32>
      %sub3A_222 = arith.constant 4.095000e+03 : f32
      %sub3A_223 = vector.broadcast %sub3A_222 : f32 to vector<16xf32>
      %sub3A_224 = arith.subf %add3A_155, %sub3A_223 : vector<16xf32>
      %max3A_225 = arith.constant 0.000000e+00 : f32
      %max3A_226 = vector.broadcast %max3A_225 : f32 to vector<16xf32>
      %max3A_227 = arith.maximumf %sub3A_224, %max3A_226 : vector<16xf32>
      %max3A_228 = arith.maximumf %max3A_221, %max3A_227 : vector<16xf32>
      %mul3A_229 = arith.constant 4.8828125E-4 : f32
      %mul3A_230 = vector.broadcast %mul3A_229 : f32 to vector<16xf32>
      %mul3A_231 = arith.mulf %max3A_228, %mul3A_230 : vector<16xf32>
      %mul3A_232 = arith.mulf %mul3A_215, %mul3A_215 : vector<16xf32>
      %mul3A_233 = arith.mulf %mul3A_231, %mul3A_231 : vector<16xf32>
      %add3A_234 = arith.addf %mul3A_232, %mul3A_233 : vector<16xf32>
      %mul3A_235 = arith.mulf %sub3A, %mul3A_196 : vector<16xf32>
      %mul3A_236 = arith.mulf %sub3A_159, %mul3A_200 : vector<16xf32>
      %add3A_237 = arith.addf %mul3A_235, %mul3A_236 : vector<16xf32>
      %lt3A = arith.constant 9.99999997E-7 : f32
      %lt3A_238 = vector.broadcast %lt3A : f32 to vector<16xf32>
      %lt3A_239 = arith.cmpf olt, %add3A_234, %lt3A_238 : vector<16xf32>
      %jit3A_240 = arith.constant 0.000000e+00 : f32
      %broadcast_in_dim3A = vector.broadcast %jit3A_240 : f32 to vector<16xf32>
      %select_n3A = arith.select %lt3A_239, %add3A_237, %broadcast_in_dim3A : vector<16xi1>, vector<16xf32>
      %add3A_241 = arith.addf %gather3A_180, %select_n3A : vector<16xf32>
      %add3A_242 = arith.addf %add3A_241, %add3A_234 : vector<16xf32>
      %swap3A = arith.index_cast %mul3A_134 : i32 to index
      %swap3A_243 = tpu.vector_load %arg12[%swap3A] {strides = array<i32>} : memref<4096xf32, #tpu.memory_space<vmem>>, vector<16xf32>,
      tpu.vector_store %arg12[%swap3A], %add3A_242 {strides = array<i32>} : memref<4096xf32, #tpu.memory_space<vmem>>, vector<16xf32>,
    }
    %scan3A_101 = arith.constant 256 : i32
    %add3A_102 = arith.constant 122880 : i32
    %add3A_103 = arith.addi %mul3A_2, %add3A_102 : i32
    %dma_start3A_104 = tpu.memref_slice %arg5[%add3A_103] : memref<4194304xf32, #tpu.memory_space<hbm>> -> memref<4096xf32, #tpu.memory_space<hbm>>
    %dma_start3A_105 = tpu.memref_slice %arg5[%add3A_103] : memref<4194304xf32, #tpu.memory_space<hbm>> -> memref<4096xf32, #tpu.memory_space<hbm>>
    tpu.enqueue_dma source(%arg12 : memref<4096xf32, #tpu.memory_space<vmem>>) target(%dma_start3A_105 : memref<4096xf32, #tpu.memory_space<hbm>>) target_semaphore(%arg16 : memref<!tpu.dma_semaphore, #tpu.memory_space<semaphore_mem>>)
    %dma_wait3A_106 = arith.constant 0 : i32
    %dma_wait3A_107 = arith.constant 0 : i32
    %dma_wait3A_108 = tpu.memref_slice %arg4[%dma_wait3A_106, %dma_wait3A_107] : memref<8388608x8xf32, #tpu.memory_space<hbm>> -> memref<8388608x8xf32, #tpu.memory_space<hbm>>
    tpu.wait_indirect_dma semaphore(%arg15 : memref<!tpu.dma_semaphore, #tpu.memory_space<semaphore_mem>>) src(%dma_wait3A_108 : memref<8388608x8xf32, #tpu.memory_space<hbm>>) dst(%arg11 : memref<4096x8xf32, #tpu.memory_space<vmem>>)
    %add3A_109 = arith.constant 126976 : i32
    %add3A_110 = arith.addi %mul3A_2, %add3A_109 : i32
    %dma_wait3A_111 = tpu.memref_slice %arg5[%add3A_110] : memref<4194304xf32, #tpu.memory_space<hbm>> -> memref<4096xf32, #tpu.memory_space<hbm>>
    %dma_wait3A_112 = tpu.memref_slice %arg5[%add3A_110] : memref<4194304xf32, #tpu.memory_space<hbm>> -> memref<4096xf32, #tpu.memory_space<hbm>>
    tpu.wait_dma2 semaphore(%arg17 : memref<!tpu.dma_semaphore, #tpu.memory_space<semaphore_mem>>) src(%arg13 : memref<4096xf32, #tpu.memory_space<vmem>>) dst(%dma_wait3A_112 : memref<4096xf32, #tpu.memory_space<hbm>>)
    %scan3A_113 = arith.constant 1 : i32
    %scan3A_114 = arith.constant 1 : i32
    %scan3A_115 = arith.constant 0 : i32
    %scan3A_116 = arith.constant 256 : i32
    %scan3A_117 = arith.addi %scan3A_115, %scan3A_116 : i32
    %scan3A_118 = arith.constant 1 : i32
    scf.for %scan3A_132 = %scan3A_115 to %scan3A_117 step %scan3A_118  : i32 {
      %mul3A_133 = arith.constant 16 : i32
      %mul3A_134 = arith.muli %scan3A_132, %mul3A_133 : i32
      %get3A = arith.constant 0 : i32
      %get3A_135 = tpu.memref_slice %arg6[%scan3A_113, %get3A] : memref<2x4096xf32, #tpu.memory_space<vmem>> -> memref<1x4096xf32, #tpu.memory_space<vmem>>
      %get3A_136 = tpu.memref_squeeze %get3A_135 : memref<1x4096xf32, #tpu.memory_space<vmem>> -> memref<4096xf32, #tpu.memory_space<vmem>>
      %get3A_137 = arith.index_cast %mul3A_134 : i32 to index
      %get3A_138 = tpu.vector_load %get3A_136[%get3A_137] {strides = array<i32>} : memref<4096xf32, #tpu.memory_space<vmem>>, vector<16xf32>,
      %mul3A_139 = arith.constant 2.048000e+03 : f32
      %mul3A_140 = vector.broadcast %mul3A_139 : f32 to vector<16xf32>
      %mul3A_141 = arith.mulf %get3A_138, %mul3A_140 : vector<16xf32>
      %add3A_142 = arith.constant 2.048000e+03 : f32
      %add3A_143 = vector.broadcast %add3A_142 : f32 to vector<16xf32>
      %add3A_144 = arith.addf %mul3A_141, %add3A_143 : vector<16xf32>
      %get3A_145 = arith.constant 0 : i32
      %get3A_146 = tpu.memref_slice %arg7[%scan3A_114, %get3A_145] : memref<2x4096xf32, #tpu.memory_space<vmem>> -> memref<1x4096xf32, #tpu.memory_space<vmem>>
      %get3A_147 = tpu.memref_squeeze %get3A_146 : memref<1x4096xf32, #tpu.memory_space<vmem>> -> memref<4096xf32, #tpu.memory_space<vmem>>
      %get3A_148 = arith.index_cast %mul3A_134 : i32 to index
      %get3A_149 = tpu.vector_load %get3A_147[%get3A_148] {strides = array<i32>} : memref<4096xf32, #tpu.memory_space<vmem>>, vector<16xf32>,
      %mul3A_150 = arith.constant 2.048000e+03 : f32
      %mul3A_151 = vector.broadcast %mul3A_150 : f32 to vector<16xf32>
      %mul3A_152 = arith.mulf %get3A_149, %mul3A_151 : vector<16xf32>
      %add3A_153 = arith.constant 2.048000e+03 : f32
      %add3A_154 = vector.broadcast %add3A_153 : f32 to vector<16xf32>
      %add3A_155 = arith.addf %mul3A_152, %add3A_154 : vector<16xf32>
      %convert_element_type3A = arith.fptosi %add3A_144 : vector<16xf32> to vector<16xi32>
      %convert_element_type3A_156 = arith.fptosi %add3A_155 : vector<16xf32> to vector<16xi32>
      %convert_element_type3A_157 = arith.sitofp %convert_element_type3A : vector<16xi32> to vector<16xf32>
      %sub3A = arith.subf %add3A_144, %convert_element_type3A_157 : vector<16xf32>
      %convert_element_type3A_158 = arith.sitofp %convert_element_type3A_156 : vector<16xi32> to vector<16xf32>
      %sub3A_159 = arith.subf %add3A_155, %convert_element_type3A_158 : vector<16xf32>
      %jit3A = arith.constant 1 : i32
      %jit3A_160 = arith.constant 4094 : i32
      %max3A = vector.broadcast %jit3A : i32 to vector<16xi32>
      %max3A_161 = arith.maxsi %max3A, %convert_element_type3A : vector<16xi32>
      %min3A = vector.broadcast %jit3A_160 : i32 to vector<16xi32>
      %min3A_162 = arith.minsi %min3A, %max3A_161 : vector<16xi32>
      %jit3A_163 = arith.constant 1 : i32
      %jit3A_164 = arith.constant 4094 : i32
      %max3A_165 = vector.broadcast %jit3A_163 : i32 to vector<16xi32>
      %max3A_166 = arith.maxsi %max3A_165, %convert_element_type3A_156 : vector<16xi32>
      %min3A_167 = vector.broadcast %jit3A_164 : i32 to vector<16xi32>
      %min3A_168 = arith.minsi %min3A_167, %max3A_166 : vector<16xi32>
      %mul3A_169 = arith.constant 4096 : i32
      %mul3A_170 = vector.broadcast %mul3A_169 : i32 to vector<16xi32>
      %mul3A_171 = arith.muli %min3A_168, %mul3A_170 : vector<16xi32>
      %add3A_172 = arith.addi %mul3A_171, %min3A_162 : vector<16xi32>
      %and3A = arith.constant 1 : i32
      %and3A_173 = vector.broadcast %and3A : i32 to vector<16xi32>
      %and3A_174 = arith.andi %add3A_172, %and3A_173 : vector<16xi32>
      %add3A_175 = vector.broadcast %mul3A_134 : i32 to vector<16xi32>
      %add3A_176 = arith.addi %add3A_175, %iota3A : vector<16xi32>
      %gather3A = tpu.vector_load_idx %arg11[%add3A_176, %and3A_174] : memref<4096x8xf32, #tpu.memory_space<vmem>>[vector<16xi32>, vector<16xi32>], vector<16xf32>,
      %add3A_177 = arith.constant 1 : i32
      %add3A_178 = vector.broadcast %add3A_177 : i32 to vector<16xi32>
      %add3A_179 = arith.addi %and3A_174, %add3A_178 : vector<16xi32>
      %gather3A_180 = tpu.vector_load_idx %arg11[%add3A_176, %add3A_179] : memref<4096x8xf32, #tpu.memory_space<vmem>>[vector<16xi32>, vector<16xi32>], vector<16xf32>,
      %add3A_181 = arith.constant 2 : i32
      %add3A_182 = vector.broadcast %add3A_181 : i32 to vector<16xi32>
      %add3A_183 = arith.addi %and3A_174, %add3A_182 : vector<16xi32>
      %gather3A_184 = tpu.vector_load_idx %arg11[%add3A_176, %add3A_183] : memref<4096x8xf32, #tpu.memory_space<vmem>>[vector<16xi32>, vector<16xi32>], vector<16xf32>,
      %add3A_185 = arith.constant 4 : i32
      %add3A_186 = vector.broadcast %add3A_185 : i32 to vector<16xi32>
      %add3A_187 = arith.addi %and3A_174, %add3A_186 : vector<16xi32>
      %gather3A_188 = tpu.vector_load_idx %arg11[%add3A_176, %add3A_187] : memref<4096x8xf32, #tpu.memory_space<vmem>>[vector<16xi32>, vector<16xi32>], vector<16xf32>,
      %add3A_189 = arith.constant 6 : i32
      %add3A_190 = vector.broadcast %add3A_189 : i32 to vector<16xi32>
      %add3A_191 = arith.addi %and3A_174, %add3A_190 : vector<16xi32>
      %gather3A_192 = tpu.vector_load_idx %arg11[%add3A_176, %add3A_191] : memref<4096x8xf32, #tpu.memory_space<vmem>>[vector<16xi32>, vector<16xi32>], vector<16xf32>,
      %sub3A_193 = arith.subf %gather3A_184, %gather3A : vector<16xf32>
      %mul3A_194 = arith.constant 5.000000e-01 : f32
      %mul3A_195 = vector.broadcast %mul3A_194 : f32 to vector<16xf32>
      %mul3A_196 = arith.mulf %mul3A_195, %sub3A_193 : vector<16xf32>
      %sub3A_197 = arith.subf %gather3A_192, %gather3A_188 : vector<16xf32>
      %mul3A_198 = arith.constant 5.000000e-01 : f32
      %mul3A_199 = vector.broadcast %mul3A_198 : f32 to vector<16xf32>
      %mul3A_200 = arith.mulf %mul3A_199, %sub3A_197 : vector<16xf32>
      %neg3A = arith.constant 0.000000e+00 : f32
      %neg3A_201 = vector.broadcast %neg3A : f32 to vector<16xf32>
      %neg3A_202 = arith.subf %neg3A_201, %add3A_144 : vector<16xf32>
      %max3A_203 = arith.constant 0.000000e+00 : f32
      %max3A_204 = vector.broadcast %max3A_203 : f32 to vector<16xf32>
      %max3A_205 = arith.maximumf %neg3A_202, %max3A_204 : vector<16xf32>
      %sub3A_206 = arith.constant 4.095000e+03 : f32
      %sub3A_207 = vector.broadcast %sub3A_206 : f32 to vector<16xf32>
      %sub3A_208 = arith.subf %add3A_144, %sub3A_207 : vector<16xf32>
      %max3A_209 = arith.constant 0.000000e+00 : f32
      %max3A_210 = vector.broadcast %max3A_209 : f32 to vector<16xf32>
      %max3A_211 = arith.maximumf %sub3A_208, %max3A_210 : vector<16xf32>
      %max3A_212 = arith.maximumf %max3A_205, %max3A_211 : vector<16xf32>
      %mul3A_213 = arith.constant 4.8828125E-4 : f32
      %mul3A_214 = vector.broadcast %mul3A_213 : f32 to vector<16xf32>
      %mul3A_215 = arith.mulf %max3A_212, %mul3A_214 : vector<16xf32>
      %neg3A_216 = arith.constant 0.000000e+00 : f32
      %neg3A_217 = vector.broadcast %neg3A_216 : f32 to vector<16xf32>
      %neg3A_218 = arith.subf %neg3A_217, %add3A_155 : vector<16xf32>
      %max3A_219 = arith.constant 0.000000e+00 : f32
      %max3A_220 = vector.broadcast %max3A_219 : f32 to vector<16xf32>
      %max3A_221 = arith.maximumf %neg3A_218, %max3A_220 : vector<16xf32>
      %sub3A_222 = arith.constant 4.095000e+03 : f32
      %sub3A_223 = vector.broadcast %sub3A_222 : f32 to vector<16xf32>
      %sub3A_224 = arith.subf %add3A_155, %sub3A_223 : vector<16xf32>
      %max3A_225 = arith.constant 0.000000e+00 : f32
      %max3A_226 = vector.broadcast %max3A_225 : f32 to vector<16xf32>
      %max3A_227 = arith.maximumf %sub3A_224, %max3A_226 : vector<16xf32>
      %max3A_228 = arith.maximumf %max3A_221, %max3A_227 : vector<16xf32>
      %mul3A_229 = arith.constant 4.8828125E-4 : f32
      %mul3A_230 = vector.broadcast %mul3A_229 : f32 to vector<16xf32>
      %mul3A_231 = arith.mulf %max3A_228, %mul3A_230 : vector<16xf32>
      %mul3A_232 = arith.mulf %mul3A_215, %mul3A_215 : vector<16xf32>
      %mul3A_233 = arith.mulf %mul3A_231, %mul3A_231 : vector<16xf32>
      %add3A_234 = arith.addf %mul3A_232, %mul3A_233 : vector<16xf32>
      %mul3A_235 = arith.mulf %sub3A, %mul3A_196 : vector<16xf32>
      %mul3A_236 = arith.mulf %sub3A_159, %mul3A_200 : vector<16xf32>
      %add3A_237 = arith.addf %mul3A_235, %mul3A_236 : vector<16xf32>
      %lt3A = arith.constant 9.99999997E-7 : f32
      %lt3A_238 = vector.broadcast %lt3A : f32 to vector<16xf32>
      %lt3A_239 = arith.cmpf olt, %add3A_234, %lt3A_238 : vector<16xf32>
      %jit3A_240 = arith.constant 0.000000e+00 : f32
      %broadcast_in_dim3A = vector.broadcast %jit3A_240 : f32 to vector<16xf32>
      %select_n3A = arith.select %lt3A_239, %add3A_237, %broadcast_in_dim3A : vector<16xi1>, vector<16xf32>
      %add3A_241 = arith.addf %gather3A_180, %select_n3A : vector<16xf32>
      %add3A_242 = arith.addf %add3A_241, %add3A_234 : vector<16xf32>
      %swap3A = arith.index_cast %mul3A_134 : i32 to index
      %swap3A_243 = tpu.vector_load %arg13[%swap3A] {strides = array<i32>} : memref<4096xf32, #tpu.memory_space<vmem>>, vector<16xf32>,
      tpu.vector_store %arg13[%swap3A], %add3A_242 {strides = array<i32>} : memref<4096xf32, #tpu.memory_space<vmem>>, vector<16xf32>,
    }
    %scan3A_119 = arith.constant 256 : i32
    %add3A_120 = arith.constant 126976 : i32
    %add3A_121 = arith.addi %mul3A_2, %add3A_120 : i32
    %dma_start3A_122 = tpu.memref_slice %arg5[%add3A_121] : memref<4194304xf32, #tpu.memory_space<hbm>> -> memref<4096xf32, #tpu.memory_space<hbm>>
    %dma_start3A_123 = tpu.memref_slice %arg5[%add3A_121] : memref<4194304xf32, #tpu.memory_space<hbm>> -> memref<4096xf32, #tpu.memory_space<hbm>>
    tpu.enqueue_dma source(%arg13 : memref<4096xf32, #tpu.memory_space<vmem>>) target(%dma_start3A_123 : memref<4096xf32, #tpu.memory_space<hbm>>) target_semaphore(%arg17 : memref<!tpu.dma_semaphore, #tpu.memory_space<semaphore_mem>>)
    %add3A_124 = arith.constant 122880 : i32
    %add3A_125 = arith.addi %mul3A_2, %add3A_124 : i32
    %dma_wait3A_126 = tpu.memref_slice %arg5[%add3A_125] : memref<4194304xf32, #tpu.memory_space<hbm>> -> memref<4096xf32, #tpu.memory_space<hbm>>
    %dma_wait3A_127 = tpu.memref_slice %arg5[%add3A_125] : memref<4194304xf32, #tpu.memory_space<hbm>> -> memref<4096xf32, #tpu.memory_space<hbm>>
    tpu.wait_dma2 semaphore(%arg16 : memref<!tpu.dma_semaphore, #tpu.memory_space<semaphore_mem>>) src(%arg12 : memref<4096xf32, #tpu.memory_space<vmem>>) dst(%dma_wait3A_127 : memref<4096xf32, #tpu.memory_space<hbm>>)
    %add3A_128 = arith.constant 126976 : i32
    %add3A_129 = arith.addi %mul3A_2, %add3A_128 : i32
    %dma_wait3A_130 = tpu.memref_slice %arg5[%add3A_129] : memref<4194304xf32, #tpu.memory_space<hbm>> -> memref<4096xf32, #tpu.memory_space<hbm>>
    %dma_wait3A_131 = tpu.memref_slice %arg5[%add3A_129] : memref<4194304xf32, #tpu.memory_space<hbm>> -> memref<4096xf32, #tpu.memory_space<hbm>>
    tpu.wait_dma2 semaphore(%arg17 : memref<!tpu.dma_semaphore, #tpu.memory_space<semaphore_mem>>) src(%arg13 : memref<4096xf32, #tpu.memory_space<vmem>>) dst(%dma_wait3A_131 : memref<4096xf32, #tpu.memory_space<hbm>>)
    return
  }
}

#map = affine_map<(d0, d1) -> (0)>
#map1 = affine_map<(d0, d1) -> (0, 0)>
module attributes {stable_mosaic.version = 14 : i64} {
  func.func @_build_body(%arg0: i32, %arg1: i32, %arg2: memref<16777216xf32, #tpu.memory_space<hbm>>, %arg3: memref<8388608x8xf32, #tpu.memory_space<hbm>>, %arg4: memref<12304xf32, #tpu.memory_space<vmem>>, %arg5: memref<12304xf32, #tpu.memory_space<vmem>>, %arg6: memref<2048x8xf32, #tpu.memory_space<vmem>>, %arg7: memref<2048x8xf32, #tpu.memory_space<vmem>>, %arg8: memref<!tpu.dma_semaphore, #tpu.memory_space<semaphore_mem>>, %arg9: memref<!tpu.dma_semaphore, #tpu.memory_space<semaphore_mem>>, %arg10: memref<!tpu.dma_semaphore, #tpu.memory_space<semaphore_mem>>, %arg11: memref<!tpu.dma_semaphore, #tpu.memory_space<semaphore_mem>>) attributes {dimension_semantics = [#tpu.dimension_semantics<core_parallel>, #tpu.dimension_semantics<subcore_parallel>], iteration_bounds = array<i64: 2, 16>, scalar_prefetch = 0 : i64, scratch_operands = 8 : i64, tpu.core_type = #tpu.core_type<sc_vector_subcore>, window_params = [{transform_indices = #map}, {transform_indices = #map1}]} {
    %mul3A = arith.constant 2 : i32
    %mul3A_0 = arith.muli %arg1, %mul3A : i32
    %add3A = arith.addi %mul3A_0, %arg0 : i32
    %mul3A_1 = arith.constant 262016 : i32
    %mul3A_2 = arith.muli %add3A, %mul3A_1 : i32
    %iota3A = tpu.iota {dimensions = array<i32: 0>} : vector<16xi32>
    %shift_right_logical3A = arith.constant 3 : i32
    %shift_right_logical3A_3 = vector.broadcast %shift_right_logical3A : i32 to vector<16xi32>
    %shift_right_logical3A_4 = arith.shrui %iota3A, %shift_right_logical3A_3 : vector<16xi32>
    %and3A = arith.constant 7 : i32
    %and3A_5 = vector.broadcast %and3A : i32 to vector<16xi32>
    %and3A_6 = arith.andi %iota3A, %and3A_5 : vector<16xi32>
    %lt3A = arith.constant 4 : i32
    %lt3A_7 = vector.broadcast %lt3A : i32 to vector<16xi32>
    %lt3A_8 = arith.cmpi slt, %and3A_6, %lt3A_7 : vector<16xi32>
    %add3A_9 = arith.constant 7 : i32
    %add3A_10 = vector.broadcast %add3A_9 : i32 to vector<16xi32>
    %add3A_11 = arith.addi %add3A_10, %and3A_6 : vector<16xi32>
    %lt3A_12 = arith.constant 6 : i32
    %lt3A_13 = vector.broadcast %lt3A_12 : i32 to vector<16xi32>
    %lt3A_14 = arith.cmpi slt, %and3A_6, %lt3A_13 : vector<16xi32>
    %sub3A = arith.constant 4 : i32
    %sub3A_15 = vector.broadcast %sub3A : i32 to vector<16xi32>
    %sub3A_16 = arith.subi %and3A_6, %sub3A_15 : vector<16xi32>
    %add3A_17 = arith.constant 4112 : i32
    %add3A_18 = vector.broadcast %add3A_17 : i32 to vector<16xi32>
    %add3A_19 = arith.addi %add3A_18, %sub3A_16 : vector<16xi32>
    %sub3A_20 = arith.constant 6 : i32
    %sub3A_21 = vector.broadcast %sub3A_20 : i32 to vector<16xi32>
    %sub3A_22 = arith.subi %and3A_6, %sub3A_21 : vector<16xi32>
    %add3A_23 = arith.constant 8208 : i32
    %add3A_24 = vector.broadcast %add3A_23 : i32 to vector<16xi32>
    %add3A_25 = arith.addi %add3A_24, %sub3A_22 : vector<16xi32>
    %select_n3A = arith.select %lt3A_14, %add3A_19, %add3A_25 : vector<16xi1>, vector<16xi32>
    %select_n3A_26 = arith.select %lt3A_8, %add3A_11, %select_n3A : vector<16xi1>, vector<16xi32>
    %mul3A_27 = arith.constant 2 : i32
    %mul3A_28 = vector.broadcast %mul3A_27 : i32 to vector<16xi32>
    %mul3A_29 = arith.muli %mul3A_28, %shift_right_logical3A_4 : vector<16xi32>
    %add3A_30 = arith.addi %select_n3A_26, %mul3A_29 : vector<16xi32>
    %add3A_31 = arith.constant 2048 : i32
    %add3A_32 = arith.addi %add3A_31, %mul3A_2 : i32
    %mul3A_33 = arith.constant 2 : i32
    %mul3A_34 = arith.muli %mul3A_33, %add3A_32 : i32
    %sub3A_35 = arith.constant 8 : i32
    %sub3A_36 = arith.subi %mul3A_34, %sub3A_35 : i32
    %dma_start3A = arith.constant 0 : i32
    %dma_start3A_37 = tpu.memref_slice %arg4[%dma_start3A] : memref<12304xf32, #tpu.memory_space<vmem>> -> memref<4112xf32, #tpu.memory_space<vmem>>
    %dma_start3A_38 = tpu.memref_slice %arg2[%sub3A_36] : memref<16777216xf32, #tpu.memory_space<hbm>> -> memref<4112xf32, #tpu.memory_space<hbm>>
    %dma_start3A_39 = arith.constant 0 : i32
    %dma_start3A_40 = tpu.memref_slice %arg4[%dma_start3A_39] : memref<12304xf32, #tpu.memory_space<vmem>> -> memref<4112xf32, #tpu.memory_space<vmem>>
    %dma_start3A_41 = tpu.memref_slice %arg2[%sub3A_36] : memref<16777216xf32, #tpu.memory_space<hbm>> -> memref<4112xf32, #tpu.memory_space<hbm>>
    tpu.enqueue_dma source(%dma_start3A_41 : memref<4112xf32, #tpu.memory_space<hbm>>) target(%dma_start3A_40 : memref<4112xf32, #tpu.memory_space<vmem>>) target_semaphore(%arg8 : memref<!tpu.dma_semaphore, #tpu.memory_space<semaphore_mem>>)
    %sub3A_42 = arith.constant 4096 : i32
    %sub3A_43 = arith.subi %mul3A_34, %sub3A_42 : i32
    %dma_start3A_44 = arith.constant 4112 : i32
    %dma_start3A_45 = tpu.memref_slice %arg4[%dma_start3A_44] : memref<12304xf32, #tpu.memory_space<vmem>> -> memref<4096xf32, #tpu.memory_space<vmem>>
    %dma_start3A_46 = tpu.memref_slice %arg2[%sub3A_43] : memref<16777216xf32, #tpu.memory_space<hbm>> -> memref<4096xf32, #tpu.memory_space<hbm>>
    %dma_start3A_47 = arith.constant 4112 : i32
    %dma_start3A_48 = tpu.memref_slice %arg4[%dma_start3A_47] : memref<12304xf32, #tpu.memory_space<vmem>> -> memref<4096xf32, #tpu.memory_space<vmem>>
    %dma_start3A_49 = tpu.memref_slice %arg2[%sub3A_43] : memref<16777216xf32, #tpu.memory_space<hbm>> -> memref<4096xf32, #tpu.memory_space<hbm>>
    tpu.enqueue_dma source(%dma_start3A_49 : memref<4096xf32, #tpu.memory_space<hbm>>) target(%dma_start3A_48 : memref<4096xf32, #tpu.memory_space<vmem>>) target_semaphore(%arg8 : memref<!tpu.dma_semaphore, #tpu.memory_space<semaphore_mem>>)
    %add3A_50 = arith.constant 4096 : i32
    %add3A_51 = arith.addi %mul3A_34, %add3A_50 : i32
    %dma_start3A_52 = arith.constant 8208 : i32
    %dma_start3A_53 = tpu.memref_slice %arg4[%dma_start3A_52] : memref<12304xf32, #tpu.memory_space<vmem>> -> memref<4096xf32, #tpu.memory_space<vmem>>
    %dma_start3A_54 = tpu.memref_slice %arg2[%add3A_51] : memref<16777216xf32, #tpu.memory_space<hbm>> -> memref<4096xf32, #tpu.memory_space<hbm>>
    %dma_start3A_55 = arith.constant 8208 : i32
    %dma_start3A_56 = tpu.memref_slice %arg4[%dma_start3A_55] : memref<12304xf32, #tpu.memory_space<vmem>> -> memref<4096xf32, #tpu.memory_space<vmem>>
    %dma_start3A_57 = tpu.memref_slice %arg2[%add3A_51] : memref<16777216xf32, #tpu.memory_space<hbm>> -> memref<4096xf32, #tpu.memory_space<hbm>>
    tpu.enqueue_dma source(%dma_start3A_57 : memref<4096xf32, #tpu.memory_space<hbm>>) target(%dma_start3A_56 : memref<4096xf32, #tpu.memory_space<vmem>>) target_semaphore(%arg8 : memref<!tpu.dma_semaphore, #tpu.memory_space<semaphore_mem>>)
    %add3A_58 = arith.constant 2048 : i32
    %add3A_59 = arith.addi %mul3A_2, %add3A_58 : i32
    %add3A_60 = arith.constant 2048 : i32
    %add3A_61 = arith.addi %add3A_60, %add3A_59 : i32
    %mul3A_62 = arith.constant 2 : i32
    %mul3A_63 = arith.muli %mul3A_62, %add3A_61 : i32
    %sub3A_64 = arith.constant 8 : i32
    %sub3A_65 = arith.subi %mul3A_63, %sub3A_64 : i32
    %dma_start3A_66 = arith.constant 0 : i32
    %dma_start3A_67 = tpu.memref_slice %arg5[%dma_start3A_66] : memref<12304xf32, #tpu.memory_space<vmem>> -> memref<4112xf32, #tpu.memory_space<vmem>>
    %dma_start3A_68 = tpu.memref_slice %arg2[%sub3A_65] : memref<16777216xf32, #tpu.memory_space<hbm>> -> memref<4112xf32, #tpu.memory_space<hbm>>
    %dma_start3A_69 = arith.constant 0 : i32
    %dma_start3A_70 = tpu.memref_slice %arg5[%dma_start3A_69] : memref<12304xf32, #tpu.memory_space<vmem>> -> memref<4112xf32, #tpu.memory_space<vmem>>
    %dma_start3A_71 = tpu.memref_slice %arg2[%sub3A_65] : memref<16777216xf32, #tpu.memory_space<hbm>> -> memref<4112xf32, #tpu.memory_space<hbm>>
    tpu.enqueue_dma source(%dma_start3A_71 : memref<4112xf32, #tpu.memory_space<hbm>>) target(%dma_start3A_70 : memref<4112xf32, #tpu.memory_space<vmem>>) target_semaphore(%arg9 : memref<!tpu.dma_semaphore, #tpu.memory_space<semaphore_mem>>)
    %sub3A_72 = arith.constant 4096 : i32
    %sub3A_73 = arith.subi %mul3A_63, %sub3A_72 : i32
    %dma_start3A_74 = arith.constant 4112 : i32
    %dma_start3A_75 = tpu.memref_slice %arg5[%dma_start3A_74] : memref<12304xf32, #tpu.memory_space<vmem>> -> memref<4096xf32, #tpu.memory_space<vmem>>
    %dma_start3A_76 = tpu.memref_slice %arg2[%sub3A_73] : memref<16777216xf32, #tpu.memory_space<hbm>> -> memref<4096xf32, #tpu.memory_space<hbm>>
    %dma_start3A_77 = arith.constant 4112 : i32
    %dma_start3A_78 = tpu.memref_slice %arg5[%dma_start3A_77] : memref<12304xf32, #tpu.memory_space<vmem>> -> memref<4096xf32, #tpu.memory_space<vmem>>
    %dma_start3A_79 = tpu.memref_slice %arg2[%sub3A_73] : memref<16777216xf32, #tpu.memory_space<hbm>> -> memref<4096xf32, #tpu.memory_space<hbm>>
    tpu.enqueue_dma source(%dma_start3A_79 : memref<4096xf32, #tpu.memory_space<hbm>>) target(%dma_start3A_78 : memref<4096xf32, #tpu.memory_space<vmem>>) target_semaphore(%arg9 : memref<!tpu.dma_semaphore, #tpu.memory_space<semaphore_mem>>)
    %add3A_80 = arith.constant 4096 : i32
    %add3A_81 = arith.addi %mul3A_63, %add3A_80 : i32
    %dma_start3A_82 = arith.constant 8208 : i32
    %dma_start3A_83 = tpu.memref_slice %arg5[%dma_start3A_82] : memref<12304xf32, #tpu.memory_space<vmem>> -> memref<4096xf32, #tpu.memory_space<vmem>>
    %dma_start3A_84 = tpu.memref_slice %arg2[%add3A_81] : memref<16777216xf32, #tpu.memory_space<hbm>> -> memref<4096xf32, #tpu.memory_space<hbm>>
    %dma_start3A_85 = arith.constant 8208 : i32
    %dma_start3A_86 = tpu.memref_slice %arg5[%dma_start3A_85] : memref<12304xf32, #tpu.memory_space<vmem>> -> memref<4096xf32, #tpu.memory_space<vmem>>
    %dma_start3A_87 = tpu.memref_slice %arg2[%add3A_81] : memref<16777216xf32, #tpu.memory_space<hbm>> -> memref<4096xf32, #tpu.memory_space<hbm>>
    tpu.enqueue_dma source(%dma_start3A_87 : memref<4096xf32, #tpu.memory_space<hbm>>) target(%dma_start3A_86 : memref<4096xf32, #tpu.memory_space<vmem>>) target_semaphore(%arg9 : memref<!tpu.dma_semaphore, #tpu.memory_space<semaphore_mem>>)
    %add3A_88 = arith.constant 2048 : i32
    %add3A_89 = arith.addi %add3A_88, %mul3A_2 : i32
    %mul3A_90 = arith.constant 2 : i32
    %mul3A_91 = arith.muli %mul3A_90, %add3A_89 : i32
    %sub3A_92 = arith.constant 8 : i32
    %sub3A_93 = arith.subi %mul3A_91, %sub3A_92 : i32
    %sub3A_94 = arith.constant 4096 : i32
    %sub3A_95 = arith.subi %mul3A_91, %sub3A_94 : i32
    %add3A_96 = arith.constant 4096 : i32
    %add3A_97 = arith.addi %mul3A_91, %add3A_96 : i32
    %dma_wait3A = arith.constant 0 : i32
    %dma_wait3A_98 = tpu.memref_slice %arg4[%dma_wait3A] : memref<12304xf32, #tpu.memory_space<vmem>> -> memref<4112xf32, #tpu.memory_space<vmem>>
    %dma_wait3A_99 = tpu.memref_slice %arg2[%sub3A_93] : memref<16777216xf32, #tpu.memory_space<hbm>> -> memref<4112xf32, #tpu.memory_space<hbm>>
    %dma_wait3A_100 = arith.constant 0 : i32
    %dma_wait3A_101 = tpu.memref_slice %arg4[%dma_wait3A_100] : memref<12304xf32, #tpu.memory_space<vmem>> -> memref<4112xf32, #tpu.memory_space<vmem>>
    %dma_wait3A_102 = tpu.memref_slice %arg2[%sub3A_93] : memref<16777216xf32, #tpu.memory_space<hbm>> -> memref<4112xf32, #tpu.memory_space<hbm>>
    tpu.wait_dma2 semaphore(%arg8 : memref<!tpu.dma_semaphore, #tpu.memory_space<semaphore_mem>>) src(%dma_wait3A_102 : memref<4112xf32, #tpu.memory_space<hbm>>) dst(%dma_wait3A_101 : memref<4112xf32, #tpu.memory_space<vmem>>)
    %dma_wait3A_103 = arith.constant 4112 : i32
    %dma_wait3A_104 = tpu.memref_slice %arg4[%dma_wait3A_103] : memref<12304xf32, #tpu.memory_space<vmem>> -> memref<4096xf32, #tpu.memory_space<vmem>>
    %dma_wait3A_105 = tpu.memref_slice %arg2[%sub3A_95] : memref<16777216xf32, #tpu.memory_space<hbm>> -> memref<4096xf32, #tpu.memory_space<hbm>>
    %dma_wait3A_106 = arith.constant 4112 : i32
    %dma_wait3A_107 = tpu.memref_slice %arg4[%dma_wait3A_106] : memref<12304xf32, #tpu.memory_space<vmem>> -> memref<4096xf32, #tpu.memory_space<vmem>>
    %dma_wait3A_108 = tpu.memref_slice %arg2[%sub3A_95] : memref<16777216xf32, #tpu.memory_space<hbm>> -> memref<4096xf32, #tpu.memory_space<hbm>>
    tpu.wait_dma2 semaphore(%arg8 : memref<!tpu.dma_semaphore, #tpu.memory_space<semaphore_mem>>) src(%dma_wait3A_108 : memref<4096xf32, #tpu.memory_space<hbm>>) dst(%dma_wait3A_107 : memref<4096xf32, #tpu.memory_space<vmem>>)
    %dma_wait3A_109 = arith.constant 8208 : i32
    %dma_wait3A_110 = tpu.memref_slice %arg4[%dma_wait3A_109] : memref<12304xf32, #tpu.memory_space<vmem>> -> memref<4096xf32, #tpu.memory_space<vmem>>
    %dma_wait3A_111 = tpu.memref_slice %arg2[%add3A_97] : memref<16777216xf32, #tpu.memory_space<hbm>> -> memref<4096xf32, #tpu.memory_space<hbm>>
    %dma_wait3A_112 = arith.constant 8208 : i32
    %dma_wait3A_113 = tpu.memref_slice %arg4[%dma_wait3A_112] : memref<12304xf32, #tpu.memory_space<vmem>> -> memref<4096xf32, #tpu.memory_space<vmem>>
    %dma_wait3A_114 = tpu.memref_slice %arg2[%add3A_97] : memref<16777216xf32, #tpu.memory_space<hbm>> -> memref<4096xf32, #tpu.memory_space<hbm>>
    tpu.wait_dma2 semaphore(%arg8 : memref<!tpu.dma_semaphore, #tpu.memory_space<semaphore_mem>>) src(%dma_wait3A_114 : memref<4096xf32, #tpu.memory_space<hbm>>) dst(%dma_wait3A_113 : memref<4096xf32, #tpu.memory_space<vmem>>)
    %scan3A = arith.constant 0 : i32
    %scan3A_115 = arith.constant 512 : i32
    %scan3A_116 = arith.addi %scan3A, %scan3A_115 : i32
    %scan3A_117 = arith.constant 1 : i32
    scf.for %scan3A_353 = %scan3A to %scan3A_116 step %scan3A_117  : i32 {
      %mul3A_354 = arith.constant 2 : i32
      %mul3A_355 = arith.muli %mul3A_354, %scan3A_353 : i32
      %add3A_356 = arith.constant 0 : i32
      %add3A_357 = arith.addi %mul3A_355, %add3A_356 : i32
      %mul3A_358 = arith.constant 2 : i32
      %mul3A_359 = arith.muli %add3A_357, %mul3A_358 : i32
      %mul3A_360 = arith.constant 2 : i32
      %mul3A_361 = arith.muli %mul3A_360, %scan3A_353 : i32
      %add3A_362 = arith.constant 0 : i32
      %add3A_363 = arith.addi %mul3A_361, %add3A_362 : i32
      %mul3A_364 = arith.constant 4 : i32
      %mul3A_365 = arith.muli %mul3A_364, %add3A_363 : i32
      %add3A_366 = vector.broadcast %mul3A_365 : i32 to vector<16xi32>
      %add3A_367 = arith.addi %add3A_30, %add3A_366 : vector<16xi32>
      %gather3A = tpu.vector_load_idx %arg4[%add3A_367] : memref<12304xf32, #tpu.memory_space<vmem>>[vector<16xi32>], vector<16xf32>,
      %add3A_368 = vector.broadcast %mul3A_359 : i32 to vector<16xi32>
      %add3A_369 = arith.addi %shift_right_logical3A_4, %add3A_368 : vector<16xi32>
      tpu.vector_store_idx %arg6[%add3A_369, %and3A_6], %gather3A : memref<2048x8xf32, #tpu.memory_space<vmem>>[vector<16xi32>, vector<16xi32>], vector<16xf32>,
      %mul3A_370 = arith.constant 2 : i32
      %mul3A_371 = arith.muli %mul3A_370, %scan3A_353 : i32
      %add3A_372 = arith.constant 1 : i32
      %add3A_373 = arith.addi %mul3A_371, %add3A_372 : i32
      %mul3A_374 = arith.constant 2 : i32
      %mul3A_375 = arith.muli %add3A_373, %mul3A_374 : i32
      %mul3A_376 = arith.constant 2 : i32
      %mul3A_377 = arith.muli %mul3A_376, %scan3A_353 : i32
      %add3A_378 = arith.constant 1 : i32
      %add3A_379 = arith.addi %mul3A_377, %add3A_378 : i32
      %mul3A_380 = arith.constant 4 : i32
      %mul3A_381 = arith.muli %mul3A_380, %add3A_379 : i32
      %add3A_382 = vector.broadcast %mul3A_381 : i32 to vector<16xi32>
      %add3A_383 = arith.addi %add3A_30, %add3A_382 : vector<16xi32>
      %gather3A_384 = tpu.vector_load_idx %arg4[%add3A_383] : memref<12304xf32, #tpu.memory_space<vmem>>[vector<16xi32>], vector<16xf32>,
      %add3A_385 = vector.broadcast %mul3A_375 : i32 to vector<16xi32>
      %add3A_386 = arith.addi %shift_right_logical3A_4, %add3A_385 : vector<16xi32>
      tpu.vector_store_idx %arg6[%add3A_386, %and3A_6], %gather3A_384 : memref<2048x8xf32, #tpu.memory_space<vmem>>[vector<16xi32>, vector<16xi32>], vector<16xf32>,
    }
    %scan3A_118 = arith.constant 512 : i32
    %add3A_119 = arith.constant 2048 : i32
    %add3A_120 = arith.addi %add3A_119, %mul3A_2 : i32
    %dma_start3A_121 = arith.constant 0 : i32
    %dma_start3A_122 = tpu.memref_slice %arg3[%add3A_120, %dma_start3A_121] : memref<8388608x8xf32, #tpu.memory_space<hbm>> -> memref<2048x8xf32, #tpu.memory_space<hbm>>
    %dma_start3A_123 = arith.constant 0 : i32
    %dma_start3A_124 = tpu.memref_slice %arg3[%add3A_120, %dma_start3A_123] : memref<8388608x8xf32, #tpu.memory_space<hbm>> -> memref<2048x8xf32, #tpu.memory_space<hbm>>
    tpu.enqueue_dma source(%arg6 : memref<2048x8xf32, #tpu.memory_space<vmem>>) target(%dma_start3A_124 : memref<2048x8xf32, #tpu.memory_space<hbm>>) target_semaphore(%arg10 : memref<!tpu.dma_semaphore, #tpu.memory_space<semaphore_mem>>)
    %add3A_125 = arith.constant 4096 : i32
    %add3A_126 = arith.addi %mul3A_2, %add3A_125 : i32
    %add3A_127 = arith.constant 2048 : i32
    %add3A_128 = arith.addi %add3A_127, %add3A_126 : i32
    %mul3A_129 = arith.constant 2 : i32
    %mul3A_130 = arith.muli %mul3A_129, %add3A_128 : i32
    %sub3A_131 = arith.constant 8 : i32
    %sub3A_132 = arith.subi %mul3A_130, %sub3A_131 : i32
    %dma_start3A_133 = arith.constant 0 : i32
    %dma_start3A_134 = tpu.memref_slice %arg4[%dma_start3A_133] : memref<12304xf32, #tpu.memory_space<vmem>> -> memref<4112xf32, #tpu.memory_space<vmem>>
    %dma_start3A_135 = tpu.memref_slice %arg2[%sub3A_132] : memref<16777216xf32, #tpu.memory_space<hbm>> -> memref<4112xf32, #tpu.memory_space<hbm>>
    %dma_start3A_136 = arith.constant 0 : i32
    %dma_start3A_137 = tpu.memref_slice %arg4[%dma_start3A_136] : memref<12304xf32, #tpu.memory_space<vmem>> -> memref<4112xf32, #tpu.memory_space<vmem>>
    %dma_start3A_138 = tpu.memref_slice %arg2[%sub3A_132] : memref<16777216xf32, #tpu.memory_space<hbm>> -> memref<4112xf32, #tpu.memory_space<hbm>>
    tpu.enqueue_dma source(%dma_start3A_138 : memref<4112xf32, #tpu.memory_space<hbm>>) target(%dma_start3A_137 : memref<4112xf32, #tpu.memory_space<vmem>>) target_semaphore(%arg8 : memref<!tpu.dma_semaphore, #tpu.memory_space<semaphore_mem>>)
    %sub3A_139 = arith.constant 4096 : i32
    %sub3A_140 = arith.subi %mul3A_130, %sub3A_139 : i32
    %dma_start3A_141 = arith.constant 4112 : i32
    %dma_start3A_142 = tpu.memref_slice %arg4[%dma_start3A_141] : memref<12304xf32, #tpu.memory_space<vmem>> -> memref<4096xf32, #tpu.memory_space<vmem>>
    %dma_start3A_143 = tpu.memref_slice %arg2[%sub3A_140] : memref<16777216xf32, #tpu.memory_space<hbm>> -> memref<4096xf32, #tpu.memory_space<hbm>>
    %dma_start3A_144 = arith.constant 4112 : i32
    %dma_start3A_145 = tpu.memref_slice %arg4[%dma_start3A_144] : memref<12304xf32, #tpu.memory_space<vmem>> -> memref<4096xf32, #tpu.memory_space<vmem>>
    %dma_start3A_146 = tpu.memref_slice %arg2[%sub3A_140] : memref<16777216xf32, #tpu.memory_space<hbm>> -> memref<4096xf32, #tpu.memory_space<hbm>>
    tpu.enqueue_dma source(%dma_start3A_146 : memref<4096xf32, #tpu.memory_space<hbm>>) target(%dma_start3A_145 : memref<4096xf32, #tpu.memory_space<vmem>>) target_semaphore(%arg8 : memref<!tpu.dma_semaphore, #tpu.memory_space<semaphore_mem>>)
    %add3A_147 = arith.constant 4096 : i32
    %add3A_148 = arith.addi %mul3A_130, %add3A_147 : i32
    %dma_start3A_149 = arith.constant 8208 : i32
    %dma_start3A_150 = tpu.memref_slice %arg4[%dma_start3A_149] : memref<12304xf32, #tpu.memory_space<vmem>> -> memref<4096xf32, #tpu.memory_space<vmem>>
    %dma_start3A_151 = tpu.memref_slice %arg2[%add3A_148] : memref<16777216xf32, #tpu.memory_space<hbm>> -> memref<4096xf32, #tpu.memory_space<hbm>>
    %dma_start3A_152 = arith.constant 8208 : i32
    %dma_start3A_153 = tpu.memref_slice %arg4[%dma_start3A_152] : memref<12304xf32, #tpu.memory_space<vmem>> -> memref<4096xf32, #tpu.memory_space<vmem>>
    %dma_start3A_154 = tpu.memref_slice %arg2[%add3A_148] : memref<16777216xf32, #tpu.memory_space<hbm>> -> memref<4096xf32, #tpu.memory_space<hbm>>
    tpu.enqueue_dma source(%dma_start3A_154 : memref<4096xf32, #tpu.memory_space<hbm>>) target(%dma_start3A_153 : memref<4096xf32, #tpu.memory_space<vmem>>) target_semaphore(%arg8 : memref<!tpu.dma_semaphore, #tpu.memory_space<semaphore_mem>>)
    %add3A_155 = arith.constant 2048 : i32
    %add3A_156 = arith.addi %mul3A_2, %add3A_155 : i32
    %add3A_157 = arith.constant 2048 : i32
    %add3A_158 = arith.addi %add3A_157, %add3A_156 : i32
    %mul3A_159 = arith.constant 2 : i32
    %mul3A_160 = arith.muli %mul3A_159, %add3A_158 : i32
    %sub3A_161 = arith.constant 8 : i32
    %sub3A_162 = arith.subi %mul3A_160, %sub3A_161 : i32
    %sub3A_163 = arith.constant 4096 : i32
    %sub3A_164 = arith.subi %mul3A_160, %sub3A_163 : i32
    %add3A_165 = arith.constant 4096 : i32
    %add3A_166 = arith.addi %mul3A_160, %add3A_165 : i32
    %dma_wait3A_167 = arith.constant 0 : i32
    %dma_wait3A_168 = tpu.memref_slice %arg5[%dma_wait3A_167] : memref<12304xf32, #tpu.memory_space<vmem>> -> memref<4112xf32, #tpu.memory_space<vmem>>
    %dma_wait3A_169 = tpu.memref_slice %arg2[%sub3A_162] : memref<16777216xf32, #tpu.memory_space<hbm>> -> memref<4112xf32, #tpu.memory_space<hbm>>
    %dma_wait3A_170 = arith.constant 0 : i32
    %dma_wait3A_171 = tpu.memref_slice %arg5[%dma_wait3A_170] : memref<12304xf32, #tpu.memory_space<vmem>> -> memref<4112xf32, #tpu.memory_space<vmem>>
    %dma_wait3A_172 = tpu.memref_slice %arg2[%sub3A_162] : memref<16777216xf32, #tpu.memory_space<hbm>> -> memref<4112xf32, #tpu.memory_space<hbm>>
    tpu.wait_dma2 semaphore(%arg9 : memref<!tpu.dma_semaphore, #tpu.memory_space<semaphore_mem>>) src(%dma_wait3A_172 : memref<4112xf32, #tpu.memory_space<hbm>>) dst(%dma_wait3A_171 : memref<4112xf32, #tpu.memory_space<vmem>>)
    %dma_wait3A_173 = arith.constant 4112 : i32
    %dma_wait3A_174 = tpu.memref_slice %arg5[%dma_wait3A_173] : memref<12304xf32, #tpu.memory_space<vmem>> -> memref<4096xf32, #tpu.memory_space<vmem>>
    %dma_wait3A_175 = tpu.memref_slice %arg2[%sub3A_164] : memref<16777216xf32, #tpu.memory_space<hbm>> -> memref<4096xf32, #tpu.memory_space<hbm>>
    %dma_wait3A_176 = arith.constant 4112 : i32
    %dma_wait3A_177 = tpu.memref_slice %arg5[%dma_wait3A_176] : memref<12304xf32, #tpu.memory_space<vmem>> -> memref<4096xf32, #tpu.memory_space<vmem>>
    %dma_wait3A_178 = tpu.memref_slice %arg2[%sub3A_164] : memref<16777216xf32, #tpu.memory_space<hbm>> -> memref<4096xf32, #tpu.memory_space<hbm>>
    tpu.wait_dma2 semaphore(%arg9 : memref<!tpu.dma_semaphore, #tpu.memory_space<semaphore_mem>>) src(%dma_wait3A_178 : memref<4096xf32, #tpu.memory_space<hbm>>) dst(%dma_wait3A_177 : memref<4096xf32, #tpu.memory_space<vmem>>)
    %dma_wait3A_179 = arith.constant 8208 : i32
    %dma_wait3A_180 = tpu.memref_slice %arg5[%dma_wait3A_179] : memref<12304xf32, #tpu.memory_space<vmem>> -> memref<4096xf32, #tpu.memory_space<vmem>>
    %dma_wait3A_181 = tpu.memref_slice %arg2[%add3A_166] : memref<16777216xf32, #tpu.memory_space<hbm>> -> memref<4096xf32, #tpu.memory_space<hbm>>
    %dma_wait3A_182 = arith.constant 8208 : i32
    %dma_wait3A_183 = tpu.memref_slice %arg5[%dma_wait3A_182] : memref<12304xf32, #tpu.memory_space<vmem>> -> memref<4096xf32, #tpu.memory_space<vmem>>
    %dma_wait3A_184 = tpu.memref_slice %arg2[%add3A_166] : memref<16777216xf32, #tpu.memory_space<hbm>> -> memref<4096xf32, #tpu.memory_space<hbm>>
    tpu.wait_dma2 semaphore(%arg9 : memref<!tpu.dma_semaphore, #tpu.memory_space<semaphore_mem>>) src(%dma_wait3A_184 : memref<4096xf32, #tpu.memory_space<hbm>>) dst(%dma_wait3A_183 : memref<4096xf32, #tpu.memory_space<vmem>>)
    %scan3A_185 = arith.constant 0 : i32
    %scan3A_186 = arith.constant 512 : i32
    %scan3A_187 = arith.addi %scan3A_185, %scan3A_186 : i32
    %scan3A_188 = arith.constant 1 : i32
    scf.for %scan3A_353 = %scan3A_185 to %scan3A_187 step %scan3A_188  : i32 {
      %mul3A_354 = arith.constant 2 : i32
      %mul3A_355 = arith.muli %mul3A_354, %scan3A_353 : i32
      %add3A_356 = arith.constant 0 : i32
      %add3A_357 = arith.addi %mul3A_355, %add3A_356 : i32
      %mul3A_358 = arith.constant 2 : i32
      %mul3A_359 = arith.muli %add3A_357, %mul3A_358 : i32
      %mul3A_360 = arith.constant 2 : i32
      %mul3A_361 = arith.muli %mul3A_360, %scan3A_353 : i32
      %add3A_362 = arith.constant 0 : i32
      %add3A_363 = arith.addi %mul3A_361, %add3A_362 : i32
      %mul3A_364 = arith.constant 4 : i32
      %mul3A_365 = arith.muli %mul3A_364, %add3A_363 : i32
      %add3A_366 = vector.broadcast %mul3A_365 : i32 to vector<16xi32>
      %add3A_367 = arith.addi %add3A_30, %add3A_366 : vector<16xi32>
      %gather3A = tpu.vector_load_idx %arg5[%add3A_367] : memref<12304xf32, #tpu.memory_space<vmem>>[vector<16xi32>], vector<16xf32>,
      %add3A_368 = vector.broadcast %mul3A_359 : i32 to vector<16xi32>
      %add3A_369 = arith.addi %shift_right_logical3A_4, %add3A_368 : vector<16xi32>
      tpu.vector_store_idx %arg7[%add3A_369, %and3A_6], %gather3A : memref<2048x8xf32, #tpu.memory_space<vmem>>[vector<16xi32>, vector<16xi32>], vector<16xf32>,
      %mul3A_370 = arith.constant 2 : i32
      %mul3A_371 = arith.muli %mul3A_370, %scan3A_353 : i32
      %add3A_372 = arith.constant 1 : i32
      %add3A_373 = arith.addi %mul3A_371, %add3A_372 : i32
      %mul3A_374 = arith.constant 2 : i32
      %mul3A_375 = arith.muli %add3A_373, %mul3A_374 : i32
      %mul3A_376 = arith.constant 2 : i32
      %mul3A_377 = arith.muli %mul3A_376, %scan3A_353 : i32
      %add3A_378 = arith.constant 1 : i32
      %add3A_379 = arith.addi %mul3A_377, %add3A_378 : i32
      %mul3A_380 = arith.constant 4 : i32
      %mul3A_381 = arith.muli %mul3A_380, %add3A_379 : i32
      %add3A_382 = vector.broadcast %mul3A_381 : i32 to vector<16xi32>
      %add3A_383 = arith.addi %add3A_30, %add3A_382 : vector<16xi32>
      %gather3A_384 = tpu.vector_load_idx %arg5[%add3A_383] : memref<12304xf32, #tpu.memory_space<vmem>>[vector<16xi32>], vector<16xf32>,
      %add3A_385 = vector.broadcast %mul3A_375 : i32 to vector<16xi32>
      %add3A_386 = arith.addi %shift_right_logical3A_4, %add3A_385 : vector<16xi32>
      tpu.vector_store_idx %arg7[%add3A_386, %and3A_6], %gather3A_384 : memref<2048x8xf32, #tpu.memory_space<vmem>>[vector<16xi32>, vector<16xi32>], vector<16xf32>,
    }
    %scan3A_189 = arith.constant 512 : i32
    %add3A_190 = arith.constant 2048 : i32
    %add3A_191 = arith.addi %add3A_190, %add3A_156 : i32
    %dma_start3A_192 = arith.constant 0 : i32
    %dma_start3A_193 = tpu.memref_slice %arg3[%add3A_191, %dma_start3A_192] : memref<8388608x8xf32, #tpu.memory_space<hbm>> -> memref<2048x8xf32, #tpu.memory_space<hbm>>
    %dma_start3A_194 = arith.constant 0 : i32
    %dma_start3A_195 = tpu.memref_slice %arg3[%add3A_191, %dma_start3A_194] : memref<8388608x8xf32, #tpu.memory_space<hbm>> -> memref<2048x8xf32, #tpu.memory_space<hbm>>
    tpu.enqueue_dma source(%arg7 : memref<2048x8xf32, #tpu.memory_space<vmem>>) target(%dma_start3A_195 : memref<2048x8xf32, #tpu.memory_space<hbm>>) target_semaphore(%arg11 : memref<!tpu.dma_semaphore, #tpu.memory_space<semaphore_mem>>)
    %scan3A_196 = arith.constant 0 : i32
    %scan3A_197 = arith.constant 62 : i32
    %scan3A_198 = arith.addi %scan3A_196, %scan3A_197 : i32
    %scan3A_199 = arith.constant 1 : i32
    scf.for %scan3A_353 = %scan3A_196 to %scan3A_198 step %scan3A_199  : i32 {
      %mul3A_354 = arith.constant 2 : i32
      %mul3A_355 = arith.muli %mul3A_354, %scan3A_353 : i32
      %add3A_356 = arith.constant 2 : i32
      %add3A_357 = arith.addi %mul3A_355, %add3A_356 : i32
      %add3A_358 = arith.constant 1 : i32
      %add3A_359 = arith.addi %add3A_357, %add3A_358 : i32
      %mul3A_360 = arith.constant 2048 : i32
      %mul3A_361 = arith.muli %add3A_359, %mul3A_360 : i32
      %add3A_362 = arith.addi %mul3A_2, %mul3A_361 : i32
      %add3A_363 = arith.constant 2048 : i32
      %add3A_364 = arith.addi %add3A_363, %add3A_362 : i32
      %mul3A_365 = arith.constant 2 : i32
      %mul3A_366 = arith.muli %mul3A_365, %add3A_364 : i32
      %sub3A_367 = arith.constant 8 : i32
      %sub3A_368 = arith.subi %mul3A_366, %sub3A_367 : i32
      %dma_start3A_369 = arith.constant 0 : i32
      %dma_start3A_370 = tpu.memref_slice %arg5[%dma_start3A_369] : memref<12304xf32, #tpu.memory_space<vmem>> -> memref<4112xf32, #tpu.memory_space<vmem>>
      %dma_start3A_371 = tpu.memref_slice %arg2[%sub3A_368] : memref<16777216xf32, #tpu.memory_space<hbm>> -> memref<4112xf32, #tpu.memory_space<hbm>>
      %dma_start3A_372 = arith.constant 0 : i32
      %dma_start3A_373 = tpu.memref_slice %arg5[%dma_start3A_372] : memref<12304xf32, #tpu.memory_space<vmem>> -> memref<4112xf32, #tpu.memory_space<vmem>>
      %dma_start3A_374 = tpu.memref_slice %arg2[%sub3A_368] : memref<16777216xf32, #tpu.memory_space<hbm>> -> memref<4112xf32, #tpu.memory_space<hbm>>
      tpu.enqueue_dma source(%dma_start3A_374 : memref<4112xf32, #tpu.memory_space<hbm>>) target(%dma_start3A_373 : memref<4112xf32, #tpu.memory_space<vmem>>) target_semaphore(%arg9 : memref<!tpu.dma_semaphore, #tpu.memory_space<semaphore_mem>>)
      %sub3A_375 = arith.constant 4096 : i32
      %sub3A_376 = arith.subi %mul3A_366, %sub3A_375 : i32
      %dma_start3A_377 = arith.constant 4112 : i32
      %dma_start3A_378 = tpu.memref_slice %arg5[%dma_start3A_377] : memref<12304xf32, #tpu.memory_space<vmem>> -> memref<4096xf32, #tpu.memory_space<vmem>>
      %dma_start3A_379 = tpu.memref_slice %arg2[%sub3A_376] : memref<16777216xf32, #tpu.memory_space<hbm>> -> memref<4096xf32, #tpu.memory_space<hbm>>
      %dma_start3A_380 = arith.constant 4112 : i32
      %dma_start3A_381 = tpu.memref_slice %arg5[%dma_start3A_380] : memref<12304xf32, #tpu.memory_space<vmem>> -> memref<4096xf32, #tpu.memory_space<vmem>>
      %dma_start3A_382 = tpu.memref_slice %arg2[%sub3A_376] : memref<16777216xf32, #tpu.memory_space<hbm>> -> memref<4096xf32, #tpu.memory_space<hbm>>
      tpu.enqueue_dma source(%dma_start3A_382 : memref<4096xf32, #tpu.memory_space<hbm>>) target(%dma_start3A_381 : memref<4096xf32, #tpu.memory_space<vmem>>) target_semaphore(%arg9 : memref<!tpu.dma_semaphore, #tpu.memory_space<semaphore_mem>>)
      %add3A_383 = arith.constant 4096 : i32
      %add3A_384 = arith.addi %mul3A_366, %add3A_383 : i32
      %dma_start3A_385 = arith.constant 8208 : i32
      %dma_start3A_386 = tpu.memref_slice %arg5[%dma_start3A_385] : memref<12304xf32, #tpu.memory_space<vmem>> -> memref<4096xf32, #tpu.memory_space<vmem>>
      %dma_start3A_387 = tpu.memref_slice %arg2[%add3A_384] : memref<16777216xf32, #tpu.memory_space<hbm>> -> memref<4096xf32, #tpu.memory_space<hbm>>
      %dma_start3A_388 = arith.constant 8208 : i32
      %dma_start3A_389 = tpu.memref_slice %arg5[%dma_start3A_388] : memref<12304xf32, #tpu.memory_space<vmem>> -> memref<4096xf32, #tpu.memory_space<vmem>>
      %dma_start3A_390 = tpu.memref_slice %arg2[%add3A_384] : memref<16777216xf32, #tpu.memory_space<hbm>> -> memref<4096xf32, #tpu.memory_space<hbm>>
      tpu.enqueue_dma source(%dma_start3A_390 : memref<4096xf32, #tpu.memory_space<hbm>>) target(%dma_start3A_389 : memref<4096xf32, #tpu.memory_space<vmem>>) target_semaphore(%arg9 : memref<!tpu.dma_semaphore, #tpu.memory_space<semaphore_mem>>)
      %mul3A_391 = arith.constant 2048 : i32
      %mul3A_392 = arith.muli %add3A_357, %mul3A_391 : i32
      %add3A_393 = arith.addi %mul3A_2, %mul3A_392 : i32
      %add3A_394 = arith.constant 2048 : i32
      %add3A_395 = arith.addi %add3A_394, %add3A_393 : i32
      %mul3A_396 = arith.constant 2 : i32
      %mul3A_397 = arith.muli %mul3A_396, %add3A_395 : i32
      %sub3A_398 = arith.constant 8 : i32
      %sub3A_399 = arith.subi %mul3A_397, %sub3A_398 : i32
      %sub3A_400 = arith.constant 4096 : i32
      %sub3A_401 = arith.subi %mul3A_397, %sub3A_400 : i32
      %add3A_402 = arith.constant 4096 : i32
      %add3A_403 = arith.addi %mul3A_397, %add3A_402 : i32
      %dma_wait3A_404 = arith.constant 0 : i32
      %dma_wait3A_405 = tpu.memref_slice %arg4[%dma_wait3A_404] : memref<12304xf32, #tpu.memory_space<vmem>> -> memref<4112xf32, #tpu.memory_space<vmem>>
      %dma_wait3A_406 = tpu.memref_slice %arg2[%sub3A_399] : memref<16777216xf32, #tpu.memory_space<hbm>> -> memref<4112xf32, #tpu.memory_space<hbm>>
      %dma_wait3A_407 = arith.constant 0 : i32
      %dma_wait3A_408 = tpu.memref_slice %arg4[%dma_wait3A_407] : memref<12304xf32, #tpu.memory_space<vmem>> -> memref<4112xf32, #tpu.memory_space<vmem>>
      %dma_wait3A_409 = tpu.memref_slice %arg2[%sub3A_399] : memref<16777216xf32, #tpu.memory_space<hbm>> -> memref<4112xf32, #tpu.memory_space<hbm>>
      tpu.wait_dma2 semaphore(%arg8 : memref<!tpu.dma_semaphore, #tpu.memory_space<semaphore_mem>>) src(%dma_wait3A_409 : memref<4112xf32, #tpu.memory_space<hbm>>) dst(%dma_wait3A_408 : memref<4112xf32, #tpu.memory_space<vmem>>)
      %dma_wait3A_410 = arith.constant 4112 : i32
      %dma_wait3A_411 = tpu.memref_slice %arg4[%dma_wait3A_410] : memref<12304xf32, #tpu.memory_space<vmem>> -> memref<4096xf32, #tpu.memory_space<vmem>>
      %dma_wait3A_412 = tpu.memref_slice %arg2[%sub3A_401] : memref<16777216xf32, #tpu.memory_space<hbm>> -> memref<4096xf32, #tpu.memory_space<hbm>>
      %dma_wait3A_413 = arith.constant 4112 : i32
      %dma_wait3A_414 = tpu.memref_slice %arg4[%dma_wait3A_413] : memref<12304xf32, #tpu.memory_space<vmem>> -> memref<4096xf32, #tpu.memory_space<vmem>>
      %dma_wait3A_415 = tpu.memref_slice %arg2[%sub3A_401] : memref<16777216xf32, #tpu.memory_space<hbm>> -> memref<4096xf32, #tpu.memory_space<hbm>>
      tpu.wait_dma2 semaphore(%arg8 : memref<!tpu.dma_semaphore, #tpu.memory_space<semaphore_mem>>) src(%dma_wait3A_415 : memref<4096xf32, #tpu.memory_space<hbm>>) dst(%dma_wait3A_414 : memref<4096xf32, #tpu.memory_space<vmem>>)
      %dma_wait3A_416 = arith.constant 8208 : i32
      %dma_wait3A_417 = tpu.memref_slice %arg4[%dma_wait3A_416] : memref<12304xf32, #tpu.memory_space<vmem>> -> memref<4096xf32, #tpu.memory_space<vmem>>
      %dma_wait3A_418 = tpu.memref_slice %arg2[%add3A_403] : memref<16777216xf32, #tpu.memory_space<hbm>> -> memref<4096xf32, #tpu.memory_space<hbm>>
      %dma_wait3A_419 = arith.constant 8208 : i32
      %dma_wait3A_420 = tpu.memref_slice %arg4[%dma_wait3A_419] : memref<12304xf32, #tpu.memory_space<vmem>> -> memref<4096xf32, #tpu.memory_space<vmem>>
      %dma_wait3A_421 = tpu.memref_slice %arg2[%add3A_403] : memref<16777216xf32, #tpu.memory_space<hbm>> -> memref<4096xf32, #tpu.memory_space<hbm>>
      tpu.wait_dma2 semaphore(%arg8 : memref<!tpu.dma_semaphore, #tpu.memory_space<semaphore_mem>>) src(%dma_wait3A_421 : memref<4096xf32, #tpu.memory_space<hbm>>) dst(%dma_wait3A_420 : memref<4096xf32, #tpu.memory_space<vmem>>)
      %add3A_422 = arith.constant 2048 : i32
      %add3A_423 = arith.addi %add3A_422, %add3A_393 : i32
      %dma_wait3A_424 = arith.constant 0 : i32
      %dma_wait3A_425 = tpu.memref_slice %arg3[%add3A_423, %dma_wait3A_424] : memref<8388608x8xf32, #tpu.memory_space<hbm>> -> memref<2048x8xf32, #tpu.memory_space<hbm>>
      %dma_wait3A_426 = arith.constant 0 : i32
      %dma_wait3A_427 = tpu.memref_slice %arg3[%add3A_423, %dma_wait3A_426] : memref<8388608x8xf32, #tpu.memory_space<hbm>> -> memref<2048x8xf32, #tpu.memory_space<hbm>>
      tpu.wait_dma2 semaphore(%arg10 : memref<!tpu.dma_semaphore, #tpu.memory_space<semaphore_mem>>) src(%arg6 : memref<2048x8xf32, #tpu.memory_space<vmem>>) dst(%dma_wait3A_427 : memref<2048x8xf32, #tpu.memory_space<hbm>>)
      %scan3A_428 = arith.constant 0 : i32
      %scan3A_429 = arith.constant 512 : i32
      %scan3A_430 = arith.addi %scan3A_428, %scan3A_429 : i32
      %scan3A_431 = arith.constant 1 : i32
      scf.for %scan3A_522 = %scan3A_428 to %scan3A_430 step %scan3A_431  : i32 {
        %mul3A_523 = arith.constant 2 : i32
        %mul3A_524 = arith.muli %mul3A_523, %scan3A_522 : i32
        %add3A_525 = arith.constant 0 : i32
        %add3A_526 = arith.addi %mul3A_524, %add3A_525 : i32
        %mul3A_527 = arith.constant 2 : i32
        %mul3A_528 = arith.muli %add3A_526, %mul3A_527 : i32
        %mul3A_529 = arith.constant 2 : i32
        %mul3A_530 = arith.muli %mul3A_529, %scan3A_522 : i32
        %add3A_531 = arith.constant 0 : i32
        %add3A_532 = arith.addi %mul3A_530, %add3A_531 : i32
        %mul3A_533 = arith.constant 4 : i32
        %mul3A_534 = arith.muli %mul3A_533, %add3A_532 : i32
        %add3A_535 = vector.broadcast %mul3A_534 : i32 to vector<16xi32>
        %add3A_536 = arith.addi %add3A_30, %add3A_535 : vector<16xi32>
        %gather3A = tpu.vector_load_idx %arg4[%add3A_536] : memref<12304xf32, #tpu.memory_space<vmem>>[vector<16xi32>], vector<16xf32>,
        %add3A_537 = vector.broadcast %mul3A_528 : i32 to vector<16xi32>
        %add3A_538 = arith.addi %shift_right_logical3A_4, %add3A_537 : vector<16xi32>
        tpu.vector_store_idx %arg6[%add3A_538, %and3A_6], %gather3A : memref<2048x8xf32, #tpu.memory_space<vmem>>[vector<16xi32>, vector<16xi32>], vector<16xf32>,
        %mul3A_539 = arith.constant 2 : i32
        %mul3A_540 = arith.muli %mul3A_539, %scan3A_522 : i32
        %add3A_541 = arith.constant 1 : i32
        %add3A_542 = arith.addi %mul3A_540, %add3A_541 : i32
        %mul3A_543 = arith.constant 2 : i32
        %mul3A_544 = arith.muli %add3A_542, %mul3A_543 : i32
        %mul3A_545 = arith.constant 2 : i32
        %mul3A_546 = arith.muli %mul3A_545, %scan3A_522 : i32
        %add3A_547 = arith.constant 1 : i32
        %add3A_548 = arith.addi %mul3A_546, %add3A_547 : i32
        %mul3A_549 = arith.constant 4 : i32
        %mul3A_550 = arith.muli %mul3A_549, %add3A_548 : i32
        %add3A_551 = vector.broadcast %mul3A_550 : i32 to vector<16xi32>
        %add3A_552 = arith.addi %add3A_30, %add3A_551 : vector<16xi32>
        %gather3A_553 = tpu.vector_load_idx %arg4[%add3A_552] : memref<12304xf32, #tpu.memory_space<vmem>>[vector<16xi32>], vector<16xf32>,
        %add3A_554 = vector.broadcast %mul3A_544 : i32 to vector<16xi32>
        %add3A_555 = arith.addi %shift_right_logical3A_4, %add3A_554 : vector<16xi32>
        tpu.vector_store_idx %arg6[%add3A_555, %and3A_6], %gather3A_553 : memref<2048x8xf32, #tpu.memory_space<vmem>>[vector<16xi32>, vector<16xi32>], vector<16xf32>,
      }
      %scan3A_432 = arith.constant 512 : i32
      %add3A_433 = arith.constant 2048 : i32
      %add3A_434 = arith.addi %add3A_433, %add3A_393 : i32
      %dma_start3A_435 = arith.constant 0 : i32
      %dma_start3A_436 = tpu.memref_slice %arg3[%add3A_434, %dma_start3A_435] : memref<8388608x8xf32, #tpu.memory_space<hbm>> -> memref<2048x8xf32, #tpu.memory_space<hbm>>
      %dma_start3A_437 = arith.constant 0 : i32
      %dma_start3A_438 = tpu.memref_slice %arg3[%add3A_434, %dma_start3A_437] : memref<8388608x8xf32, #tpu.memory_space<hbm>> -> memref<2048x8xf32, #tpu.memory_space<hbm>>
      tpu.enqueue_dma source(%arg6 : memref<2048x8xf32, #tpu.memory_space<vmem>>) target(%dma_start3A_438 : memref<2048x8xf32, #tpu.memory_space<hbm>>) target_semaphore(%arg10 : memref<!tpu.dma_semaphore, #tpu.memory_space<semaphore_mem>>)
      %add3A_439 = arith.constant 2 : i32
      %add3A_440 = arith.addi %add3A_357, %add3A_439 : i32
      %mul3A_441 = arith.constant 2048 : i32
      %mul3A_442 = arith.muli %add3A_440, %mul3A_441 : i32
      %add3A_443 = arith.addi %mul3A_2, %mul3A_442 : i32
      %add3A_444 = arith.constant 2048 : i32
      %add3A_445 = arith.addi %add3A_444, %add3A_443 : i32
      %mul3A_446 = arith.constant 2 : i32
      %mul3A_447 = arith.muli %mul3A_446, %add3A_445 : i32
      %sub3A_448 = arith.constant 8 : i32
      %sub3A_449 = arith.subi %mul3A_447, %sub3A_448 : i32
      %dma_start3A_450 = arith.constant 0 : i32
      %dma_start3A_451 = tpu.memref_slice %arg4[%dma_start3A_450] : memref<12304xf32, #tpu.memory_space<vmem>> -> memref<4112xf32, #tpu.memory_space<vmem>>
      %dma_start3A_452 = tpu.memref_slice %arg2[%sub3A_449] : memref<16777216xf32, #tpu.memory_space<hbm>> -> memref<4112xf32, #tpu.memory_space<hbm>>
      %dma_start3A_453 = arith.constant 0 : i32
      %dma_start3A_454 = tpu.memref_slice %arg4[%dma_start3A_453] : memref<12304xf32, #tpu.memory_space<vmem>> -> memref<4112xf32, #tpu.memory_space<vmem>>
      %dma_start3A_455 = tpu.memref_slice %arg2[%sub3A_449] : memref<16777216xf32, #tpu.memory_space<hbm>> -> memref<4112xf32, #tpu.memory_space<hbm>>
      tpu.enqueue_dma source(%dma_start3A_455 : memref<4112xf32, #tpu.memory_space<hbm>>) target(%dma_start3A_454 : memref<4112xf32, #tpu.memory_space<vmem>>) target_semaphore(%arg8 : memref<!tpu.dma_semaphore, #tpu.memory_space<semaphore_mem>>)
      %sub3A_456 = arith.constant 4096 : i32
      %sub3A_457 = arith.subi %mul3A_447, %sub3A_456 : i32
      %dma_start3A_458 = arith.constant 4112 : i32
      %dma_start3A_459 = tpu.memref_slice %arg4[%dma_start3A_458] : memref<12304xf32, #tpu.memory_space<vmem>> -> memref<4096xf32, #tpu.memory_space<vmem>>
      %dma_start3A_460 = tpu.memref_slice %arg2[%sub3A_457] : memref<16777216xf32, #tpu.memory_space<hbm>> -> memref<4096xf32, #tpu.memory_space<hbm>>
      %dma_start3A_461 = arith.constant 4112 : i32
      %dma_start3A_462 = tpu.memref_slice %arg4[%dma_start3A_461] : memref<12304xf32, #tpu.memory_space<vmem>> -> memref<4096xf32, #tpu.memory_space<vmem>>
      %dma_start3A_463 = tpu.memref_slice %arg2[%sub3A_457] : memref<16777216xf32, #tpu.memory_space<hbm>> -> memref<4096xf32, #tpu.memory_space<hbm>>
      tpu.enqueue_dma source(%dma_start3A_463 : memref<4096xf32, #tpu.memory_space<hbm>>) target(%dma_start3A_462 : memref<4096xf32, #tpu.memory_space<vmem>>) target_semaphore(%arg8 : memref<!tpu.dma_semaphore, #tpu.memory_space<semaphore_mem>>)
      %add3A_464 = arith.constant 4096 : i32
      %add3A_465 = arith.addi %mul3A_447, %add3A_464 : i32
      %dma_start3A_466 = arith.constant 8208 : i32
      %dma_start3A_467 = tpu.memref_slice %arg4[%dma_start3A_466] : memref<12304xf32, #tpu.memory_space<vmem>> -> memref<4096xf32, #tpu.memory_space<vmem>>
      %dma_start3A_468 = tpu.memref_slice %arg2[%add3A_465] : memref<16777216xf32, #tpu.memory_space<hbm>> -> memref<4096xf32, #tpu.memory_space<hbm>>
      %dma_start3A_469 = arith.constant 8208 : i32
      %dma_start3A_470 = tpu.memref_slice %arg4[%dma_start3A_469] : memref<12304xf32, #tpu.memory_space<vmem>> -> memref<4096xf32, #tpu.memory_space<vmem>>
      %dma_start3A_471 = tpu.memref_slice %arg2[%add3A_465] : memref<16777216xf32, #tpu.memory_space<hbm>> -> memref<4096xf32, #tpu.memory_space<hbm>>
      tpu.enqueue_dma source(%dma_start3A_471 : memref<4096xf32, #tpu.memory_space<hbm>>) target(%dma_start3A_470 : memref<4096xf32, #tpu.memory_space<vmem>>) target_semaphore(%arg8 : memref<!tpu.dma_semaphore, #tpu.memory_space<semaphore_mem>>)
      %add3A_472 = arith.constant 1 : i32
      %add3A_473 = arith.addi %add3A_357, %add3A_472 : i32
      %mul3A_474 = arith.constant 2048 : i32
      %mul3A_475 = arith.muli %add3A_473, %mul3A_474 : i32
      %add3A_476 = arith.addi %mul3A_2, %mul3A_475 : i32
      %add3A_477 = arith.constant 2048 : i32
      %add3A_478 = arith.addi %add3A_477, %add3A_476 : i32
      %mul3A_479 = arith.constant 2 : i32
      %mul3A_480 = arith.muli %mul3A_479, %add3A_478 : i32
      %sub3A_481 = arith.constant 8 : i32
      %sub3A_482 = arith.subi %mul3A_480, %sub3A_481 : i32
      %sub3A_483 = arith.constant 4096 : i32
      %sub3A_484 = arith.subi %mul3A_480, %sub3A_483 : i32
      %add3A_485 = arith.constant 4096 : i32
      %add3A_486 = arith.addi %mul3A_480, %add3A_485 : i32
      %dma_wait3A_487 = arith.constant 0 : i32
      %dma_wait3A_488 = tpu.memref_slice %arg5[%dma_wait3A_487] : memref<12304xf32, #tpu.memory_space<vmem>> -> memref<4112xf32, #tpu.memory_space<vmem>>
      %dma_wait3A_489 = tpu.memref_slice %arg2[%sub3A_482] : memref<16777216xf32, #tpu.memory_space<hbm>> -> memref<4112xf32, #tpu.memory_space<hbm>>
      %dma_wait3A_490 = arith.constant 0 : i32
      %dma_wait3A_491 = tpu.memref_slice %arg5[%dma_wait3A_490] : memref<12304xf32, #tpu.memory_space<vmem>> -> memref<4112xf32, #tpu.memory_space<vmem>>
      %dma_wait3A_492 = tpu.memref_slice %arg2[%sub3A_482] : memref<16777216xf32, #tpu.memory_space<hbm>> -> memref<4112xf32, #tpu.memory_space<hbm>>
      tpu.wait_dma2 semaphore(%arg9 : memref<!tpu.dma_semaphore, #tpu.memory_space<semaphore_mem>>) src(%dma_wait3A_492 : memref<4112xf32, #tpu.memory_space<hbm>>) dst(%dma_wait3A_491 : memref<4112xf32, #tpu.memory_space<vmem>>)
      %dma_wait3A_493 = arith.constant 4112 : i32
      %dma_wait3A_494 = tpu.memref_slice %arg5[%dma_wait3A_493] : memref<12304xf32, #tpu.memory_space<vmem>> -> memref<4096xf32, #tpu.memory_space<vmem>>
      %dma_wait3A_495 = tpu.memref_slice %arg2[%sub3A_484] : memref<16777216xf32, #tpu.memory_space<hbm>> -> memref<4096xf32, #tpu.memory_space<hbm>>
      %dma_wait3A_496 = arith.constant 4112 : i32
      %dma_wait3A_497 = tpu.memref_slice %arg5[%dma_wait3A_496] : memref<12304xf32, #tpu.memory_space<vmem>> -> memref<4096xf32, #tpu.memory_space<vmem>>
      %dma_wait3A_498 = tpu.memref_slice %arg2[%sub3A_484] : memref<16777216xf32, #tpu.memory_space<hbm>> -> memref<4096xf32, #tpu.memory_space<hbm>>
      tpu.wait_dma2 semaphore(%arg9 : memref<!tpu.dma_semaphore, #tpu.memory_space<semaphore_mem>>) src(%dma_wait3A_498 : memref<4096xf32, #tpu.memory_space<hbm>>) dst(%dma_wait3A_497 : memref<4096xf32, #tpu.memory_space<vmem>>)
      %dma_wait3A_499 = arith.constant 8208 : i32
      %dma_wait3A_500 = tpu.memref_slice %arg5[%dma_wait3A_499] : memref<12304xf32, #tpu.memory_space<vmem>> -> memref<4096xf32, #tpu.memory_space<vmem>>
      %dma_wait3A_501 = tpu.memref_slice %arg2[%add3A_486] : memref<16777216xf32, #tpu.memory_space<hbm>> -> memref<4096xf32, #tpu.memory_space<hbm>>
      %dma_wait3A_502 = arith.constant 8208 : i32
      %dma_wait3A_503 = tpu.memref_slice %arg5[%dma_wait3A_502] : memref<12304xf32, #tpu.memory_space<vmem>> -> memref<4096xf32, #tpu.memory_space<vmem>>
      %dma_wait3A_504 = tpu.memref_slice %arg2[%add3A_486] : memref<16777216xf32, #tpu.memory_space<hbm>> -> memref<4096xf32, #tpu.memory_space<hbm>>
      tpu.wait_dma2 semaphore(%arg9 : memref<!tpu.dma_semaphore, #tpu.memory_space<semaphore_mem>>) src(%dma_wait3A_504 : memref<4096xf32, #tpu.memory_space<hbm>>) dst(%dma_wait3A_503 : memref<4096xf32, #tpu.memory_space<vmem>>)
      %add3A_505 = arith.constant 2048 : i32
      %add3A_506 = arith.addi %add3A_505, %add3A_476 : i32
      %dma_wait3A_507 = arith.constant 0 : i32
      %dma_wait3A_508 = tpu.memref_slice %arg3[%add3A_506, %dma_wait3A_507] : memref<8388608x8xf32, #tpu.memory_space<hbm>> -> memref<2048x8xf32, #tpu.memory_space<hbm>>
      %dma_wait3A_509 = arith.constant 0 : i32
      %dma_wait3A_510 = tpu.memref_slice %arg3[%add3A_506, %dma_wait3A_509] : memref<8388608x8xf32, #tpu.memory_space<hbm>> -> memref<2048x8xf32, #tpu.memory_space<hbm>>
      tpu.wait_dma2 semaphore(%arg11 : memref<!tpu.dma_semaphore, #tpu.memory_space<semaphore_mem>>) src(%arg7 : memref<2048x8xf32, #tpu.memory_space<vmem>>) dst(%dma_wait3A_510 : memref<2048x8xf32, #tpu.memory_space<hbm>>)
      %scan3A_511 = arith.constant 0 : i32
      %scan3A_512 = arith.constant 512 : i32
      %scan3A_513 = arith.addi %scan3A_511, %scan3A_512 : i32
      %scan3A_514 = arith.constant 1 : i32
      scf.for %scan3A_522 = %scan3A_511 to %scan3A_513 step %scan3A_514  : i32 {
        %mul3A_523 = arith.constant 2 : i32
        %mul3A_524 = arith.muli %mul3A_523, %scan3A_522 : i32
        %add3A_525 = arith.constant 0 : i32
        %add3A_526 = arith.addi %mul3A_524, %add3A_525 : i32
        %mul3A_527 = arith.constant 2 : i32
        %mul3A_528 = arith.muli %add3A_526, %mul3A_527 : i32
        %mul3A_529 = arith.constant 2 : i32
        %mul3A_530 = arith.muli %mul3A_529, %scan3A_522 : i32
        %add3A_531 = arith.constant 0 : i32
        %add3A_532 = arith.addi %mul3A_530, %add3A_531 : i32
        %mul3A_533 = arith.constant 4 : i32
        %mul3A_534 = arith.muli %mul3A_533, %add3A_532 : i32
        %add3A_535 = vector.broadcast %mul3A_534 : i32 to vector<16xi32>
        %add3A_536 = arith.addi %add3A_30, %add3A_535 : vector<16xi32>
        %gather3A = tpu.vector_load_idx %arg5[%add3A_536] : memref<12304xf32, #tpu.memory_space<vmem>>[vector<16xi32>], vector<16xf32>,
        %add3A_537 = vector.broadcast %mul3A_528 : i32 to vector<16xi32>
        %add3A_538 = arith.addi %shift_right_logical3A_4, %add3A_537 : vector<16xi32>
        tpu.vector_store_idx %arg7[%add3A_538, %and3A_6], %gather3A : memref<2048x8xf32, #tpu.memory_space<vmem>>[vector<16xi32>, vector<16xi32>], vector<16xf32>,
        %mul3A_539 = arith.constant 2 : i32
        %mul3A_540 = arith.muli %mul3A_539, %scan3A_522 : i32
        %add3A_541 = arith.constant 1 : i32
        %add3A_542 = arith.addi %mul3A_540, %add3A_541 : i32
        %mul3A_543 = arith.constant 2 : i32
        %mul3A_544 = arith.muli %add3A_542, %mul3A_543 : i32
        %mul3A_545 = arith.constant 2 : i32
        %mul3A_546 = arith.muli %mul3A_545, %scan3A_522 : i32
        %add3A_547 = arith.constant 1 : i32
        %add3A_548 = arith.addi %mul3A_546, %add3A_547 : i32
        %mul3A_549 = arith.constant 4 : i32
        %mul3A_550 = arith.muli %mul3A_549, %add3A_548 : i32
        %add3A_551 = vector.broadcast %mul3A_550 : i32 to vector<16xi32>
        %add3A_552 = arith.addi %add3A_30, %add3A_551 : vector<16xi32>
        %gather3A_553 = tpu.vector_load_idx %arg5[%add3A_552] : memref<12304xf32, #tpu.memory_space<vmem>>[vector<16xi32>], vector<16xf32>,
        %add3A_554 = vector.broadcast %mul3A_544 : i32 to vector<16xi32>
        %add3A_555 = arith.addi %shift_right_logical3A_4, %add3A_554 : vector<16xi32>
        tpu.vector_store_idx %arg7[%add3A_555, %and3A_6], %gather3A_553 : memref<2048x8xf32, #tpu.memory_space<vmem>>[vector<16xi32>, vector<16xi32>], vector<16xf32>,
      }
      %scan3A_515 = arith.constant 512 : i32
      %add3A_516 = arith.constant 2048 : i32
      %add3A_517 = arith.addi %add3A_516, %add3A_476 : i32
      %dma_start3A_518 = arith.constant 0 : i32
      %dma_start3A_519 = tpu.memref_slice %arg3[%add3A_517, %dma_start3A_518] : memref<8388608x8xf32, #tpu.memory_space<hbm>> -> memref<2048x8xf32, #tpu.memory_space<hbm>>
      %dma_start3A_520 = arith.constant 0 : i32
      %dma_start3A_521 = tpu.memref_slice %arg3[%add3A_517, %dma_start3A_520] : memref<8388608x8xf32, #tpu.memory_space<hbm>> -> memref<2048x8xf32, #tpu.memory_space<hbm>>
      tpu.enqueue_dma source(%arg7 : memref<2048x8xf32, #tpu.memory_space<vmem>>) target(%dma_start3A_521 : memref<2048x8xf32, #tpu.memory_space<hbm>>) target_semaphore(%arg11 : memref<!tpu.dma_semaphore, #tpu.memory_space<semaphore_mem>>)
    }
    %scan3A_200 = arith.constant 62 : i32
    %add3A_201 = arith.constant 260096 : i32
    %add3A_202 = arith.addi %mul3A_2, %add3A_201 : i32
    %add3A_203 = arith.constant 2048 : i32
    %add3A_204 = arith.addi %add3A_203, %add3A_202 : i32
    %mul3A_205 = arith.constant 2 : i32
    %mul3A_206 = arith.muli %mul3A_205, %add3A_204 : i32
    %sub3A_207 = arith.constant 8 : i32
    %sub3A_208 = arith.subi %mul3A_206, %sub3A_207 : i32
    %dma_start3A_209 = arith.constant 0 : i32
    %dma_start3A_210 = tpu.memref_slice %arg5[%dma_start3A_209] : memref<12304xf32, #tpu.memory_space<vmem>> -> memref<3856xf32, #tpu.memory_space<vmem>>
    %dma_start3A_211 = tpu.memref_slice %arg2[%sub3A_208] : memref<16777216xf32, #tpu.memory_space<hbm>> -> memref<3856xf32, #tpu.memory_space<hbm>>
    %dma_start3A_212 = arith.constant 0 : i32
    %dma_start3A_213 = tpu.memref_slice %arg5[%dma_start3A_212] : memref<12304xf32, #tpu.memory_space<vmem>> -> memref<3856xf32, #tpu.memory_space<vmem>>
    %dma_start3A_214 = tpu.memref_slice %arg2[%sub3A_208] : memref<16777216xf32, #tpu.memory_space<hbm>> -> memref<3856xf32, #tpu.memory_space<hbm>>
    tpu.enqueue_dma source(%dma_start3A_214 : memref<3856xf32, #tpu.memory_space<hbm>>) target(%dma_start3A_213 : memref<3856xf32, #tpu.memory_space<vmem>>) target_semaphore(%arg9 : memref<!tpu.dma_semaphore, #tpu.memory_space<semaphore_mem>>)
    %sub3A_215 = arith.constant 4096 : i32
    %sub3A_216 = arith.subi %mul3A_206, %sub3A_215 : i32
    %dma_start3A_217 = arith.constant 4112 : i32
    %dma_start3A_218 = tpu.memref_slice %arg5[%dma_start3A_217] : memref<12304xf32, #tpu.memory_space<vmem>> -> memref<3840xf32, #tpu.memory_space<vmem>>
    %dma_start3A_219 = tpu.memref_slice %arg2[%sub3A_216] : memref<16777216xf32, #tpu.memory_space<hbm>> -> memref<3840xf32, #tpu.memory_space<hbm>>
    %dma_start3A_220 = arith.constant 4112 : i32
    %dma_start3A_221 = tpu.memref_slice %arg5[%dma_start3A_220] : memref<12304xf32, #tpu.memory_space<vmem>> -> memref<3840xf32, #tpu.memory_space<vmem>>
    %dma_start3A_222 = tpu.memref_slice %arg2[%sub3A_216] : memref<16777216xf32, #tpu.memory_space<hbm>> -> memref<3840xf32, #tpu.memory_space<hbm>>
    tpu.enqueue_dma source(%dma_start3A_222 : memref<3840xf32, #tpu.memory_space<hbm>>) target(%dma_start3A_221 : memref<3840xf32, #tpu.memory_space<vmem>>) target_semaphore(%arg9 : memref<!tpu.dma_semaphore, #tpu.memory_space<semaphore_mem>>)
    %add3A_223 = arith.constant 4096 : i32
    %add3A_224 = arith.addi %mul3A_206, %add3A_223 : i32
    %dma_start3A_225 = arith.constant 8208 : i32
    %dma_start3A_226 = tpu.memref_slice %arg5[%dma_start3A_225] : memref<12304xf32, #tpu.memory_space<vmem>> -> memref<3840xf32, #tpu.memory_space<vmem>>
    %dma_start3A_227 = tpu.memref_slice %arg2[%add3A_224] : memref<16777216xf32, #tpu.memory_space<hbm>> -> memref<3840xf32, #tpu.memory_space<hbm>>
    %dma_start3A_228 = arith.constant 8208 : i32
    %dma_start3A_229 = tpu.memref_slice %arg5[%dma_start3A_228] : memref<12304xf32, #tpu.memory_space<vmem>> -> memref<3840xf32, #tpu.memory_space<vmem>>
    %dma_start3A_230 = tpu.memref_slice %arg2[%add3A_224] : memref<16777216xf32, #tpu.memory_space<hbm>> -> memref<3840xf32, #tpu.memory_space<hbm>>
    tpu.enqueue_dma source(%dma_start3A_230 : memref<3840xf32, #tpu.memory_space<hbm>>) target(%dma_start3A_229 : memref<3840xf32, #tpu.memory_space<vmem>>) target_semaphore(%arg9 : memref<!tpu.dma_semaphore, #tpu.memory_space<semaphore_mem>>)
    %add3A_231 = arith.constant 258048 : i32
    %add3A_232 = arith.addi %mul3A_2, %add3A_231 : i32
    %add3A_233 = arith.constant 2048 : i32
    %add3A_234 = arith.addi %add3A_233, %add3A_232 : i32
    %mul3A_235 = arith.constant 2 : i32
    %mul3A_236 = arith.muli %mul3A_235, %add3A_234 : i32
    %sub3A_237 = arith.constant 8 : i32
    %sub3A_238 = arith.subi %mul3A_236, %sub3A_237 : i32
    %sub3A_239 = arith.constant 4096 : i32
    %sub3A_240 = arith.subi %mul3A_236, %sub3A_239 : i32
    %add3A_241 = arith.constant 4096 : i32
    %add3A_242 = arith.addi %mul3A_236, %add3A_241 : i32
    %dma_wait3A_243 = arith.constant 0 : i32
    %dma_wait3A_244 = tpu.memref_slice %arg4[%dma_wait3A_243] : memref<12304xf32, #tpu.memory_space<vmem>> -> memref<4112xf32, #tpu.memory_space<vmem>>
    %dma_wait3A_245 = tpu.memref_slice %arg2[%sub3A_238] : memref<16777216xf32, #tpu.memory_space<hbm>> -> memref<4112xf32, #tpu.memory_space<hbm>>
    %dma_wait3A_246 = arith.constant 0 : i32
    %dma_wait3A_247 = tpu.memref_slice %arg4[%dma_wait3A_246] : memref<12304xf32, #tpu.memory_space<vmem>> -> memref<4112xf32, #tpu.memory_space<vmem>>
    %dma_wait3A_248 = tpu.memref_slice %arg2[%sub3A_238] : memref<16777216xf32, #tpu.memory_space<hbm>> -> memref<4112xf32, #tpu.memory_space<hbm>>
    tpu.wait_dma2 semaphore(%arg8 : memref<!tpu.dma_semaphore, #tpu.memory_space<semaphore_mem>>) src(%dma_wait3A_248 : memref<4112xf32, #tpu.memory_space<hbm>>) dst(%dma_wait3A_247 : memref<4112xf32, #tpu.memory_space<vmem>>)
    %dma_wait3A_249 = arith.constant 4112 : i32
    %dma_wait3A_250 = tpu.memref_slice %arg4[%dma_wait3A_249] : memref<12304xf32, #tpu.memory_space<vmem>> -> memref<4096xf32, #tpu.memory_space<vmem>>
    %dma_wait3A_251 = tpu.memref_slice %arg2[%sub3A_240] : memref<16777216xf32, #tpu.memory_space<hbm>> -> memref<4096xf32, #tpu.memory_space<hbm>>
    %dma_wait3A_252 = arith.constant 4112 : i32
    %dma_wait3A_253 = tpu.memref_slice %arg4[%dma_wait3A_252] : memref<12304xf32, #tpu.memory_space<vmem>> -> memref<4096xf32, #tpu.memory_space<vmem>>
    %dma_wait3A_254 = tpu.memref_slice %arg2[%sub3A_240] : memref<16777216xf32, #tpu.memory_space<hbm>> -> memref<4096xf32, #tpu.memory_space<hbm>>
    tpu.wait_dma2 semaphore(%arg8 : memref<!tpu.dma_semaphore, #tpu.memory_space<semaphore_mem>>) src(%dma_wait3A_254 : memref<4096xf32, #tpu.memory_space<hbm>>) dst(%dma_wait3A_253 : memref<4096xf32, #tpu.memory_space<vmem>>)
    %dma_wait3A_255 = arith.constant 8208 : i32
    %dma_wait3A_256 = tpu.memref_slice %arg4[%dma_wait3A_255] : memref<12304xf32, #tpu.memory_space<vmem>> -> memref<4096xf32, #tpu.memory_space<vmem>>
    %dma_wait3A_257 = tpu.memref_slice %arg2[%add3A_242] : memref<16777216xf32, #tpu.memory_space<hbm>> -> memref<4096xf32, #tpu.memory_space<hbm>>
    %dma_wait3A_258 = arith.constant 8208 : i32
    %dma_wait3A_259 = tpu.memref_slice %arg4[%dma_wait3A_258] : memref<12304xf32, #tpu.memory_space<vmem>> -> memref<4096xf32, #tpu.memory_space<vmem>>
    %dma_wait3A_260 = tpu.memref_slice %arg2[%add3A_242] : memref<16777216xf32, #tpu.memory_space<hbm>> -> memref<4096xf32, #tpu.memory_space<hbm>>
    tpu.wait_dma2 semaphore(%arg8 : memref<!tpu.dma_semaphore, #tpu.memory_space<semaphore_mem>>) src(%dma_wait3A_260 : memref<4096xf32, #tpu.memory_space<hbm>>) dst(%dma_wait3A_259 : memref<4096xf32, #tpu.memory_space<vmem>>)
    %add3A_261 = arith.constant 2048 : i32
    %add3A_262 = arith.addi %add3A_261, %add3A_232 : i32
    %dma_wait3A_263 = arith.constant 0 : i32
    %dma_wait3A_264 = tpu.memref_slice %arg3[%add3A_262, %dma_wait3A_263] : memref<8388608x8xf32, #tpu.memory_space<hbm>> -> memref<2048x8xf32, #tpu.memory_space<hbm>>
    %dma_wait3A_265 = arith.constant 0 : i32
    %dma_wait3A_266 = tpu.memref_slice %arg3[%add3A_262, %dma_wait3A_265] : memref<8388608x8xf32, #tpu.memory_space<hbm>> -> memref<2048x8xf32, #tpu.memory_space<hbm>>
    tpu.wait_dma2 semaphore(%arg10 : memref<!tpu.dma_semaphore, #tpu.memory_space<semaphore_mem>>) src(%arg6 : memref<2048x8xf32, #tpu.memory_space<vmem>>) dst(%dma_wait3A_266 : memref<2048x8xf32, #tpu.memory_space<hbm>>)
    %scan3A_267 = arith.constant 0 : i32
    %scan3A_268 = arith.constant 512 : i32
    %scan3A_269 = arith.addi %scan3A_267, %scan3A_268 : i32
    %scan3A_270 = arith.constant 1 : i32
    scf.for %scan3A_353 = %scan3A_267 to %scan3A_269 step %scan3A_270  : i32 {
      %mul3A_354 = arith.constant 2 : i32
      %mul3A_355 = arith.muli %mul3A_354, %scan3A_353 : i32
      %add3A_356 = arith.constant 0 : i32
      %add3A_357 = arith.addi %mul3A_355, %add3A_356 : i32
      %mul3A_358 = arith.constant 2 : i32
      %mul3A_359 = arith.muli %add3A_357, %mul3A_358 : i32
      %mul3A_360 = arith.constant 2 : i32
      %mul3A_361 = arith.muli %mul3A_360, %scan3A_353 : i32
      %add3A_362 = arith.constant 0 : i32
      %add3A_363 = arith.addi %mul3A_361, %add3A_362 : i32
      %mul3A_364 = arith.constant 4 : i32
      %mul3A_365 = arith.muli %mul3A_364, %add3A_363 : i32
      %add3A_366 = vector.broadcast %mul3A_365 : i32 to vector<16xi32>
      %add3A_367 = arith.addi %add3A_30, %add3A_366 : vector<16xi32>
      %gather3A = tpu.vector_load_idx %arg4[%add3A_367] : memref<12304xf32, #tpu.memory_space<vmem>>[vector<16xi32>], vector<16xf32>,
      %add3A_368 = vector.broadcast %mul3A_359 : i32 to vector<16xi32>
      %add3A_369 = arith.addi %shift_right_logical3A_4, %add3A_368 : vector<16xi32>
      tpu.vector_store_idx %arg6[%add3A_369, %and3A_6], %gather3A : memref<2048x8xf32, #tpu.memory_space<vmem>>[vector<16xi32>, vector<16xi32>], vector<16xf32>,
      %mul3A_370 = arith.constant 2 : i32
      %mul3A_371 = arith.muli %mul3A_370, %scan3A_353 : i32
      %add3A_372 = arith.constant 1 : i32
      %add3A_373 = arith.addi %mul3A_371, %add3A_372 : i32
      %mul3A_374 = arith.constant 2 : i32
      %mul3A_375 = arith.muli %add3A_373, %mul3A_374 : i32
      %mul3A_376 = arith.constant 2 : i32
      %mul3A_377 = arith.muli %mul3A_376, %scan3A_353 : i32
      %add3A_378 = arith.constant 1 : i32
      %add3A_379 = arith.addi %mul3A_377, %add3A_378 : i32
      %mul3A_380 = arith.constant 4 : i32
      %mul3A_381 = arith.muli %mul3A_380, %add3A_379 : i32
      %add3A_382 = vector.broadcast %mul3A_381 : i32 to vector<16xi32>
      %add3A_383 = arith.addi %add3A_30, %add3A_382 : vector<16xi32>
      %gather3A_384 = tpu.vector_load_idx %arg4[%add3A_383] : memref<12304xf32, #tpu.memory_space<vmem>>[vector<16xi32>], vector<16xf32>,
      %add3A_385 = vector.broadcast %mul3A_375 : i32 to vector<16xi32>
      %add3A_386 = arith.addi %shift_right_logical3A_4, %add3A_385 : vector<16xi32>
      tpu.vector_store_idx %arg6[%add3A_386, %and3A_6], %gather3A_384 : memref<2048x8xf32, #tpu.memory_space<vmem>>[vector<16xi32>, vector<16xi32>], vector<16xf32>,
    }
    %scan3A_271 = arith.constant 512 : i32
    %add3A_272 = arith.constant 2048 : i32
    %add3A_273 = arith.addi %add3A_272, %add3A_232 : i32
    %dma_start3A_274 = arith.constant 0 : i32
    %dma_start3A_275 = tpu.memref_slice %arg3[%add3A_273, %dma_start3A_274] : memref<8388608x8xf32, #tpu.memory_space<hbm>> -> memref<2048x8xf32, #tpu.memory_space<hbm>>
    %dma_start3A_276 = arith.constant 0 : i32
    %dma_start3A_277 = tpu.memref_slice %arg3[%add3A_273, %dma_start3A_276] : memref<8388608x8xf32, #tpu.memory_space<hbm>> -> memref<2048x8xf32, #tpu.memory_space<hbm>>
    tpu.enqueue_dma source(%arg6 : memref<2048x8xf32, #tpu.memory_space<vmem>>) target(%dma_start3A_277 : memref<2048x8xf32, #tpu.memory_space<hbm>>) target_semaphore(%arg10 : memref<!tpu.dma_semaphore, #tpu.memory_space<semaphore_mem>>)
    %add3A_278 = arith.constant 260096 : i32
    %add3A_279 = arith.addi %mul3A_2, %add3A_278 : i32
    %add3A_280 = arith.constant 2048 : i32
    %add3A_281 = arith.addi %add3A_280, %add3A_279 : i32
    %mul3A_282 = arith.constant 2 : i32
    %mul3A_283 = arith.muli %mul3A_282, %add3A_281 : i32
    %sub3A_284 = arith.constant 8 : i32
    %sub3A_285 = arith.subi %mul3A_283, %sub3A_284 : i32
    %sub3A_286 = arith.constant 4096 : i32
    %sub3A_287 = arith.subi %mul3A_283, %sub3A_286 : i32
    %add3A_288 = arith.constant 4096 : i32
    %add3A_289 = arith.addi %mul3A_283, %add3A_288 : i32
    %dma_wait3A_290 = arith.constant 0 : i32
    %dma_wait3A_291 = tpu.memref_slice %arg5[%dma_wait3A_290] : memref<12304xf32, #tpu.memory_space<vmem>> -> memref<3856xf32, #tpu.memory_space<vmem>>
    %dma_wait3A_292 = tpu.memref_slice %arg2[%sub3A_285] : memref<16777216xf32, #tpu.memory_space<hbm>> -> memref<3856xf32, #tpu.memory_space<hbm>>
    %dma_wait3A_293 = arith.constant 0 : i32
    %dma_wait3A_294 = tpu.memref_slice %arg5[%dma_wait3A_293] : memref<12304xf32, #tpu.memory_space<vmem>> -> memref<3856xf32, #tpu.memory_space<vmem>>
    %dma_wait3A_295 = tpu.memref_slice %arg2[%sub3A_285] : memref<16777216xf32, #tpu.memory_space<hbm>> -> memref<3856xf32, #tpu.memory_space<hbm>>
    tpu.wait_dma2 semaphore(%arg9 : memref<!tpu.dma_semaphore, #tpu.memory_space<semaphore_mem>>) src(%dma_wait3A_295 : memref<3856xf32, #tpu.memory_space<hbm>>) dst(%dma_wait3A_294 : memref<3856xf32, #tpu.memory_space<vmem>>)
    %dma_wait3A_296 = arith.constant 4112 : i32
    %dma_wait3A_297 = tpu.memref_slice %arg5[%dma_wait3A_296] : memref<12304xf32, #tpu.memory_space<vmem>> -> memref<3840xf32, #tpu.memory_space<vmem>>
    %dma_wait3A_298 = tpu.memref_slice %arg2[%sub3A_287] : memref<16777216xf32, #tpu.memory_space<hbm>> -> memref<3840xf32, #tpu.memory_space<hbm>>
    %dma_wait3A_299 = arith.constant 4112 : i32
    %dma_wait3A_300 = tpu.memref_slice %arg5[%dma_wait3A_299] : memref<12304xf32, #tpu.memory_space<vmem>> -> memref<3840xf32, #tpu.memory_space<vmem>>
    %dma_wait3A_301 = tpu.memref_slice %arg2[%sub3A_287] : memref<16777216xf32, #tpu.memory_space<hbm>> -> memref<3840xf32, #tpu.memory_space<hbm>>
    tpu.wait_dma2 semaphore(%arg9 : memref<!tpu.dma_semaphore, #tpu.memory_space<semaphore_mem>>) src(%dma_wait3A_301 : memref<3840xf32, #tpu.memory_space<hbm>>) dst(%dma_wait3A_300 : memref<3840xf32, #tpu.memory_space<vmem>>)
    %dma_wait3A_302 = arith.constant 8208 : i32
    %dma_wait3A_303 = tpu.memref_slice %arg5[%dma_wait3A_302] : memref<12304xf32, #tpu.memory_space<vmem>> -> memref<3840xf32, #tpu.memory_space<vmem>>
    %dma_wait3A_304 = tpu.memref_slice %arg2[%add3A_289] : memref<16777216xf32, #tpu.memory_space<hbm>> -> memref<3840xf32, #tpu.memory_space<hbm>>
    %dma_wait3A_305 = arith.constant 8208 : i32
    %dma_wait3A_306 = tpu.memref_slice %arg5[%dma_wait3A_305] : memref<12304xf32, #tpu.memory_space<vmem>> -> memref<3840xf32, #tpu.memory_space<vmem>>
    %dma_wait3A_307 = tpu.memref_slice %arg2[%add3A_289] : memref<16777216xf32, #tpu.memory_space<hbm>> -> memref<3840xf32, #tpu.memory_space<hbm>>
    tpu.wait_dma2 semaphore(%arg9 : memref<!tpu.dma_semaphore, #tpu.memory_space<semaphore_mem>>) src(%dma_wait3A_307 : memref<3840xf32, #tpu.memory_space<hbm>>) dst(%dma_wait3A_306 : memref<3840xf32, #tpu.memory_space<vmem>>)
    %add3A_308 = arith.constant 2048 : i32
    %add3A_309 = arith.addi %add3A_308, %add3A_279 : i32
    %dma_wait3A_310 = arith.constant 0 : i32
    %dma_wait3A_311 = tpu.memref_slice %arg3[%add3A_309, %dma_wait3A_310] : memref<8388608x8xf32, #tpu.memory_space<hbm>> -> memref<2048x8xf32, #tpu.memory_space<hbm>>
    %dma_wait3A_312 = arith.constant 0 : i32
    %dma_wait3A_313 = tpu.memref_slice %arg3[%add3A_309, %dma_wait3A_312] : memref<8388608x8xf32, #tpu.memory_space<hbm>> -> memref<2048x8xf32, #tpu.memory_space<hbm>>
    tpu.wait_dma2 semaphore(%arg11 : memref<!tpu.dma_semaphore, #tpu.memory_space<semaphore_mem>>) src(%arg7 : memref<2048x8xf32, #tpu.memory_space<vmem>>) dst(%dma_wait3A_313 : memref<2048x8xf32, #tpu.memory_space<hbm>>)
    %scan3A_314 = arith.constant 0 : i32
    %scan3A_315 = arith.constant 480 : i32
    %scan3A_316 = arith.addi %scan3A_314, %scan3A_315 : i32
    %scan3A_317 = arith.constant 1 : i32
    scf.for %scan3A_353 = %scan3A_314 to %scan3A_316 step %scan3A_317  : i32 {
      %mul3A_354 = arith.constant 2 : i32
      %mul3A_355 = arith.muli %mul3A_354, %scan3A_353 : i32
      %add3A_356 = arith.constant 0 : i32
      %add3A_357 = arith.addi %mul3A_355, %add3A_356 : i32
      %mul3A_358 = arith.constant 2 : i32
      %mul3A_359 = arith.muli %add3A_357, %mul3A_358 : i32
      %mul3A_360 = arith.constant 2 : i32
      %mul3A_361 = arith.muli %mul3A_360, %scan3A_353 : i32
      %add3A_362 = arith.constant 0 : i32
      %add3A_363 = arith.addi %mul3A_361, %add3A_362 : i32
      %mul3A_364 = arith.constant 4 : i32
      %mul3A_365 = arith.muli %mul3A_364, %add3A_363 : i32
      %add3A_366 = vector.broadcast %mul3A_365 : i32 to vector<16xi32>
      %add3A_367 = arith.addi %add3A_30, %add3A_366 : vector<16xi32>
      %gather3A = tpu.vector_load_idx %arg5[%add3A_367] : memref<12304xf32, #tpu.memory_space<vmem>>[vector<16xi32>], vector<16xf32>,
      %add3A_368 = vector.broadcast %mul3A_359 : i32 to vector<16xi32>
      %add3A_369 = arith.addi %shift_right_logical3A_4, %add3A_368 : vector<16xi32>
      tpu.vector_store_idx %arg7[%add3A_369, %and3A_6], %gather3A : memref<2048x8xf32, #tpu.memory_space<vmem>>[vector<16xi32>, vector<16xi32>], vector<16xf32>,
      %mul3A_370 = arith.constant 2 : i32
      %mul3A_371 = arith.muli %mul3A_370, %scan3A_353 : i32
      %add3A_372 = arith.constant 1 : i32
      %add3A_373 = arith.addi %mul3A_371, %add3A_372 : i32
      %mul3A_374 = arith.constant 2 : i32
      %mul3A_375 = arith.muli %add3A_373, %mul3A_374 : i32
      %mul3A_376 = arith.constant 2 : i32
      %mul3A_377 = arith.muli %mul3A_376, %scan3A_353 : i32
      %add3A_378 = arith.constant 1 : i32
      %add3A_379 = arith.addi %mul3A_377, %add3A_378 : i32
      %mul3A_380 = arith.constant 4 : i32
      %mul3A_381 = arith.muli %mul3A_380, %add3A_379 : i32
      %add3A_382 = vector.broadcast %mul3A_381 : i32 to vector<16xi32>
      %add3A_383 = arith.addi %add3A_30, %add3A_382 : vector<16xi32>
      %gather3A_384 = tpu.vector_load_idx %arg5[%add3A_383] : memref<12304xf32, #tpu.memory_space<vmem>>[vector<16xi32>], vector<16xf32>,
      %add3A_385 = vector.broadcast %mul3A_375 : i32 to vector<16xi32>
      %add3A_386 = arith.addi %shift_right_logical3A_4, %add3A_385 : vector<16xi32>
      tpu.vector_store_idx %arg7[%add3A_386, %and3A_6], %gather3A_384 : memref<2048x8xf32, #tpu.memory_space<vmem>>[vector<16xi32>, vector<16xi32>], vector<16xf32>,
    }
    %scan3A_318 = arith.constant 480 : i32
    %add3A_319 = arith.constant 2048 : i32
    %add3A_320 = arith.addi %add3A_319, %add3A_279 : i32
    %dma_start3A_321 = arith.constant 0 : i32
    %dma_start3A_322 = arith.constant 0 : i32
    %dma_start3A_323 = tpu.memref_slice %arg7[%dma_start3A_321, %dma_start3A_322] : memref<2048x8xf32, #tpu.memory_space<vmem>> -> memref<1920x8xf32, #tpu.memory_space<vmem>>
    %dma_start3A_324 = arith.constant 0 : i32
    %dma_start3A_325 = tpu.memref_slice %arg3[%add3A_320, %dma_start3A_324] : memref<8388608x8xf32, #tpu.memory_space<hbm>> -> memref<1920x8xf32, #tpu.memory_space<hbm>>
    %dma_start3A_326 = arith.constant 0 : i32
    %dma_start3A_327 = tpu.memref_slice %arg3[%add3A_320, %dma_start3A_326] : memref<8388608x8xf32, #tpu.memory_space<hbm>> -> memref<1920x8xf32, #tpu.memory_space<hbm>>
    %dma_start3A_328 = arith.constant 0 : i32
    %dma_start3A_329 = arith.constant 0 : i32
    %dma_start3A_330 = tpu.memref_slice %arg7[%dma_start3A_328, %dma_start3A_329] : memref<2048x8xf32, #tpu.memory_space<vmem>> -> memref<1920x8xf32, #tpu.memory_space<vmem>>
    tpu.enqueue_dma source(%dma_start3A_330 : memref<1920x8xf32, #tpu.memory_space<vmem>>) target(%dma_start3A_327 : memref<1920x8xf32, #tpu.memory_space<hbm>>) target_semaphore(%arg11 : memref<!tpu.dma_semaphore, #tpu.memory_space<semaphore_mem>>)
    %add3A_331 = arith.constant 258048 : i32
    %add3A_332 = arith.addi %mul3A_2, %add3A_331 : i32
    %add3A_333 = arith.constant 2048 : i32
    %add3A_334 = arith.addi %add3A_333, %add3A_332 : i32
    %dma_wait3A_335 = arith.constant 0 : i32
    %dma_wait3A_336 = tpu.memref_slice %arg3[%add3A_334, %dma_wait3A_335] : memref<8388608x8xf32, #tpu.memory_space<hbm>> -> memref<2048x8xf32, #tpu.memory_space<hbm>>
    %dma_wait3A_337 = arith.constant 0 : i32
    %dma_wait3A_338 = tpu.memref_slice %arg3[%add3A_334, %dma_wait3A_337] : memref<8388608x8xf32, #tpu.memory_space<hbm>> -> memref<2048x8xf32, #tpu.memory_space<hbm>>
    tpu.wait_dma2 semaphore(%arg10 : memref<!tpu.dma_semaphore, #tpu.memory_space<semaphore_mem>>) src(%arg6 : memref<2048x8xf32, #tpu.memory_space<vmem>>) dst(%dma_wait3A_338 : memref<2048x8xf32, #tpu.memory_space<hbm>>)
    %add3A_339 = arith.constant 260096 : i32
    %add3A_340 = arith.addi %mul3A_2, %add3A_339 : i32
    %add3A_341 = arith.constant 2048 : i32
    %add3A_342 = arith.addi %add3A_341, %add3A_340 : i32
    %dma_wait3A_343 = arith.constant 0 : i32
    %dma_wait3A_344 = arith.constant 0 : i32
    %dma_wait3A_345 = tpu.memref_slice %arg7[%dma_wait3A_343, %dma_wait3A_344] : memref<2048x8xf32, #tpu.memory_space<vmem>> -> memref<1920x8xf32, #tpu.memory_space<vmem>>
    %dma_wait3A_346 = arith.constant 0 : i32
    %dma_wait3A_347 = tpu.memref_slice %arg3[%add3A_342, %dma_wait3A_346] : memref<8388608x8xf32, #tpu.memory_space<hbm>> -> memref<1920x8xf32, #tpu.memory_space<hbm>>
    %dma_wait3A_348 = arith.constant 0 : i32
    %dma_wait3A_349 = tpu.memref_slice %arg3[%add3A_342, %dma_wait3A_348] : memref<8388608x8xf32, #tpu.memory_space<hbm>> -> memref<1920x8xf32, #tpu.memory_space<hbm>>
    %dma_wait3A_350 = arith.constant 0 : i32
    %dma_wait3A_351 = arith.constant 0 : i32
    %dma_wait3A_352 = tpu.memref_slice %arg7[%dma_wait3A_350, %dma_wait3A_351] : memref<2048x8xf32, #tpu.memory_space<vmem>> -> memref<1920x8xf32, #tpu.memory_space<vmem>>
    tpu.wait_dma2 semaphore(%arg11 : memref<!tpu.dma_semaphore, #tpu.memory_space<semaphore_mem>>) src(%dma_wait3A_352 : memref<1920x8xf32, #tpu.memory_space<vmem>>) dst(%dma_wait3A_349 : memref<1920x8xf32, #tpu.memory_space<hbm>>)
    return
  }
}

</mosaic_0001>

<sc_bundles>
// kernel: kernel.4.cloned.1.call-start
scs
__scs_entry_jumppad:
0x0: {  	(pc) =	sbr.rel $0x88, $3  }
0x1: {  	(tag) =	ssettag $0x0;
	lr =	simm.s32 $0x1  }
0x2: {  	[smem:$0x3F9F] =	sst lr;
	_ =	strace $0xD0000000  }
0x3: {  	_ = 	snop  }
0x4: {  	_ = 	snop  }
0x5: {  	_ = 	snop  }
0x6: {  	_ = 	snop  }
0x7: {  	_ = 	snop  }
__scs_overlays_trampoline_lowered:
0x8: {  	[smem:$0x3FAE] =	sst s0  }
0x9: {  	[smem:$0x3FAF] =	sst s1  }
0xa: {  	[smem:$0x3FB0] =	sst s2  }
0xb: {  	[smem:$0x3FB1] =	sst s3  }
0xc: {  	[smem:$0x3FB2] =	sst s4  }
0xd: {  	[smem:$0x3FB3] =	sst s5  }
0xe: {  	[smem:$0x3FB4] =	sst s6  }
0xf: {  	[smem:$0x3FB5] =	sst s7  }
0x10: {  	[smem:$0x3FB6] =	sst s8  }
0x11: {  	[smem:$0x3FB7] =	sst s9;
	s0 =	simm.s32 @!p0 $0x0  }
0x12: {  	s1 =	sld [smem:$0x3F9D];
	s0 =	simm.s32 @p0 $0x1  }
0x13: {  	[smem:$0x3FB8] =	sst s0;
	s0 =	simm.s32 @!p1 $0x0  }
0x14: {  	s2 =	sld [smem:$0x3F9C];
	s0 =	simm.s32 @p1 $0x1  }
0x15: {  	[smem:$0x3FB9] =	sst s0;
	s0 =	simm.s32 @!p2 $0x0  }
0x16: {  	s3 =	sld [smem:$0x3FDB];
	s0 =	simm.s32 @p2 $0x1  }
0x17: {  	s4 =	simm.s32 $0x1BF5;
	[smem:$0x3FBB] =	sst s0  }
0x18: {  	s0 =	sld [smem:$0x3F9E];
	_ =	swait.ge [sflag:s4], $0x0  }
0x19: {  	s7 =	sld [smem:$0x3F9F]  }
0x1a: {  	s8 =	sadd.s32 $0xFFFFE003, lr  }
0x1b: {  	s9 =	sadd.s32 $0xFFFFFEF7, lr;
	s5 =	simm.s32 $0xFFFFFFFF;
	p2 =	slt.u32 s8, $0xFFFFF086  }
0x1c: {  	p1 =	slt.u32 s9, $0xF7A;
	s5 =	simm.s32 @!p2 $0x0  }
0x1d: {  	s5 =	simm.s32 @p1 $0x1;
	p0 =	seq.s32 s7, s2  }
0x1e: {  	s7 =	smul.u32 @!p0 $0xF7A, s2;
	p2 =	seq.s32 @!p0 s5, $0x0  }
0x1f: {  	s9 =	smul.u32 $0xF7A, s1;
	s8 =	simm.s32 @!p0 $0x1BF5;
	p2 =	por !p2, p0  }
0x20: {  	[sflag:s8] =	ssyncset.s32 @!p0 $0xFFFFF086;
	s6 =	sadd.s32 @!p0 s3, s7;
	s7 =	simm.s32 @!p0 $0x108  }
0x21: {  	s3 =	sadd.s32 s3, s9;
	s6 =	sadd.s32 @!p0 $0x88, s6;
	s7 =	simm.s32 @p2 $0x1082  }
0x22: {  	[simem:s7], [sflag:s8] =	dma.local @!p0 [hbm:s6], $0xF7A  }
0x23: {  	s9 =	sor.u32 $0xD0000000, s2;
	s6 =	simm.s32 $0x108;
	_ =	swait.ge @!p0 [sflag:s8], $0x0  }
0x24: {  	s3 =	sadd.s32 $0x88, s3;
	s6 =	simm.s32 @!p1 $0x1082;
	[sflag:s4] =	ssyncset.s32 $0xFFFFF086  }
0x25: {  	[simem:s6], [sflag:s4] =	dma.local [hbm:s3], $0xF7A  }
0x26: {  	[smem:$0x3F9F] =	sst s1;
	(tag) =	ssettag s2;
	_ =	strace s9  }
0x27: {  	s1 =	sld [smem:$0x3FAF]  }
0x28: {  	s2 =	sld [smem:$0x3FB0]  }
0x29: {  	s4 =	sld [smem:$0x3FB2]  }
0x2a: {  	p0 =	seq.s32 s5, $0x0;
	s5 =	sld [smem:$0x3FB3]  }
0x2b: {  	s6 =	sld [smem:$0x3FB4]  }
0x2c: {  	s7 =	sld [smem:$0x3FB5]  }
0x2d: {  	s3 =	simm.s32 $0x108;
	s8 =	sld [smem:$0x3FB6]  }
0x2e: {  	s3 =	simm.s32 @!p0 $0x1082;
	s9 =	sld [smem:$0x3FB7]  }
0x2f: {  	lr =	sadd.s32 s0, s3;
	s0 =	sld [smem:$0x3FAE]  }
0x30: {  	s3 =	sld [smem:$0x3FB1]  }
0x31: {  	[smem:$0x3FBA] =	sst s10  }
0x32: {  	s10 =	sld [smem:$0x3FB8];
	_ =	sdelay $0x3  }
0x33: {  	p0 =	seq.s32 s10, $0x1;
	s10 =	sld [smem:$0x3FBA];
	_ =	sdelay $0x3  }
0x34: {  	[smem:$0x3FBA] =	sst s10  }
0x35: {  	s10 =	sld [smem:$0x3FB9];
	_ =	sdelay $0x3  }
0x36: {  	p1 =	seq.s32 s10, $0x1;
	s10 =	sld [smem:$0x3FBA];
	_ =	sdelay $0x3  }
0x37: {  	[smem:$0x3FBA] =	sst s10  }
0x38: {  	s10 =	sld [smem:$0x3FBB]  }
0x39: {  	_ = 	snop;
	(pc) =	sbr.ind lr, $3  }
0x3a: {  	_ = 	snop  }
0x3b: {  	_ = 	snop  }
0x3c: {  	p2 =	seq.s32 s10, $0x1;
	s10 =	sld [smem:$0x3FBA]  }
0x3d: {  	_ =	shalt  }
0x3e: {  	_ =	shalt  }
0x3f: {  	_ =	shalt  }
0x40: {  	_ =	shalt  }
0x41: {  	_ =	shalt  }
0x42: {  	_ =	shalt  }
0x43: {  	_ =	shalt  }
0x44: {  	_ =	shalt  }
0x45: {  	_ =	shalt  }
0x46: {  	_ =	shalt  }
0x47: {  	_ =	shalt  }
0x48: {  	_ =	shalt  }
0x49: {  	_ =	shalt  }
0x4a: {  	_ =	shalt  }
0x4b: {  	_ =	shalt  }
0x4c: {  	_ =	shalt  }
0x4d: {  	_ =	shalt  }
0x4e: {  	_ =	shalt  }
0x4f: {  	_ =	shalt  }
0x50: {  	_ =	shalt  }
0x51: {  	_ =	shalt  }
0x52: {  	_ =	shalt  }
0x53: {  	_ =	shalt  }
0x54: {  	_ =	shalt  }
0x55: {  	_ =	shalt  }
0x56: {  	_ =	shalt  }
0x57: {  	_ =	shalt  }
0x58: {  	_ =	shalt  }
0x59: {  	_ =	shalt  }
0x5a: {  	_ =	shalt  }
0x5b: {  	_ =	shalt  }
0x5c: {  	_ =	shalt  }
0x5d: {  	_ =	shalt  }
0x5e: {  	_ =	shalt  }
0x5f: {  	_ =	shalt  }
0x60: {  	_ =	shalt  }
0x61: {  	_ =	shalt  }
0x62: {  	_ =	shalt  }
0x63: {  	_ =	shalt  }
0x64: {  	_ =	shalt  }
0x65: {  	_ =	shalt  }
0x66: {  	_ =	shalt  }
0x67: {  	_ =	shalt  }
0x68: {  	_ =	shalt  }
0x69: {  	_ =	shalt  }
0x6a: {  	_ =	shalt  }
0x6b: {  	_ =	shalt  }
0x6c: {  	_ =	shalt  }
0x6d: {  	_ =	shalt  }
0x6e: {  	_ =	shalt  }
0x6f: {  	_ =	shalt  }
0x70: {  	_ =	shalt  }
0x71: {  	_ =	shalt  }
0x72: {  	_ =	shalt  }
0x73: {  	_ =	shalt  }
0x74: {  	_ =	shalt  }
0x75: {  	_ =	shalt  }
0x76: {  	_ =	shalt  }
0x77: {  	_ =	shalt  }
0x78: {  	_ =	shalt  }
0x79: {  	_ =	shalt  }
0x7a: {  	_ =	shalt  }
0x7b: {  	_ =	shalt  }
0x7c: {  	_ =	shalt  }
0x7d: {  	_ =	shalt  }
0x7e: {  	_ =	shalt  }
0x7f: {  	_ =	shalt  }
0x80: {  	_ =	shalt  }
0x81: {  	_ =	shalt  }
0x82: {  	_ =	shalt  }
0x83: {  	_ =	shalt  }
0x84: {  	_ =	shalt  }
0x85: {  	_ =	shalt  }
0x86: {  	_ =	shalt  }
0x87: {  	_ =	shalt  }
.Lfunc_end0:
.L_simem_size_0:
called_computation.1_lowered:
.L_overlay_start_0:
0x88: {  	s2 =	sld [smem:$0x3FD9]  }
0x89: {  	s3 =	sld [smem:$0x3FFE];
	_ =	sdelay $0x1  }
0x8a: {  	s1 =	srdreg.scid  }
0x8b: {  	s0 =	sand.u32 $0x1, s1  }
0x8c: {  	s16 =	sshll.u32 s0, $0xA;
	s2 =	sadd.s32 s3, s2  }
0x8d: {  	s2 =	sadd.s32 s2, s16  }
0x8e: {  	[smem:$0x3FC6] =	sst s2  }
0x8f: {  	_ = 	snop  }
0x90: {  	(tm) =	ssettm $0x1  }
0x91: {  	s17 =	sld [smem:$0x3FFB];
	_ =	sdelay $0x3  }
0x92: {  	_ =	strace s17  }
0x93: {  	s2 =	sld [smem:$0x3FFC];
	_ =	sdelay $0x3  }
0x94: {  	_ =	strace s2  }
0x95: {  	s2 =	sld [smem:$0x3FFD];
	_ =	sdelay $0x3  }
0x96: {  	_ =	strace s2  }
0x97: {  	_ =	strace $0x8FFFFFFF  }
0x98: {  	s18 =	sld [smem:$0x3FDB];
	_ =	sdelay $0x1  }
0x99: {  	s19 =	simm.s32 $_scs_section_size  }
0x9a: {  	s4 =	simm.s32 $_size__tile_overlayer_lowered;
	s5 =	simm.s32 $_tile_overlayer_lowered  }
0x9b: {  	s22 =	simm.s32 $0x1BFF;
	s21 =	sshll.u32 s5, $0x1;
	s2 =	sadd.s32 s19, s18  }
0x9c: {  	s6 =	simm.s32 $0x0;
	s20 =	sshll.u32 s4, $0x1;
	s4 =	sadd.s32 s21, s2  }
0x9d: {  	[timem:s6], [sflag:s22] =	dma.local [hbm:s4], s20  }
0x9e: {  	_ =	swait.ge [sflag:s22], s20  }
0x9f: {  	s3 =	ssub.s32 $0x0, s20;
	[sflag:s22] =	ssyncset.done $0x0  }
0xa0: {  	[sflag:s22] =	ssyncadd.s32 s3;
	_ =	sdelay $0x1  }
0xa1: {  	s23 =	simm.s32 $0x1B8B  }
0xa2: {  	_ =	swait.ge [sflag:s23], $0x1  }
0xa3: {  	[sflag:s23] =	ssyncset.done $0x0  }
0xa4: {  	s25 =	simm.s32 $0x1B8E;
	s24 =	sld [smem:$0x3FFE];
	[sflag:s23] =	ssyncadd.s32 $0xFFFFFFFF  }
0xa5: {  	s26 =	simm.s32 $execute0_lowered;
	[smem:$0x3FD2] =	sst s25  }
0xa6: {  	s4 =	sshll.u32 s26, $0x1;
	_ =	strace $0x80000049;
	[dreg:$0x1] =	wrdreg $0xFFFFFFFF  }
0xa7: {  	s28 =	simm.s32 $_size_execute0_lowered;
	s2 =	sadd.s32 s2, s4;
	[dreg:$0x0] =	wrdreg $0x0  }
0xa8: {  	s4 =	sshll.u32 s28, $0x1;
	[dreg:$0x2] =	wrdreg s2  }
0xa9: {  	[dreg:$0x3] =	wrdreg s4  }
0xaa: {  	[dreg:$0x4] =	wrdreg $0xC0  }
0xab: {  	_ =	task [dreg:s6], $0x5FFFF  }
0xac: {  	[dreg:$0x1] =	wrdreg $0xFFFFFFFF  }
0xad: {  	[dreg:$0x0] =	wrdreg $0x60  }
0xae: {  	[dreg:$0x2] =	wrdreg s24  }
0xaf: {  	[dreg:$0x3] =	wrdreg $0x9  }
0xb0: {  	_ =	task.clear_ibuf [dreg:s6], $0x4FFFF;
	_ =	strace $0x90000049  }
0xb1: {  	s29 =	simm.s32 $0x9;
	_ =	strace $0x8000004B  }
0xb2: {  	_ =	swait.ge [sflag:s29], $0x1  }
0xb3: {  	[sflag:s29] =	ssyncadd.s32 $0xFFFFFFFF  }
0xb4: {  	_ =	strace $0x9000004B  }
0xb5: {  	_ =	sfence  }
0xb6: {  	s30 =	sld [smem:$0x0];
	_ =	sdelay $0x2  }
0xb7: {  	s31 =	sshll.u32 s1, $0xD;
	s1 =	sshrl.u32 s1, $0x2  }
0xb8: {  	s3 =	sand.u32 $0x4000, s31;
	s1 =	sadd.s32 s1, s30  }
0xb9: {  	s0 =	sor.u32 s3, s0;
	s1 =	sshll.u32 s1, $0x11  }
0xba: {  	s0 =	sor.u32 s1, s0  }
0xbb: {  	s0 =	sadd.s32 $0x8F2B, s0  }
0xbc: {  	[sflag:s0] =	ssyncadd.remote.s32 $0x1  }
0xbd: {  	_ =	sfence.sel $0xFFFF  }
0xbe: {  	[dreg:$0x0] =	wrdreg $0xFFFFFFFF;
	(pc) =	sbr.abs _section_cstart, $3  }
0xbf: {  	[dreg:$0x1] =	wrdreg $0xFFFFFFFF  }
0xc0: {  	_ =	task.clear_ibuf [dreg:s6], $0x2FFFF;
	_ =	strace $0x9FFFFFFF  }
0xc1: {  	(tm) =	ssettm $0x7FFFFFFF  }
tec
execute0_lowered:
.L_overlay_start_1:
0x0: {  	(tag) =	ssettag $0x1  }
0x1: {  	s0 =	srdreg.scid;
	s1 =	stileid.u32  }
0x2: {  	s4 =	rddreg [dreg:$0x0];
	s2 =	simm.s32 $0x0;
	s28 =	simm.s32 $0x4020  }
0x3: {  	s29 =	simm.s32 $0x5020;
	s0 =	sand.u32 $0x1, s0;
	s1 =	sshll.u32 s1, $0x1  }
0x4: {  	s30 =	simm.s32 $0x1;
	s31 =	simm.s32 $0x6020;
	s1 =	sor.u32 s0, s1  }
0x5: {  	[smem:$0x7FF] =	sst s2;
	s0 =	ssub.s32 $0x2, s0;
	s5 =	smul.u32 $0x3FF80, s1  }
0x6: {  	s3 =	sadd.s32 $0xE00, s4;
	s4 =	sadd.s32 $0x200E00, s4;
	s8 =	sshrl.u32 s0, $0x1  }
0x7: {  	_ =	strace $0x8000004A;
	s0 =	ssub.s32 s0, s8;
	s6 =	sadd.s32 $0x800, s5  }
0x8: {  	s13 =	sadd.s32 $0x1000, s5;
	s21 =	sadd.s32 $0x40000, s5;
	s7 =	sshll.u32 s6, $0x1  }
0x9: {  	s10 =	sshll.u32 s13, $0x1;
	s6 =	sadd.s32 s4, s6;
	s23 =	sshll.u32 s21, $0x1  }
0xa: {  	s21 =	sadd.s32 s4, s21;
	s9 =	sadd.s32 $0xFFFFFFF8, s7;
	s12 =	sadd.s32 $0xFFFFF000, s7  }
0xb: {  	s7 =	sshrl.u32 s7, $0x3;
	s14 =	sadd.s32 $0xFFFFFFF8, s10;
	s16 =	sadd.s32 $0xFFFFF000, s10  }
0xc: {  	s10 =	sshrl.u32 s10, $0x3;
	[dreg:$0x8] =	wrdreg s6;
	s25 =	sadd.s32 $0xFFFFFFF8, s23  }
0xd: {  	s26 =	sadd.s32 $0xFFFFF000, s23;
	s11 =	sshrl.u32 s9, $0x3;
	s7 =	sadd.s32 s3, s7  }
0xe: {  	s15 =	sshrl.u32 s14, $0x3;
	s18 =	sadd.s32 s3, s10;
	s9 =	sadd.s32 s4, s13  }
0xf: {  	s8 =	sadd.s32 s3, s11;
	s11 =	smul.u32 $0x7FF00, s1;
	[dreg:$0xc] =	wrdreg s9  }
0x10: {  	v0 =	vimm.s32 $0xA090807;
	s7 =	sadd.s32 $0x200, s7;
	s1 =	smul.u32 $0x1FFC00, s1;
	[dreg:$0x2] =	wrdreg s8  }
0x11: {  	v0 =	vunpack.c.0.s8.s32 v0;
	s8 =	sshrl.u32 s12, $0x3;
	[dreg:$0x4] =	wrdreg s7;
	s7 =	sadd.s32 s3, s15  }
0x12: {  	vm0 =	vcmask $0xF00;
	s8 =	sadd.s32 s3, s8;
	[dreg:$0x5] =	wrdreg s7;
	s7 =	sadd.s32 $0x200, s18  }
0x13: {  	vm8 =	vcmask $0x1310;
	v0 =	vnsel vm0, $0x2013, v0;
	s19 =	sadd.s32 $0x2FF8, s11;
	s20 =	sshrl.u32 s11, $0x3;
	[dreg:$0x3] =	wrdreg s8  }
0x14: {  	vm9 =	vcmask $0x1714;
	v0 =	vsel vm8, $0x1010, v0;
	s1 =	sshrl.u32 s1, $0x3;
	s8 =	sshrl.u32 s16, $0x3;
	[dreg:$0x7] =	wrdreg s7  }
0x15: {  	vm10 =	vcmask $0x1B18;
	v1 =	vimm.s32 $0xC0B0A09;
	v0 =	vsel vm9, $0x1011, v0;
	s6 =	sshrl.u32 s19, $0x3;
	s22 =	sadd.s32 s3, s20;
	s16 =	sadd.s32 $0x2000, s5  }
0x16: {  	vm11 =	vcmask $0x1F1C;
	v1 =	vunpack.c.0.s8.s32 v1;
	v0 =	vsel vm10, $0x2010, v0;
	s5 =	sadd.s32 s4, s5;
	s7 =	sshrl.u32 s23, $0x3;
	s1 =	sadd.s32 s4, s1  }
0x17: {  	vm12 =	vcmask $0x2F20;
	v0 =	vsel vm11, $0x2011, v0;
	s17 =	sadd.s32 s3, s8;
	s6 =	sadd.s32 s3, s6;
	s24 =	sadd.s32 $0x400, s22  }
0x18: {  	v2 =	vimm.s32 $0x10102107;
	v0 =	vsel vm12, v1, v0;
	v1 =	vimm.s32 $0x32324321;
	s7 =	sadd.s32 s3, s7;
	s20 =	sadd.s32 $0x3F800, s1;
	[dreg:$0x6] =	wrdreg s17  }
0x19: {  	v2 =	vunpack.c.l.s4.s8 v2;
	v1 =	vunpack.c.l.s4.s8 v1;
	s23 =	sadd.s32 $0x1800, s5;
	s1 =	simm.s32 $0x2;
	[dreg:$0x9] =	wrdreg s6  }
0x1a: {  	s5 =	simm.s32 $0x3;
	[dreg:$0xa] =	wrdreg s24;
	s6 =	sadd.s32 $0x800, s22  }
0x1b: {  	vm13 =	vcmask $0x3330;
	v2 =	vunpack.c.0.s8.s32 v2;
	v1 =	vunpack.c.0.s8.s32 v1;
	s19 =	sadd.s32 $0x200, s7;
	[dreg:$0xb] =	wrdreg s6;
	s6 =	sshrl.u32 s25, $0x3  }
0x1c: {  	vm14 =	vcmask $0x3734;
	v4 =	vlaneseq.u32;
	v0 =	vsel vm13, $0x1012, v0;
	s22 =	smax.u32 s0, $0x1;
	s24 =	simm.s32 $0x1010;
	s6 =	sadd.s32 s3, s6  }
0x1d: {  	v3 =	vsel vm14, $0x1013, v0;
	v0 =	vcombine.low v2, v1;
	v2 =	vshrl.u32 v4, $0x3;
	s0 =	simm.s32 $0xA020;
	[dreg:$0xd] =	wrdreg s6;
	s6 =	sshrl.u32 s26, $0x3  }
0x1e: {  	vm15 =	vcmask $0x3B38;
	v2 =	vmul.u32 $0x8, v2;
	s7 =	simm.s32 $0x0;
	s25 =	simm.s32 $0x2010;
	s6 =	sadd.s32 s3, s6  }
0x1f: {  	v1 =	vsel vm15, $0x2012, v3;
	v3 =	vand.u32 $0x7, v4;
	s26 =	simm.s32 $0x3010;
	[dreg:$0xe] =	wrdreg s6;
	s6 =	simm.s32 $0x4  }
.LBB2_1:
0x20: {  	s8 =	rddreg [dreg:$0x2]  }
0x21: {  	[tilespmem:s2], [sflag:$0x1] =	stream.linear.gather [hbm4b:s8+s2], $0x1010, $0x38;
	[tilespmem:$0xE020] =	vst v63  }
0x22: {  	s13 =	rddreg [dreg:$0x3]  }
0x23: {  	[tilespmem:s24], [sflag:$0x1] =	stream.linear.gather [hbm4b:s13+s2], $0x1000, $0x38;
	[tilespmem:$0xE020] =	vst v63  }
0x24: {  	s14 =	rddreg [dreg:$0x4]  }
0x25: {  	[tilespmem:s25], [sflag:$0x1] =	stream.linear.gather [hbm4b:s14+s2], $0x1000, $0x38;
	[tilespmem:$0xE020] =	vst v63  }
0x26: {  	s15 =	rddreg [dreg:$0x5]  }
0x27: {  	[tilespmem:s26], [sflag:$0x2] =	stream.linear.gather [hbm4b:s15+s2], $0x1010, $0x38;
	[tilespmem:$0xE020] =	vst v63  }
0x28: {  	s17 =	rddreg [dreg:$0x6]  }
0x29: {  	[tilespmem:s28], [sflag:$0x2] =	stream.linear.gather [hbm4b:s17+s2], $0x1000, $0x38;
	[tilespmem:$0xE020] =	vst v63  }
0x2a: {  	s18 =	rddreg [dreg:$0x7]  }
0x2b: {  	[tilespmem:s29], [sflag:$0x2] =	stream.linear.gather [hbm4b:s18+s2], $0x1000, $0x38;
	[tilespmem:$0xE020] =	vst v63  }
0x2c: {  	_ =	swait.ge [sflag:s30], $0x1010  }
0x2d: {  	[sflag:s30] =	ssyncset.done $0x0  }
0x2e: {  	v4 =	vadd.s32 s2, v1;
	[sflag:s30] =	ssyncadd.s32 $0xFFFFEFF0  }
0x2f: {  	v4 =	vand.u32 $0x7FF8, v4;
	_ =	swait.ge [sflag:s30], $0x1000  }
0x30: {  	v4 =	vor.u32 v0, v4;
	[sflag:s30] =	ssyncset.done $0x0  }
0x31: {  	[sflag:s30] =	ssyncadd.s32 $0xFFFFF000  }
0x32: {  	v5 =	vmov s2;
	_ =	swait.ge [sflag:s30], $0x1000  }
0x33: {  	v5 =	vshll.u32 v5, $0x3;
	[sflag:s30] =	ssyncset.done $0x0  }
0x34: {  	v5 =	vor.u32 v2, v5;
	[sflag:s30] =	ssyncadd.s32 $0xFFFFF000  }
0x35: {  	s8 =	simm.s32 $0x4;
	v5 =	vor.u32 v3, v5;
	v4 =	vld.idx.msk [tilespmem:v4+s2+$0x0], $0xffff  }
0x36: {  	v6 =	vadd.s32 s8, v1;
	_ =	sdelay $0x1  }
0x37: {  	s9 =	simm.s32 $0x2  }
0x38: {  	v7 =	vmov s9  }
0x39: {  	s9 =	simm.s32 $0x8;
	v7 =	vshll.u32 v7, $0x3;
	[tilespmem:v5+s31+$0x0] =	vst.idx.msk $0xffff, v4  }
0x3a: {  	s10 =	simm.s32 $0x8;
	v5 =	vadd.s32 s9, v1;
	v4 =	vld.idx.msk [tilespmem:v6+s2+$0x0], $0xffff;
	v6 =	vor.u32 v2, v7  }
.LBB2_2:
0x3b: {  	p0 =	sne.s32 s10, $0x7FC;
	v5 =	vand.u32 $0x7FF8, v5;
	v6 =	vor.u32 v3, v6  }
0x3c: {  	v5 =	vor.u32 v0, v5;
	_ =	sdelay $0x2  }
0x3d: {  	v7 =	vmov s8  }
0x3e: {  	v7 =	vshll.u32 v7, $0x3;
	[tilespmem:v6+s31+$0x0] =	vst.idx.msk $0xffff, v4  }
0x3f: {  	v4 =	vld.idx.msk [tilespmem:v5+s2+$0x0], $0xffff;
	v5 =	vor.u32 v2, v7  }
0x40: {  	s11 =	sadd.s32 $0x4, s9;
	v5 =	vor.u32 v3, v5  }
0x41: {  	v6 =	vadd.s32 s11, v1  }
.Ltmp0:
0x42: {  	(pc) =	sbr.rel @p0 .LBB2_2-.Ltmp0, $4  }
0x43: {  	s11 =	sadd.s32 $0x2, s8;
	s8 =	smov.u32 s10  }
0x44: {  	v7 =	vmov s11  }
0x45: {  	s9 =	sadd.s32 $0x8, s9;
	v7 =	vshll.u32 v7, $0x3;
	[tilespmem:v5+s31+$0x0] =	vst.idx.msk $0xffff, v4  }
0x46: {  	s10 =	sadd.s32 $0x4, s10;
	v5 =	vadd.s32 s9, v1;
	v4 =	vld.idx.msk [tilespmem:v6+s2+$0x0], $0xffff;
	v6 =	vor.u32 v2, v7  }
0x47: {  	v5 =	vand.u32 $0x7FF8, v5;
	v6 =	vor.u32 v3, v6  }
0x48: {  	v5 =	vor.u32 v0, v5;
	_ =	sdelay $0x1  }
0x49: {  	v7 =	vmov s8  }
0x4a: {  	v7 =	vshll.u32 v7, $0x3  }
0x4b: {  	[tilespmem:v6+s31+$0x0] =	vst.idx.msk $0xffff, v4;
	v4 =	vor.u32 v2, v7  }
0x4c: {  	s9 =	sadd.s32 $0x4, s9;
	v5 =	vld.idx.msk [tilespmem:v5+s2+$0x0], $0xffff;
	v4 =	vor.u32 v3, v4  }
0x4d: {  	v6 =	vadd.s32 s9, v1  }
0x4e: {  	s11 =	sadd.s32 $0x2, s8  }
0x4f: {  	v7 =	vmov s11  }
0x50: {  	v7 =	vshll.u32 v7, $0x3  }
0x51: {  	[tilespmem:v4+s31+$0x0] =	vst.idx.msk $0xffff, v5;
	v4 =	vor.u32 v2, v7  }
0x52: {  	v5 =	vld.idx.msk [tilespmem:v6+s2+$0x0], $0xffff;
	v4 =	vor.u32 v3, v4;
	_ =	sdelay $0x4  }
0x53: {  	s12 =	simm.s32 $0x0;
	s13 =	rddreg [dreg:$0x8];
	[tilespmem:v4+s31+$0x0] =	vst.idx.msk $0xffff, v5  }
0x54: {  	[hbm4b:s13+s12] =	stream.linear.scatter [tilespmem:s31], [sflag:$0x3], $0x4000, $0x38;
	[tilespmem:$0xE020] =	vst v63  }
0x55: {  	s14 =	rddreg [dreg:$0x9]  }
0x56: {  	[tilespmem:s12], [sflag:$0x1] =	stream.linear.gather [hbm4b:s14+s12], $0x1010, $0x38;
	[tilespmem:$0xE020] =	vst v63  }
0x57: {  	s15 =	rddreg [dreg:$0xa]  }
0x58: {  	[tilespmem:s24], [sflag:$0x1] =	stream.linear.gather [hbm4b:s15+s12], $0x1000, $0x38;
	[tilespmem:$0xE020] =	vst v63  }
0x59: {  	s17 =	rddreg [dreg:$0xb]  }
0x5a: {  	[tilespmem:s25], [sflag:$0x1] =	stream.linear.gather [hbm4b:s17+s12], $0x1000, $0x38;
	[tilespmem:$0xE020] =	vst v63  }
0x5b: {  	_ =	swait.ge [sflag:s1], $0x1010  }
0x5c: {  	[sflag:s1] =	ssyncset.done $0x0  }
0x5d: {  	v4 =	vadd.s32 s12, v1;
	[sflag:s1] =	ssyncadd.s32 $0xFFFFEFF0  }
0x5e: {  	v4 =	vand.u32 $0x7FF8, v4;
	_ =	swait.ge [sflag:s1], $0x1000  }
0x5f: {  	v4 =	vor.u32 v0, v4;
	[sflag:s1] =	ssyncset.done $0x0  }
0x60: {  	[sflag:s1] =	ssyncadd.s32 $0xFFFFF000  }
0x61: {  	v5 =	vmov s12;
	_ =	swait.ge [sflag:s1], $0x1000  }
0x62: {  	v5 =	vshll.u32 v5, $0x3;
	[sflag:s1] =	ssyncset.done $0x0  }
0x63: {  	v5 =	vor.u32 v2, v5;
	[sflag:s1] =	ssyncadd.s32 $0xFFFFF000  }
0x64: {  	s8 =	simm.s32 $0x4;
	v5 =	vor.u32 v3, v5;
	v4 =	vld.idx.msk [tilespmem:v4+s26+$0x0], $0xffff  }
0x65: {  	v6 =	vadd.s32 s8, v1;
	_ =	sdelay $0x1  }
0x66: {  	s18 =	simm.s32 $0x2  }
0x67: {  	v7 =	vmov s18  }
0x68: {  	s9 =	simm.s32 $0x8;
	v7 =	vshll.u32 v7, $0x3;
	[tilespmem:v5+s0+$0x0] =	vst.idx.msk $0xffff, v4  }
0x69: {  	s10 =	simm.s32 $0x8;
	v5 =	vadd.s32 s9, v1;
	v4 =	vld.idx.msk [tilespmem:v6+s26+$0x0], $0xffff;
	v6 =	vor.u32 v2, v7  }
.LBB2_4:
0x6a: {  	p0 =	sne.s32 s10, $0x7FC;
	v5 =	vand.u32 $0x7FF8, v5;
	v6 =	vor.u32 v3, v6  }
0x6b: {  	v5 =	vor.u32 v0, v5;
	_ =	sdelay $0x2  }
0x6c: {  	v7 =	vmov s8  }
0x6d: {  	v7 =	vshll.u32 v7, $0x3;
	[tilespmem:v6+s0+$0x0] =	vst.idx.msk $0xffff, v4  }
0x6e: {  	v4 =	vld.idx.msk [tilespmem:v5+s26+$0x0], $0xffff;
	v5 =	vor.u32 v2, v7  }
0x6f: {  	s11 =	sadd.s32 $0x4, s9;
	v5 =	vor.u32 v3, v5  }
0x70: {  	v6 =	vadd.s32 s11, v1  }
.Ltmp1:
0x71: {  	(pc) =	sbr.rel @p0 .LBB2_4-.Ltmp1, $4  }
0x72: {  	s11 =	sadd.s32 $0x2, s8;
	s8 =	smov.u32 s10  }
0x73: {  	v7 =	vmov s11  }
0x74: {  	s9 =	sadd.s32 $0x8, s9;
	v7 =	vshll.u32 v7, $0x3;
	[tilespmem:v5+s0+$0x0] =	vst.idx.msk $0xffff, v4  }
0x75: {  	s10 =	sadd.s32 $0x4, s10;
	v5 =	vadd.s32 s9, v1;
	v4 =	vld.idx.msk [tilespmem:v6+s26+$0x0], $0xffff;
	v6 =	vor.u32 v2, v7  }
0x76: {  	v5 =	vand.u32 $0x7FF8, v5;
	v6 =	vor.u32 v3, v6  }
0x77: {  	v5 =	vor.u32 v0, v5;
	_ =	sdelay $0x1  }
0x78: {  	v7 =	vmov s8  }
0x79: {  	v7 =	vshll.u32 v7, $0x3  }
0x7a: {  	[tilespmem:v6+s0+$0x0] =	vst.idx.msk $0xffff, v4;
	v4 =	vor.u32 v2, v7  }
0x7b: {  	s9 =	sadd.s32 $0x4, s9;
	v5 =	vld.idx.msk [tilespmem:v5+s26+$0x0], $0xffff;
	v4 =	vor.u32 v3, v4  }
0x7c: {  	v62 =	vadd.s32 s9, v1  }
0x7d: {  	s17 =	sadd.s32 $0x2, s8  }
0x7e: {  	v63 =	vmov s17  }
0x7f: {  	v7 =	vshll.u32 v63, $0x3  }
0x80: {  	[tilespmem:v4+s0+$0x0] =	vst.idx.msk $0xffff, v5;
	v4 =	vor.u32 v2, v7  }
0x81: {  	v5 =	vld.idx.msk [tilespmem:v62+s26+$0x0], $0xffff;
	v4 =	vor.u32 v3, v4;
	_ =	sdelay $0x4  }
0x82: {  	s8 =	simm.s32 $0x0;
	s18 =	rddreg [dreg:$0xc];
	s9 =	simm.s32 $0x0;
	[tilespmem:v4+s0+$0x0] =	vst.idx.msk $0xffff, v5  }
0x83: {  	[hbm4b:s18+s8] =	stream.linear.scatter [tilespmem:s0], [sflag:$0x4], $0x4000, $0x38;
	[tilespmem:$0xE020] =	vst v63  }
.LBB2_6:
0x84: {  	s13 =	sshll.u32 s9, $0xC  }
0x85: {  	s10 =	sadd.s32 s13, s16  }
0x86: {  	s11 =	sshll.u32 s10, $0x1  }
0x87: {  	s12 =	sadd.s32 $0xFFFFFFF8, s11  }
0x88: {  	s12 =	sshrl.u32 s12, $0x3  }
0x89: {  	s17 =	sadd.s32 $0xFFFFF000, s11;
	s12 =	sadd.s32 s3, s12  }
0x8a: {  	[tilespmem:s26], [sflag:$0x2] =	stream.linear.gather [hbm4b:s12+s8], $0x1010, $0x38;
	[tilespmem:$0xE020] =	vst v63  }
0x8b: {  	s12 =	sshrl.u32 s17, $0x3  }
0x8c: {  	s18 =	sshrl.u32 s11, $0x3;
	s12 =	sadd.s32 s3, s12  }
0x8d: {  	[tilespmem:s28], [sflag:$0x2] =	stream.linear.gather [hbm4b:s12+s8], $0x1000, $0x38;
	[tilespmem:$0xE020] =	vst v63  }
0x8e: {  	s12 =	sadd.s32 s3, s18  }
0x8f: {  	s14 =	sadd.s32 $0x200, s12  }
0x90: {  	[tilespmem:s29], [sflag:$0x2] =	stream.linear.gather [hbm4b:s14+s8], $0x1000, $0x38;
	[tilespmem:$0xE020] =	vst v63  }
0x91: {  	_ =	swait.ge [sflag:s30], $0x1010  }
0x92: {  	[sflag:s30] =	ssyncset.done $0x0  }
0x93: {  	[sflag:s30] =	ssyncadd.s32 $0xFFFFEFF0  }
0x94: {  	_ =	swait.ge [sflag:s30], $0x1000  }
0x95: {  	[sflag:s30] =	ssyncset.done $0x0  }
0x96: {  	v4 =	vadd.s32 s8, v1;
	[sflag:s30] =	ssyncadd.s32 $0xFFFFF000  }
0x97: {  	v4 =	vand.u32 $0x7FF8, v4;
	_ =	swait.ge [sflag:s30], $0x1000  }
0x98: {  	v4 =	vor.u32 v0, v4;
	[sflag:s30] =	ssyncset.done $0x0  }
0x99: {  	[sflag:s30] =	ssyncadd.s32 $0xFFFFF000  }
0x9a: {  	v5 =	vmov s8;
	_ =	swait.ge [sflag:s5], $0x4000  }
0x9b: {  	v5 =	vshll.u32 v5, $0x3;
	[sflag:s5] =	ssyncset.done $0x0  }
0x9c: {  	v5 =	vor.u32 v2, v5;
	[sflag:s5] =	ssyncadd.s32 $0xFFFFC000  }
0x9d: {  	v5 =	vor.u32 v3, v5;
	s14 =	simm.s32 $0x4;
	v4 =	vld.idx.msk [tilespmem:v4+s2+$0x0], $0xffff  }
0x9e: {  	v6 =	vadd.s32 s14, v1;
	_ =	sdelay $0x1  }
0x9f: {  	s15 =	simm.s32 $0x2  }
0xa0: {  	v7 =	vmov s15  }
0xa1: {  	s15 =	simm.s32 $0x8;
	v7 =	vshll.u32 v7, $0x3;
	[tilespmem:v5+s31+$0x0] =	vst.idx.msk $0xffff, v4  }
0xa2: {  	s13 =	sadd.s32 s23, s13;
	s17 =	simm.s32 $0x8;
	v5 =	vadd.s32 s15, v1;
	v4 =	vld.idx.msk [tilespmem:v6+s2+$0x0], $0xffff;
	v6 =	vor.u32 v2, v7  }
.LBB2_7:
0xa3: {  	p0 =	sne.s32 s17, $0x7FC;
	v5 =	vand.u32 $0x7FF8, v5;
	v6 =	vor.u32 v3, v6  }
0xa4: {  	v5 =	vor.u32 v0, v5;
	_ =	sdelay $0x2  }
0xa5: {  	v7 =	vmov s14  }
0xa6: {  	v7 =	vshll.u32 v7, $0x3;
	[tilespmem:v6+s31+$0x0] =	vst.idx.msk $0xffff, v4  }
0xa7: {  	v4 =	vld.idx.msk [tilespmem:v5+s2+$0x0], $0xffff;
	v5 =	vor.u32 v2, v7  }
0xa8: {  	s18 =	sadd.s32 $0x4, s15;
	v5 =	vor.u32 v3, v5  }
0xa9: {  	v6 =	vadd.s32 s18, v1  }
.Ltmp2:
0xaa: {  	(pc) =	sbr.rel @p0 .LBB2_7-.Ltmp2, $4  }
0xab: {  	s18 =	sadd.s32 $0x2, s14;
	s14 =	smov.u32 s17  }
0xac: {  	v7 =	vmov s18  }
0xad: {  	s15 =	sadd.s32 $0x8, s15;
	v7 =	vshll.u32 v7, $0x3;
	[tilespmem:v5+s31+$0x0] =	vst.idx.msk $0xffff, v4  }
0xae: {  	s17 =	sadd.s32 $0x4, s17;
	v5 =	vadd.s32 s15, v1;
	v4 =	vld.idx.msk [tilespmem:v6+s2+$0x0], $0xffff;
	v6 =	vor.u32 v2, v7  }
0xaf: {  	v5 =	vand.u32 $0x7FF8, v5;
	v6 =	vor.u32 v3, v6  }
0xb0: {  	v5 =	vor.u32 v0, v5;
	_ =	sdelay $0x1  }
0xb1: {  	v7 =	vmov s14  }
0xb2: {  	v7 =	vshll.u32 v7, $0x3  }
0xb3: {  	[tilespmem:v6+s31+$0x0] =	vst.idx.msk $0xffff, v4;
	v4 =	vor.u32 v2, v7  }
0xb4: {  	s15 =	sadd.s32 $0x4, s15;
	v5 =	vld.idx.msk [tilespmem:v5+s2+$0x0], $0xffff;
	v4 =	vor.u32 v3, v4  }
0xb5: {  	v6 =	vadd.s32 s15, v1  }
0xb6: {  	s17 =	sadd.s32 $0x2, s14  }
0xb7: {  	v7 =	vmov s17  }
0xb8: {  	v7 =	vshll.u32 v7, $0x3  }
0xb9: {  	[tilespmem:v4+s31+$0x0] =	vst.idx.msk $0xffff, v5;
	v4 =	vor.u32 v2, v7  }
0xba: {  	v5 =	vld.idx.msk [tilespmem:v6+s2+$0x0], $0xffff;
	v4 =	vor.u32 v3, v4;
	_ =	sdelay $0x3  }
0xbb: {  	s11 =	sadd.s32 $0xFF8, s11  }
0xbc: {  	s18 =	simm.s32 $0x0;
	s11 =	sshrl.u32 s11, $0x3;
	[tilespmem:v4+s31+$0x0] =	vst.idx.msk $0xffff, v5  }
0xbd: {  	[hbm4b:s13+s18] =	stream.linear.scatter [tilespmem:s31], [sflag:$0x3], $0x4000, $0x38;
	[tilespmem:$0xE020] =	vst v63  }
0xbe: {  	s11 =	sadd.s32 s3, s11;
	s15 =	sshrl.u32 s10, $0x2  }
0xbf: {  	[tilespmem:s18], [sflag:$0x1] =	stream.linear.gather [hbm4b:s11+s18], $0x1010, $0x38;
	[tilespmem:$0xE020] =	vst v63  }
0xc0: {  	s11 =	sadd.s32 s3, s15  }
0xc1: {  	[tilespmem:s24], [sflag:$0x1] =	stream.linear.gather [hbm4b:s11+s18], $0x1000, $0x38;
	[tilespmem:$0xE020] =	vst v63  }
0xc2: {  	s17 =	sadd.s32 $0x400, s12  }
0xc3: {  	[tilespmem:s25], [sflag:$0x1] =	stream.linear.gather [hbm4b:s17+s18], $0x1000, $0x38;
	[tilespmem:$0xE020] =	vst v63  }
0xc4: {  	_ =	swait.ge [sflag:s1], $0x1010  }
0xc5: {  	[sflag:s1] =	ssyncset.done $0x0  }
0xc6: {  	[sflag:s1] =	ssyncadd.s32 $0xFFFFEFF0  }
0xc7: {  	_ =	swait.ge [sflag:s1], $0x1000  }
0xc8: {  	[sflag:s1] =	ssyncset.done $0x0  }
0xc9: {  	v4 =	vadd.s32 s18, v1;
	[sflag:s1] =	ssyncadd.s32 $0xFFFFF000  }
0xca: {  	v4 =	vand.u32 $0x7FF8, v4;
	_ =	swait.ge [sflag:s1], $0x1000  }
0xcb: {  	v4 =	vor.u32 v0, v4;
	[sflag:s1] =	ssyncset.done $0x0  }
0xcc: {  	[sflag:s1] =	ssyncadd.s32 $0xFFFFF000  }
0xcd: {  	v5 =	vmov s18;
	_ =	swait.ge [sflag:s6], $0x4000  }
0xce: {  	v5 =	vshll.u32 v5, $0x3;
	[sflag:s6] =	ssyncset.done $0x0  }
0xcf: {  	v5 =	vor.u32 v2, v5;
	[sflag:s6] =	ssyncadd.s32 $0xFFFFC000  }
0xd0: {  	v5 =	vor.u32 v3, v5;
	s11 =	simm.s32 $0x4;
	v4 =	vld.idx.msk [tilespmem:v4+s26+$0x0], $0xffff  }
0xd1: {  	v6 =	vadd.s32 s11, v1;
	_ =	sdelay $0x1  }
0xd2: {  	s18 =	simm.s32 $0x2  }
0xd3: {  	v7 =	vmov s18  }
0xd4: {  	s12 =	simm.s32 $0x8;
	v7 =	vshll.u32 v7, $0x3;
	[tilespmem:v5+s0+$0x0] =	vst.idx.msk $0xffff, v4  }
0xd5: {  	s10 =	sadd.s32 s4, s10;
	s13 =	simm.s32 $0x8;
	v5 =	vadd.s32 s12, v1;
	v4 =	vld.idx.msk [tilespmem:v6+s26+$0x0], $0xffff;
	v6 =	vor.u32 v2, v7  }
.LBB2_9:
0xd6: {  	p0 =	sne.s32 s13, $0x7FC;
	v5 =	vand.u32 $0x7FF8, v5;
	v6 =	vor.u32 v3, v6  }
0xd7: {  	v5 =	vor.u32 v0, v5;
	_ =	sdelay $0x2  }
0xd8: {  	v7 =	vmov s11  }
0xd9: {  	v7 =	vshll.u32 v7, $0x3;
	[tilespmem:v6+s0+$0x0] =	vst.idx.msk $0xffff, v4  }
0xda: {  	v4 =	vld.idx.msk [tilespmem:v5+s26+$0x0], $0xffff;
	v5 =	vor.u32 v2, v7  }
0xdb: {  	s14 =	sadd.s32 $0x4, s12;
	v5 =	vor.u32 v3, v5  }
0xdc: {  	v6 =	vadd.s32 s14, v1  }
.Ltmp3:
0xdd: {  	(pc) =	sbr.rel @p0 .LBB2_9-.Ltmp3, $4  }
0xde: {  	s14 =	sadd.s32 $0x2, s11;
	s11 =	smov.u32 s13  }
0xdf: {  	v7 =	vmov s14  }
0xe0: {  	s12 =	sadd.s32 $0x8, s12;
	v7 =	vshll.u32 v7, $0x3;
	[tilespmem:v5+s0+$0x0] =	vst.idx.msk $0xffff, v4  }
0xe1: {  	s13 =	sadd.s32 $0x4, s13;
	v5 =	vadd.s32 s12, v1;
	v4 =	vld.idx.msk [tilespmem:v6+s26+$0x0], $0xffff;
	v6 =	vor.u32 v2, v7  }
0xe2: {  	v5 =	vand.u32 $0x7FF8, v5;
	v6 =	vor.u32 v3, v6  }
0xe3: {  	v5 =	vor.u32 v0, v5;
	_ =	sdelay $0x1  }
0xe4: {  	v7 =	vmov s11  }
0xe5: {  	v7 =	vshll.u32 v7, $0x3  }
0xe6: {  	[tilespmem:v6+s0+$0x0] =	vst.idx.msk $0xffff, v4;
	v4 =	vor.u32 v2, v7  }
0xe7: {  	s12 =	sadd.s32 $0x4, s12;
	v5 =	vld.idx.msk [tilespmem:v5+s26+$0x0], $0xffff;
	v4 =	vor.u32 v3, v4  }
0xe8: {  	v62 =	vadd.s32 s12, v1  }
0xe9: {  	s18 =	sadd.s32 $0x2, s11  }
0xea: {  	v63 =	vmov s18  }
0xeb: {  	v7 =	vshll.u32 v63, $0x3  }
0xec: {  	[tilespmem:v4+s0+$0x0] =	vst.idx.msk $0xffff, v5;
	v4 =	vor.u32 v2, v7  }
0xed: {  	s9 =	sadd.s32 $0x1, s9;
	v5 =	vld.idx.msk [tilespmem:v62+s26+$0x0], $0xffff;
	v4 =	vor.u32 v3, v4  }
0xee: {  	p0 =	sne.s32 s9, $0x3E  }
.Ltmp4:
0xef: {  	_ = 	snop;
	(pc) =	sbr.rel @p0 .LBB2_6-.Ltmp4, $3  }
0xf0: {  	_ =	sdelay $0x1  }
0xf1: {  	[tilespmem:v4+s0+$0x0] =	vst.idx.msk $0xffff, v5  }
0xf2: {  	[hbm4b:s10+s2] =	stream.linear.scatter [tilespmem:s0], [sflag:$0x4], $0x4000, $0x38;
	[tilespmem:$0xE020] =	vst v63  }
0xf3: {  	s8 =	simm.s32 $0x0;
	s9 =	rddreg [dreg:$0xd]  }
0xf4: {  	[tilespmem:s26], [sflag:$0x2] =	stream.linear.gather [hbm4b:s9+s8], $0xF10, $0x38;
	[tilespmem:$0xE020] =	vst v63  }
0xf5: {  	s17 =	rddreg [dreg:$0xe]  }
0xf6: {  	[tilespmem:s28], [sflag:$0x2] =	stream.linear.gather [hbm4b:s17+s8], $0xF00, $0x38;
	[tilespmem:$0xE020] =	vst v63  }
0xf7: {  	_ = 	snop  }
0xf8: {  	[tilespmem:s29], [sflag:$0x2] =	stream.linear.gather [hbm4b:s19+s8], $0xF00, $0x38;
	[tilespmem:$0xE020] =	vst v63  }
0xf9: {  	_ =	swait.ge [sflag:s30], $0x1010  }
0xfa: {  	[sflag:s30] =	ssyncset.done $0x0  }
0xfb: {  	[sflag:s30] =	ssyncadd.s32 $0xFFFFEFF0  }
0xfc: {  	_ =	swait.ge [sflag:s30], $0x1000  }
0xfd: {  	[sflag:s30] =	ssyncset.done $0x0  }
0xfe: {  	v4 =	vadd.s32 s8, v1;
	[sflag:s30] =	ssyncadd.s32 $0xFFFFF000  }
0xff: {  	v4 =	vand.u32 $0x7FF8, v4;
	_ =	swait.ge [sflag:s30], $0x1000  }
0x100: {  	v4 =	vor.u32 v0, v4;
	[sflag:s30] =	ssyncset.done $0x0  }
0x101: {  	[sflag:s30] =	ssyncadd.s32 $0xFFFFF000  }
0x102: {  	v5 =	vmov s8;
	_ =	swait.ge [sflag:s5], $0x4000  }
0x103: {  	v5 =	vshll.u32 v5, $0x3;
	[sflag:s5] =	ssyncset.done $0x0  }
0x104: {  	v5 =	vor.u32 v2, v5;
	[sflag:s5] =	ssyncadd.s32 $0xFFFFC000  }
0x105: {  	v5 =	vor.u32 v3, v5;
	s8 =	simm.s32 $0x4;
	v4 =	vld.idx.msk [tilespmem:v4+s2+$0x0], $0xffff  }
0x106: {  	v6 =	vadd.s32 s8, v1;
	_ =	sdelay $0x1  }
0x107: {  	s18 =	simm.s32 $0x2  }
0x108: {  	v7 =	vmov s18  }
0x109: {  	s9 =	simm.s32 $0x8;
	v7 =	vshll.u32 v7, $0x3;
	[tilespmem:v5+s31+$0x0] =	vst.idx.msk $0xffff, v4  }
0x10a: {  	s10 =	simm.s32 $0x8;
	v5 =	vadd.s32 s9, v1;
	v4 =	vld.idx.msk [tilespmem:v6+s2+$0x0], $0xffff;
	v6 =	vor.u32 v2, v7  }
.LBB2_12:
0x10b: {  	p0 =	sne.s32 s10, $0x7FC;
	v5 =	vand.u32 $0x7FF8, v5;
	v6 =	vor.u32 v3, v6  }
0x10c: {  	v5 =	vor.u32 v0, v5;
	_ =	sdelay $0x2  }
0x10d: {  	v7 =	vmov s8  }
0x10e: {  	v7 =	vshll.u32 v7, $0x3;
	[tilespmem:v6+s31+$0x0] =	vst.idx.msk $0xffff, v4  }
0x10f: {  	v4 =	vld.idx.msk [tilespmem:v5+s2+$0x0], $0xffff;
	v5 =	vor.u32 v2, v7  }
0x110: {  	s11 =	sadd.s32 $0x4, s9;
	v5 =	vor.u32 v3, v5  }
0x111: {  	v6 =	vadd.s32 s11, v1  }
.Ltmp5:
0x112: {  	(pc) =	sbr.rel @p0 .LBB2_12-.Ltmp5, $4  }
0x113: {  	s11 =	sadd.s32 $0x2, s8;
	s8 =	smov.u32 s10  }
0x114: {  	v7 =	vmov s11  }
0x115: {  	s9 =	sadd.s32 $0x8, s9;
	v7 =	vshll.u32 v7, $0x3;
	[tilespmem:v5+s31+$0x0] =	vst.idx.msk $0xffff, v4  }
0x116: {  	s10 =	sadd.s32 $0x4, s10;
	v5 =	vadd.s32 s9, v1;
	v4 =	vld.idx.msk [tilespmem:v6+s2+$0x0], $0xffff;
	v6 =	vor.u32 v2, v7  }
0x117: {  	v5 =	vand.u32 $0x7FF8, v5;
	v6 =	vor.u32 v3, v6  }
0x118: {  	v5 =	vor.u32 v0, v5;
	_ =	sdelay $0x1  }
0x119: {  	v7 =	vmov s8  }
0x11a: {  	v7 =	vshll.u32 v7, $0x3  }
0x11b: {  	[tilespmem:v6+s31+$0x0] =	vst.idx.msk $0xffff, v4;
	v4 =	vor.u32 v2, v7  }
0x11c: {  	s9 =	sadd.s32 $0x4, s9;
	v5 =	vld.idx.msk [tilespmem:v5+s2+$0x0], $0xffff;
	v4 =	vor.u32 v3, v4  }
0x11d: {  	v6 =	vadd.s32 s9, v1  }
0x11e: {  	s14 =	sadd.s32 $0x2, s8  }
0x11f: {  	v7 =	vmov s14  }
0x120: {  	v7 =	vshll.u32 v7, $0x3  }
0x121: {  	[tilespmem:v4+s31+$0x0] =	vst.idx.msk $0xffff, v5;
	v4 =	vor.u32 v2, v7  }
0x122: {  	v5 =	vld.idx.msk [tilespmem:v6+s2+$0x0], $0xffff;
	v4 =	vor.u32 v3, v4;
	_ =	sdelay $0x4  }
0x123: {  	s15 =	simm.s32 $0x2;
	[tilespmem:v4+s31+$0x0] =	vst.idx.msk $0xffff, v5  }
0x124: {  	[hbm4b:s20+s2] =	stream.linear.scatter [tilespmem:s31], [sflag:$0x3], $0x4000, $0x38;
	[tilespmem:$0xE020] =	vst v63  }
0x125: {  	_ =	swait.ge [sflag:s15], $0xF10  }
0x126: {  	[sflag:s15] =	ssyncset.done $0x0  }
0x127: {  	[sflag:s15] =	ssyncadd.s32 $0xFFFFF0F0  }
0x128: {  	_ =	swait.ge [sflag:s15], $0xF00  }
0x129: {  	s17 =	simm.s32 $0x0;
	[sflag:s15] =	ssyncset.done $0x0  }
0x12a: {  	v4 =	vadd.s32 s17, v1;
	[sflag:s15] =	ssyncadd.s32 $0xFFFFF100  }
0x12b: {  	v4 =	vand.u32 $0x7FF8, v4;
	_ =	swait.ge [sflag:s15], $0xF00  }
0x12c: {  	v4 =	vor.u32 v0, v4;
	[sflag:s15] =	ssyncset.done $0x0  }
0x12d: {  	s10 =	simm.s32 $0x4;
	s18 =	simm.s32 $0x0;
	[sflag:s15] =	ssyncadd.s32 $0xFFFFF100  }
0x12e: {  	v5 =	vmov s18;
	_ =	swait.ge [sflag:s10], $0x4000  }
0x12f: {  	v5 =	vshll.u32 v5, $0x3;
	[sflag:s10] =	ssyncset.done $0x0  }
0x130: {  	v5 =	vor.u32 v2, v5;
	[sflag:s10] =	ssyncadd.s32 $0xFFFFC000  }
0x131: {  	v5 =	vor.u32 v3, v5;
	v6 =	vld.idx.msk [tilespmem:v4+s26+$0x0], $0xffff  }
0x132: {  	v4 =	vadd.s32 s10, v1;
	_ =	sdelay $0x2  }
0x133: {  	s8 =	simm.s32 $0x6;
	v7 =	vmov s15  }
0x134: {  	s11 =	simm.s32 $0x8;
	s9 =	simm.s32 $0xC;
	s10 =	simm.s32 $0xA;
	[tilespmem:v5+s0+$0x0] =	vst.idx.msk $0xffff, v6;
	v5 =	vshll.u32 v7, $0x3  }
.LBB2_14:
0x135: {  	p0 =	sne.s32 s10, $0x77E;
	v6 =	vadd.s32 s11, v1;
	v4 =	vld.idx.msk [tilespmem:v4+s26+$0x0], $0xffff;
	v5 =	vor.u32 v2, v5  }
0x136: {  	v6 =	vand.u32 $0x7FF8, v6;
	v5 =	vor.u32 v3, v5  }
0x137: {  	v6 =	vor.u32 v0, v6;
	_ =	sdelay $0x1  }
0x138: {  	s11 =	sadd.s32 $0xFFFFFFFE, s8  }
0x139: {  	v7 =	vmov s11  }
0x13a: {  	v7 =	vshll.u32 v7, $0x3;
	[tilespmem:v5+s0+$0x0] =	vst.idx.msk $0xffff, v4  }
0x13b: {  	v4 =	vor.u32 v2, v7;
	v5 =	vld.idx.msk [tilespmem:v6+s26+$0x0], $0xffff  }
0x13c: {  	v6 =	vor.u32 v3, v4  }
.Ltmp6:
0x13d: {  	v4 =	vadd.s32 s9, v1;
	(pc) =	sbr.rel @p0 .LBB2_14-.Ltmp6, $3  }
0x13e: {  	_ =	sdelay $0x1  }
0x13f: {  	v7 =	vmov s8;
	s8 =	smov.u32 s10;
	s9 =	sadd.s32 $0x8, s9  }
0x140: {  	s10 =	sadd.s32 $0x4, s10;
	s11 =	sadd.s32 $0xFFFFFFFC, s9;
	[tilespmem:v6+s0+$0x0] =	vst.idx.msk $0xffff, v5;
	v5 =	vshll.u32 v7, $0x3  }
0x141: {  	_ =	sdelay $0x2  }
0x142: {  	v6 =	vadd.s32 s11, v1;
	v5 =	vor.u32 v2, v5  }
0x143: {  	v4 =	vld.idx.msk [tilespmem:v4+s26+$0x0], $0xffff;
	v6 =	vand.u32 $0x7FF8, v6;
	v5 =	vor.u32 v3, v5  }
0x144: {  	v6 =	vor.u32 v0, v6  }
0x145: {  	s10 =	sadd.s32 $0xFFFFFFFE, s8  }
0x146: {  	v7 =	vmov s10  }
0x147: {  	v7 =	vshll.u32 v7, $0x3  }
0x148: {  	[tilespmem:v5+s0+$0x0] =	vst.idx.msk $0xffff, v4;
	v4 =	vor.u32 v2, v7  }
0x149: {  	v5 =	vld.idx.msk [tilespmem:v6+s26+$0x0], $0xffff;
	v4 =	vor.u32 v3, v4  }
0x14a: {  	v62 =	vadd.s32 s9, v1;
	_ =	sdelay $0x1  }
0x14b: {  	v63 =	vmov s8  }
0x14c: {  	v7 =	vshll.u32 v63, $0x3  }
0x14d: {  	[tilespmem:v4+s0+$0x0] =	vst.idx.msk $0xffff, v5;
	v4 =	vor.u32 v2, v7  }
0x14e: {  	v5 =	vld.idx.msk [tilespmem:v62+s26+$0x0], $0xffff;
	v4 =	vor.u32 v3, v4;
	_ =	sdelay $0x4  }
0x14f: {  	s7 =	sadd.s32 $0x1, s7;
	[tilespmem:v4+s0+$0x0] =	vst.idx.msk $0xffff, v5  }
0x150: {  	[hbm4b:s21+s2] =	stream.linear.scatter [tilespmem:s0], [sflag:$0x4], $0x3C00, $0x38;
	[tilespmem:$0xE020] =	vst v63  }
0x151: {  	p0 =	sne.s32 s7, s22;
	_ =	swait.ge [sflag:s5], $0x4000  }
.Ltmp7:
0x152: {  	[sflag:s5] =	ssyncset.done $0x0;
	(pc) =	sbr.rel @p0 .LBB2_1-.Ltmp7, $4  }
0x153: {  	[sflag:s5] =	ssyncadd.s32 $0xFFFFC000  }
0x154: {  	_ =	swait.ge [sflag:s6], $0x3C00  }
0x155: {  	[sflag:s6] =	ssyncset.done $0x0  }
0x156: {  	[sflag:s6] =	ssyncadd.s32 $0xFFFFC400  }
0x157: {  	_ =	sfence.sel $0x180000  }
0x158: {  	[bflag:$0x0] =	sbarrier.arrive $0xFFFF  }
0x159: {  	_ =	strace $0x9000004A  }
0x15a: {  	s0 =	stileid.u32;
	[bflag:$0x2] =	sbarrier.arrive $0xFFFF  }
0x15b: {  	p0 =	sne.s32 s0, $0x0;
	s0 =	rddreg [dreg:$0x1]  }
0x15c: {  	s0 =	sadd.s32 @!p0 $0x100000, s0  }
0x15d: {  	[sflag:s0] =	ssyncadd.tile.s32 @!p0 $0x1;
	_ =	shalt  }
.Lfunc_end2:
_tile_overlayer_lowered:
.L_overlay_start_2:
0x15e: {  	(tag) =	ssettag $0x2  }
0x15f: {  	s0 =	rddreg [dreg:$0x0];
	s2 =	stileid.u32  }
0x160: {  	s1 =	rddreg [dreg:$0x1];
	p0 =	sne.s32 s2, $0x0  }
0x161: {  	s3 =	rddreg [dreg:$0x2];
	[bflag:$0x3] =	sbarrier.arrive $0xFFFF;
	s2 =	simm.s32 @!p0 $0x1C05  }
0x162: {  	[timem:s3], [sflag:s2] =	dma.local @!p0 [hbm:s0], s1  }
0x163: {  	s0 =	simm.s32 @!p0 $0x5  }
0x164: {  	_ =	swait.ge @!p0 [sflag:s0], s1  }
0x165: {  	s1 =	ssub.s32 @!p0 $0x0, s1;
	[sflag:s0] =	ssyncset.done @!p0 $0x0  }
0x166: {  	[sflag:s0] =	ssyncadd.s32 @!p0 s1  }
0x167: {  	[bflag:$0x3] =	sbarrier.arrive $0xFFFF  }
0x168: {  	_ =	shalt  }

// kernel: kernel.7.cloned.1.call-start
scs
__scs_entry_jumppad:
0x0: {  	(pc) =	sbr.rel $0x88, $3  }
0x1: {  	(tag) =	ssettag $0x0;
	lr =	simm.s32 $0x1  }
0x2: {  	[smem:$0x3F9F] =	sst lr;
	_ =	strace $0xD0000000  }
0x3: {  	_ = 	snop  }
0x4: {  	_ = 	snop  }
0x5: {  	_ = 	snop  }
0x6: {  	_ = 	snop  }
0x7: {  	_ = 	snop  }
__scs_overlays_trampoline_lowered:
0x8: {  	[smem:$0x3FAE] =	sst s0  }
0x9: {  	[smem:$0x3FAF] =	sst s1  }
0xa: {  	[smem:$0x3FB0] =	sst s2  }
0xb: {  	[smem:$0x3FB1] =	sst s3  }
0xc: {  	[smem:$0x3FB2] =	sst s4  }
0xd: {  	[smem:$0x3FB3] =	sst s5  }
0xe: {  	[smem:$0x3FB4] =	sst s6  }
0xf: {  	[smem:$0x3FB5] =	sst s7  }
0x10: {  	[smem:$0x3FB6] =	sst s8  }
0x11: {  	[smem:$0x3FB7] =	sst s9;
	s0 =	simm.s32 @!p0 $0x0  }
0x12: {  	s1 =	sld [smem:$0x3F9D];
	s0 =	simm.s32 @p0 $0x1  }
0x13: {  	[smem:$0x3FB8] =	sst s0;
	s0 =	simm.s32 @!p1 $0x0  }
0x14: {  	s2 =	sld [smem:$0x3F9C];
	s0 =	simm.s32 @p1 $0x1  }
0x15: {  	[smem:$0x3FB9] =	sst s0;
	s0 =	simm.s32 @!p2 $0x0  }
0x16: {  	s3 =	sld [smem:$0x3FDB];
	s0 =	simm.s32 @p2 $0x1  }
0x17: {  	s4 =	simm.s32 $0x1BF5;
	[smem:$0x3FBB] =	sst s0  }
0x18: {  	s0 =	sld [smem:$0x3F9E];
	_ =	swait.ge [sflag:s4], $0x0  }
0x19: {  	s7 =	sld [smem:$0x3F9F]  }
0x1a: {  	s8 =	sadd.s32 $0xFFFFE003, lr  }
0x1b: {  	s9 =	sadd.s32 $0xFFFFFEF7, lr;
	s5 =	simm.s32 $0xFFFFFFFF;
	p2 =	slt.u32 s8, $0xFFFFF086  }
0x1c: {  	p1 =	slt.u32 s9, $0xF7A;
	s5 =	simm.s32 @!p2 $0x0  }
0x1d: {  	s5 =	simm.s32 @p1 $0x1;
	p0 =	seq.s32 s7, s2  }
0x1e: {  	s7 =	smul.u32 @!p0 $0xF7A, s2;
	p2 =	seq.s32 @!p0 s5, $0x0  }
0x1f: {  	s9 =	smul.u32 $0xF7A, s1;
	s8 =	simm.s32 @!p0 $0x1BF5;
	p2 =	por !p2, p0  }
0x20: {  	[sflag:s8] =	ssyncset.s32 @!p0 $0xFFFFF086;
	s6 =	sadd.s32 @!p0 s3, s7;
	s7 =	simm.s32 @!p0 $0x108  }
0x21: {  	s3 =	sadd.s32 s3, s9;
	s6 =	sadd.s32 @!p0 $0x88, s6;
	s7 =	simm.s32 @p2 $0x1082  }
0x22: {  	[simem:s7], [sflag:s8] =	dma.local @!p0 [hbm:s6], $0xF7A  }
0x23: {  	s9 =	sor.u32 $0xD0000000, s2;
	s6 =	simm.s32 $0x108;
	_ =	swait.ge @!p0 [sflag:s8], $0x0  }
0x24: {  	s3 =	sadd.s32 $0x88, s3;
	s6 =	simm.s32 @!p1 $0x1082;
	[sflag:s4] =	ssyncset.s32 $0xFFFFF086  }
0x25: {  	[simem:s6], [sflag:s4] =	dma.local [hbm:s3], $0xF7A  }
0x26: {  	[smem:$0x3F9F] =	sst s1;
	(tag) =	ssettag s2;
	_ =	strace s9  }
0x27: {  	s1 =	sld [smem:$0x3FAF]  }
0x28: {  	s2 =	sld [smem:$0x3FB0]  }
0x29: {  	s4 =	sld [smem:$0x3FB2]  }
0x2a: {  	p0 =	seq.s32 s5, $0x0;
	s5 =	sld [smem:$0x3FB3]  }
0x2b: {  	s6 =	sld [smem:$0x3FB4]  }
0x2c: {  	s7 =	sld [smem:$0x3FB5]  }
0x2d: {  	s3 =	simm.s32 $0x108;
	s8 =	sld [smem:$0x3FB6]  }
0x2e: {  	s3 =	simm.s32 @!p0 $0x1082;
	s9 =	sld [smem:$0x3FB7]  }
0x2f: {  	lr =	sadd.s32 s0, s3;
	s0 =	sld [smem:$0x3FAE]  }
0x30: {  	s3 =	sld [smem:$0x3FB1]  }
0x31: {  	[smem:$0x3FBA] =	sst s10  }
0x32: {  	s10 =	sld [smem:$0x3FB8];
	_ =	sdelay $0x3  }
0x33: {  	p0 =	seq.s32 s10, $0x1;
	s10 =	sld [smem:$0x3FBA];
	_ =	sdelay $0x3  }
0x34: {  	[smem:$0x3FBA] =	sst s10  }
0x35: {  	s10 =	sld [smem:$0x3FB9];
	_ =	sdelay $0x3  }
0x36: {  	p1 =	seq.s32 s10, $0x1;
	s10 =	sld [smem:$0x3FBA];
	_ =	sdelay $0x3  }
0x37: {  	[smem:$0x3FBA] =	sst s10  }
0x38: {  	s10 =	sld [smem:$0x3FBB]  }
0x39: {  	_ = 	snop;
	(pc) =	sbr.ind lr, $3  }
0x3a: {  	_ = 	snop  }
0x3b: {  	_ = 	snop  }
0x3c: {  	p2 =	seq.s32 s10, $0x1;
	s10 =	sld [smem:$0x3FBA]  }
0x3d: {  	_ =	shalt  }
0x3e: {  	_ =	shalt  }
0x3f: {  	_ =	shalt  }
0x40: {  	_ =	shalt  }
0x41: {  	_ =	shalt  }
0x42: {  	_ =	shalt  }
0x43: {  	_ =	shalt  }
0x44: {  	_ =	shalt  }
0x45: {  	_ =	shalt  }
0x46: {  	_ =	shalt  }
0x47: {  	_ =	shalt  }
0x48: {  	_ =	shalt  }
0x49: {  	_ =	shalt  }
0x4a: {  	_ =	shalt  }
0x4b: {  	_ =	shalt  }
0x4c: {  	_ =	shalt  }
0x4d: {  	_ =	shalt  }
0x4e: {  	_ =	shalt  }
0x4f: {  	_ =	shalt  }
0x50: {  	_ =	shalt  }
0x51: {  	_ =	shalt  }
0x52: {  	_ =	shalt  }
0x53: {  	_ =	shalt  }
0x54: {  	_ =	shalt  }
0x55: {  	_ =	shalt  }
0x56: {  	_ =	shalt  }
0x57: {  	_ =	shalt  }
0x58: {  	_ =	shalt  }
0x59: {  	_ =	shalt  }
0x5a: {  	_ =	shalt  }
0x5b: {  	_ =	shalt  }
0x5c: {  	_ =	shalt  }
0x5d: {  	_ =	shalt  }
0x5e: {  	_ =	shalt  }
0x5f: {  	_ =	shalt  }
0x60: {  	_ =	shalt  }
0x61: {  	_ =	shalt  }
0x62: {  	_ =	shalt  }
0x63: {  	_ =	shalt  }
0x64: {  	_ =	shalt  }
0x65: {  	_ =	shalt  }
0x66: {  	_ =	shalt  }
0x67: {  	_ =	shalt  }
0x68: {  	_ =	shalt  }
0x69: {  	_ =	shalt  }
0x6a: {  	_ =	shalt  }
0x6b: {  	_ =	shalt  }
0x6c: {  	_ =	shalt  }
0x6d: {  	_ =	shalt  }
0x6e: {  	_ =	shalt  }
0x6f: {  	_ =	shalt  }
0x70: {  	_ =	shalt  }
0x71: {  	_ =	shalt  }
0x72: {  	_ =	shalt  }
0x73: {  	_ =	shalt  }
0x74: {  	_ =	shalt  }
0x75: {  	_ =	shalt  }
0x76: {  	_ =	shalt  }
0x77: {  	_ =	shalt  }
0x78: {  	_ =	shalt  }
0x79: {  	_ =	shalt  }
0x7a: {  	_ =	shalt  }
0x7b: {  	_ =	shalt  }
0x7c: {  	_ =	shalt  }
0x7d: {  	_ =	shalt  }
0x7e: {  	_ =	shalt  }
0x7f: {  	_ =	shalt  }
0x80: {  	_ =	shalt  }
0x81: {  	_ =	shalt  }
0x82: {  	_ =	shalt  }
0x83: {  	_ =	shalt  }
0x84: {  	_ =	shalt  }
0x85: {  	_ =	shalt  }
0x86: {  	_ =	shalt  }
0x87: {  	_ =	shalt  }
.Lfunc_end0:
.L_simem_size_0:
called_computation.2_lowered:
.L_overlay_start_0:
0x88: {  	s2 =	sld [smem:$0x3FD9]  }
0x89: {  	s3 =	sld [smem:$0x3FFE];
	_ =	sdelay $0x1  }
0x8a: {  	s1 =	srdreg.scid  }
0x8b: {  	s0 =	sand.u32 $0x1, s1  }
0x8c: {  	s17 =	sshll.u32 s0, $0xA;
	s2 =	sadd.s32 s3, s2  }
0x8d: {  	s2 =	sadd.s32 s2, s17  }
0x8e: {  	[smem:$0x3FC6] =	sst s2  }
0x8f: {  	_ = 	snop  }
0x90: {  	s2 =	sld [smem:$0x3FD0];
	(tm) =	ssettm $0x1  }
0x91: {  	s18 =	sld [smem:$0x3FFB];
	_ =	sdelay $0x3  }
0x92: {  	_ =	strace s18  }
0x93: {  	s3 =	sld [smem:$0x3FFC];
	_ =	sdelay $0x3  }
0x94: {  	_ =	strace s3  }
0x95: {  	s3 =	sld [smem:$0x3FFD];
	_ =	sdelay $0x3  }
0x96: {  	_ =	strace s3  }
0x97: {  	_ =	strace $0x8FFFFFFF  }
0x98: {  	s19 =	sld [smem:$0x3FDB];
	_ =	sdelay $0x1  }
0x99: {  	s4 =	simm.s32 $_scs_section_size  }
0x9a: {  	s5 =	simm.s32 $_size__tile_overlayer_lowered;
	s6 =	simm.s32 $_tile_overlayer_lowered  }
0x9b: {  	s22 =	simm.s32 $0x1BFF;
	s21 =	sshll.u32 s6, $0x1;
	s3 =	sadd.s32 s4, s19  }
0x9c: {  	s7 =	simm.s32 $0x0;
	s20 =	sshll.u32 s5, $0x1;
	s5 =	sadd.s32 s21, s3  }
0x9d: {  	[timem:s7], [sflag:s22] =	dma.local [hbm:s5], s20  }
0x9e: {  	_ =	swait.ge [sflag:s22], s20  }
0x9f: {  	s4 =	ssub.s32 $0x0, s20;
	[sflag:s22] =	ssyncset.done $0x0  }
0xa0: {  	[sflag:s22] =	ssyncadd.s32 s4;
	_ =	sdelay $0x1  }
0xa1: {  	s23 =	simm.s32 $0x1B8B  }
0xa2: {  	_ =	swait.ge [sflag:s23], $0x1  }
0xa3: {  	[sflag:s23] =	ssyncset.done $0x0  }
0xa4: {  	s25 =	simm.s32 $0x1B8E;
	s24 =	sld [smem:$0x3FFE];
	[sflag:s23] =	ssyncadd.s32 $0xFFFFFFFF  }
0xa5: {  	s26 =	simm.s32 $execute0_lowered;
	[smem:$0x3FD2] =	sst s25  }
0xa6: {  	s5 =	sshll.u32 s26, $0x1;
	_ =	strace $0x8000004C;
	[dreg:$0x1] =	wrdreg $0xFFFFFFFF  }
0xa7: {  	s28 =	simm.s32 $_size_execute0_lowered;
	s3 =	sadd.s32 s3, s5;
	[dreg:$0x0] =	wrdreg $0x0  }
0xa8: {  	s5 =	sshll.u32 s28, $0x1;
	[dreg:$0x2] =	wrdreg s3  }
0xa9: {  	[dreg:$0x3] =	wrdreg s5  }
0xaa: {  	[dreg:$0x4] =	wrdreg $0xC0  }
0xab: {  	_ =	task [dreg:s7], $0x5FFFF  }
0xac: {  	[dreg:$0x1] =	wrdreg $0xFFFFFFFF  }
0xad: {  	[dreg:$0x0] =	wrdreg $0x60  }
0xae: {  	[dreg:$0x2] =	wrdreg s24  }
0xaf: {  	[dreg:$0x3] =	wrdreg s2  }
0xb0: {  	[dreg:$0x4] =	wrdreg $0x9  }
0xb1: {  	_ =	task.clear_ibuf [dreg:s7], $0x5FFFF;
	_ =	strace $0x9000004C  }
0xb2: {  	s29 =	simm.s32 $0x9;
	_ =	strace $0x8000004E  }
0xb3: {  	_ =	swait.ge [sflag:s29], $0x1  }
0xb4: {  	[sflag:s29] =	ssyncadd.s32 $0xFFFFFFFF  }
0xb5: {  	_ =	strace $0x9000004E  }
0xb6: {  	_ =	sfence  }
0xb7: {  	s30 =	sld [smem:$0x0];
	_ =	sdelay $0x2  }
0xb8: {  	s31 =	sshll.u32 s1, $0xD;
	s1 =	sshrl.u32 s1, $0x2  }
0xb9: {  	s3 =	sand.u32 $0x4000, s31;
	s1 =	sadd.s32 s1, s30  }
0xba: {  	s0 =	sor.u32 s3, s0;
	s1 =	sshll.u32 s1, $0x11  }
0xbb: {  	s0 =	sor.u32 s1, s0  }
0xbc: {  	s0 =	sadd.s32 $0x8F2B, s0  }
0xbd: {  	[sflag:s0] =	ssyncadd.remote.s32 $0x1  }
0xbe: {  	_ =	sfence.sel $0xFFFF  }
0xbf: {  	[dreg:$0x0] =	wrdreg $0xFFFFFFFF;
	(pc) =	sbr.abs _section_cstart, $3  }
0xc0: {  	[dreg:$0x1] =	wrdreg $0xFFFFFFFF  }
0xc1: {  	_ =	task.clear_ibuf [dreg:s7], $0x2FFFF;
	_ =	strace $0x9FFFFFFF  }
0xc2: {  	(tm) =	ssettm $0x7FFFFFFF  }
0xc3: {  	_ =	shalt  }
tec
execute0_lowered:
.L_overlay_start_1:
0x0: {  	(tag) =	ssettag $0x1  }
0x1: {  	s0 =	rddreg [dreg:$0x0]  }
0x2: {  	s1 =	rddreg [dreg:$0x1];
	s3 =	simm.s32 $0x0;
	s2 =	srdreg.scid  }
0x3: {  	s4 =	stileid.u32;
	s28 =	simm.s32 $0x6000;
	s29 =	simm.s32 $0x3000  }
0x4: {  	s30 =	simm.s32 $0x5000;
	s31 =	simm.s32 $0xE000;
	s2 =	sand.u32 $0x1, s2  }
0x5: {  	s12 =	simm.s32 $0x0;
	s5 =	sshll.u32 s4, $0x12;
	s6 =	sshll.u32 s2, $0x11  }
0x6: {  	[smem:$0x7FF] =	sst s3;
	s4 =	sadd.s32 $0xA80E00, s0;
	s7 =	sor.u32 s6, s5  }
0x7: {  	_ =	strace $0x8000004D;
	s2 =	ssub.s32 $0x2, s2;
	s9 =	sshrl.u32 s7, $0x3  }
0x8: {  	s5 =	sadd.s32 $0xA00E00, s0;
	s8 =	sshrl.u32 s2, $0x1;
	s18 =	sadd.s32 s4, s9  }
0x9: {  	s6 =	sadd.s32 $0x200E00, s0;
	s19 =	sadd.s32 s5, s9;
	[dreg:$0x3] =	wrdreg s18  }
0xa: {  	s14 =	ssub.s32 s2, s8;
	s10 =	sadd.s32 s1, s9;
	[dreg:$0x4] =	wrdreg s19  }
0xb: {  	s17 =	sor.u32 $0x200, s9;
	s0 =	smax.u32 s14, $0x1;
	[dreg:$0x7] =	wrdreg s10  }
0xc: {  	s15 =	sor.u32 $0x3000, s7;
	s20 =	sadd.s32 s4, s17;
	[dreg:$0xf] =	wrdreg s0  }
0xd: {  	s22 =	sor.u32 $0x400, s9;
	s21 =	sadd.s32 s5, s17;
	[dreg:$0x5] =	wrdreg s20  }
0xe: {  	s16 =	sor.u32 $0x2000, s7;
	s11 =	sadd.s32 s4, s22;
	[dreg:$0x6] =	wrdreg s21  }
0xf: {  	s23 =	sor.u32 $0x3E00, s9;
	s8 =	sadd.s32 s5, s22;
	[dreg:$0x8] =	wrdreg s11  }
0x10: {  	s9 =	simm.s32 $0x3;
	s2 =	sadd.s32 s1, s17;
	[dreg:$0x9] =	wrdreg s8  }
0x11: {  	s17 =	sor.u32 $0x4000, s7;
	s24 =	sadd.s32 s4, s23;
	[dreg:$0xa] =	wrdreg s2  }
0x12: {  	s25 =	sadd.s32 s5, s23;
	s26 =	sadd.s32 $0x3C00, s10;
	[dreg:$0xb] =	wrdreg s24  }
0x13: {  	s0 =	simm.s32 $0x1;
	s7 =	simm.s32 $0x2;
	[dreg:$0xc] =	wrdreg s25  }
0x14: {  	s10 =	simm.s32 $0x4;
	[dreg:$0xd] =	wrdreg s26;
	s2 =	sadd.s32 s1, s23  }
0x15: {  	v0 =	vlaneseq.u32;
	s23 =	simm.s32 $0x5;
	s25 =	simm.s32 $0x1000;
	s26 =	simm.s32 $0x4000  }
0x16: {  	v0 =	vmul.u32 $0x8, v0;
	s8 =	simm.s32 $0x17000;
	[dreg:$0xe] =	wrdreg s2;
	s2 =	simm.s32 $0x16000  }
.LBB2_1:
0x17: {  	[dreg:$0x10] =	wrdreg s12  }
0x18: {  	s11 =	rddreg [dreg:$0x3]  }
0x19: {  	[tilespmem:s3], [sflag:$0x5] =	stream.linear.gather [hbm4b:s11+s3], $0x1000, $0x38;
	[tilespmem:$0x18000] =	vst v63  }
0x1a: {  	_ =	swait.ge [sflag:s23], $0x1000  }
0x1b: {  	[sflag:s23] =	ssyncset.done $0x0  }
0x1c: {  	s24 =	simm.s32 $0x2000;
	s22 =	rddreg [dreg:$0x4];
	[sflag:s23] =	ssyncadd.s32 $0xFFFFF000  }
0x1d: {  	[tilespmem:s24], [sflag:$0x5] =	stream.linear.gather [hbm4b:s22+s3], $0x1000, $0x38;
	[tilespmem:$0x18000] =	vst v63  }
0x1e: {  	_ =	swait.ge [sflag:s23], $0x1000  }
0x1f: {  	[sflag:s23] =	ssyncset.done $0x0  }
0x20: {  	s11 =	simm.s32 $0x0;
	[sflag:s23] =	ssyncadd.s32 $0xFFFFF000  }
0x21: {  	v1 =	vld [tilespmem:s11+$0x2000];
	_ =	sdelay $0x2  }
0x22: {  	v2 =	vld [tilespmem:s11+$0x0];
	_ =	sdelay $0x1  }
0x23: {  	s12 =	simm.s32 $0x10;
	v1 =	vmul.f32 $2.048000000e+03, v1  }
0x24: {  	v3 =	vld [tilespmem:s12+$0x2000]  }
0x25: {  	v1 =	vadd.f32 $2.048000000e+03, v1  }
0x26: {  	v2 =	vmul.f32 $2.048000000e+03, v2  }
0x27: {  	v4 =	vld [tilespmem:s12+$0x0];
	v1 =	vtrunc.f32 v1  }
0x28: {  	v2 =	vadd.f32 $2.048000000e+03, v2;
	v1 =	vcvt.f32.s32 v1  }
0x29: {  	v3 =	vmul.f32 $2.048000000e+03, v3  }
0x2a: {  	v2 =	vtrunc.f32 v2;
	vm0 =	vgt.s32 v1, $0x1  }
0x2b: {  	s13 =	simm.s32 $0x20;
	v3 =	vadd.f32 $2.048000000e+03, v3;
	v2 =	vcvt.f32.s32 v2;
	v1 =	vnsel vm0, $0x1, v1  }
0x2c: {  	v4 =	vmul.f32 $2.048000000e+03, v4;
	v5 =	vmin.u32 v1, $0xFFE;
	v1 =	vld [tilespmem:s13+$0x2000]  }
0x2d: {  	v6 =	vtrunc.f32 v3;
	v3 =	vld [tilespmem:s13+$0x0];
	vm1 =	vgt.s32 v2, $0x1  }
0x2e: {  	v4 =	vadd.f32 $2.048000000e+03, v4;
	v2 =	vnsel vm1, $0x1, v2  }
0x2f: {  	v7 =	vmin.u32 v2, $0xFFE;
	v5 =	vshll.u32 v5, $0xC  }
0x30: {  	s14 =	simm.s32 $0xC0;
	v4 =	vtrunc.f32 v4;
	v2 =	vcvt.f32.s32 v6;
	v5 =	vor.u32 v7, v5  }
.LBB2_2:
0x31: {  	s18 =	sshra.s32 s14, $0x2;
	p0 =	sne.s32 s14, $0x3FC0;
	s14 =	sadd.s32 $0x40, s14;
	v6 =	vmul.f32 $2.048000000e+03, v1;
	v4 =	vcvt.f32.s32 v4;
	v5 =	vshrl.u32 v5, $0x1  }
.Ltmp0:
0x32: {  	v1 =	vld [tilespmem:s18+$0x2000];
	v7 =	vmul.f32 $2.048000000e+03, v3;
	vm0 =	vgt.s32 v2, $0x1;
	[tilespmem:s11+$0x4000] =	vst v5;
	s11 =	smov.u32 s12;
	s12 =	smov.u32 s13;
	(pc) =	sbr.rel @p0 .LBB2_2-.Ltmp0, $4  }
0x33: {  	s13 =	smov.u32 s18;
	v3 =	vld [tilespmem:s18+$0x0];
	v5 =	vadd.f32 $2.048000000e+03, v6;
	vm1 =	vgt.s32 v4, $0x1;
	v2 =	vnsel vm0, $0x1, v2  }
0x34: {  	v6 =	vadd.f32 $2.048000000e+03, v7;
	v4 =	vnsel vm1, $0x1, v4;
	v2 =	vmin.u32 v2, $0xFFE  }
0x35: {  	v5 =	vtrunc.f32 v5;
	v7 =	vmin.u32 v4, $0xFFE;
	v8 =	vshll.u32 v2, $0xC  }
0x36: {  	v4 =	vtrunc.f32 v6;
	v2 =	vcvt.f32.s32 v5;
	v5 =	vor.u32 v7, v8  }
0x37: {  	v1 =	vmul.f32 $2.048000000e+03, v1  }
0x38: {  	v3 =	vmul.f32 $2.048000000e+03, v3  }
0x39: {  	v1 =	vadd.f32 $2.048000000e+03, v1  }
0x3a: {  	v3 =	vadd.f32 $2.048000000e+03, v3  }
0x3b: {  	v4 =	vcvt.f32.s32 v4;
	v5 =	vshrl.u32 v5, $0x1;
	v1 =	vtrunc.f32 v1  }
0x3c: {  	vm0 =	vgt.s32 v2, $0x1;
	v3 =	vtrunc.f32 v3;
	v1 =	vcvt.f32.s32 v1  }
0x3d: {  	vm1 =	vgt.s32 v4, $0x1;
	v2 =	vnsel vm0, $0x1, v2;
	v3 =	vcvt.f32.s32 v3  }
0x3e: {  	v4 =	vnsel vm1, $0x1, v4;
	v2 =	vmin.u32 v2, $0xFFE;
	vm12 =	vgt.s32 v1, $0x1  }
0x3f: {  	v4 =	vmin.u32 v4, $0xFFE;
	vm13 =	vgt.s32 v3, $0x1;
	v1 =	vnsel vm12, $0x1, v1  }
0x40: {  	v2 =	vshll.u32 v2, $0xC;
	v3 =	vnsel vm13, $0x1, v3;
	v1 =	vmin.u32 v1, $0xFFE  }
0x41: {  	v2 =	vor.u32 v4, v2;
	v3 =	vmin.u32 v3, $0xFFE;
	v1 =	vshll.u32 v1, $0xC  }
0x42: {  	[tilespmem:s11+$0x4000] =	vst v5;
	v2 =	vshrl.u32 v2, $0x1;
	v1 =	vor.u32 v3, v1  }
0x43: {  	[tilespmem:s12+$0x4000] =	vst v2;
	v1 =	vshrl.u32 v1, $0x1  }
0x44: {  	[tilespmem:s13+$0x4000] =	vst v1  }
0x45: {  	[tilespmem:s28], [sflag:$0x1] =	stream.indirect.gather [hbm4b:s6+s25], $0x8, s26, s25, $0xb8;
	[tilespmem:$0x18000] =	vst v63  }
0x46: {  	s21 =	simm.s32 $0x0;
	s22 =	rddreg [dreg:$0x5]  }
0x47: {  	[tilespmem:s25], [sflag:$0x5] =	stream.linear.gather [hbm4b:s22+s21], $0x1000, $0x38;
	[tilespmem:$0x18000] =	vst v63  }
0x48: {  	_ =	swait.ge [sflag:s23], $0x1000  }
0x49: {  	[sflag:s23] =	ssyncset.done $0x0  }
0x4a: {  	s24 =	rddreg [dreg:$0x6];
	[sflag:s23] =	ssyncadd.s32 $0xFFFFF000  }
0x4b: {  	[tilespmem:s29], [sflag:$0x5] =	stream.linear.gather [hbm4b:s24+s21], $0x1000, $0x38;
	[tilespmem:$0x18000] =	vst v63  }
0x4c: {  	_ =	swait.ge [sflag:s23], $0x1000  }
0x4d: {  	[sflag:s23] =	ssyncset.done $0x0  }
0x4e: {  	s11 =	simm.s32 $0x0;
	[sflag:s23] =	ssyncadd.s32 $0xFFFFF000  }
0x4f: {  	v1 =	vld [tilespmem:s11+$0x3000];
	_ =	sdelay $0x2  }
0x50: {  	v2 =	vld [tilespmem:s11+$0x1000];
	_ =	sdelay $0x1  }
0x51: {  	s12 =	simm.s32 $0x10;
	v1 =	vmul.f32 $2.048000000e+03, v1  }
0x52: {  	v3 =	vld [tilespmem:s12+$0x3000]  }
0x53: {  	v1 =	vadd.f32 $2.048000000e+03, v1  }
0x54: {  	v2 =	vmul.f32 $2.048000000e+03, v2  }
0x55: {  	v4 =	vld [tilespmem:s12+$0x1000];
	v1 =	vtrunc.f32 v1  }
0x56: {  	v2 =	vadd.f32 $2.048000000e+03, v2;
	v1 =	vcvt.f32.s32 v1  }
0x57: {  	v3 =	vmul.f32 $2.048000000e+03, v3  }
0x58: {  	v2 =	vtrunc.f32 v2;
	vm14 =	vgt.s32 v1, $0x1  }
0x59: {  	s13 =	simm.s32 $0x20;
	v3 =	vadd.f32 $2.048000000e+03, v3;
	v2 =	vcvt.f32.s32 v2;
	v1 =	vnsel vm14, $0x1, v1  }
0x5a: {  	v4 =	vmul.f32 $2.048000000e+03, v4;
	v5 =	vmin.u32 v1, $0xFFE;
	v1 =	vld [tilespmem:s13+$0x3000]  }
0x5b: {  	v6 =	vtrunc.f32 v3;
	v3 =	vld [tilespmem:s13+$0x1000];
	vm15 =	vgt.s32 v2, $0x1  }
0x5c: {  	v4 =	vadd.f32 $2.048000000e+03, v4;
	v2 =	vnsel vm15, $0x1, v2  }
0x5d: {  	v7 =	vmin.u32 v2, $0xFFE;
	v5 =	vshll.u32 v5, $0xC  }
0x5e: {  	s14 =	simm.s32 $0xC0;
	v4 =	vtrunc.f32 v4;
	v2 =	vcvt.f32.s32 v6;
	v5 =	vor.u32 v7, v5  }
.LBB2_4:
0x5f: {  	s18 =	sshra.s32 s14, $0x2;
	p0 =	sne.s32 s14, $0x3FC0;
	s14 =	sadd.s32 $0x40, s14;
	v6 =	vmul.f32 $2.048000000e+03, v1;
	v4 =	vcvt.f32.s32 v4;
	v5 =	vshrl.u32 v5, $0x1  }
.Ltmp1:
0x60: {  	v1 =	vld [tilespmem:s18+$0x3000];
	v7 =	vmul.f32 $2.048000000e+03, v3;
	vm0 =	vgt.s32 v2, $0x1;
	[tilespmem:s11+$0x5000] =	vst v5;
	s11 =	smov.u32 s12;
	s12 =	smov.u32 s13;
	(pc) =	sbr.rel @p0 .LBB2_4-.Ltmp1, $4  }
0x61: {  	s13 =	smov.u32 s18;
	v3 =	vld [tilespmem:s18+$0x1000];
	v5 =	vadd.f32 $2.048000000e+03, v6;
	vm1 =	vgt.s32 v4, $0x1;
	v2 =	vnsel vm0, $0x1, v2  }
0x62: {  	v6 =	vadd.f32 $2.048000000e+03, v7;
	v4 =	vnsel vm1, $0x1, v4;
	v2 =	vmin.u32 v2, $0xFFE  }
0x63: {  	v5 =	vtrunc.f32 v5;
	v7 =	vmin.u32 v4, $0xFFE;
	v8 =	vshll.u32 v2, $0xC  }
0x64: {  	v4 =	vtrunc.f32 v6;
	v2 =	vcvt.f32.s32 v5;
	v5 =	vor.u32 v7, v8  }
0x65: {  	v1 =	vmul.f32 $2.048000000e+03, v1  }
0x66: {  	v3 =	vmul.f32 $2.048000000e+03, v3  }
0x67: {  	v1 =	vadd.f32 $2.048000000e+03, v1  }
0x68: {  	v3 =	vadd.f32 $2.048000000e+03, v3  }
0x69: {  	v4 =	vcvt.f32.s32 v4;
	v5 =	vshrl.u32 v5, $0x1;
	v1 =	vtrunc.f32 v1  }
0x6a: {  	vm0 =	vgt.s32 v2, $0x1;
	v3 =	vtrunc.f32 v3;
	v1 =	vcvt.f32.s32 v1  }
0x6b: {  	vm1 =	vgt.s32 v4, $0x1;
	v2 =	vnsel vm0, $0x1, v2;
	v3 =	vcvt.f32.s32 v3  }
0x6c: {  	v4 =	vnsel vm1, $0x1, v4;
	v2 =	vmin.u32 v2, $0xFFE;
	vm12 =	vgt.s32 v1, $0x1  }
0x6d: {  	v4 =	vmin.u32 v4, $0xFFE;
	vm13 =	vgt.s32 v3, $0x1;
	v1 =	vnsel vm12, $0x1, v1  }
0x6e: {  	v2 =	vshll.u32 v2, $0xC;
	v3 =	vnsel vm13, $0x1, v3;
	v1 =	vmin.u32 v1, $0xFFE  }
0x6f: {  	v2 =	vor.u32 v4, v2;
	v3 =	vmin.u32 v3, $0xFFE;
	v1 =	vshll.u32 v1, $0xC  }
0x70: {  	[tilespmem:s11+$0x5000] =	vst v5;
	v2 =	vshrl.u32 v2, $0x1;
	v1 =	vor.u32 v3, v1  }
0x71: {  	[tilespmem:s12+$0x5000] =	vst v2;
	v1 =	vshrl.u32 v1, $0x1  }
0x72: {  	[tilespmem:s13+$0x5000] =	vst v1  }
0x73: {  	[tilespmem:s31], [sflag:$0x2] =	stream.indirect.gather [hbm4b:s6+s25], $0x8, s30, s25, $0xb8;
	[tilespmem:$0x18000] =	vst v63  }
0x74: {  	_ =	swait.ge [sflag:s0], $0x8000  }
0x75: {  	[sflag:s0] =	ssyncset.done $0x0  }
0x76: {  	s24 =	simm.s32 $0x0;
	[sflag:s0] =	ssyncadd.s32 $0xFFFF8000  }
0x77: {  	v1 =	vld [tilespmem:s24+$0x0];
	_ =	sdelay $0x4  }
0x78: {  	v1 =	vmul.f32 $2.048000000e+03, v1;
	_ =	sdelay $0x1  }
0x79: {  	v1 =	vadd.f32 $2.048000000e+03, v1;
	_ =	sdelay $0x1  }
0x7a: {  	v2 =	vtrunc.f32 v1  }
0x7b: {  	v2 =	vcvt.f32.s32 v2;
	_ =	sdelay $0x1  }
0x7c: {  	vm14 =	vgt.s32 v2, $0x1  }
0x7d: {  	v55 =	vmov s24;
	v3 =	vnsel vm14, $0x1, v2  }
0x7e: {  	v4 =	vshll.u32 v55, $0x3;
	s13 =	simm.s32 $0x2000;
	v3 =	vmin.u32 v3, $0xFFE  }
0x7f: {  	v4 =	vor.u32 v0, v4;
	v56 =	vld [tilespmem:s13+$0x0];
	v3 =	vand.u32 $0x1, v3  }
0x80: {  	v3 =	vor.u32 v4, v3  }
0x81: {  	v4 =	vor.u32 $0x2, v3  }
0x82: {  	v6 =	vor.u32 $0x4, v3  }
0x83: {  	v7 =	vor.u32 $0x6, v3  }
0x84: {  	v5 =	vmul.f32 $2.048000000e+03, v56  }
0x85: {  	v8 =	vld.idx.msk [tilespmem:v3+s28+$0x0], $0xffff  }
0x86: {  	v5 =	vadd.f32 $2.048000000e+03, v5;
	v4 =	vld.idx.msk [tilespmem:v4+s28+$0x0], $0xffff  }
0x87: {  	v6 =	vld.idx.msk [tilespmem:v6+s28+$0x0], $0xffff  }
0x88: {  	v9 =	vtrunc.f32 v5;
	v10 =	vxor.u32 $0x80000000, v5;
	v11 =	vadd.f32 $-4.095000000e+03, v5;
	v7 =	vld.idx.msk [tilespmem:v7+s28+$0x0], $0xffff  }
0x89: {  	v12 =	vadd.f32 $-4.095000000e+03, v1;
	v13 =	vxor.u32 $0x80000000, v1;
	v9 =	vcvt.f32.s32 v9  }
0x8a: {  	v10 =	vmax.f32 v10, $0.0e+00;
	v57 =	vmax.f32 v13, $0.0e+00  }
0x8b: {  	v11 =	vmax.f32 v11, $0.0e+00;
	v12 =	vmax.f32 v12, $0.0e+00;
	v9 =	vcvt.s32.f32 v9  }
0x8c: {  	v10 =	vmax.f32 v10, v11;
	v58 =	vmax.f32 v57, v12;
	v3 =	vadd.s32 $0x1, v3  }
0x8d: {  	v2 =	vcvt.s32.f32 v2;
	v4 =	vsub.f32 v4, v8;
	v6 =	vsub.f32 v7, v6  }
0x8e: {  	v59 =	vmul.f32 $4.882812500e-04, v10;
	v5 =	vsub.f32 v5, v9;
	v7 =	vmul.f32 $4.882812500e-04, v58  }
0x8f: {  	v1 =	vsub.f32 v1, v2;
	v2 =	vmul.f32 $5.000000000e-01, v4;
	v60 =	vmul.f32 $5.000000000e-01, v6  }
0x90: {  	v62 =	vmul.f32 v59, v59;
	v61 =	vmul.f32 v7, v7  }
0x91: {  	v3 =	vld.idx.msk [tilespmem:v3+s28+$0x0], $0xffff;
	v1 =	vmul.f32 v2, v1;
	v2 =	vmul.f32 v60, v5  }
0x92: {  	v63 =	vadd.f32 v62, v61  }
0x93: {  	v1 =	vadd.f32 v2, v1  }
0x94: {  	vm15 =	vlt.f32 v63, $9.999999970e-07  }
0x95: {  	v1 =	vnsel vm15, $0x0, v1  }
0x96: {  	v1 =	vadd.f32 v1, v3;
	_ =	sdelay $0x1  }
0x97: {  	v1 =	vadd.f32 v1, v63  }
0x98: {  	s14 =	simm.s32 $0x16000  }
0x99: {  	s11 =	simm.s32 $0x10;
	[tilespmem:s14+$0x0] =	vst v1  }
0x9a: {  	v1 =	vld [tilespmem:s11+$0x0];
	_ =	sdelay $0x1  }
0x9b: {  	s18 =	simm.s32 $0x20;
	s12 =	simm.s32 $0x10  }
.LBB2_6:
0x9c: {  	p0 =	sne.s32 s18, $0xFF0;
	_ =	sdelay $0x1  }
0x9d: {  	v1 =	vmul.f32 $2.048000000e+03, v1;
	_ =	sdelay $0x1  }
0x9e: {  	v1 =	vadd.f32 $2.048000000e+03, v1;
	_ =	sdelay $0x1  }
0x9f: {  	v2 =	vtrunc.f32 v1  }
0xa0: {  	v2 =	vcvt.f32.s32 v2;
	_ =	sdelay $0x1  }
0xa1: {  	vm0 =	vgt.s32 v2, $0x1  }
0xa2: {  	v4 =	vmov s11;
	s11 =	smov.u32 s18;
	v3 =	vnsel vm0, $0x1, v2  }
0xa3: {  	s13 =	sadd.s32 $0x10, s13;
	v4 =	vshll.u32 v4, $0x3;
	v3 =	vmin.u32 v3, $0xFFE  }
0xa4: {  	v4 =	vor.u32 v0, v4;
	v5 =	vld [tilespmem:s13+$0x0];
	v3 =	vand.u32 $0x1, v3  }
0xa5: {  	v3 =	vor.u32 v4, v3  }
0xa6: {  	v4 =	vor.u32 $0x2, v3  }
0xa7: {  	v6 =	vor.u32 $0x4, v3  }
0xa8: {  	v7 =	vor.u32 $0x6, v3  }
0xa9: {  	v5 =	vmul.f32 $2.048000000e+03, v5  }
0xaa: {  	v8 =	vld.idx.msk [tilespmem:v3+s28+$0x0], $0xffff  }
0xab: {  	v5 =	vadd.f32 $2.048000000e+03, v5;
	v4 =	vld.idx.msk [tilespmem:v4+s28+$0x0], $0xffff  }
0xac: {  	v6 =	vld.idx.msk [tilespmem:v6+s28+$0x0], $0xffff  }
0xad: {  	v9 =	vtrunc.f32 v5;
	v7 =	vld.idx.msk [tilespmem:v7+s28+$0x0], $0xffff  }
0xae: {  	v10 =	vxor.u32 $0x80000000, v5;
	v11 =	vadd.f32 $-4.095000000e+03, v5;
	v9 =	vcvt.f32.s32 v9  }
0xaf: {  	v10 =	vmax.f32 v10, $0.0e+00  }
0xb0: {  	v12 =	vadd.f32 $-4.095000000e+03, v1;
	v11 =	vmax.f32 v11, $0.0e+00;
	v9 =	vcvt.s32.f32 v9  }
0xb1: {  	v13 =	vxor.u32 $0x80000000, v1;
	v3 =	vadd.s32 $0x1, v3;
	v10 =	vmax.f32 v10, v11  }
0xb2: {  	v12 =	vmax.f32 v12, $0.0e+00;
	v2 =	vcvt.s32.f32 v2;
	v11 =	vmax.f32 v13, $0.0e+00  }
0xb3: {  	v4 =	vsub.f32 v4, v8;
	v6 =	vsub.f32 v7, v6;
	v7 =	vmax.f32 v11, v12  }
0xb4: {  	v8 =	vmul.f32 $4.882812500e-04, v10;
	v5 =	vsub.f32 v5, v9;
	v7 =	vmul.f32 $4.882812500e-04, v7  }
0xb5: {  	v1 =	vsub.f32 v1, v2;
	v2 =	vmul.f32 $5.000000000e-01, v4;
	v4 =	vmul.f32 $5.000000000e-01, v6  }
0xb6: {  	v6 =	vmul.f32 v7, v7;
	v7 =	vmul.f32 v8, v8;
	v3 =	vld.idx.msk [tilespmem:v3+s28+$0x0], $0xffff  }
0xb7: {  	v1 =	vmul.f32 v2, v1;
	v2 =	vmul.f32 v4, v5  }
0xb8: {  	v4 =	vadd.f32 v7, v6  }
0xb9: {  	v1 =	vadd.f32 v2, v1  }
0xba: {  	vm0 =	vlt.f32 v4, $9.999999970e-07  }
0xbb: {  	v1 =	vnsel vm0, $0x0, v1  }
0xbc: {  	v1 =	vadd.f32 v1, v3;
	_ =	sdelay $0x1  }
0xbd: {  	v1 =	vadd.f32 v1, v4  }
.Ltmp2:
0xbe: {  	s14 =	sadd.s32 $0x10, s14;
	(pc) =	sbr.rel @p0 .LBB2_6-.Ltmp2, $3  }
0xbf: {  	s12 =	sadd.s32 $0x10, s12;
	[tilespmem:s14+$0x0] =	vst v1  }
0xc0: {  	v1 =	vld [tilespmem:s12+$0x0];
	_ =	sdelay $0x1  }
0xc1: {  	s18 =	sadd.s32 $0x10, s18  }
0xc2: {  	_ =	sdelay $0x1  }
0xc3: {  	v1 =	vmul.f32 $2.048000000e+03, v1;
	_ =	sdelay $0x1  }
0xc4: {  	v1 =	vadd.f32 $2.048000000e+03, v1;
	_ =	sdelay $0x1  }
0xc5: {  	v2 =	vtrunc.f32 v1  }
0xc6: {  	v2 =	vcvt.f32.s32 v2;
	_ =	sdelay $0x1  }
0xc7: {  	vm0 =	vgt.s32 v2, $0x1  }
0xc8: {  	v4 =	vmov s11;
	v3 =	vnsel vm0, $0x1, v2  }
0xc9: {  	v4 =	vshll.u32 v4, $0x3;
	v3 =	vmin.u32 v3, $0xFFE  }
0xca: {  	s18 =	sadd.s32 $0x10, s13;
	v4 =	vor.u32 v0, v4;
	v3 =	vand.u32 $0x1, v3  }
0xcb: {  	v5 =	vld [tilespmem:s18+$0x0];
	v3 =	vor.u32 v4, v3  }
0xcc: {  	v4 =	vor.u32 $0x2, v3  }
0xcd: {  	v6 =	vor.u32 $0x4, v3  }
0xce: {  	v7 =	vor.u32 $0x6, v3;
	_ =	sdelay $0x1  }
0xcf: {  	v5 =	vmul.f32 $2.048000000e+03, v5;
	v8 =	vld.idx.msk [tilespmem:v3+s28+$0x0], $0xffff  }
0xd0: {  	v4 =	vld.idx.msk [tilespmem:v4+s28+$0x0], $0xffff  }
0xd1: {  	v5 =	vadd.f32 $2.048000000e+03, v5;
	v6 =	vld.idx.msk [tilespmem:v6+s28+$0x0], $0xffff  }
0xd2: {  	v12 =	vadd.f32 $-4.095000000e+03, v1;
	v13 =	vxor.u32 $0x80000000, v1;
	v7 =	vld.idx.msk [tilespmem:v7+s28+$0x0], $0xffff  }
0xd3: {  	v62 =	vmax.f32 v13, $0.0e+00;
	v9 =	vtrunc.f32 v5;
	v11 =	vadd.f32 $-4.095000000e+03, v5  }
0xd4: {  	v12 =	vmax.f32 v12, $0.0e+00;
	v10 =	vxor.u32 $0x80000000, v5;
	v9 =	vcvt.f32.s32 v9  }
0xd5: {  	v2 =	vcvt.s32.f32 v2;
	v10 =	vmax.f32 v10, $0.0e+00;
	v11 =	vmax.f32 v11, $0.0e+00  }
0xd6: {  	v9 =	vcvt.s32.f32 v9;
	v10 =	vmax.f32 v10, v11;
	v3 =	vadd.s32 $0x1, v3  }
0xd7: {  	v4 =	vsub.f32 v4, v8;
	v6 =	vsub.f32 v7, v6;
	v7 =	vmax.f32 v62, v12  }
0xd8: {  	v1 =	vsub.f32 v1, v2;
	v63 =	vmul.f32 $4.882812500e-04, v10;
	v7 =	vmul.f32 $4.882812500e-04, v7  }
0xd9: {  	v5 =	vsub.f32 v5, v9;
	v2 =	vmul.f32 $5.000000000e-01, v4;
	v4 =	vmul.f32 $5.000000000e-01, v6  }
0xda: {  	v6 =	vmul.f32 v7, v7;
	v7 =	vmul.f32 v63, v63  }
0xdb: {  	v3 =	vld.idx.msk [tilespmem:v3+s28+$0x0], $0xffff;
	v1 =	vmul.f32 v2, v1;
	v2 =	vmul.f32 v4, v5  }
0xdc: {  	v4 =	vadd.f32 v7, v6  }
0xdd: {  	v1 =	vadd.f32 v2, v1  }
0xde: {  	vm14 =	vlt.f32 v4, $9.999999970e-07  }
0xdf: {  	v1 =	vnsel vm14, $0x0, v1  }
0xe0: {  	v1 =	vadd.f32 v1, v3;
	_ =	sdelay $0x1  }
0xe1: {  	v1 =	vadd.f32 v1, v4  }
0xe2: {  	s19 =	sadd.s32 $0x10, s14  }
0xe3: {  	s20 =	simm.s32 $0x0;
	s12 =	rddreg [dreg:$0x7];
	[tilespmem:s19+$0x0] =	vst v1  }
0xe4: {  	[hbm4b:s12+s20] =	stream.linear.scatter [tilespmem:s2], [sflag:$0x3], $0x1000, $0x38;
	[tilespmem:$0x18000] =	vst v63  }
0xe5: {  	s21 =	rddreg [dreg:$0x8]  }
0xe6: {  	[tilespmem:s20], [sflag:$0x5] =	stream.linear.gather [hbm4b:s21+s20], $0x1000, $0x38;
	[tilespmem:$0x18000] =	vst v63  }
0xe7: {  	_ =	swait.ge [sflag:s23], $0x1000  }
0xe8: {  	[sflag:s23] =	ssyncset.done $0x0  }
0xe9: {  	s24 =	simm.s32 $0x2000;
	s22 =	rddreg [dreg:$0x9];
	[sflag:s23] =	ssyncadd.s32 $0xFFFFF000  }
0xea: {  	[tilespmem:s24], [sflag:$0x5] =	stream.linear.gather [hbm4b:s22+s20], $0x1000, $0x38;
	[tilespmem:$0x18000] =	vst v63  }
0xeb: {  	_ =	swait.ge [sflag:s23], $0x1000  }
0xec: {  	[sflag:s23] =	ssyncset.done $0x0  }
0xed: {  	s11 =	simm.s32 $0x0;
	[sflag:s23] =	ssyncadd.s32 $0xFFFFF000  }
0xee: {  	v1 =	vld [tilespmem:s11+$0x2000];
	_ =	sdelay $0x2  }
0xef: {  	v2 =	vld [tilespmem:s11+$0x0];
	_ =	sdelay $0x1  }
0xf0: {  	s12 =	simm.s32 $0x10;
	v1 =	vmul.f32 $2.048000000e+03, v1  }
0xf1: {  	v3 =	vld [tilespmem:s12+$0x2000]  }
0xf2: {  	v1 =	vadd.f32 $2.048000000e+03, v1  }
0xf3: {  	v2 =	vmul.f32 $2.048000000e+03, v2  }
0xf4: {  	v4 =	vld [tilespmem:s12+$0x0];
	v1 =	vtrunc.f32 v1  }
0xf5: {  	v2 =	vadd.f32 $2.048000000e+03, v2;
	v1 =	vcvt.f32.s32 v1  }
0xf6: {  	v3 =	vmul.f32 $2.048000000e+03, v3  }
0xf7: {  	v2 =	vtrunc.f32 v2;
	vm15 =	vgt.s32 v1, $0x1  }
0xf8: {  	s13 =	simm.s32 $0x20;
	v3 =	vadd.f32 $2.048000000e+03, v3;
	v2 =	vcvt.f32.s32 v2;
	v1 =	vnsel vm15, $0x1, v1  }
0xf9: {  	v4 =	vmul.f32 $2.048000000e+03, v4;
	v5 =	vmin.u32 v1, $0xFFE;
	v1 =	vld [tilespmem:s13+$0x2000]  }
0xfa: {  	v6 =	vtrunc.f32 v3;
	v3 =	vld [tilespmem:s13+$0x0];
	vm1 =	vgt.s32 v2, $0x1  }
0xfb: {  	v4 =	vadd.f32 $2.048000000e+03, v4;
	v2 =	vnsel vm1, $0x1, v2  }
0xfc: {  	v7 =	vmin.u32 v2, $0xFFE;
	v5 =	vshll.u32 v5, $0xC  }
0xfd: {  	s14 =	simm.s32 $0xC0;
	v4 =	vtrunc.f32 v4;
	v2 =	vcvt.f32.s32 v6;
	v5 =	vor.u32 v7, v5  }
.LBB2_8:
0xfe: {  	s18 =	sshra.s32 s14, $0x2;
	p0 =	sne.s32 s14, $0x3FC0;
	s14 =	sadd.s32 $0x40, s14;
	v6 =	vmul.f32 $2.048000000e+03, v1;
	v4 =	vcvt.f32.s32 v4;
	v5 =	vshrl.u32 v5, $0x1  }
.Ltmp3:
0xff: {  	v1 =	vld [tilespmem:s18+$0x2000];
	v7 =	vmul.f32 $2.048000000e+03, v3;
	vm0 =	vgt.s32 v2, $0x1;
	[tilespmem:s11+$0x4000] =	vst v5;
	s11 =	smov.u32 s12;
	s12 =	smov.u32 s13;
	(pc) =	sbr.rel @p0 .LBB2_8-.Ltmp3, $4  }
0x100: {  	s13 =	smov.u32 s18;
	v3 =	vld [tilespmem:s18+$0x0];
	v5 =	vadd.f32 $2.048000000e+03, v6;
	vm1 =	vgt.s32 v4, $0x1;
	v2 =	vnsel vm0, $0x1, v2  }
0x101: {  	v6 =	vadd.f32 $2.048000000e+03, v7;
	v4 =	vnsel vm1, $0x1, v4;
	v2 =	vmin.u32 v2, $0xFFE  }
0x102: {  	v5 =	vtrunc.f32 v5;
	v7 =	vmin.u32 v4, $0xFFE;
	v8 =	vshll.u32 v2, $0xC  }
0x103: {  	v4 =	vtrunc.f32 v6;
	v2 =	vcvt.f32.s32 v5;
	v5 =	vor.u32 v7, v8  }
0x104: {  	v1 =	vmul.f32 $2.048000000e+03, v1  }
0x105: {  	v3 =	vmul.f32 $2.048000000e+03, v3  }
0x106: {  	v1 =	vadd.f32 $2.048000000e+03, v1  }
0x107: {  	v3 =	vadd.f32 $2.048000000e+03, v3  }
0x108: {  	v4 =	vcvt.f32.s32 v4;
	v5 =	vshrl.u32 v5, $0x1;
	v1 =	vtrunc.f32 v1  }
0x109: {  	vm0 =	vgt.s32 v2, $0x1;
	v3 =	vtrunc.f32 v3;
	v1 =	vcvt.f32.s32 v1  }
0x10a: {  	vm1 =	vgt.s32 v4, $0x1;
	v2 =	vnsel vm0, $0x1, v2;
	v3 =	vcvt.f32.s32 v3  }
0x10b: {  	v4 =	vnsel vm1, $0x1, v4;
	v2 =	vmin.u32 v2, $0xFFE;
	vm12 =	vgt.s32 v1, $0x1  }
0x10c: {  	v4 =	vmin.u32 v4, $0xFFE;
	vm13 =	vgt.s32 v3, $0x1;
	v1 =	vnsel vm12, $0x1, v1  }
0x10d: {  	v2 =	vshll.u32 v2, $0xC;
	v3 =	vnsel vm13, $0x1, v3;
	v1 =	vmin.u32 v1, $0xFFE  }
0x10e: {  	v2 =	vor.u32 v4, v2;
	v3 =	vmin.u32 v3, $0xFFE;
	v1 =	vshll.u32 v1, $0xC  }
0x10f: {  	[tilespmem:s11+$0x4000] =	vst v5;
	v2 =	vshrl.u32 v2, $0x1;
	v1 =	vor.u32 v3, v1  }
0x110: {  	[tilespmem:s12+$0x4000] =	vst v2;
	v1 =	vshrl.u32 v1, $0x1  }
0x111: {  	s22 =	simm.s32 $0x1000;
	[tilespmem:s13+$0x4000] =	vst v1  }
0x112: {  	[tilespmem:s28], [sflag:$0x1] =	stream.indirect.gather [hbm4b:s6+s22], $0x8, s26, s22, $0xb8;
	[tilespmem:$0x18000] =	vst v63  }
0x113: {  	_ =	swait.ge [sflag:s7], $0x8000  }
0x114: {  	[sflag:s7] =	ssyncset.done $0x0  }
0x115: {  	[sflag:s7] =	ssyncadd.s32 $0xFFFF8000  }
0x116: {  	v1 =	vld [tilespmem:s22+$0x0];
	_ =	sdelay $0x4  }
0x117: {  	v1 =	vmul.f32 $2.048000000e+03, v1;
	_ =	sdelay $0x1  }
0x118: {  	v1 =	vadd.f32 $2.048000000e+03, v1;
	_ =	sdelay $0x1  }
0x119: {  	v2 =	vtrunc.f32 v1  }
0x11a: {  	v2 =	vcvt.f32.s32 v2;
	_ =	sdelay $0x1  }
0x11b: {  	s24 =	simm.s32 $0x0;
	vm14 =	vgt.s32 v2, $0x1  }
0x11c: {  	v55 =	vmov s24;
	v3 =	vnsel vm14, $0x1, v2  }
0x11d: {  	v4 =	vshll.u32 v55, $0x3;
	s13 =	simm.s32 $0x3000;
	v3 =	vmin.u32 v3, $0xFFE  }
0x11e: {  	v4 =	vor.u32 v0, v4;
	v56 =	vld [tilespmem:s13+$0x0];
	v3 =	vand.u32 $0x1, v3  }
0x11f: {  	v3 =	vor.u32 v4, v3  }
0x120: {  	v4 =	vor.u32 $0x2, v3  }
0x121: {  	v6 =	vor.u32 $0x4, v3  }
0x122: {  	v7 =	vor.u32 $0x6, v3  }
0x123: {  	v5 =	vmul.f32 $2.048000000e+03, v56  }
0x124: {  	v8 =	vld.idx.msk [tilespmem:v3+s31+$0x0], $0xffff  }
0x125: {  	v5 =	vadd.f32 $2.048000000e+03, v5;
	v4 =	vld.idx.msk [tilespmem:v4+s31+$0x0], $0xffff  }
0x126: {  	v6 =	vld.idx.msk [tilespmem:v6+s31+$0x0], $0xffff  }
0x127: {  	v9 =	vtrunc.f32 v5;
	v10 =	vxor.u32 $0x80000000, v5;
	v11 =	vadd.f32 $-4.095000000e+03, v5;
	v7 =	vld.idx.msk [tilespmem:v7+s31+$0x0], $0xffff  }
0x128: {  	v12 =	vadd.f32 $-4.095000000e+03, v1;
	v13 =	vxor.u32 $0x80000000, v1;
	v9 =	vcvt.f32.s32 v9  }
0x129: {  	v10 =	vmax.f32 v10, $0.0e+00;
	v57 =	vmax.f32 v13, $0.0e+00  }
0x12a: {  	v11 =	vmax.f32 v11, $0.0e+00;
	v12 =	vmax.f32 v12, $0.0e+00;
	v9 =	vcvt.s32.f32 v9  }
0x12b: {  	v10 =	vmax.f32 v10, v11;
	v58 =	vmax.f32 v57, v12;
	v3 =	vadd.s32 $0x1, v3  }
0x12c: {  	v2 =	vcvt.s32.f32 v2;
	v4 =	vsub.f32 v4, v8;
	v6 =	vsub.f32 v7, v6  }
0x12d: {  	v59 =	vmul.f32 $4.882812500e-04, v10;
	v5 =	vsub.f32 v5, v9;
	v7 =	vmul.f32 $4.882812500e-04, v58  }
0x12e: {  	v1 =	vsub.f32 v1, v2;
	v2 =	vmul.f32 $5.000000000e-01, v4;
	v60 =	vmul.f32 $5.000000000e-01, v6  }
0x12f: {  	v62 =	vmul.f32 v59, v59;
	v61 =	vmul.f32 v7, v7  }
0x130: {  	v3 =	vld.idx.msk [tilespmem:v3+s31+$0x0], $0xffff;
	v1 =	vmul.f32 v2, v1;
	v2 =	vmul.f32 v60, v5  }
0x131: {  	v63 =	vadd.f32 v62, v61  }
0x132: {  	v1 =	vadd.f32 v2, v1  }
0x133: {  	vm15 =	vlt.f32 v63, $9.999999970e-07  }
0x134: {  	v1 =	vnsel vm15, $0x0, v1  }
0x135: {  	v1 =	vadd.f32 v1, v3;
	_ =	sdelay $0x1  }
0x136: {  	v1 =	vadd.f32 v1, v63  }
0x137: {  	s14 =	simm.s32 $0x17000  }
0x138: {  	s18 =	simm.s32 $0x1010;
	[tilespmem:s14+$0x0] =	vst v1  }
0x139: {  	v1 =	vld [tilespmem:s18+$0x0];
	_ =	sdelay $0x1  }
0x13a: {  	s11 =	simm.s32 $0x10;
	s12 =	simm.s32 $0x20  }
.LBB2_10:
0x13b: {  	p0 =	sne.s32 s12, $0xFF0;
	_ =	sdelay $0x1  }
0x13c: {  	v1 =	vmul.f32 $2.048000000e+03, v1;
	_ =	sdelay $0x1  }
0x13d: {  	v1 =	vadd.f32 $2.048000000e+03, v1;
	_ =	sdelay $0x1  }
0x13e: {  	v2 =	vtrunc.f32 v1  }
0x13f: {  	v2 =	vcvt.f32.s32 v2;
	_ =	sdelay $0x1  }
0x140: {  	vm0 =	vgt.s32 v2, $0x1  }
0x141: {  	v4 =	vmov s11;
	s11 =	smov.u32 s12;
	v3 =	vnsel vm0, $0x1, v2  }
0x142: {  	s13 =	sadd.s32 $0x10, s13;
	v4 =	vshll.u32 v4, $0x3;
	v3 =	vmin.u32 v3, $0xFFE  }
0x143: {  	v4 =	vor.u32 v0, v4;
	v5 =	vld [tilespmem:s13+$0x0];
	v3 =	vand.u32 $0x1, v3  }
0x144: {  	v3 =	vor.u32 v4, v3  }
0x145: {  	v4 =	vor.u32 $0x2, v3  }
0x146: {  	v6 =	vor.u32 $0x4, v3  }
0x147: {  	v7 =	vor.u32 $0x6, v3  }
0x148: {  	v5 =	vmul.f32 $2.048000000e+03, v5  }
0x149: {  	v8 =	vld.idx.msk [tilespmem:v3+s31+$0x0], $0xffff  }
0x14a: {  	v5 =	vadd.f32 $2.048000000e+03, v5;
	v4 =	vld.idx.msk [tilespmem:v4+s31+$0x0], $0xffff  }
0x14b: {  	v6 =	vld.idx.msk [tilespmem:v6+s31+$0x0], $0xffff  }
0x14c: {  	v9 =	vtrunc.f32 v5;
	v7 =	vld.idx.msk [tilespmem:v7+s31+$0x0], $0xffff  }
0x14d: {  	v10 =	vxor.u32 $0x80000000, v5;
	v11 =	vadd.f32 $-4.095000000e+03, v5;
	v9 =	vcvt.f32.s32 v9  }
0x14e: {  	v10 =	vmax.f32 v10, $0.0e+00  }
0x14f: {  	v12 =	vadd.f32 $-4.095000000e+03, v1;
	v11 =	vmax.f32 v11, $0.0e+00;
	v9 =	vcvt.s32.f32 v9  }
0x150: {  	v13 =	vxor.u32 $0x80000000, v1;
	v3 =	vadd.s32 $0x1, v3;
	v10 =	vmax.f32 v10, v11  }
0x151: {  	v12 =	vmax.f32 v12, $0.0e+00;
	v2 =	vcvt.s32.f32 v2;
	v11 =	vmax.f32 v13, $0.0e+00  }
0x152: {  	v4 =	vsub.f32 v4, v8;
	v6 =	vsub.f32 v7, v6;
	v7 =	vmax.f32 v11, v12  }
0x153: {  	v8 =	vmul.f32 $4.882812500e-04, v10;
	v5 =	vsub.f32 v5, v9;
	v7 =	vmul.f32 $4.882812500e-04, v7  }
0x154: {  	v1 =	vsub.f32 v1, v2;
	v2 =	vmul.f32 $5.000000000e-01, v4;
	v4 =	vmul.f32 $5.000000000e-01, v6  }
0x155: {  	v6 =	vmul.f32 v7, v7;
	v7 =	vmul.f32 v8, v8;
	v3 =	vld.idx.msk [tilespmem:v3+s31+$0x0], $0xffff  }
0x156: {  	v1 =	vmul.f32 v2, v1;
	v2 =	vmul.f32 v4, v5  }
0x157: {  	v4 =	vadd.f32 v7, v6  }
0x158: {  	v1 =	vadd.f32 v2, v1  }
0x159: {  	vm0 =	vlt.f32 v4, $9.999999970e-07  }
0x15a: {  	v1 =	vnsel vm0, $0x0, v1  }
0x15b: {  	v1 =	vadd.f32 v1, v3;
	_ =	sdelay $0x1  }
0x15c: {  	v1 =	vadd.f32 v1, v4  }
.Ltmp4:
0x15d: {  	s14 =	sadd.s32 $0x10, s14;
	(pc) =	sbr.rel @p0 .LBB2_10-.Ltmp4, $3  }
0x15e: {  	s18 =	sadd.s32 $0x10, s18;
	[tilespmem:s14+$0x0] =	vst v1  }
0x15f: {  	v1 =	vld [tilespmem:s18+$0x0];
	_ =	sdelay $0x1  }
0x160: {  	s12 =	sadd.s32 $0x10, s12  }
0x161: {  	_ =	sdelay $0x1  }
0x162: {  	v1 =	vmul.f32 $2.048000000e+03, v1;
	_ =	sdelay $0x1  }
0x163: {  	v1 =	vadd.f32 $2.048000000e+03, v1;
	_ =	sdelay $0x1  }
0x164: {  	v2 =	vtrunc.f32 v1  }
0x165: {  	v2 =	vcvt.f32.s32 v2;
	_ =	sdelay $0x1  }
0x166: {  	vm0 =	vgt.s32 v2, $0x1  }
0x167: {  	v4 =	vmov s11;
	v3 =	vnsel vm0, $0x1, v2  }
0x168: {  	v4 =	vshll.u32 v4, $0x3;
	v3 =	vmin.u32 v3, $0xFFE  }
0x169: {  	s21 =	sadd.s32 $0x10, s13;
	v4 =	vor.u32 v0, v4;
	v3 =	vand.u32 $0x1, v3  }
0x16a: {  	v5 =	vld [tilespmem:s21+$0x0];
	v3 =	vor.u32 v4, v3  }
0x16b: {  	v4 =	vor.u32 $0x2, v3  }
0x16c: {  	v6 =	vor.u32 $0x4, v3  }
0x16d: {  	v7 =	vor.u32 $0x6, v3;
	_ =	sdelay $0x1  }
0x16e: {  	v5 =	vmul.f32 $2.048000000e+03, v5;
	v8 =	vld.idx.msk [tilespmem:v3+s31+$0x0], $0xffff  }
0x16f: {  	v4 =	vld.idx.msk [tilespmem:v4+s31+$0x0], $0xffff  }
0x170: {  	v12 =	vadd.f32 $-4.095000000e+03, v1;
	v5 =	vadd.f32 $2.048000000e+03, v5;
	v6 =	vld.idx.msk [tilespmem:v6+s31+$0x0], $0xffff  }
0x171: {  	v13 =	vxor.u32 $0x80000000, v1;
	v7 =	vld.idx.msk [tilespmem:v7+s31+$0x0], $0xffff  }
0x172: {  	v57 =	vmax.f32 v13, $0.0e+00;
	v12 =	vmax.f32 v12, $0.0e+00;
	v9 =	vtrunc.f32 v5  }
0x173: {  	v10 =	vxor.u32 $0x80000000, v5;
	v11 =	vadd.f32 $-4.095000000e+03, v5;
	v9 =	vcvt.f32.s32 v9  }
0x174: {  	v58 =	vmax.f32 v57, v12;
	v2 =	vcvt.s32.f32 v2;
	v10 =	vmax.f32 v10, $0.0e+00  }
0x175: {  	v11 =	vmax.f32 v11, $0.0e+00;
	v9 =	vcvt.s32.f32 v9;
	v3 =	vadd.s32 $0x1, v3  }
0x176: {  	v10 =	vmax.f32 v10, v11;
	v4 =	vsub.f32 v4, v8;
	v6 =	vsub.f32 v7, v6  }
0x177: {  	v1 =	vsub.f32 v1, v2;
	v59 =	vmul.f32 $4.882812500e-04, v10;
	v7 =	vmul.f32 $4.882812500e-04, v58  }
0x178: {  	v5 =	vsub.f32 v5, v9;
	v2 =	vmul.f32 $5.000000000e-01, v4;
	v60 =	vmul.f32 $5.000000000e-01, v6  }
0x179: {  	v62 =	vmul.f32 v59, v59;
	v61 =	vmul.f32 v7, v7  }
0x17a: {  	v3 =	vld.idx.msk [tilespmem:v3+s31+$0x0], $0xffff;
	v1 =	vmul.f32 v2, v1;
	v2 =	vmul.f32 v60, v5  }
0x17b: {  	v63 =	vadd.f32 v62, v61  }
0x17c: {  	v1 =	vadd.f32 v2, v1  }
0x17d: {  	vm15 =	vlt.f32 v63, $9.999999970e-07  }
0x17e: {  	v1 =	vnsel vm15, $0x0, v1  }
0x17f: {  	v1 =	vadd.f32 v1, v3;
	_ =	sdelay $0x1  }
0x180: {  	v1 =	vadd.f32 v1, v63  }
0x181: {  	s22 =	sadd.s32 $0x10, s14  }
0x182: {  	s13 =	simm.s32 $0x0;
	s24 =	rddreg [dreg:$0xa];
	s14 =	simm.s32 $0x0;
	[tilespmem:s22+$0x0] =	vst v1  }
0x183: {  	[hbm4b:s24+s13] =	stream.linear.scatter [tilespmem:s8], [sflag:$0x4], $0x1000, $0x38;
	[tilespmem:$0x18000] =	vst v63  }
.LBB2_12:
0x184: {  	s19 =	sshll.u32 s14, $0xD  }
0x185: {  	s11 =	sadd.s32 s19, s15  }
0x186: {  	s18 =	sshrl.u32 s11, $0x3  }
0x187: {  	s11 =	sadd.s32 s4, s18  }
0x188: {  	[tilespmem:s25], [sflag:$0x5] =	stream.linear.gather [hbm4b:s11+s13], $0x1000, $0x38;
	[tilespmem:$0x18000] =	vst v63  }
0x189: {  	_ =	swait.ge [sflag:s23], $0x1000  }
0x18a: {  	[sflag:s23] =	ssyncset.done $0x0  }
0x18b: {  	s24 =	sadd.s32 s5, s18;
	[sflag:s23] =	ssyncadd.s32 $0xFFFFF000  }
0x18c: {  	[tilespmem:s29], [sflag:$0x5] =	stream.linear.gather [hbm4b:s24+s13], $0x1000, $0x38;
	[tilespmem:$0x18000] =	vst v63  }
0x18d: {  	_ =	swait.ge [sflag:s23], $0x1000  }
0x18e: {  	[sflag:s23] =	ssyncset.done $0x0  }
0x18f: {  	s11 =	simm.s32 $0x0;
	[sflag:s23] =	ssyncadd.s32 $0xFFFFF000  }
0x190: {  	v1 =	vld [tilespmem:s11+$0x3000];
	_ =	sdelay $0x2  }
0x191: {  	v2 =	vld [tilespmem:s11+$0x1000];
	_ =	sdelay $0x1  }
0x192: {  	s12 =	simm.s32 $0x10;
	v1 =	vmul.f32 $2.048000000e+03, v1  }
0x193: {  	v3 =	vld [tilespmem:s12+$0x3000]  }
0x194: {  	v1 =	vadd.f32 $2.048000000e+03, v1  }
0x195: {  	v2 =	vmul.f32 $2.048000000e+03, v2  }
0x196: {  	v4 =	vld [tilespmem:s12+$0x1000];
	v1 =	vtrunc.f32 v1  }
0x197: {  	v2 =	vadd.f32 $2.048000000e+03, v2;
	v1 =	vcvt.f32.s32 v1  }
0x198: {  	v3 =	vmul.f32 $2.048000000e+03, v3  }
0x199: {  	v2 =	vtrunc.f32 v2;
	vm0 =	vgt.s32 v1, $0x1  }
0x19a: {  	s20 =	simm.s32 $0x20;
	v3 =	vadd.f32 $2.048000000e+03, v3;
	v2 =	vcvt.f32.s32 v2;
	v1 =	vnsel vm0, $0x1, v1  }
0x19b: {  	v4 =	vmul.f32 $2.048000000e+03, v4;
	v5 =	vmin.u32 v1, $0xFFE;
	v1 =	vld [tilespmem:s20+$0x3000]  }
0x19c: {  	v6 =	vtrunc.f32 v3;
	v3 =	vld [tilespmem:s20+$0x1000];
	vm1 =	vgt.s32 v2, $0x1  }
0x19d: {  	v4 =	vadd.f32 $2.048000000e+03, v4;
	v2 =	vnsel vm1, $0x1, v2  }
0x19e: {  	v7 =	vmin.u32 v2, $0xFFE;
	v5 =	vshll.u32 v5, $0xC  }
0x19f: {  	s21 =	simm.s32 $0xC0;
	v4 =	vtrunc.f32 v4;
	v2 =	vcvt.f32.s32 v6;
	v5 =	vor.u32 v7, v5  }
.LBB2_13:
0x1a0: {  	s22 =	sshra.s32 s21, $0x2;
	p0 =	sne.s32 s21, $0x3FC0;
	s21 =	sadd.s32 $0x40, s21;
	v6 =	vmul.f32 $2.048000000e+03, v1;
	v4 =	vcvt.f32.s32 v4;
	v5 =	vshrl.u32 v5, $0x1  }
.Ltmp5:
0x1a1: {  	v1 =	vld [tilespmem:s22+$0x3000];
	v7 =	vmul.f32 $2.048000000e+03, v3;
	vm0 =	vgt.s32 v2, $0x1;
	[tilespmem:s11+$0x5000] =	vst v5;
	s11 =	smov.u32 s12;
	s12 =	smov.u32 s20;
	(pc) =	sbr.rel @p0 .LBB2_13-.Ltmp5, $4  }
0x1a2: {  	s20 =	smov.u32 s22;
	v3 =	vld [tilespmem:s22+$0x1000];
	v5 =	vadd.f32 $2.048000000e+03, v6;
	vm1 =	vgt.s32 v4, $0x1;
	v2 =	vnsel vm0, $0x1, v2  }
0x1a3: {  	v6 =	vadd.f32 $2.048000000e+03, v7;
	v4 =	vnsel vm1, $0x1, v4;
	v2 =	vmin.u32 v2, $0xFFE  }
0x1a4: {  	v5 =	vtrunc.f32 v5;
	v7 =	vmin.u32 v4, $0xFFE;
	v8 =	vshll.u32 v2, $0xC  }
0x1a5: {  	v4 =	vtrunc.f32 v6;
	v2 =	vcvt.f32.s32 v5;
	v5 =	vor.u32 v7, v8  }
0x1a6: {  	v1 =	vmul.f32 $2.048000000e+03, v1  }
0x1a7: {  	v3 =	vmul.f32 $2.048000000e+03, v3  }
0x1a8: {  	v1 =	vadd.f32 $2.048000000e+03, v1  }
0x1a9: {  	v3 =	vadd.f32 $2.048000000e+03, v3  }
0x1aa: {  	v4 =	vcvt.f32.s32 v4;
	v5 =	vshrl.u32 v5, $0x1;
	v1 =	vtrunc.f32 v1  }
0x1ab: {  	vm0 =	vgt.s32 v2, $0x1;
	v3 =	vtrunc.f32 v3;
	v1 =	vcvt.f32.s32 v1  }
0x1ac: {  	vm1 =	vgt.s32 v4, $0x1;
	v2 =	vnsel vm0, $0x1, v2;
	v3 =	vcvt.f32.s32 v3  }
0x1ad: {  	v4 =	vnsel vm1, $0x1, v4;
	v2 =	vmin.u32 v2, $0xFFE;
	vm12 =	vgt.s32 v1, $0x1  }
0x1ae: {  	v4 =	vmin.u32 v4, $0xFFE;
	vm13 =	vgt.s32 v3, $0x1;
	v1 =	vnsel vm12, $0x1, v1  }
0x1af: {  	v2 =	vshll.u32 v2, $0xC;
	v3 =	vnsel vm13, $0x1, v3;
	v1 =	vmin.u32 v1, $0xFFE  }
0x1b0: {  	v2 =	vor.u32 v4, v2;
	v3 =	vmin.u32 v3, $0xFFE;
	v1 =	vshll.u32 v1, $0xC  }
0x1b1: {  	[tilespmem:s11+$0x5000] =	vst v5;
	v2 =	vshrl.u32 v2, $0x1;
	v1 =	vor.u32 v3, v1  }
0x1b2: {  	[tilespmem:s12+$0x5000] =	vst v2;
	v1 =	vshrl.u32 v1, $0x1  }
0x1b3: {  	[tilespmem:s20+$0x5000] =	vst v1  }
0x1b4: {  	[tilespmem:s31], [sflag:$0x2] =	stream.indirect.gather [hbm4b:s6+s25], $0x8, s30, s25, $0xb8;
	[tilespmem:$0x18000] =	vst v63  }
0x1b5: {  	_ =	swait.ge [sflag:s0], $0x8000  }
0x1b6: {  	[sflag:s0] =	ssyncset.done $0x0  }
0x1b7: {  	[sflag:s0] =	ssyncadd.s32 $0xFFFF8000  }
0x1b8: {  	_ =	swait.ge [sflag:s9], $0x1000  }
0x1b9: {  	[sflag:s9] =	ssyncset.done $0x0  }
0x1ba: {  	s21 =	simm.s32 $0x0;
	[sflag:s9] =	ssyncadd.s32 $0xFFFFF000  }
0x1bb: {  	v1 =	vld [tilespmem:s21+$0x0];
	_ =	sdelay $0x4  }
0x1bc: {  	v1 =	vmul.f32 $2.048000000e+03, v1;
	_ =	sdelay $0x1  }
0x1bd: {  	v1 =	vadd.f32 $2.048000000e+03, v1;
	_ =	sdelay $0x1  }
0x1be: {  	v2 =	vtrunc.f32 v1  }
0x1bf: {  	v2 =	vcvt.f32.s32 v2;
	_ =	sdelay $0x1  }
0x1c0: {  	vm14 =	vgt.s32 v2, $0x1  }
0x1c1: {  	v55 =	vmov s21;
	v3 =	vnsel vm14, $0x1, v2  }
0x1c2: {  	v4 =	vshll.u32 v55, $0x3;
	s20 =	simm.s32 $0x2000;
	v3 =	vmin.u32 v3, $0xFFE  }
0x1c3: {  	v4 =	vor.u32 v0, v4;
	v56 =	vld [tilespmem:s20+$0x0];
	v3 =	vand.u32 $0x1, v3  }
0x1c4: {  	v3 =	vor.u32 v4, v3  }
0x1c5: {  	v4 =	vor.u32 $0x2, v3  }
0x1c6: {  	v6 =	vor.u32 $0x4, v3  }
0x1c7: {  	v7 =	vor.u32 $0x6, v3  }
0x1c8: {  	v5 =	vmul.f32 $2.048000000e+03, v56  }
0x1c9: {  	v8 =	vld.idx.msk [tilespmem:v3+s28+$0x0], $0xffff  }
0x1ca: {  	v5 =	vadd.f32 $2.048000000e+03, v5;
	v4 =	vld.idx.msk [tilespmem:v4+s28+$0x0], $0xffff  }
0x1cb: {  	v6 =	vld.idx.msk [tilespmem:v6+s28+$0x0], $0xffff  }
0x1cc: {  	v9 =	vtrunc.f32 v5;
	v10 =	vxor.u32 $0x80000000, v5;
	v11 =	vadd.f32 $-4.095000000e+03, v5;
	v7 =	vld.idx.msk [tilespmem:v7+s28+$0x0], $0xffff  }
0x1cd: {  	v12 =	vadd.f32 $-4.095000000e+03, v1;
	v13 =	vxor.u32 $0x80000000, v1;
	v9 =	vcvt.f32.s32 v9  }
0x1ce: {  	v10 =	vmax.f32 v10, $0.0e+00;
	v57 =	vmax.f32 v13, $0.0e+00  }
0x1cf: {  	v11 =	vmax.f32 v11, $0.0e+00;
	v12 =	vmax.f32 v12, $0.0e+00;
	v9 =	vcvt.s32.f32 v9  }
0x1d0: {  	v10 =	vmax.f32 v10, v11;
	v58 =	vmax.f32 v57, v12;
	v3 =	vadd.s32 $0x1, v3  }
0x1d1: {  	v2 =	vcvt.s32.f32 v2;
	v4 =	vsub.f32 v4, v8;
	v6 =	vsub.f32 v7, v6  }
0x1d2: {  	v59 =	vmul.f32 $4.882812500e-04, v10;
	v5 =	vsub.f32 v5, v9;
	v7 =	vmul.f32 $4.882812500e-04, v58  }
0x1d3: {  	v1 =	vsub.f32 v1, v2;
	v2 =	vmul.f32 $5.000000000e-01, v4;
	v60 =	vmul.f32 $5.000000000e-01, v6  }
0x1d4: {  	v62 =	vmul.f32 v59, v59;
	v61 =	vmul.f32 v7, v7  }
0x1d5: {  	v3 =	vld.idx.msk [tilespmem:v3+s28+$0x0], $0xffff;
	v1 =	vmul.f32 v2, v1;
	v2 =	vmul.f32 v60, v5  }
0x1d6: {  	v63 =	vadd.f32 v62, v61  }
0x1d7: {  	v1 =	vadd.f32 v2, v1  }
0x1d8: {  	vm15 =	vlt.f32 v63, $9.999999970e-07  }
0x1d9: {  	v1 =	vnsel vm15, $0x0, v1  }
0x1da: {  	v1 =	vadd.f32 v1, v3;
	_ =	sdelay $0x1  }
0x1db: {  	v1 =	vadd.f32 v1, v63  }
0x1dc: {  	s21 =	simm.s32 $0x16000  }
0x1dd: {  	s11 =	simm.s32 $0x10;
	[tilespmem:s21+$0x0] =	vst v1  }
0x1de: {  	s22 =	sadd.s32 s19, s16;
	v1 =	vld [tilespmem:s11+$0x0]  }
0x1df: {  	s24 =	sshrl.u32 s22, $0x3  }
0x1e0: {  	s22 =	sadd.s32 s1, s24;
	s24 =	simm.s32 $0x10;
	s12 =	simm.s32 $0x20  }
.LBB2_15:
0x1e1: {  	p0 =	sne.s32 s12, $0xFF0;
	_ =	sdelay $0x1  }
0x1e2: {  	v1 =	vmul.f32 $2.048000000e+03, v1;
	_ =	sdelay $0x1  }
0x1e3: {  	v1 =	vadd.f32 $2.048000000e+03, v1;
	_ =	sdelay $0x1  }
0x1e4: {  	v2 =	vtrunc.f32 v1  }
0x1e5: {  	v2 =	vcvt.f32.s32 v2;
	_ =	sdelay $0x1  }
0x1e6: {  	vm0 =	vgt.s32 v2, $0x1  }
0x1e7: {  	v4 =	vmov s11;
	s11 =	smov.u32 s12;
	v3 =	vnsel vm0, $0x1, v2  }
0x1e8: {  	s20 =	sadd.s32 $0x10, s20;
	v4 =	vshll.u32 v4, $0x3;
	v3 =	vmin.u32 v3, $0xFFE  }
0x1e9: {  	v4 =	vor.u32 v0, v4;
	v5 =	vld [tilespmem:s20+$0x0];
	v3 =	vand.u32 $0x1, v3  }
0x1ea: {  	v3 =	vor.u32 v4, v3  }
0x1eb: {  	v4 =	vor.u32 $0x2, v3  }
0x1ec: {  	v6 =	vor.u32 $0x4, v3  }
0x1ed: {  	v7 =	vor.u32 $0x6, v3  }
0x1ee: {  	v5 =	vmul.f32 $2.048000000e+03, v5  }
0x1ef: {  	v8 =	vld.idx.msk [tilespmem:v3+s28+$0x0], $0xffff  }
0x1f0: {  	v5 =	vadd.f32 $2.048000000e+03, v5;
	v4 =	vld.idx.msk [tilespmem:v4+s28+$0x0], $0xffff  }
0x1f1: {  	v6 =	vld.idx.msk [tilespmem:v6+s28+$0x0], $0xffff  }
0x1f2: {  	v9 =	vtrunc.f32 v5;
	v7 =	vld.idx.msk [tilespmem:v7+s28+$0x0], $0xffff  }
0x1f3: {  	v10 =	vxor.u32 $0x80000000, v5;
	v11 =	vadd.f32 $-4.095000000e+03, v5;
	v9 =	vcvt.f32.s32 v9  }
0x1f4: {  	v10 =	vmax.f32 v10, $0.0e+00  }
0x1f5: {  	v12 =	vadd.f32 $-4.095000000e+03, v1;
	v11 =	vmax.f32 v11, $0.0e+00;
	v9 =	vcvt.s32.f32 v9  }
0x1f6: {  	v13 =	vxor.u32 $0x80000000, v1;
	v3 =	vadd.s32 $0x1, v3;
	v10 =	vmax.f32 v10, v11  }
0x1f7: {  	v12 =	vmax.f32 v12, $0.0e+00;
	v2 =	vcvt.s32.f32 v2;
	v11 =	vmax.f32 v13, $0.0e+00  }
0x1f8: {  	v4 =	vsub.f32 v4, v8;
	v6 =	vsub.f32 v7, v6;
	v7 =	vmax.f32 v11, v12  }
0x1f9: {  	v8 =	vmul.f32 $4.882812500e-04, v10;
	v5 =	vsub.f32 v5, v9;
	v7 =	vmul.f32 $4.882812500e-04, v7  }
0x1fa: {  	v1 =	vsub.f32 v1, v2;
	v2 =	vmul.f32 $5.000000000e-01, v4;
	v4 =	vmul.f32 $5.000000000e-01, v6  }
0x1fb: {  	v6 =	vmul.f32 v7, v7;
	v7 =	vmul.f32 v8, v8;
	v3 =	vld.idx.msk [tilespmem:v3+s28+$0x0], $0xffff  }
0x1fc: {  	v1 =	vmul.f32 v2, v1;
	v2 =	vmul.f32 v4, v5  }
0x1fd: {  	v4 =	vadd.f32 v7, v6  }
0x1fe: {  	v1 =	vadd.f32 v2, v1  }
0x1ff: {  	vm0 =	vlt.f32 v4, $9.999999970e-07  }
0x200: {  	v1 =	vnsel vm0, $0x0, v1  }
0x201: {  	v1 =	vadd.f32 v1, v3;
	_ =	sdelay $0x1  }
0x202: {  	v1 =	vadd.f32 v1, v4  }
.Ltmp6:
0x203: {  	s21 =	sadd.s32 $0x10, s21;
	(pc) =	sbr.rel @p0 .LBB2_15-.Ltmp6, $3  }
0x204: {  	s24 =	sadd.s32 $0x10, s24;
	[tilespmem:s21+$0x0] =	vst v1  }
0x205: {  	v1 =	vld [tilespmem:s24+$0x0];
	_ =	sdelay $0x1  }
0x206: {  	s12 =	sadd.s32 $0x10, s12  }
0x207: {  	_ =	sdelay $0x1  }
0x208: {  	v1 =	vmul.f32 $2.048000000e+03, v1;
	_ =	sdelay $0x1  }
0x209: {  	v1 =	vadd.f32 $2.048000000e+03, v1;
	_ =	sdelay $0x1  }
0x20a: {  	v2 =	vtrunc.f32 v1  }
0x20b: {  	v2 =	vcvt.f32.s32 v2;
	_ =	sdelay $0x1  }
0x20c: {  	vm0 =	vgt.s32 v2, $0x1  }
0x20d: {  	v4 =	vmov s11;
	v3 =	vnsel vm0, $0x1, v2  }
0x20e: {  	v4 =	vshll.u32 v4, $0x3;
	v3 =	vmin.u32 v3, $0xFFE  }
0x20f: {  	s12 =	sadd.s32 $0x10, s20;
	v4 =	vor.u32 v0, v4;
	v3 =	vand.u32 $0x1, v3  }
0x210: {  	v5 =	vld [tilespmem:s12+$0x0];
	v3 =	vor.u32 v4, v3  }
0x211: {  	v4 =	vor.u32 $0x2, v3  }
0x212: {  	v6 =	vor.u32 $0x4, v3  }
0x213: {  	v7 =	vor.u32 $0x6, v3;
	_ =	sdelay $0x1  }
0x214: {  	v5 =	vmul.f32 $2.048000000e+03, v5;
	v8 =	vld.idx.msk [tilespmem:v3+s28+$0x0], $0xffff  }
0x215: {  	v4 =	vld.idx.msk [tilespmem:v4+s28+$0x0], $0xffff  }
0x216: {  	v5 =	vadd.f32 $2.048000000e+03, v5;
	v6 =	vld.idx.msk [tilespmem:v6+s28+$0x0], $0xffff  }
0x217: {  	v12 =	vadd.f32 $-4.095000000e+03, v1;
	v13 =	vxor.u32 $0x80000000, v1;
	v7 =	vld.idx.msk [tilespmem:v7+s28+$0x0], $0xffff  }
0x218: {  	v62 =	vmax.f32 v13, $0.0e+00;
	v9 =	vtrunc.f32 v5;
	v11 =	vadd.f32 $-4.095000000e+03, v5  }
0x219: {  	v12 =	vmax.f32 v12, $0.0e+00;
	v10 =	vxor.u32 $0x80000000, v5;
	v9 =	vcvt.f32.s32 v9  }
0x21a: {  	v2 =	vcvt.s32.f32 v2;
	v10 =	vmax.f32 v10, $0.0e+00;
	v11 =	vmax.f32 v11, $0.0e+00  }
0x21b: {  	v9 =	vcvt.s32.f32 v9;
	v10 =	vmax.f32 v10, v11;
	v3 =	vadd.s32 $0x1, v3  }
0x21c: {  	v4 =	vsub.f32 v4, v8;
	v6 =	vsub.f32 v7, v6;
	v7 =	vmax.f32 v62, v12  }
0x21d: {  	v1 =	vsub.f32 v1, v2;
	v63 =	vmul.f32 $4.882812500e-04, v10;
	v7 =	vmul.f32 $4.882812500e-04, v7  }
0x21e: {  	v5 =	vsub.f32 v5, v9;
	v2 =	vmul.f32 $5.000000000e-01, v4;
	v4 =	vmul.f32 $5.000000000e-01, v6  }
0x21f: {  	v6 =	vmul.f32 v7, v7;
	v7 =	vmul.f32 v63, v63  }
0x220: {  	v3 =	vld.idx.msk [tilespmem:v3+s28+$0x0], $0xffff;
	v1 =	vmul.f32 v2, v1;
	v2 =	vmul.f32 v4, v5  }
0x221: {  	v4 =	vadd.f32 v7, v6  }
0x222: {  	v1 =	vadd.f32 v2, v1  }
0x223: {  	vm14 =	vlt.f32 v4, $9.999999970e-07  }
0x224: {  	v1 =	vnsel vm14, $0x0, v1  }
0x225: {  	v1 =	vadd.f32 v1, v3;
	_ =	sdelay $0x1  }
0x226: {  	v1 =	vadd.f32 v1, v4  }
0x227: {  	s20 =	sadd.s32 $0x10, s21;
	s12 =	sadd.s32 s19, s17  }
0x228: {  	s21 =	simm.s32 $0x0;
	s12 =	sshrl.u32 s12, $0x3;
	[tilespmem:s20+$0x0] =	vst v1  }
0x229: {  	[hbm4b:s22+s21] =	stream.linear.scatter [tilespmem:s2], [sflag:$0x3], $0x1000, $0x38;
	[tilespmem:$0x18000] =	vst v63  }
0x22a: {  	s22 =	sadd.s32 s4, s12  }
0x22b: {  	[tilespmem:s21], [sflag:$0x5] =	stream.linear.gather [hbm4b:s22+s21], $0x1000, $0x38;
	[tilespmem:$0x18000] =	vst v63  }
0x22c: {  	_ =	swait.ge [sflag:s23], $0x1000  }
0x22d: {  	[sflag:s23] =	ssyncset.done $0x0  }
0x22e: {  	s24 =	simm.s32 $0x2000;
	s12 =	sadd.s32 s5, s12;
	[sflag:s23] =	ssyncadd.s32 $0xFFFFF000  }
0x22f: {  	[tilespmem:s24], [sflag:$0x5] =	stream.linear.gather [hbm4b:s12+s21], $0x1000, $0x38;
	[tilespmem:$0x18000] =	vst v63  }
0x230: {  	_ =	swait.ge [sflag:s23], $0x1000  }
0x231: {  	[sflag:s23] =	ssyncset.done $0x0  }
0x232: {  	s11 =	simm.s32 $0x0;
	[sflag:s23] =	ssyncadd.s32 $0xFFFFF000  }
0x233: {  	v1 =	vld [tilespmem:s11+$0x2000];
	_ =	sdelay $0x2  }
0x234: {  	v2 =	vld [tilespmem:s11+$0x0];
	_ =	sdelay $0x1  }
0x235: {  	s12 =	simm.s32 $0x10;
	v1 =	vmul.f32 $2.048000000e+03, v1  }
0x236: {  	v3 =	vld [tilespmem:s12+$0x2000]  }
0x237: {  	v1 =	vadd.f32 $2.048000000e+03, v1  }
0x238: {  	v2 =	vmul.f32 $2.048000000e+03, v2  }
0x239: {  	v4 =	vld [tilespmem:s12+$0x0];
	v1 =	vtrunc.f32 v1  }
0x23a: {  	v2 =	vadd.f32 $2.048000000e+03, v2;
	v1 =	vcvt.f32.s32 v1  }
0x23b: {  	v3 =	vmul.f32 $2.048000000e+03, v3  }
0x23c: {  	v2 =	vtrunc.f32 v2;
	vm15 =	vgt.s32 v1, $0x1  }
0x23d: {  	s19 =	simm.s32 $0x20;
	v3 =	vadd.f32 $2.048000000e+03, v3;
	v2 =	vcvt.f32.s32 v2;
	v1 =	vnsel vm15, $0x1, v1  }
0x23e: {  	v4 =	vmul.f32 $2.048000000e+03, v4;
	v5 =	vmin.u32 v1, $0xFFE;
	v1 =	vld [tilespmem:s19+$0x2000]  }
0x23f: {  	v6 =	vtrunc.f32 v3;
	v3 =	vld [tilespmem:s19+$0x0];
	vm1 =	vgt.s32 v2, $0x1  }
0x240: {  	v4 =	vadd.f32 $2.048000000e+03, v4;
	v2 =	vnsel vm1, $0x1, v2  }
0x241: {  	v7 =	vmin.u32 v2, $0xFFE;
	v5 =	vshll.u32 v5, $0xC  }
0x242: {  	s20 =	simm.s32 $0xC0;
	v4 =	vtrunc.f32 v4;
	v2 =	vcvt.f32.s32 v6;
	v5 =	vor.u32 v7, v5  }
.LBB2_17:
0x243: {  	s21 =	sshra.s32 s20, $0x2;
	p0 =	sne.s32 s20, $0x3FC0;
	s20 =	sadd.s32 $0x40, s20;
	v6 =	vmul.f32 $2.048000000e+03, v1;
	v4 =	vcvt.f32.s32 v4;
	v5 =	vshrl.u32 v5, $0x1  }
.Ltmp7:
0x244: {  	v1 =	vld [tilespmem:s21+$0x2000];
	v7 =	vmul.f32 $2.048000000e+03, v3;
	vm0 =	vgt.s32 v2, $0x1;
	[tilespmem:s11+$0x4000] =	vst v5;
	s11 =	smov.u32 s12;
	s12 =	smov.u32 s19;
	(pc) =	sbr.rel @p0 .LBB2_17-.Ltmp7, $4  }
0x245: {  	s19 =	smov.u32 s21;
	v3 =	vld [tilespmem:s21+$0x0];
	v5 =	vadd.f32 $2.048000000e+03, v6;
	vm1 =	vgt.s32 v4, $0x1;
	v2 =	vnsel vm0, $0x1, v2  }
0x246: {  	v6 =	vadd.f32 $2.048000000e+03, v7;
	v4 =	vnsel vm1, $0x1, v4;
	v2 =	vmin.u32 v2, $0xFFE  }
0x247: {  	v5 =	vtrunc.f32 v5;
	v7 =	vmin.u32 v4, $0xFFE;
	v8 =	vshll.u32 v2, $0xC  }
0x248: {  	v4 =	vtrunc.f32 v6;
	v2 =	vcvt.f32.s32 v5;
	v5 =	vor.u32 v7, v8  }
0x249: {  	v1 =	vmul.f32 $2.048000000e+03, v1  }
0x24a: {  	v3 =	vmul.f32 $2.048000000e+03, v3  }
0x24b: {  	v1 =	vadd.f32 $2.048000000e+03, v1  }
0x24c: {  	v3 =	vadd.f32 $2.048000000e+03, v3  }
0x24d: {  	v4 =	vcvt.f32.s32 v4;
	v5 =	vshrl.u32 v5, $0x1;
	v1 =	vtrunc.f32 v1  }
0x24e: {  	vm0 =	vgt.s32 v2, $0x1;
	v3 =	vtrunc.f32 v3;
	v1 =	vcvt.f32.s32 v1  }
0x24f: {  	vm1 =	vgt.s32 v4, $0x1;
	v2 =	vnsel vm0, $0x1, v2;
	v3 =	vcvt.f32.s32 v3  }
0x250: {  	v4 =	vnsel vm1, $0x1, v4;
	v2 =	vmin.u32 v2, $0xFFE;
	vm12 =	vgt.s32 v1, $0x1  }
0x251: {  	v4 =	vmin.u32 v4, $0xFFE;
	vm13 =	vgt.s32 v3, $0x1;
	v1 =	vnsel vm12, $0x1, v1  }
0x252: {  	v2 =	vshll.u32 v2, $0xC;
	v3 =	vnsel vm13, $0x1, v3;
	v1 =	vmin.u32 v1, $0xFFE  }
0x253: {  	v2 =	vor.u32 v4, v2;
	v3 =	vmin.u32 v3, $0xFFE;
	v1 =	vshll.u32 v1, $0xC  }
0x254: {  	[tilespmem:s11+$0x4000] =	vst v5;
	v2 =	vshrl.u32 v2, $0x1;
	v1 =	vor.u32 v3, v1  }
0x255: {  	[tilespmem:s12+$0x4000] =	vst v2;
	v1 =	vshrl.u32 v1, $0x1  }
0x256: {  	s22 =	simm.s32 $0x1000;
	[tilespmem:s19+$0x4000] =	vst v1  }
0x257: {  	[tilespmem:s28], [sflag:$0x1] =	stream.indirect.gather [hbm4b:s6+s22], $0x8, s26, s22, $0xb8;
	[tilespmem:$0x18000] =	vst v63  }
0x258: {  	_ =	swait.ge [sflag:s7], $0x8000  }
0x259: {  	[sflag:s7] =	ssyncset.done $0x0  }
0x25a: {  	[sflag:s7] =	ssyncadd.s32 $0xFFFF8000  }
0x25b: {  	_ =	swait.ge [sflag:s10], $0x1000  }
0x25c: {  	[sflag:s10] =	ssyncset.done $0x0  }
0x25d: {  	[sflag:s10] =	ssyncadd.s32 $0xFFFFF000  }
0x25e: {  	v1 =	vld [tilespmem:s22+$0x0];
	_ =	sdelay $0x4  }
0x25f: {  	v1 =	vmul.f32 $2.048000000e+03, v1;
	_ =	sdelay $0x1  }
0x260: {  	v1 =	vadd.f32 $2.048000000e+03, v1;
	_ =	sdelay $0x1  }
0x261: {  	v2 =	vtrunc.f32 v1  }
0x262: {  	v2 =	vcvt.f32.s32 v2;
	_ =	sdelay $0x1  }
0x263: {  	s24 =	simm.s32 $0x0;
	vm14 =	vgt.s32 v2, $0x1  }
0x264: {  	v55 =	vmov s24;
	v3 =	vnsel vm14, $0x1, v2  }
0x265: {  	v4 =	vshll.u32 v55, $0x3;
	s19 =	simm.s32 $0x3000;
	v3 =	vmin.u32 v3, $0xFFE  }
0x266: {  	v4 =	vor.u32 v0, v4;
	v56 =	vld [tilespmem:s19+$0x0];
	v3 =	vand.u32 $0x1, v3  }
0x267: {  	v3 =	vor.u32 v4, v3  }
0x268: {  	v4 =	vor.u32 $0x2, v3  }
0x269: {  	v6 =	vor.u32 $0x4, v3  }
0x26a: {  	v7 =	vor.u32 $0x6, v3  }
0x26b: {  	v5 =	vmul.f32 $2.048000000e+03, v56  }
0x26c: {  	v8 =	vld.idx.msk [tilespmem:v3+s31+$0x0], $0xffff  }
0x26d: {  	v5 =	vadd.f32 $2.048000000e+03, v5;
	v4 =	vld.idx.msk [tilespmem:v4+s31+$0x0], $0xffff  }
0x26e: {  	v6 =	vld.idx.msk [tilespmem:v6+s31+$0x0], $0xffff  }
0x26f: {  	v9 =	vtrunc.f32 v5;
	v10 =	vxor.u32 $0x80000000, v5;
	v11 =	vadd.f32 $-4.095000000e+03, v5;
	v7 =	vld.idx.msk [tilespmem:v7+s31+$0x0], $0xffff  }
0x270: {  	v12 =	vadd.f32 $-4.095000000e+03, v1;
	v13 =	vxor.u32 $0x80000000, v1;
	v9 =	vcvt.f32.s32 v9  }
0x271: {  	v10 =	vmax.f32 v10, $0.0e+00;
	v57 =	vmax.f32 v13, $0.0e+00  }
0x272: {  	v11 =	vmax.f32 v11, $0.0e+00;
	v12 =	vmax.f32 v12, $0.0e+00;
	v9 =	vcvt.s32.f32 v9  }
0x273: {  	v10 =	vmax.f32 v10, v11;
	v58 =	vmax.f32 v57, v12;
	v3 =	vadd.s32 $0x1, v3  }
0x274: {  	v2 =	vcvt.s32.f32 v2;
	v4 =	vsub.f32 v4, v8;
	v6 =	vsub.f32 v7, v6  }
0x275: {  	v59 =	vmul.f32 $4.882812500e-04, v10;
	v5 =	vsub.f32 v5, v9;
	v7 =	vmul.f32 $4.882812500e-04, v58  }
0x276: {  	v1 =	vsub.f32 v1, v2;
	v2 =	vmul.f32 $5.000000000e-01, v4;
	v60 =	vmul.f32 $5.000000000e-01, v6  }
0x277: {  	v62 =	vmul.f32 v59, v59;
	v61 =	vmul.f32 v7, v7  }
0x278: {  	v3 =	vld.idx.msk [tilespmem:v3+s31+$0x0], $0xffff;
	v1 =	vmul.f32 v2, v1;
	v2 =	vmul.f32 v60, v5  }
0x279: {  	v63 =	vadd.f32 v62, v61  }
0x27a: {  	v1 =	vadd.f32 v2, v1  }
0x27b: {  	vm15 =	vlt.f32 v63, $9.999999970e-07  }
0x27c: {  	v1 =	vnsel vm15, $0x0, v1  }
0x27d: {  	v1 =	vadd.f32 v1, v3;
	_ =	sdelay $0x1  }
0x27e: {  	v1 =	vadd.f32 v1, v63  }
0x27f: {  	s20 =	simm.s32 $0x17000  }
0x280: {  	s21 =	simm.s32 $0x1010;
	[tilespmem:s20+$0x0] =	vst v1  }
0x281: {  	v1 =	vld [tilespmem:s21+$0x0];
	_ =	sdelay $0x1  }
0x282: {  	s18 =	sadd.s32 s1, s18;
	s11 =	simm.s32 $0x10;
	s12 =	simm.s32 $0x20  }
.LBB2_19:
0x283: {  	p0 =	sne.s32 s12, $0xFF0;
	_ =	sdelay $0x1  }
0x284: {  	v1 =	vmul.f32 $2.048000000e+03, v1;
	_ =	sdelay $0x1  }
0x285: {  	v1 =	vadd.f32 $2.048000000e+03, v1;
	_ =	sdelay $0x1  }
0x286: {  	v2 =	vtrunc.f32 v1  }
0x287: {  	v2 =	vcvt.f32.s32 v2;
	_ =	sdelay $0x1  }
0x288: {  	vm0 =	vgt.s32 v2, $0x1  }
0x289: {  	v4 =	vmov s11;
	s11 =	smov.u32 s12;
	v3 =	vnsel vm0, $0x1, v2  }
0x28a: {  	s19 =	sadd.s32 $0x10, s19;
	v4 =	vshll.u32 v4, $0x3;
	v3 =	vmin.u32 v3, $0xFFE  }
0x28b: {  	v4 =	vor.u32 v0, v4;
	v5 =	vld [tilespmem:s19+$0x0];
	v3 =	vand.u32 $0x1, v3  }
0x28c: {  	v3 =	vor.u32 v4, v3  }
0x28d: {  	v4 =	vor.u32 $0x2, v3  }
0x28e: {  	v6 =	vor.u32 $0x4, v3  }
0x28f: {  	v7 =	vor.u32 $0x6, v3  }
0x290: {  	v5 =	vmul.f32 $2.048000000e+03, v5  }
0x291: {  	v8 =	vld.idx.msk [tilespmem:v3+s31+$0x0], $0xffff  }
0x292: {  	v5 =	vadd.f32 $2.048000000e+03, v5;
	v4 =	vld.idx.msk [tilespmem:v4+s31+$0x0], $0xffff  }
0x293: {  	v6 =	vld.idx.msk [tilespmem:v6+s31+$0x0], $0xffff  }
0x294: {  	v9 =	vtrunc.f32 v5;
	v7 =	vld.idx.msk [tilespmem:v7+s31+$0x0], $0xffff  }
0x295: {  	v10 =	vxor.u32 $0x80000000, v5;
	v11 =	vadd.f32 $-4.095000000e+03, v5;
	v9 =	vcvt.f32.s32 v9  }
0x296: {  	v10 =	vmax.f32 v10, $0.0e+00  }
0x297: {  	v12 =	vadd.f32 $-4.095000000e+03, v1;
	v11 =	vmax.f32 v11, $0.0e+00;
	v9 =	vcvt.s32.f32 v9  }
0x298: {  	v13 =	vxor.u32 $0x80000000, v1;
	v3 =	vadd.s32 $0x1, v3;
	v10 =	vmax.f32 v10, v11  }
0x299: {  	v12 =	vmax.f32 v12, $0.0e+00;
	v2 =	vcvt.s32.f32 v2;
	v11 =	vmax.f32 v13, $0.0e+00  }
0x29a: {  	v4 =	vsub.f32 v4, v8;
	v6 =	vsub.f32 v7, v6;
	v7 =	vmax.f32 v11, v12  }
0x29b: {  	v8 =	vmul.f32 $4.882812500e-04, v10;
	v5 =	vsub.f32 v5, v9;
	v7 =	vmul.f32 $4.882812500e-04, v7  }
0x29c: {  	v1 =	vsub.f32 v1, v2;
	v2 =	vmul.f32 $5.000000000e-01, v4;
	v4 =	vmul.f32 $5.000000000e-01, v6  }
0x29d: {  	v6 =	vmul.f32 v7, v7;
	v7 =	vmul.f32 v8, v8;
	v3 =	vld.idx.msk [tilespmem:v3+s31+$0x0], $0xffff  }
0x29e: {  	v1 =	vmul.f32 v2, v1;
	v2 =	vmul.f32 v4, v5  }
0x29f: {  	v4 =	vadd.f32 v7, v6  }
0x2a0: {  	v1 =	vadd.f32 v2, v1  }
0x2a1: {  	vm0 =	vlt.f32 v4, $9.999999970e-07  }
0x2a2: {  	v1 =	vnsel vm0, $0x0, v1  }
0x2a3: {  	v1 =	vadd.f32 v1, v3;
	_ =	sdelay $0x1  }
0x2a4: {  	v1 =	vadd.f32 v1, v4  }
.Ltmp8:
0x2a5: {  	s20 =	sadd.s32 $0x10, s20;
	(pc) =	sbr.rel @p0 .LBB2_19-.Ltmp8, $3  }
0x2a6: {  	s21 =	sadd.s32 $0x10, s21;
	[tilespmem:s20+$0x0] =	vst v1  }
0x2a7: {  	v1 =	vld [tilespmem:s21+$0x0];
	_ =	sdelay $0x1  }
0x2a8: {  	s12 =	sadd.s32 $0x10, s12  }
0x2a9: {  	_ =	sdelay $0x1  }
0x2aa: {  	v1 =	vmul.f32 $2.048000000e+03, v1;
	_ =	sdelay $0x1  }
0x2ab: {  	v1 =	vadd.f32 $2.048000000e+03, v1;
	_ =	sdelay $0x1  }
0x2ac: {  	v2 =	vtrunc.f32 v1  }
0x2ad: {  	v2 =	vcvt.f32.s32 v2;
	_ =	sdelay $0x1  }
0x2ae: {  	vm0 =	vgt.s32 v2, $0x1  }
0x2af: {  	v4 =	vmov s11;
	v3 =	vnsel vm0, $0x1, v2  }
0x2b0: {  	v4 =	vshll.u32 v4, $0x3;
	v3 =	vmin.u32 v3, $0xFFE  }
0x2b1: {  	s22 =	sadd.s32 $0x10, s19;
	v4 =	vor.u32 v0, v4;
	v3 =	vand.u32 $0x1, v3  }
0x2b2: {  	v5 =	vld [tilespmem:s22+$0x0];
	v3 =	vor.u32 v4, v3  }
0x2b3: {  	v4 =	vor.u32 $0x2, v3  }
0x2b4: {  	v6 =	vor.u32 $0x4, v3  }
0x2b5: {  	v7 =	vor.u32 $0x6, v3;
	_ =	sdelay $0x1  }
0x2b6: {  	v5 =	vmul.f32 $2.048000000e+03, v5;
	v8 =	vld.idx.msk [tilespmem:v3+s31+$0x0], $0xffff  }
0x2b7: {  	v4 =	vld.idx.msk [tilespmem:v4+s31+$0x0], $0xffff  }
0x2b8: {  	v12 =	vadd.f32 $-4.095000000e+03, v1;
	v5 =	vadd.f32 $2.048000000e+03, v5;
	v6 =	vld.idx.msk [tilespmem:v6+s31+$0x0], $0xffff  }
0x2b9: {  	v13 =	vxor.u32 $0x80000000, v1;
	v7 =	vld.idx.msk [tilespmem:v7+s31+$0x0], $0xffff  }
0x2ba: {  	v57 =	vmax.f32 v13, $0.0e+00;
	v12 =	vmax.f32 v12, $0.0e+00;
	v9 =	vtrunc.f32 v5  }
0x2bb: {  	v10 =	vxor.u32 $0x80000000, v5;
	v11 =	vadd.f32 $-4.095000000e+03, v5;
	v9 =	vcvt.f32.s32 v9  }
0x2bc: {  	v58 =	vmax.f32 v57, v12;
	v2 =	vcvt.s32.f32 v2;
	v10 =	vmax.f32 v10, $0.0e+00  }
0x2bd: {  	v11 =	vmax.f32 v11, $0.0e+00;
	v9 =	vcvt.s32.f32 v9;
	v3 =	vadd.s32 $0x1, v3  }
0x2be: {  	v10 =	vmax.f32 v10, v11;
	v4 =	vsub.f32 v4, v8;
	v6 =	vsub.f32 v7, v6  }
0x2bf: {  	v1 =	vsub.f32 v1, v2;
	v59 =	vmul.f32 $4.882812500e-04, v10;
	v7 =	vmul.f32 $4.882812500e-04, v58  }
0x2c0: {  	v5 =	vsub.f32 v5, v9;
	v2 =	vmul.f32 $5.000000000e-01, v4;
	v60 =	vmul.f32 $5.000000000e-01, v6  }
0x2c1: {  	v62 =	vmul.f32 v59, v59;
	v61 =	vmul.f32 v7, v7  }
0x2c2: {  	v3 =	vld.idx.msk [tilespmem:v3+s31+$0x0], $0xffff;
	v1 =	vmul.f32 v2, v1;
	v2 =	vmul.f32 v60, v5  }
0x2c3: {  	v63 =	vadd.f32 v62, v61  }
0x2c4: {  	v1 =	vadd.f32 v2, v1  }
0x2c5: {  	vm15 =	vlt.f32 v63, $9.999999970e-07  }
0x2c6: {  	s14 =	sadd.s32 $0x1, s14;
	v1 =	vnsel vm15, $0x0, v1  }
0x2c7: {  	p0 =	sne.s32 s14, $0xE;
	v1 =	vadd.f32 v1, v3  }
.Ltmp9:
0x2c8: {  	_ = 	snop;
	(pc) =	sbr.rel @p0 .LBB2_12-.Ltmp9, $4  }
0x2c9: {  	v1 =	vadd.f32 v1, v63  }
0x2ca: {  	s24 =	sadd.s32 $0x10, s20  }
0x2cb: {  	[tilespmem:s24+$0x0] =	vst v1  }
0x2cc: {  	[hbm4b:s18+s3] =	stream.linear.scatter [tilespmem:s8], [sflag:$0x4], $0x1000, $0x38;
	[tilespmem:$0x18000] =	vst v63  }
0x2cd: {  	s11 =	simm.s32 $0x0;
	s12 =	rddreg [dreg:$0xb]  }
0x2ce: {  	[tilespmem:s25], [sflag:$0x5] =	stream.linear.gather [hbm4b:s12+s11], $0x1000, $0x38;
	[tilespmem:$0x18000] =	vst v63  }
0x2cf: {  	_ =	swait.ge [sflag:s23], $0x1000  }
0x2d0: {  	[sflag:s23] =	ssyncset.done $0x0  }
0x2d1: {  	s24 =	rddreg [dreg:$0xc];
	[sflag:s23] =	ssyncadd.s32 $0xFFFFF000  }
0x2d2: {  	[tilespmem:s29], [sflag:$0x5] =	stream.linear.gather [hbm4b:s24+s11], $0x1000, $0x38;
	[tilespmem:$0x18000] =	vst v63  }
0x2d3: {  	_ =	swait.ge [sflag:s23], $0x1000  }
0x2d4: {  	[sflag:s23] =	ssyncset.done $0x0  }
0x2d5: {  	s11 =	simm.s32 $0x0;
	[sflag:s23] =	ssyncadd.s32 $0xFFFFF000  }
0x2d6: {  	v1 =	vld [tilespmem:s11+$0x3000];
	_ =	sdelay $0x2  }
0x2d7: {  	v2 =	vld [tilespmem:s11+$0x1000];
	_ =	sdelay $0x1  }
0x2d8: {  	s12 =	simm.s32 $0x10;
	v1 =	vmul.f32 $2.048000000e+03, v1  }
0x2d9: {  	v3 =	vld [tilespmem:s12+$0x3000]  }
0x2da: {  	v1 =	vadd.f32 $2.048000000e+03, v1  }
0x2db: {  	v2 =	vmul.f32 $2.048000000e+03, v2  }
0x2dc: {  	v4 =	vld [tilespmem:s12+$0x1000];
	v1 =	vtrunc.f32 v1  }
0x2dd: {  	v2 =	vadd.f32 $2.048000000e+03, v2;
	v1 =	vcvt.f32.s32 v1  }
0x2de: {  	v3 =	vmul.f32 $2.048000000e+03, v3  }
0x2df: {  	v2 =	vtrunc.f32 v2;
	vm0 =	vgt.s32 v1, $0x1  }
0x2e0: {  	s13 =	simm.s32 $0x20;
	v3 =	vadd.f32 $2.048000000e+03, v3;
	v2 =	vcvt.f32.s32 v2;
	v1 =	vnsel vm0, $0x1, v1  }
0x2e1: {  	v4 =	vmul.f32 $2.048000000e+03, v4;
	v5 =	vmin.u32 v1, $0xFFE;
	v1 =	vld [tilespmem:s13+$0x3000]  }
0x2e2: {  	v6 =	vtrunc.f32 v3;
	v3 =	vld [tilespmem:s13+$0x1000];
	vm1 =	vgt.s32 v2, $0x1  }
0x2e3: {  	v4 =	vadd.f32 $2.048000000e+03, v4;
	v2 =	vnsel vm1, $0x1, v2  }
0x2e4: {  	v7 =	vmin.u32 v2, $0xFFE;
	v5 =	vshll.u32 v5, $0xC  }
0x2e5: {  	s14 =	simm.s32 $0xC0;
	v4 =	vtrunc.f32 v4;
	v2 =	vcvt.f32.s32 v6;
	v5 =	vor.u32 v7, v5  }
.LBB2_22:
0x2e6: {  	s18 =	sshra.s32 s14, $0x2;
	p0 =	sne.s32 s14, $0x3FC0;
	s14 =	sadd.s32 $0x40, s14;
	v6 =	vmul.f32 $2.048000000e+03, v1;
	v4 =	vcvt.f32.s32 v4;
	v5 =	vshrl.u32 v5, $0x1  }
.Ltmp10:
0x2e7: {  	v1 =	vld [tilespmem:s18+$0x3000];
	v7 =	vmul.f32 $2.048000000e+03, v3;
	vm0 =	vgt.s32 v2, $0x1;
	[tilespmem:s11+$0x5000] =	vst v5;
	s11 =	smov.u32 s12;
	s12 =	smov.u32 s13;
	(pc) =	sbr.rel @p0 .LBB2_22-.Ltmp10, $4  }
0x2e8: {  	s13 =	smov.u32 s18;
	v3 =	vld [tilespmem:s18+$0x1000];
	v5 =	vadd.f32 $2.048000000e+03, v6;
	vm1 =	vgt.s32 v4, $0x1;
	v2 =	vnsel vm0, $0x1, v2  }
0x2e9: {  	v6 =	vadd.f32 $2.048000000e+03, v7;
	v4 =	vnsel vm1, $0x1, v4;
	v2 =	vmin.u32 v2, $0xFFE  }
0x2ea: {  	v5 =	vtrunc.f32 v5;
	v7 =	vmin.u32 v4, $0xFFE;
	v8 =	vshll.u32 v2, $0xC  }
0x2eb: {  	v4 =	vtrunc.f32 v6;
	v2 =	vcvt.f32.s32 v5;
	v5 =	vor.u32 v7, v8  }
0x2ec: {  	v1 =	vmul.f32 $2.048000000e+03, v1  }
0x2ed: {  	v3 =	vmul.f32 $2.048000000e+03, v3  }
0x2ee: {  	v1 =	vadd.f32 $2.048000000e+03, v1  }
0x2ef: {  	v3 =	vadd.f32 $2.048000000e+03, v3  }
0x2f0: {  	v4 =	vcvt.f32.s32 v4;
	v5 =	vshrl.u32 v5, $0x1;
	v1 =	vtrunc.f32 v1  }
0x2f1: {  	vm0 =	vgt.s32 v2, $0x1;
	v3 =	vtrunc.f32 v3;
	v1 =	vcvt.f32.s32 v1  }
0x2f2: {  	vm1 =	vgt.s32 v4, $0x1;
	v2 =	vnsel vm0, $0x1, v2;
	v3 =	vcvt.f32.s32 v3  }
0x2f3: {  	v4 =	vnsel vm1, $0x1, v4;
	v2 =	vmin.u32 v2, $0xFFE;
	vm12 =	vgt.s32 v1, $0x1  }
0x2f4: {  	v4 =	vmin.u32 v4, $0xFFE;
	vm13 =	vgt.s32 v3, $0x1;
	v1 =	vnsel vm12, $0x1, v1  }
0x2f5: {  	v2 =	vshll.u32 v2, $0xC;
	v3 =	vnsel vm13, $0x1, v3;
	v1 =	vmin.u32 v1, $0xFFE  }
0x2f6: {  	v2 =	vor.u32 v4, v2;
	v3 =	vmin.u32 v3, $0xFFE;
	v1 =	vshll.u32 v1, $0xC  }
0x2f7: {  	[tilespmem:s11+$0x5000] =	vst v5;
	v2 =	vshrl.u32 v2, $0x1;
	v1 =	vor.u32 v3, v1  }
0x2f8: {  	[tilespmem:s12+$0x5000] =	vst v2;
	v1 =	vshrl.u32 v1, $0x1  }
0x2f9: {  	[tilespmem:s13+$0x5000] =	vst v1  }
0x2fa: {  	[tilespmem:s31], [sflag:$0x2] =	stream.indirect.gather [hbm4b:s6+s25], $0x8, s30, s25, $0xb8;
	[tilespmem:$0x18000] =	vst v63  }
0x2fb: {  	_ =	swait.ge [sflag:s0], $0x8000  }
0x2fc: {  	[sflag:s0] =	ssyncset.done $0x0  }
0x2fd: {  	[sflag:s0] =	ssyncadd.s32 $0xFFFF8000  }
0x2fe: {  	_ =	swait.ge [sflag:s9], $0x1000  }
0x2ff: {  	[sflag:s9] =	ssyncset.done $0x0  }
0x300: {  	s24 =	simm.s32 $0x0;
	[sflag:s9] =	ssyncadd.s32 $0xFFFFF000  }
0x301: {  	v1 =	vld [tilespmem:s24+$0x0];
	_ =	sdelay $0x4  }
0x302: {  	v1 =	vmul.f32 $2.048000000e+03, v1;
	_ =	sdelay $0x1  }
0x303: {  	v1 =	vadd.f32 $2.048000000e+03, v1;
	_ =	sdelay $0x1  }
0x304: {  	v2 =	vtrunc.f32 v1  }
0x305: {  	v2 =	vcvt.f32.s32 v2;
	_ =	sdelay $0x1  }
0x306: {  	vm14 =	vgt.s32 v2, $0x1  }
0x307: {  	v55 =	vmov s24;
	v3 =	vnsel vm14, $0x1, v2  }
0x308: {  	v4 =	vshll.u32 v55, $0x3;
	s13 =	simm.s32 $0x2000;
	v3 =	vmin.u32 v3, $0xFFE  }
0x309: {  	v4 =	vor.u32 v0, v4;
	v56 =	vld [tilespmem:s13+$0x0];
	v3 =	vand.u32 $0x1, v3  }
0x30a: {  	v3 =	vor.u32 v4, v3  }
0x30b: {  	v4 =	vor.u32 $0x2, v3  }
0x30c: {  	v6 =	vor.u32 $0x4, v3  }
0x30d: {  	v7 =	vor.u32 $0x6, v3  }
0x30e: {  	v5 =	vmul.f32 $2.048000000e+03, v56  }
0x30f: {  	v8 =	vld.idx.msk [tilespmem:v3+s28+$0x0], $0xffff  }
0x310: {  	v5 =	vadd.f32 $2.048000000e+03, v5;
	v4 =	vld.idx.msk [tilespmem:v4+s28+$0x0], $0xffff  }
0x311: {  	v6 =	vld.idx.msk [tilespmem:v6+s28+$0x0], $0xffff  }
0x312: {  	v9 =	vtrunc.f32 v5;
	v10 =	vxor.u32 $0x80000000, v5;
	v11 =	vadd.f32 $-4.095000000e+03, v5;
	v7 =	vld.idx.msk [tilespmem:v7+s28+$0x0], $0xffff  }
0x313: {  	v12 =	vadd.f32 $-4.095000000e+03, v1;
	v13 =	vxor.u32 $0x80000000, v1;
	v9 =	vcvt.f32.s32 v9  }
0x314: {  	v10 =	vmax.f32 v10, $0.0e+00;
	v57 =	vmax.f32 v13, $0.0e+00  }
0x315: {  	v11 =	vmax.f32 v11, $0.0e+00;
	v12 =	vmax.f32 v12, $0.0e+00;
	v9 =	vcvt.s32.f32 v9  }
0x316: {  	v10 =	vmax.f32 v10, v11;
	v58 =	vmax.f32 v57, v12;
	v3 =	vadd.s32 $0x1, v3  }
0x317: {  	v2 =	vcvt.s32.f32 v2;
	v4 =	vsub.f32 v4, v8;
	v6 =	vsub.f32 v7, v6  }
0x318: {  	v59 =	vmul.f32 $4.882812500e-04, v10;
	v5 =	vsub.f32 v5, v9;
	v7 =	vmul.f32 $4.882812500e-04, v58  }
0x319: {  	v1 =	vsub.f32 v1, v2;
	v2 =	vmul.f32 $5.000000000e-01, v4;
	v60 =	vmul.f32 $5.000000000e-01, v6  }
0x31a: {  	v62 =	vmul.f32 v59, v59;
	v61 =	vmul.f32 v7, v7  }
0x31b: {  	v3 =	vld.idx.msk [tilespmem:v3+s28+$0x0], $0xffff;
	v1 =	vmul.f32 v2, v1;
	v2 =	vmul.f32 v60, v5  }
0x31c: {  	v63 =	vadd.f32 v62, v61  }
0x31d: {  	v1 =	vadd.f32 v2, v1  }
0x31e: {  	vm15 =	vlt.f32 v63, $9.999999970e-07  }
0x31f: {  	v1 =	vnsel vm15, $0x0, v1  }
0x320: {  	v1 =	vadd.f32 v1, v3;
	_ =	sdelay $0x1  }
0x321: {  	v1 =	vadd.f32 v1, v63  }
0x322: {  	s14 =	simm.s32 $0x16000  }
0x323: {  	s11 =	simm.s32 $0x10;
	[tilespmem:s14+$0x0] =	vst v1  }
0x324: {  	v1 =	vld [tilespmem:s11+$0x0];
	_ =	sdelay $0x1  }
0x325: {  	s18 =	simm.s32 $0x10;
	s12 =	simm.s32 $0x20  }
.LBB2_24:
0x326: {  	p0 =	sne.s32 s12, $0xFF0;
	_ =	sdelay $0x1  }
0x327: {  	v1 =	vmul.f32 $2.048000000e+03, v1;
	_ =	sdelay $0x1  }
0x328: {  	v1 =	vadd.f32 $2.048000000e+03, v1;
	_ =	sdelay $0x1  }
0x329: {  	v2 =	vtrunc.f32 v1  }
0x32a: {  	v2 =	vcvt.f32.s32 v2;
	_ =	sdelay $0x1  }
0x32b: {  	vm0 =	vgt.s32 v2, $0x1  }
0x32c: {  	v4 =	vmov s11;
	s11 =	smov.u32 s12;
	v3 =	vnsel vm0, $0x1, v2  }
0x32d: {  	s13 =	sadd.s32 $0x10, s13;
	v4 =	vshll.u32 v4, $0x3;
	v3 =	vmin.u32 v3, $0xFFE  }
0x32e: {  	v4 =	vor.u32 v0, v4;
	v5 =	vld [tilespmem:s13+$0x0];
	v3 =	vand.u32 $0x1, v3  }
0x32f: {  	v3 =	vor.u32 v4, v3  }
0x330: {  	v4 =	vor.u32 $0x2, v3  }
0x331: {  	v6 =	vor.u32 $0x4, v3  }
0x332: {  	v7 =	vor.u32 $0x6, v3  }
0x333: {  	v5 =	vmul.f32 $2.048000000e+03, v5  }
0x334: {  	v8 =	vld.idx.msk [tilespmem:v3+s28+$0x0], $0xffff  }
0x335: {  	v5 =	vadd.f32 $2.048000000e+03, v5;
	v4 =	vld.idx.msk [tilespmem:v4+s28+$0x0], $0xffff  }
0x336: {  	v6 =	vld.idx.msk [tilespmem:v6+s28+$0x0], $0xffff  }
0x337: {  	v9 =	vtrunc.f32 v5;
	v7 =	vld.idx.msk [tilespmem:v7+s28+$0x0], $0xffff  }
0x338: {  	v10 =	vxor.u32 $0x80000000, v5;
	v11 =	vadd.f32 $-4.095000000e+03, v5;
	v9 =	vcvt.f32.s32 v9  }
0x339: {  	v10 =	vmax.f32 v10, $0.0e+00  }
0x33a: {  	v12 =	vadd.f32 $-4.095000000e+03, v1;
	v11 =	vmax.f32 v11, $0.0e+00;
	v9 =	vcvt.s32.f32 v9  }
0x33b: {  	v13 =	vxor.u32 $0x80000000, v1;
	v3 =	vadd.s32 $0x1, v3;
	v10 =	vmax.f32 v10, v11  }
0x33c: {  	v12 =	vmax.f32 v12, $0.0e+00;
	v2 =	vcvt.s32.f32 v2;
	v11 =	vmax.f32 v13, $0.0e+00  }
0x33d: {  	v4 =	vsub.f32 v4, v8;
	v6 =	vsub.f32 v7, v6;
	v7 =	vmax.f32 v11, v12  }
0x33e: {  	v8 =	vmul.f32 $4.882812500e-04, v10;
	v5 =	vsub.f32 v5, v9;
	v7 =	vmul.f32 $4.882812500e-04, v7  }
0x33f: {  	v1 =	vsub.f32 v1, v2;
	v2 =	vmul.f32 $5.000000000e-01, v4;
	v4 =	vmul.f32 $5.000000000e-01, v6  }
0x340: {  	v6 =	vmul.f32 v7, v7;
	v7 =	vmul.f32 v8, v8;
	v3 =	vld.idx.msk [tilespmem:v3+s28+$0x0], $0xffff  }
0x341: {  	v1 =	vmul.f32 v2, v1;
	v2 =	vmul.f32 v4, v5  }
0x342: {  	v4 =	vadd.f32 v7, v6  }
0x343: {  	v1 =	vadd.f32 v2, v1  }
0x344: {  	vm0 =	vlt.f32 v4, $9.999999970e-07  }
0x345: {  	v1 =	vnsel vm0, $0x0, v1  }
0x346: {  	v1 =	vadd.f32 v1, v3;
	_ =	sdelay $0x1  }
0x347: {  	v1 =	vadd.f32 v1, v4  }
.Ltmp11:
0x348: {  	s14 =	sadd.s32 $0x10, s14;
	(pc) =	sbr.rel @p0 .LBB2_24-.Ltmp11, $3  }
0x349: {  	s18 =	sadd.s32 $0x10, s18;
	[tilespmem:s14+$0x0] =	vst v1  }
0x34a: {  	v1 =	vld [tilespmem:s18+$0x0];
	_ =	sdelay $0x1  }
0x34b: {  	s12 =	sadd.s32 $0x10, s12  }
0x34c: {  	_ =	sdelay $0x1  }
0x34d: {  	v1 =	vmul.f32 $2.048000000e+03, v1;
	_ =	sdelay $0x1  }
0x34e: {  	v1 =	vadd.f32 $2.048000000e+03, v1;
	_ =	sdelay $0x1  }
0x34f: {  	v2 =	vtrunc.f32 v1  }
0x350: {  	v2 =	vcvt.f32.s32 v2;
	_ =	sdelay $0x1  }
0x351: {  	vm0 =	vgt.s32 v2, $0x1  }
0x352: {  	v4 =	vmov s11;
	v3 =	vnsel vm0, $0x1, v2  }
0x353: {  	v4 =	vshll.u32 v4, $0x3;
	v3 =	vmin.u32 v3, $0xFFE  }
0x354: {  	s20 =	sadd.s32 $0x10, s13;
	v4 =	vor.u32 v0, v4;
	v3 =	vand.u32 $0x1, v3  }
0x355: {  	v5 =	vld [tilespmem:s20+$0x0];
	v3 =	vor.u32 v4, v3  }
0x356: {  	v4 =	vor.u32 $0x2, v3  }
0x357: {  	v6 =	vor.u32 $0x4, v3  }
0x358: {  	v7 =	vor.u32 $0x6, v3;
	_ =	sdelay $0x1  }
0x359: {  	v5 =	vmul.f32 $2.048000000e+03, v5;
	v8 =	vld.idx.msk [tilespmem:v3+s28+$0x0], $0xffff  }
0x35a: {  	v4 =	vld.idx.msk [tilespmem:v4+s28+$0x0], $0xffff  }
0x35b: {  	v12 =	vadd.f32 $-4.095000000e+03, v1;
	v5 =	vadd.f32 $2.048000000e+03, v5;
	v6 =	vld.idx.msk [tilespmem:v6+s28+$0x0], $0xffff  }
0x35c: {  	v13 =	vxor.u32 $0x80000000, v1;
	v7 =	vld.idx.msk [tilespmem:v7+s28+$0x0], $0xffff  }
0x35d: {  	v40 =	vmax.f32 v13, $0.0e+00;
	v12 =	vmax.f32 v12, $0.0e+00;
	v9 =	vtrunc.f32 v5  }
0x35e: {  	v10 =	vxor.u32 $0x80000000, v5;
	v11 =	vadd.f32 $-4.095000000e+03, v5;
	v9 =	vcvt.f32.s32 v9  }
0x35f: {  	v41 =	vmax.f32 v40, v12;
	v2 =	vcvt.s32.f32 v2;
	v10 =	vmax.f32 v10, $0.0e+00  }
0x360: {  	v11 =	vmax.f32 v11, $0.0e+00;
	v9 =	vcvt.s32.f32 v9;
	v3 =	vadd.s32 $0x1, v3  }
0x361: {  	v10 =	vmax.f32 v10, v11;
	v4 =	vsub.f32 v4, v8;
	v6 =	vsub.f32 v7, v6  }
0x362: {  	v1 =	vsub.f32 v1, v2;
	v42 =	vmul.f32 $4.882812500e-04, v10;
	v7 =	vmul.f32 $4.882812500e-04, v41  }
0x363: {  	v5 =	vsub.f32 v5, v9;
	v2 =	vmul.f32 $5.000000000e-01, v4;
	v43 =	vmul.f32 $5.000000000e-01, v6  }
0x364: {  	v45 =	vmul.f32 v42, v42;
	v44 =	vmul.f32 v7, v7  }
0x365: {  	v3 =	vld.idx.msk [tilespmem:v3+s28+$0x0], $0xffff;
	v1 =	vmul.f32 v2, v1;
	v2 =	vmul.f32 v43, v5  }
0x366: {  	v46 =	vadd.f32 v45, v44  }
0x367: {  	v1 =	vadd.f32 v2, v1  }
0x368: {  	vm13 =	vlt.f32 v46, $9.999999970e-07  }
0x369: {  	v1 =	vnsel vm13, $0x0, v1  }
0x36a: {  	v1 =	vadd.f32 v1, v3;
	_ =	sdelay $0x1  }
0x36b: {  	v1 =	vadd.f32 v1, v46  }
0x36c: {  	s21 =	sadd.s32 $0x10, s14  }
0x36d: {  	s22 =	simm.s32 $0x0;
	s12 =	rddreg [dreg:$0xd];
	[tilespmem:s21+$0x0] =	vst v1  }
0x36e: {  	[hbm4b:s12+s22] =	stream.linear.scatter [tilespmem:s2], [sflag:$0x3], $0x1000, $0x38;
	[tilespmem:$0x18000] =	vst v63  }
0x36f: {  	_ =	swait.ge [sflag:s7], $0x8000  }
0x370: {  	[sflag:s7] =	ssyncset.done $0x0  }
0x371: {  	[sflag:s7] =	ssyncadd.s32 $0xFFFF8000  }
0x372: {  	_ =	swait.ge [sflag:s10], $0x1000  }
0x373: {  	[sflag:s10] =	ssyncset.done $0x0  }
0x374: {  	s24 =	simm.s32 $0x1000;
	[sflag:s10] =	ssyncadd.s32 $0xFFFFF000  }
0x375: {  	v1 =	vld [tilespmem:s24+$0x0];
	_ =	sdelay $0x4  }
0x376: {  	v1 =	vmul.f32 $2.048000000e+03, v1;
	_ =	sdelay $0x1  }
0x377: {  	v1 =	vadd.f32 $2.048000000e+03, v1;
	_ =	sdelay $0x1  }
0x378: {  	v2 =	vtrunc.f32 v1  }
0x379: {  	v2 =	vcvt.f32.s32 v2;
	_ =	sdelay $0x1  }
0x37a: {  	vm14 =	vgt.s32 v2, $0x1  }
0x37b: {  	v47 =	vmov s22;
	v3 =	vnsel vm14, $0x1, v2  }
0x37c: {  	s13 =	simm.s32 $0x3000;
	v4 =	vshll.u32 v47, $0x3;
	v3 =	vmin.u32 v3, $0xFFE  }
0x37d: {  	v4 =	vor.u32 v0, v4;
	v48 =	vld [tilespmem:s13+$0x0];
	v3 =	vand.u32 $0x1, v3  }
0x37e: {  	v3 =	vor.u32 v4, v3  }
0x37f: {  	v4 =	vor.u32 $0x2, v3  }
0x380: {  	v49 =	vor.u32 $0x4, v3  }
0x381: {  	v50 =	vor.u32 $0x6, v3  }
0x382: {  	v5 =	vmul.f32 $2.048000000e+03, v48  }
0x383: {  	v51 =	vld.idx.msk [tilespmem:v3+s31+$0x0], $0xffff  }
0x384: {  	v5 =	vadd.f32 $2.048000000e+03, v5;
	v4 =	vld.idx.msk [tilespmem:v4+s31+$0x0], $0xffff  }
0x385: {  	v6 =	vld.idx.msk [tilespmem:v49+s31+$0x0], $0xffff  }
0x386: {  	v52 =	vtrunc.f32 v5;
	v53 =	vxor.u32 $0x80000000, v5;
	v54 =	vadd.f32 $-4.095000000e+03, v5;
	v7 =	vld.idx.msk [tilespmem:v50+s31+$0x0], $0xffff  }
0x387: {  	v55 =	vadd.f32 $-4.095000000e+03, v1;
	v56 =	vxor.u32 $0x80000000, v1;
	v9 =	vcvt.f32.s32 v52  }
0x388: {  	v10 =	vmax.f32 v53, $0.0e+00;
	v57 =	vmax.f32 v56, $0.0e+00  }
0x389: {  	v11 =	vmax.f32 v54, $0.0e+00;
	v12 =	vmax.f32 v55, $0.0e+00;
	v9 =	vcvt.s32.f32 v9  }
0x38a: {  	v10 =	vmax.f32 v10, v11;
	v58 =	vmax.f32 v57, v12;
	v3 =	vadd.s32 $0x1, v3  }
0x38b: {  	v2 =	vcvt.s32.f32 v2;
	v4 =	vsub.f32 v4, v51;
	v6 =	vsub.f32 v7, v6  }
0x38c: {  	v59 =	vmul.f32 $4.882812500e-04, v10;
	v5 =	vsub.f32 v5, v9;
	v7 =	vmul.f32 $4.882812500e-04, v58  }
0x38d: {  	v1 =	vsub.f32 v1, v2;
	v2 =	vmul.f32 $5.000000000e-01, v4;
	v60 =	vmul.f32 $5.000000000e-01, v6  }
0x38e: {  	v62 =	vmul.f32 v59, v59;
	v61 =	vmul.f32 v7, v7  }
0x38f: {  	v3 =	vld.idx.msk [tilespmem:v3+s31+$0x0], $0xffff;
	v1 =	vmul.f32 v2, v1;
	v2 =	vmul.f32 v60, v5  }
0x390: {  	v63 =	vadd.f32 v62, v61  }
0x391: {  	v1 =	vadd.f32 v2, v1  }
0x392: {  	vm15 =	vlt.f32 v63, $9.999999970e-07  }
0x393: {  	v1 =	vnsel vm15, $0x0, v1  }
0x394: {  	v1 =	vadd.f32 v1, v3;
	_ =	sdelay $0x1  }
0x395: {  	v1 =	vadd.f32 v1, v63  }
0x396: {  	s14 =	simm.s32 $0x17000  }
0x397: {  	s18 =	simm.s32 $0x1010;
	[tilespmem:s14+$0x0] =	vst v1  }
0x398: {  	v1 =	vld [tilespmem:s18+$0x0];
	_ =	sdelay $0x1  }
0x399: {  	s11 =	simm.s32 $0x10;
	s12 =	simm.s32 $0x20  }
.LBB2_26:
0x39a: {  	p0 =	sne.s32 s12, $0xFF0;
	_ =	sdelay $0x1  }
0x39b: {  	v1 =	vmul.f32 $2.048000000e+03, v1;
	_ =	sdelay $0x1  }
0x39c: {  	v1 =	vadd.f32 $2.048000000e+03, v1;
	_ =	sdelay $0x1  }
0x39d: {  	v2 =	vtrunc.f32 v1  }
0x39e: {  	v2 =	vcvt.f32.s32 v2;
	_ =	sdelay $0x1  }
0x39f: {  	vm0 =	vgt.s32 v2, $0x1  }
0x3a0: {  	v4 =	vmov s11;
	s11 =	smov.u32 s12;
	v3 =	vnsel vm0, $0x1, v2  }
0x3a1: {  	s13 =	sadd.s32 $0x10, s13;
	v4 =	vshll.u32 v4, $0x3;
	v3 =	vmin.u32 v3, $0xFFE  }
0x3a2: {  	v4 =	vor.u32 v0, v4;
	v5 =	vld [tilespmem:s13+$0x0];
	v3 =	vand.u32 $0x1, v3  }
0x3a3: {  	v3 =	vor.u32 v4, v3  }
0x3a4: {  	v4 =	vor.u32 $0x2, v3  }
0x3a5: {  	v6 =	vor.u32 $0x4, v3  }
0x3a6: {  	v7 =	vor.u32 $0x6, v3  }
0x3a7: {  	v5 =	vmul.f32 $2.048000000e+03, v5  }
0x3a8: {  	v8 =	vld.idx.msk [tilespmem:v3+s31+$0x0], $0xffff  }
0x3a9: {  	v5 =	vadd.f32 $2.048000000e+03, v5;
	v4 =	vld.idx.msk [tilespmem:v4+s31+$0x0], $0xffff  }
0x3aa: {  	v6 =	vld.idx.msk [tilespmem:v6+s31+$0x0], $0xffff  }
0x3ab: {  	v9 =	vtrunc.f32 v5;
	v7 =	vld.idx.msk [tilespmem:v7+s31+$0x0], $0xffff  }
0x3ac: {  	v10 =	vxor.u32 $0x80000000, v5;
	v11 =	vadd.f32 $-4.095000000e+03, v5;
	v9 =	vcvt.f32.s32 v9  }
0x3ad: {  	v10 =	vmax.f32 v10, $0.0e+00  }
0x3ae: {  	v12 =	vadd.f32 $-4.095000000e+03, v1;
	v11 =	vmax.f32 v11, $0.0e+00;
	v9 =	vcvt.s32.f32 v9  }
0x3af: {  	v13 =	vxor.u32 $0x80000000, v1;
	v3 =	vadd.s32 $0x1, v3;
	v10 =	vmax.f32 v10, v11  }
0x3b0: {  	v12 =	vmax.f32 v12, $0.0e+00;
	v2 =	vcvt.s32.f32 v2;
	v11 =	vmax.f32 v13, $0.0e+00  }
0x3b1: {  	v4 =	vsub.f32 v4, v8;
	v6 =	vsub.f32 v7, v6;
	v7 =	vmax.f32 v11, v12  }
0x3b2: {  	v8 =	vmul.f32 $4.882812500e-04, v10;
	v5 =	vsub.f32 v5, v9;
	v7 =	vmul.f32 $4.882812500e-04, v7  }
0x3b3: {  	v1 =	vsub.f32 v1, v2;
	v2 =	vmul.f32 $5.000000000e-01, v4;
	v4 =	vmul.f32 $5.000000000e-01, v6  }
0x3b4: {  	v6 =	vmul.f32 v7, v7;
	v7 =	vmul.f32 v8, v8;
	v3 =	vld.idx.msk [tilespmem:v3+s31+$0x0], $0xffff  }
0x3b5: {  	v1 =	vmul.f32 v2, v1;
	v2 =	vmul.f32 v4, v5  }
0x3b6: {  	v4 =	vadd.f32 v7, v6  }
0x3b7: {  	v1 =	vadd.f32 v2, v1  }
0x3b8: {  	vm0 =	vlt.f32 v4, $9.999999970e-07  }
0x3b9: {  	v1 =	vnsel vm0, $0x0, v1  }
0x3ba: {  	v1 =	vadd.f32 v1, v3;
	_ =	sdelay $0x1  }
0x3bb: {  	v1 =	vadd.f32 v1, v4  }
.Ltmp12:
0x3bc: {  	s14 =	sadd.s32 $0x10, s14;
	(pc) =	sbr.rel @p0 .LBB2_26-.Ltmp12, $3  }
0x3bd: {  	s18 =	sadd.s32 $0x10, s18;
	[tilespmem:s14+$0x0] =	vst v1  }
0x3be: {  	v1 =	vld [tilespmem:s18+$0x0];
	_ =	sdelay $0x1  }
0x3bf: {  	s12 =	sadd.s32 $0x10, s12  }
0x3c0: {  	_ =	sdelay $0x1  }
0x3c1: {  	v1 =	vmul.f32 $2.048000000e+03, v1;
	_ =	sdelay $0x1  }
0x3c2: {  	v1 =	vadd.f32 $2.048000000e+03, v1;
	_ =	sdelay $0x1  }
0x3c3: {  	v2 =	vtrunc.f32 v1  }
0x3c4: {  	v2 =	vcvt.f32.s32 v2;
	_ =	sdelay $0x1  }
0x3c5: {  	vm0 =	vgt.s32 v2, $0x1  }
0x3c6: {  	v4 =	vmov s11;
	v3 =	vnsel vm0, $0x1, v2  }
0x3c7: {  	v4 =	vshll.u32 v4, $0x3;
	v3 =	vmin.u32 v3, $0xFFE  }
0x3c8: {  	s20 =	sadd.s32 $0x10, s13;
	v4 =	vor.u32 v0, v4;
	v3 =	vand.u32 $0x1, v3  }
0x3c9: {  	v5 =	vld [tilespmem:s20+$0x0];
	v3 =	vor.u32 v4, v3  }
0x3ca: {  	v4 =	vor.u32 $0x2, v3  }
0x3cb: {  	v6 =	vor.u32 $0x4, v3  }
0x3cc: {  	v7 =	vor.u32 $0x6, v3;
	_ =	sdelay $0x1  }
0x3cd: {  	v5 =	vmul.f32 $2.048000000e+03, v5;
	v8 =	vld.idx.msk [tilespmem:v3+s31+$0x0], $0xffff  }
0x3ce: {  	v4 =	vld.idx.msk [tilespmem:v4+s31+$0x0], $0xffff  }
0x3cf: {  	v12 =	vadd.f32 $-4.095000000e+03, v1;
	v5 =	vadd.f32 $2.048000000e+03, v5;
	v6 =	vld.idx.msk [tilespmem:v6+s31+$0x0], $0xffff  }
0x3d0: {  	v13 =	vxor.u32 $0x80000000, v1;
	v7 =	vld.idx.msk [tilespmem:v7+s31+$0x0], $0xffff  }
0x3d1: {  	v57 =	vmax.f32 v13, $0.0e+00;
	v12 =	vmax.f32 v12, $0.0e+00;
	v9 =	vtrunc.f32 v5  }
0x3d2: {  	v10 =	vxor.u32 $0x80000000, v5;
	v11 =	vadd.f32 $-4.095000000e+03, v5;
	v9 =	vcvt.f32.s32 v9  }
0x3d3: {  	v58 =	vmax.f32 v57, v12;
	v2 =	vcvt.s32.f32 v2;
	v10 =	vmax.f32 v10, $0.0e+00  }
0x3d4: {  	v11 =	vmax.f32 v11, $0.0e+00;
	v9 =	vcvt.s32.f32 v9;
	v3 =	vadd.s32 $0x1, v3  }
0x3d5: {  	v10 =	vmax.f32 v10, v11;
	v4 =	vsub.f32 v4, v8;
	v6 =	vsub.f32 v7, v6  }
0x3d6: {  	v1 =	vsub.f32 v1, v2;
	v59 =	vmul.f32 $4.882812500e-04, v10;
	v7 =	vmul.f32 $4.882812500e-04, v58  }
0x3d7: {  	v5 =	vsub.f32 v5, v9;
	v2 =	vmul.f32 $5.000000000e-01, v4;
	v60 =	vmul.f32 $5.000000000e-01, v6  }
0x3d8: {  	v62 =	vmul.f32 v59, v59;
	v61 =	vmul.f32 v7, v7  }
0x3d9: {  	v3 =	vld.idx.msk [tilespmem:v3+s31+$0x0], $0xffff;
	v1 =	vmul.f32 v2, v1;
	v2 =	vmul.f32 v60, v5  }
0x3da: {  	v63 =	vadd.f32 v62, v61  }
0x3db: {  	v1 =	vadd.f32 v2, v1  }
0x3dc: {  	vm15 =	vlt.f32 v63, $9.999999970e-07  }
0x3dd: {  	v1 =	vnsel vm15, $0x0, v1  }
0x3de: {  	v1 =	vadd.f32 v1, v3;
	_ =	sdelay $0x1  }
0x3df: {  	v1 =	vadd.f32 v1, v63  }
0x3e0: {  	s21 =	sadd.s32 $0x10, s14  }
0x3e1: {  	s22 =	rddreg [dreg:$0xe];
	[tilespmem:s21+$0x0] =	vst v1  }
0x3e2: {  	[hbm4b:s22+s3] =	stream.linear.scatter [tilespmem:s8], [sflag:$0x4], $0x1000, $0x38;
	[tilespmem:$0x18000] =	vst v63  }
0x3e3: {  	_ =	swait.ge [sflag:s9], $0x1000  }
0x3e4: {  	[sflag:s9] =	ssyncset.done $0x0  }
0x3e5: {  	[sflag:s9] =	ssyncadd.s32 $0xFFFFF000  }
0x3e6: {  	_ =	swait.ge [sflag:s10], $0x1000  }
0x3e7: {  	s12 =	rddreg [dreg:$0x10]  }
0x3e8: {  	s24 =	rddreg [dreg:$0xf];
	s12 =	sadd.s32 $0x1, s12  }
0x3e9: {  	p0 =	sne.s32 s12, s24  }
.Ltmp13:
0x3ea: {  	_ = 	snop;
	(pc) =	sbr.rel @p0 .LBB2_1-.Ltmp13, $3  }
0x3eb: {  	_ =	sdelay $0x1  }
0x3ec: {  	[sflag:s10] =	ssyncset.done $0x0  }
0x3ed: {  	[sflag:s10] =	ssyncadd.s32 $0xFFFFF000  }
0x3ee: {  	_ =	sfence.sel $0x180000  }
0x3ef: {  	[bflag:$0x0] =	sbarrier.arrive $0xFFFF  }
0x3f0: {  	_ =	strace $0x9000004D  }
0x3f1: {  	s0 =	stileid.u32;
	[bflag:$0x2] =	sbarrier.arrive $0xFFFF  }
0x3f2: {  	p0 =	sne.s32 s0, $0x0;
	s0 =	rddreg [dreg:$0x2]  }
0x3f3: {  	s0 =	sadd.s32 @!p0 $0x100000, s0  }
0x3f4: {  	[sflag:s0] =	ssyncadd.tile.s32 @!p0 $0x1;
	_ =	shalt  }
.Lfunc_end2:
_tile_overlayer_lowered:
.L_overlay_start_2:
0x3f5: {  	(tag) =	ssettag $0x2  }
0x3f6: {  	s0 =	rddreg [dreg:$0x0];
	s2 =	stileid.u32  }
0x3f7: {  	s1 =	rddreg [dreg:$0x1];
	p0 =	sne.s32 s2, $0x0  }
0x3f8: {  	s3 =	rddreg [dreg:$0x2];
	[bflag:$0x3] =	sbarrier.arrive $0xFFFF;
	s2 =	simm.s32 @!p0 $0x1C05  }
0x3f9: {  	[timem:s3], [sflag:s2] =	dma.local @!p0 [hbm:s0], s1  }
0x3fa: {  	s0 =	simm.s32 @!p0 $0x5  }
0x3fb: {  	_ =	swait.ge @!p0 [sflag:s0], s1  }
0x3fc: {  	s1 =	ssub.s32 @!p0 $0x0, s1;
	[sflag:s0] =	ssyncset.done @!p0 $0x0  }
0x3fd: {  	[sflag:s0] =	ssyncadd.s32 @!p0 s1  }
0x3fe: {  	[bflag:$0x3] =	sbarrier.arrive $0xFFFF  }
0x3ff: {  	_ =	shalt  }

// kernel: sparse-core-data-format-call.cloned.1.call-start
scs
called_computation_lowered:
.L_overlay_start_0:
0x0: {  	s2 =	sld [smem:$0x3FD9]  }
0x1: {  	s3 =	sld [smem:$0x3FFE];
	_ =	sdelay $0x1  }
0x2: {  	s1 =	srdreg.scid  }
0x3: {  	s0 =	sand.u32 $0x1, s1  }
0x4: {  	s18 =	sshll.u32 s0, $0xA;
	s2 =	sadd.s32 s3, s2  }
0x5: {  	s2 =	sadd.s32 s2, s18  }
0x6: {  	[smem:$0x3FC6] =	sst s2  }
0x7: {  	_ = 	snop  }
0x8: {  	s2 =	sld [smem:$0x3FC8];
	(tm) =	ssettm $0x1  }
0x9: {  	s19 =	sld [smem:$0x3FFB];
	_ =	sdelay $0x3  }
0xa: {  	_ =	strace s19  }
0xb: {  	s3 =	sld [smem:$0x3FFC];
	_ =	sdelay $0x3  }
0xc: {  	_ =	strace s3  }
0xd: {  	s3 =	sld [smem:$0x3FFD];
	_ =	sdelay $0x3  }
0xe: {  	_ =	strace s3  }
0xf: {  	_ =	strace $0x8FFFFFFF  }
0x10: {  	s20 =	sld [smem:$0x3FDB];
	_ =	sdelay $0x1  }
0x11: {  	s4 =	simm.s32 $_scs_section_size  }
0x12: {  	s5 =	simm.s32 $_size__tile_overlayer_lowered;
	s6 =	simm.s32 $_tile_overlayer_lowered  }
0x13: {  	s23 =	simm.s32 $0x1BFF;
	s22 =	sshll.u32 s6, $0x1;
	s3 =	sadd.s32 s4, s20  }
0x14: {  	s7 =	simm.s32 $0x0;
	s21 =	sshll.u32 s5, $0x1;
	s5 =	sadd.s32 s22, s3  }
0x15: {  	[timem:s7], [sflag:s23] =	dma.local [hbm:s5], s21  }
0x16: {  	_ =	swait.ge [sflag:s23], s21  }
0x17: {  	s4 =	ssub.s32 $0x0, s21;
	[sflag:s23] =	ssyncset.done $0x0  }
0x18: {  	[sflag:s23] =	ssyncadd.s32 s4;
	_ =	sdelay $0x1  }
0x19: {  	s24 =	simm.s32 $0x1B8B  }
0x1a: {  	_ =	swait.ge [sflag:s24], $0x1  }
0x1b: {  	[sflag:s24] =	ssyncset.done $0x0  }
0x1c: {  	s26 =	simm.s32 $0x1B8E;
	s25 =	sld [smem:$0x3FFE];
	[sflag:s24] =	ssyncadd.s32 $0xFFFFFFFF  }
0x1d: {  	s27 =	simm.s32 $execute0_lowered;
	[smem:$0x3FD2] =	sst s26  }
0x1e: {  	s5 =	sshll.u32 s27, $0x1;
	_ =	strace $0x80000046;
	[dreg:$0x1] =	wrdreg $0xFFFFFFFF  }
0x1f: {  	s28 =	simm.s32 $_size_execute0_lowered;
	s3 =	sadd.s32 s3, s5;
	[dreg:$0x0] =	wrdreg $0x0  }
0x20: {  	s5 =	sshll.u32 s28, $0x1;
	[dreg:$0x2] =	wrdreg s3  }
0x21: {  	[dreg:$0x3] =	wrdreg s5  }
0x22: {  	[dreg:$0x4] =	wrdreg $0xC0  }
0x23: {  	_ =	task [dreg:s7], $0x5FFFF  }
0x24: {  	[dreg:$0x1] =	wrdreg $0xFFFFFFFF  }
0x25: {  	[dreg:$0x0] =	wrdreg $0x60  }
0x26: {  	[dreg:$0x2] =	wrdreg s2  }
0x27: {  	[dreg:$0x3] =	wrdreg s25  }
0x28: {  	[dreg:$0x4] =	wrdreg $0x9  }
0x29: {  	_ =	task.clear_ibuf [dreg:s7], $0x5FFFF;
	_ =	strace $0x90000046  }
0x2a: {  	s29 =	simm.s32 $0x9;
	_ =	strace $0x80000048  }
0x2b: {  	_ =	swait.ge [sflag:s29], $0x1  }
0x2c: {  	[sflag:s29] =	ssyncadd.s32 $0xFFFFFFFF  }
0x2d: {  	_ =	strace $0x90000048  }
0x2e: {  	_ =	sfence  }
0x2f: {  	s30 =	sld [smem:$0x0];
	_ =	sdelay $0x2  }
0x30: {  	s31 =	sshll.u32 s1, $0xD;
	s1 =	sshrl.u32 s1, $0x2  }
0x31: {  	s3 =	sand.u32 $0x4000, s31;
	s1 =	sadd.s32 s1, s30  }
0x32: {  	s0 =	sor.u32 s3, s0;
	s1 =	sshll.u32 s1, $0x11  }
0x33: {  	s0 =	sor.u32 s1, s0  }
0x34: {  	s0 =	sadd.s32 $0x8F2B, s0  }
0x35: {  	[sflag:s0] =	ssyncadd.remote.s32 $0x1  }
0x36: {  	_ =	sfence.sel $0xFFFF  }
0x37: {  	[dreg:$0x0] =	wrdreg $0xFFFFFFFF;
	(pc) =	sbr.abs _section_cstart, $3  }
0x38: {  	[dreg:$0x1] =	wrdreg $0xFFFFFFFF  }
0x39: {  	_ =	task.clear_ibuf [dreg:s7], $0x2FFFF;
	_ =	strace $0x9FFFFFFF  }
0x3a: {  	(tm) =	ssettm $0x7FFFFFFF  }
0x3b: {  	_ =	shalt  }
tec
execute0_lowered:
.L_overlay_start_1:
0x0: {  	(tag) =	ssettag $0x1  }
0x1: {  	s2 =	rddreg [dreg:$0x0]  }
0x2: {  	s1 =	rddreg [dreg:$0x1]  }
0x3: {  	s0 =	rddreg [dreg:$0x2];
	_ =	strace $0x80000047;
	s4 =	srdreg.scid  }
0x4: {  	s6 =	simm.s32 $0x2;
	s11 =	simm.s32 $0x0;
	p0 =	por $0x0, $0x0  }
.Ltmp0:
0x5: {  	s7 =	simm.s32 $0x1000;
	s12 =	simm.s32 $0x0;
	(pc) =	sbr.rel .LBB1_1-.Ltmp0, $4  }
0x6: {  	s9 =	simm.s32 $0x0;
	s3 =	sadd.s32 $0xE00, s1;
	s5 =	sshll.u32 s4, $0x4  }
0x7: {  	s1 =	stileid.u32;
	s4 =	simm.s32 $0x1;
	s5 =	sand.u32 $0x10, s5  }
0x8: {  	s8 =	simm.s32 $0x0;
	[sflag:s4] =	ssyncpa.u1 $0x0;
	s5 =	sor.u32 s1, s5  }
0x9: {  	[sflag:s6] =	ssyncpa.u1 $0x0;
	s6 =	simm.s32 $0x800;
	s10 =	smov.u32 s5  }
.LBB1_7:
0xa: {  	s13 =	sadd.s32 $0x10, s9  }
0xb: {  	s11 =	sadd.s32 $0x20, s10;
	s15 =	smov.u32 s10;
	p2 =	sgt.s32 s13, $0x1F  }
0xc: {  	p1 =	slt.u32 s8, $0x2;
	s15 =	smov.u32 @p2 s11  }
0xd: {  	s8 =	sadd.s32 $0x1, s8;
	s13 =	simm.s32 @p2 $0x0;
	p2 =	sgt.s32 s15, $0x1FF  }
0xe: {  	s15 =	smov.u32 @p2 s5;
	p2 =	sne.s32 s8, $0x22  }
.Ltmp1:
0xf: {  	_ = 	snop;
	(pc) =	sbr.rel @!p2 .LBB1_8-.Ltmp1, $4  }
0x10: {  	s14 =	simm.s32 @!p1 $0x2  }
0x11: {  	s12 =	smov.u32 s10;
	_ =	swait.ge @!p1 [sflag:s14], $0x4000  }
0x12: {  	p0 =	por !p0, !p0;
	s11 =	smov.u32 s9;
	[sflag:s14] =	ssyncset.done @!p1 $0x0  }
0x13: {  	s9 =	smov.u32 s13;
	[sflag:s14] =	ssyncadd.s32 @!p1 $0xFFFFC000;
	s10 =	smov.u32 s15  }
.LBB1_1:
0x14: {  	p1 =	sgt.u32 s8, $0x1F  }
0x15: {  	s13 =	sxor.u32 @!p1 $0xFFFFFFFF, s8;
	s14 =	sshll.u32 @!p1 s10, $0xC  }
0x16: {  	s15 =	sshll.u32 @!p1 s9, $0x7;
	s13 =	sshll.u32 @!p1 s13, $0xE;
	s14 =	sadd.s32 @!p1 s2, s14  }
0x17: {  	s13 =	sand.u32 @!p1 $0x4000, s13;
	s14 =	sadd.s32 @!p1 s15, s14;
	s15 =	simm.s32 @!p1 $0x0  }
0x18: {  	[tilespmem:s13], [sflag:$0x1] =	stream.linear.gather @!p1 [hbm4b:s14+s15], $0x4000, $0x38;
	[tilespmem:$0x10000] =	vst v63  }
0x19: {  	p1 =	seq.s32 s8, $0x0  }
0x1a: {  	p2 =	seq.s32 @!p1 s8, $0x21  }
0x1b: {  	p1 =	por p1, p2  }
.Ltmp2:
0x1c: {  	_ = 	snop;
	(pc) =	sbr.rel @p1 .LBB1_7-.Ltmp2, $1  }
0x1d: {  	_ =	sdelay $0x3  }
0x1e: {  	s13 =	simm.s32 $0x1;
	_ =	swait.ge [sflag:s4], $0x4000;
	s16 =	sshll.u32 s8, $0xE  }
0x1f: {  	s13 =	simm.s32 @!p0 $0x0;
	[sflag:s4] =	ssyncset.done $0x0;
	s31 =	sand.u32 $0x4000, s16  }
0x20: {  	s16 =	simm.s32 $0x0;
	s14 =	sshll.u32 s13, $0xE;
	[sflag:s4] =	ssyncadd.s32 $0xFFFFC000  }
0x21: {  	s13 =	sor.u32 $0x8040, s14;
	s15 =	sor.u32 $0x40, s14;
	s14 =	sor.u32 $0x8000, s31  }
.LBB1_3:
0x22: {  	v0 =	vmov s15;
	_ =	sdelay $0x3  }
0x23: {  	s18 =	simm.s32 $0x0  }
0x24: {  	v6 =	vld.idx.msk [tilespmem:v0+s18+$0x30 ss:$0x1], $0xffff  }
0x25: {  	v7 =	vld.idx.msk [tilespmem:v0+s18+$0xFFFFFFC0 ss:$0x1], $0xffff  }
0x26: {  	v5 =	vld.idx.msk [tilespmem:v0+s18+$0xFFFFFFD0 ss:$0x1], $0xffff  }
0x27: {  	v4 =	vld.idx.msk [tilespmem:v0+s18+$0xFFFFFFE0 ss:$0x1], $0xffff  }
0x28: {  	v3 =	vld.idx.msk [tilespmem:v0+s18+$0xFFFFFFF0 ss:$0x1], $0xffff  }
0x29: {  	v1 =	vld.idx.msk [tilespmem:v0+s18+$0x0 ss:$0x1], $0xffff  }
0x2a: {  	v2 =	vld.idx.msk [tilespmem:v0+s18+$0x10 ss:$0x1], $0xffff;
	[tilespmem:s13+$0x30] =	vst v6  }
0x2b: {  	s17 =	simm.s32 $0x80;
	s19 =	simm.s32 $0x400;
	[tilespmem:s13+$0xFFFFFFC0] =	vst v7;
	v6 =	vld.idx.msk [tilespmem:v0+s18+$0x20 ss:$0x1], $0xffff;
	s18 =	smov.u32 s13  }
.LBB1_4:
0x2c: {  	p1 =	sne.s32 s19, $0xE00;
	v7 =	vld.idx.msk [tilespmem:v0+s17+$0x30 ss:$0x1], $0xffff;
	[tilespmem:s18+$0xFFFFFFD0] =	vst v5  }
0x2d: {  	v8 =	vld.idx.msk [tilespmem:v0+s17+$0xFFFFFFC0 ss:$0x1], $0xffff;
	[tilespmem:s18+$0xFFFFFFE0] =	vst v4  }
0x2e: {  	v5 =	vld.idx.msk [tilespmem:v0+s17+$0xFFFFFFD0 ss:$0x1], $0xffff;
	[tilespmem:s18+$0xFFFFFFF0] =	vst v3  }
.Ltmp3:
0x2f: {  	v4 =	vld.idx.msk [tilespmem:v0+s17+$0xFFFFFFE0 ss:$0x1], $0xffff;
	[tilespmem:s18+$0x0] =	vst v1;
	(pc) =	sbr.rel @p1 .LBB1_4-.Ltmp3, $4  }
0x30: {  	v3 =	vld.idx.msk [tilespmem:v0+s17+$0xFFFFFFF0 ss:$0x1], $0xffff;
	[tilespmem:s18+$0x10] =	vst v2  }
0x31: {  	v1 =	vld.idx.msk [tilespmem:v0+s17+$0x0 ss:$0x1], $0xffff;
	[tilespmem:s18+$0x20] =	vst v6;
	s18 =	sadd.s32 $0x800, s18  }
0x32: {  	v2 =	vld.idx.msk [tilespmem:v0+s17+$0x10 ss:$0x1], $0xffff;
	[tilespmem:s18+$0x30] =	vst v7  }
0x33: {  	[tilespmem:s18+$0xFFFFFFC0] =	vst v8;
	v6 =	vld.idx.msk [tilespmem:v0+s17+$0x20 ss:$0x1], $0xffff;
	s17 =	sshra.s32 s19, $0x2;
	s19 =	sadd.s32 $0x200, s19  }
0x34: {  	_ =	sdelay $0x2  }
0x35: {  	[tilespmem:s18+$0xFFFFFFD0] =	vst v5  }
0x36: {  	v56 =	vld.idx.msk [tilespmem:v0+s17+$0x30 ss:$0x1], $0xffff;
	[tilespmem:s18+$0xFFFFFFE0] =	vst v4  }
0x37: {  	v57 =	vld.idx.msk [tilespmem:v0+s17+$0xFFFFFFC0 ss:$0x1], $0xffff;
	[tilespmem:s18+$0xFFFFFFF0] =	vst v3  }
0x38: {  	v58 =	vld.idx.msk [tilespmem:v0+s17+$0xFFFFFFD0 ss:$0x1], $0xffff;
	[tilespmem:s18+$0x0] =	vst v1  }
0x39: {  	v59 =	vld.idx.msk [tilespmem:v0+s17+$0xFFFFFFE0 ss:$0x1], $0xffff;
	[tilespmem:s18+$0x10] =	vst v2  }
0x3a: {  	v60 =	vld.idx.msk [tilespmem:v0+s17+$0xFFFFFFF0 ss:$0x1], $0xffff;
	s31 =	sadd.s32 $0x800, s18;
	[tilespmem:s18+$0x20] =	vst v6  }
0x3b: {  	v61 =	vld.idx.msk [tilespmem:v0+s17+$0x0 ss:$0x1], $0xffff;
	[tilespmem:s31+$0x30] =	vst v56  }
0x3c: {  	v62 =	vld.idx.msk [tilespmem:v0+s17+$0x10 ss:$0x1], $0xffff;
	s16 =	sadd.s32 $0x1, s16;
	[tilespmem:s31+$0xFFFFFFC0] =	vst v57  }
0x3d: {  	v63 =	vld.idx.msk [tilespmem:v0+s17+$0x20 ss:$0x1], $0xffff;
	p1 =	sne.s32 s16, $0x10;
	[tilespmem:s31+$0xFFFFFFD0] =	vst v58  }
.Ltmp4:
0x3e: {  	[tilespmem:s31+$0xFFFFFFE0] =	vst v59;
	(pc) =	sbr.rel @p1 .LBB1_3-.Ltmp4, $4  }
0x3f: {  	[tilespmem:s31+$0xFFFFFFF0] =	vst v60  }
0x40: {  	[tilespmem:s31+$0x0] =	vst v61  }
0x41: {  	[tilespmem:s31+$0x10] =	vst v62  }
0x42: {  	s13 =	sadd.s32 $0x80, s13;
	s15 =	sadd.s32 $0x400, s15;
	[tilespmem:s31+$0x20] =	vst v63  }
.Ltmp5:
0x43: {  	(pc) =	sbr.rel .LBB1_7-.Ltmp5, $4  }
0x44: {  	s12 =	sshll.u32 s12, $0xC;
	s11 =	sshll.u32 s11, $0x4  }
0x45: {  	s11 =	sand.u32 $0x1F0, s11;
	s12 =	sadd.s32 s3, s12  }
0x46: {  	s11 =	sadd.s32 s11, s12  }
0x47: {  	[hbm4b:s11+s6] =	stream.strided.scatter [tilespmem:s14], [sflag:$0x2], $0x4000, s7, s6, $0x38;
	[tilespmem:$0x10000] =	vst v63  }
.LBB1_8:
0x48: {  	_ =	sfence.sel $0x180000  }
0x49: {  	s2 =	simm.s32 $0x1;
	[bflag:$0x0] =	sbarrier.arrive $0xFFFF  }
0x4a: {  	s31 =	simm.s32 $0x2;
	[sflag:s2] =	ssyncpa.u1 $0x1  }
0x4b: {  	[sflag:s31] =	ssyncpa.u1 $0x1  }
0x4c: {  	p0 =	sne.s32 s1, $0x0;
	_ =	strace $0x90000047  }
0x4d: {  	s0 =	sadd.s32 @!p0 $0x100000, s0;
	[bflag:$0x2] =	sbarrier.arrive $0xFFFF  }
0x4e: {  	[sflag:s0] =	ssyncadd.tile.s32 @!p0 $0x1;
	_ =	shalt  }
.Lfunc_end1:
_tile_overlayer_lowered:
.L_overlay_start_2:
0x4f: {  	(tag) =	ssettag $0x2  }
0x50: {  	s0 =	rddreg [dreg:$0x0];
	s2 =	stileid.u32  }
0x51: {  	s1 =	rddreg [dreg:$0x1];
	p0 =	sne.s32 s2, $0x0  }
0x52: {  	s3 =	rddreg [dreg:$0x2];
	[bflag:$0x3] =	sbarrier.arrive $0xFFFF;
	s2 =	simm.s32 @!p0 $0x1C01  }
0x53: {  	[timem:s3], [sflag:s2] =	dma.local @!p0 [hbm:s0], s1  }
0x54: {  	s0 =	simm.s32 @!p0 $0x1  }
0x55: {  	_ =	swait.ge @!p0 [sflag:s0], s1  }
0x56: {  	s1 =	ssub.s32 @!p0 $0x0, s1;
	[sflag:s0] =	ssyncset.done @!p0 $0x0  }
0x57: {  	[sflag:s0] =	ssyncadd.s32 @!p0 s1  }
0x58: {  	[bflag:$0x3] =	sbarrier.arrive $0xFFFF  }
0x59: {  	_ =	shalt  }

</sc_bundles>
